<compile_context>
chip_gen: v7x
topology: tpu7x:2x2x1
jax: 0.10.2.dev20260603
libtpu: 0.0.44.dev20260713+nightly
codegen_flags: <defaults>
</compile_context>

<pallas_src>
import functools

import jax
import jax.numpy as jnp
from jax import lax
from jax.experimental import pallas as pl
from jax.experimental.pallas import tpu as pltpu
from jax.experimental.pallas import tpu_sc as plsc

N = 100000
E = 1600000
DH = 16
NS = 16
NP = 100096
EP = 1646592
CHUNK = 128
NCH = 6
GE = CHUNK * NCH
PE = 2 * GE
EPT = EP // NS
NG = EPT // GE
RPT = NP // NS
RCH = 272
NRC = RPT // RCH

_mesh = plsc.VectorSubcoreMesh(core_axis_name="c", subcore_axis_name="s")


@functools.partial(
    pl.kernel,
    mesh=_mesh,
    compiler_params=pltpu.CompilerParams(use_tc_tiling_on_sc=False),
    out_type=[
        jax.ShapeDtypeStruct((2 * NP, DH), jnp.float32),
        jax.ShapeDtypeStruct((2 * NP, DH), jnp.float32),
    ],
    scratch_types=[
        pltpu.VMEM((PE,), jnp.int32),
        pltpu.VMEM((2 * NCH, CHUNK), jnp.int32),
        pltpu.VMEM((PE,), jnp.float32),
        pltpu.VMEM((PE, DH), jnp.float32),
        pltpu.VMEM_SHARED((NP, DH), jnp.float32),
        pltpu.SemaphoreType.DMA,
        pltpu.SemaphoreType.DMA,
        pltpu.SemaphoreType.DMA,
    ],
)
def _sc_body(x0s, colsh, row2d, w, x1, out,
             colbuf, rowbuf, wbuf, gbuf, accum, gsem0, gsem1, ssem):
    cid = lax.axis_index("c")
    sid = lax.axis_index("s")
    coff = cid * NP
    ceoff = cid * EP
    e0t = sid * EPT
    r0t = sid * RPT

    abuf = gbuf.at[pl.ds(0, RCH), :]
    bbuf = gbuf.at[pl.ds(RCH, RCH), :]
    cbuf = gbuf.at[pl.ds(2 * RCH, RCH), :]

    def fill_abuf_zero():
        def zrow(i, _):
            gbuf[i, :] = jnp.zeros((DH,), jnp.float32)
            return 0
        lax.fori_loop(0, RCH, zrow, 0)

    def zero_accum():
        fill_abuf_zero()

        def zchunk(i, _):
            pltpu.sync_copy(
                abuf, accum.at[pl.ds(pl.multiple_of(r0t + i * RCH, 8), RCH)])
            return 0
        lax.fori_loop(0, NRC, zchunk, 0)

    def spmm_layer(src_hbm):

        def mul_half(base):
            def mul16(b, _):
                b16 = pl.multiple_of(base + b * 16, 16)
                wv = wbuf[pl.ds(b16, 16)]
                for k in range(16):
                    gbuf[b16 + k, :] = gbuf[b16 + k, :] * wv[k]
                return 0
            lax.fori_loop(0, GE // 16, mul16, 0)

        def fire_scatters(half):
            return [pltpu.async_copy(
                gbuf.at[pl.ds((half * NCH + i) * CHUNK, CHUNK), :],
                accum.at[rowbuf.at[half * NCH + i]],
                ssem, add=True) for i in range(NCH)]

        def pair(p, _):
            e0 = pl.multiple_of(e0t + p * PE, PE)
            pltpu.sync_copy(colsh.at[pl.ds(ceoff + e0, PE)], colbuf)
            pltpu.sync_copy(w.at[pl.ds(e0, PE)], wbuf)
            c0 = pl.multiple_of(e0 // CHUNK, 2 * NCH)
            pltpu.sync_copy(row2d.at[pl.ds(c0, 2 * NCH)], rowbuf)

            gath = [pltpu.async_copy(
                src_hbm.at[colbuf.at[pl.ds(i * CHUNK, CHUNK)]],
                gbuf.at[pl.ds(i * CHUNK, CHUNK), :],
                gsem0 if i < NCH else gsem1) for i in range(2 * NCH)]

            for cp in gath[:NCH]:
                cp.wait()
            mul_half(0)
            sc0 = fire_scatters(0)
            for cp in gath[NCH:]:
                cp.wait()
            mul_half(GE)
            sc1 = fire_scatters(1)
            for cp in sc0 + sc1:
                cp.wait()
            return 0
        lax.fori_loop(0, NG // 2, pair, 0)

    zero_accum()
    plsc.subcore_barrier()
    spmm_layer(x0s)
    plsc.subcore_barrier()

    fill_abuf_zero()

    def wb(i, _):
        r0 = pl.multiple_of(r0t + i * RCH, 8)
        pltpu.sync_copy(accum.at[pl.ds(r0, RCH)], bbuf)
        pltpu.sync_copy(bbuf, x1.at[pl.ds(coff + r0, RCH)])
        pltpu.sync_copy(abuf, accum.at[pl.ds(r0, RCH)])
        return 0
    lax.fori_loop(0, NRC, wb, 0)
    plsc.subcore_barrier()

    spmm_layer(x1)
    plsc.subcore_barrier()

    def comb(i, _):
        r0 = pl.multiple_of(r0t + i * RCH, 8)
        pltpu.sync_copy(x0s.at[pl.ds(coff + r0, RCH)], abuf)
        pltpu.sync_copy(x1.at[pl.ds(coff + r0, RCH)], bbuf)
        pltpu.sync_copy(accum.at[pl.ds(r0, RCH)], cbuf)

        def crow(r, _):
            gbuf[2 * RCH + r, :] = \
                (gbuf[r, :] + gbuf[RCH + r, :] + gbuf[2 * RCH + r, :]) \
                * jnp.float32(1.0 / 3.0)
            return 0
        lax.fori_loop(0, RCH, crow, 0)
        pltpu.sync_copy(cbuf, out.at[pl.ds(coff + r0, RCH)])
        return 0
    lax.fori_loop(0, NRC, comb, 0)


def kernel(edge_index, edge_weight, embedding_weight):
    row = edge_index[0].astype(jnp.int32)
    col = edge_index[1].astype(jnp.int32)
    pad = EP - E
    spread = jnp.arange(pad, dtype=jnp.int32) % N
    row = jnp.concatenate([row, spread])
    col = jnp.concatenate([col, spread])
    w = jnp.concatenate([edge_weight, jnp.zeros((pad,), jnp.float32)])
    row2d = row.reshape(EP // CHUNK, CHUNK)
    colsh = jnp.concatenate([col, col + NP])
    zrows = jnp.zeros((NP - N, DH), jnp.float32)
    x0s = jnp.concatenate(
        [embedding_weight[:, :DH], zrows, embedding_weight[:, DH:], zrows],
        axis=0)
    _x1, outs = _sc_body(x0s, colsh, row2d, w)
    return jnp.concatenate([outs[:N], outs[NP:NP + N]], axis=1)

# --- scband reference (transcript-rebuilt; emitter-appended) ---
"""Pipeline reference for scband-light-gcn-29815662969198 (READ-ONLY COPY).

The authoritative reference and input builder live on the scoring server;
editing this copy changes nothing except your own understanding.
"""

import jax, jax.numpy as jnp
import numpy as np

N = 100000
E = 1600000
D = 32
NUM_LAYERS = 2


def setup_inputs(seed: int = 0) -> dict:
    key = jax.random.key(seed)
    k1, k2, k3 = jax.random.split(key, 3)
    # COO sparse adjacency: row = edge_index[0] (dst), col = edge_index[1] (src)
    edge_index = jax.random.randint(k1, (2, E), 0, N)
    edge_weight = jax.random.uniform(k2, (E,), dtype=jnp.float32)
    # xavier_uniform init for the embedding table, matching nn.init.xavier_uniform_
    limit = float(np.sqrt(6.0 / (N + D)))
    embedding_weight = jax.random.uniform(k3, (N, D), minval=-limit, maxval=limit, dtype=jnp.float32)
    return {"edge_index": edge_index, "edge_weight": edge_weight, "embedding_weight": embedding_weight}


def reference(edge_index, edge_weight, embedding_weight):
    row = edge_index[0]
    col = edge_index[1]

    def spmm(x):
        # out[i] = sum_j A[i, j] * x[j]  (sparse COO matmul)
        msgs = jnp.take(x, col, axis=0) * edge_weight[:, None]
        return jax.ops.segment_sum(msgs, row, num_segments=N)

    embeddings = embedding_weight
    layer_outputs = [embeddings]
    for _ in range(NUM_LAYERS):
        embeddings = spmm(embeddings)
        layer_outputs.append(embeddings)
    return jnp.mean(jnp.stack(layer_outputs, axis=0), axis=0)

if __name__ == "__main__":
    import jax
    _d = setup_inputs()
    print(jax.jit(kernel)(*tuple(_d.values())))

</pallas_src>

<mosaic_0001>
#map = affine_map<(d0, d1) -> (0, 0)>
#map1 = affine_map<(d0, d1) -> (0)>
module attributes {stable_mosaic.version = 14 : i64} {
  func.func @_sc_body(%arg0: i32, %arg1: i32, %arg2: memref<200192x16xf32, #tpu.memory_space<hbm>>, %arg3: memref<3293184xi32, #tpu.memory_space<hbm>>, %arg4: memref<12864x128xi32, #tpu.memory_space<hbm>>, %arg5: memref<1646592xf32, #tpu.memory_space<hbm>>, %arg6: memref<200192x16xf32, #tpu.memory_space<hbm>>, %arg7: memref<200192x16xf32, #tpu.memory_space<hbm>>, %arg8: memref<1536xi32, #tpu.memory_space<vmem>>, %arg9: memref<12x128xi32, #tpu.memory_space<vmem>>, %arg10: memref<1536xf32, #tpu.memory_space<vmem>>, %arg11: memref<1536x16xf32, #tpu.memory_space<vmem>>, %arg12: memref<100096x16xf32, #tpu.memory_space<vmem_shared>>, %arg13: memref<!tpu.dma_semaphore, #tpu.memory_space<semaphore_mem>>, %arg14: memref<!tpu.dma_semaphore, #tpu.memory_space<semaphore_mem>>, %arg15: memref<!tpu.dma_semaphore, #tpu.memory_space<semaphore_mem>>) attributes {dimension_semantics = [#tpu.dimension_semantics<core_parallel>, #tpu.dimension_semantics<subcore_parallel>], iteration_bounds = array<i64: 2, 16>, scalar_prefetch = 0 : i64, scratch_operands = 8 : i64, tpu.core_type = #tpu.core_type<sc_vector_subcore>, window_params = [{transform_indices = #map}, {transform_indices = #map1}, {transform_indices = #map}, {transform_indices = #map1}, {transform_indices = #map}, {transform_indices = #map}]} {
    %mul3A = arith.constant 100096 : i32
    %mul3A_0 = arith.muli %arg0, %mul3A : i32
    %mul3A_1 = arith.constant 1646592 : i32
    %mul3A_2 = arith.muli %arg0, %mul3A_1 : i32
    %mul3A_3 = arith.constant 102912 : i32
    %mul3A_4 = arith.muli %arg1, %mul3A_3 : i32
    %mul3A_5 = arith.constant 6256 : i32
    %mul3A_6 = arith.muli %arg1, %mul3A_5 : i32
    %scan3A = arith.constant 0 : i32
    %scan3A_7 = arith.constant 0 : i32
    %scan3A_8 = arith.constant 272 : i32
    %scan3A_9 = arith.addi %scan3A_7, %scan3A_8 : i32
    %scan3A_10 = arith.constant 1 : i32
    %scan3A_11 = scf.for %scan3A_58 = %scan3A_7 to %scan3A_9 step %scan3A_10 iter_args(%scan3A_59 = %scan3A) -> (i32)  : i32 {
      %broadcast_in_dim3A = arith.constant 0.000000e+00 : f32
      %broadcast_in_dim3A_60 = vector.broadcast %broadcast_in_dim3A : f32 to vector<16xf32>
      %swap3A = arith.index_cast %scan3A_58 : i32 to index
      %swap3A_61 = arith.constant 0 : index
      %swap3A_62 = tpu.vector_load %arg11[%swap3A, %swap3A_61] {strides = array<i32>} : memref<1536x16xf32, #tpu.memory_space<vmem>>, vector<1x16xf32>,
      %swap3A_63 = vector.shape_cast %swap3A_62 : vector<1x16xf32> to vector<16xf32>
      %swap3A_64 = vector.shape_cast %broadcast_in_dim3A_60 : vector<16xf32> to vector<1x16xf32>
      tpu.vector_store %arg11[%swap3A, %swap3A_61], %swap3A_64 {strides = array<i32>} : memref<1536x16xf32, #tpu.memory_space<vmem>>, vector<1x16xf32>,
      %scan3A_65 = arith.constant 0 : i32
      scf.yield %scan3A_65 : i32
    }
    %scan3A_12 = arith.constant 272 : i32
    %scan3A_13 = arith.constant 0 : i32
    %scan3A_14 = arith.constant 0 : i32
    %scan3A_15 = arith.constant 23 : i32
    %scan3A_16 = arith.addi %scan3A_14, %scan3A_15 : i32
    %scan3A_17 = arith.constant 1 : i32
    %scan3A_18 = scf.for %scan3A_58 = %scan3A_14 to %scan3A_16 step %scan3A_17 iter_args(%scan3A_59 = %scan3A_13) -> (i32)  : i32 {
      %mul3A_60 = arith.constant 272 : i32
      %mul3A_61 = arith.muli %scan3A_58, %mul3A_60 : i32
      %add3A = arith.addi %mul3A_6, %mul3A_61 : i32
      %multiple_of3A = tpu.assume_multiple %add3A, 8 : i32
      "tpu.region"() ({
        %run_scoped3A = tpu.sem_alloc : memref<!tpu.dma_semaphore, #tpu.memory_space<semaphore_mem>>
        %dma_start3A = arith.constant 0 : i32
        %dma_start3A_63 = arith.constant 0 : i32
        %dma_start3A_64 = tpu.memref_slice %arg11[%dma_start3A, %dma_start3A_63] : memref<1536x16xf32, #tpu.memory_space<vmem>> -> memref<272x16xf32, #tpu.memory_space<vmem>>
        %dma_start3A_65 = arith.constant 0 : i32
        %dma_start3A_66 = tpu.memref_slice %arg12[%multiple_of3A, %dma_start3A_65] : memref<100096x16xf32, #tpu.memory_space<vmem_shared>> -> memref<272x16xf32, #tpu.memory_space<vmem_shared>>
        %dma_start3A_67 = arith.constant 0 : i32
        %dma_start3A_68 = tpu.memref_slice %arg12[%multiple_of3A, %dma_start3A_67] : memref<100096x16xf32, #tpu.memory_space<vmem_shared>> -> memref<272x16xf32, #tpu.memory_space<vmem_shared>>
        %dma_start3A_69 = arith.constant 0 : i32
        %dma_start3A_70 = arith.constant 0 : i32
        %dma_start3A_71 = tpu.memref_slice %arg11[%dma_start3A_69, %dma_start3A_70] : memref<1536x16xf32, #tpu.memory_space<vmem>> -> memref<272x16xf32, #tpu.memory_space<vmem>>
        tpu.enqueue_dma source(%dma_start3A_71 : memref<272x16xf32, #tpu.memory_space<vmem>>) target(%dma_start3A_68 : memref<272x16xf32, #tpu.memory_space<vmem_shared>>) target_semaphore(%run_scoped3A : memref<!tpu.dma_semaphore, #tpu.memory_space<semaphore_mem>>)
        %dma_wait3A = arith.constant 0 : i32
        %dma_wait3A_72 = arith.constant 0 : i32
        %dma_wait3A_73 = tpu.memref_slice %arg11[%dma_wait3A, %dma_wait3A_72] : memref<1536x16xf32, #tpu.memory_space<vmem>> -> memref<272x16xf32, #tpu.memory_space<vmem>>
        %dma_wait3A_74 = arith.constant 0 : i32
        %dma_wait3A_75 = tpu.memref_slice %arg12[%multiple_of3A, %dma_wait3A_74] : memref<100096x16xf32, #tpu.memory_space<vmem_shared>> -> memref<272x16xf32, #tpu.memory_space<vmem_shared>>
        %dma_wait3A_76 = arith.constant 0 : i32
        %dma_wait3A_77 = tpu.memref_slice %arg12[%multiple_of3A, %dma_wait3A_76] : memref<100096x16xf32, #tpu.memory_space<vmem_shared>> -> memref<272x16xf32, #tpu.memory_space<vmem_shared>>
        %dma_wait3A_78 = arith.constant 0 : i32
        %dma_wait3A_79 = arith.constant 0 : i32
        %dma_wait3A_80 = tpu.memref_slice %arg11[%dma_wait3A_78, %dma_wait3A_79] : memref<1536x16xf32, #tpu.memory_space<vmem>> -> memref<272x16xf32, #tpu.memory_space<vmem>>
        tpu.wait_dma2 semaphore(%run_scoped3A : memref<!tpu.dma_semaphore, #tpu.memory_space<semaphore_mem>>) src(%dma_wait3A_80 : memref<272x16xf32, #tpu.memory_space<vmem>>) dst(%dma_wait3A_77 : memref<272x16xf32, #tpu.memory_space<vmem_shared>>)
        tpu.yield
      }) : () -> ()
      %scan3A_62 = arith.constant 0 : i32
      scf.yield %scan3A_62 : i32
    }
    %scan3A_19 = arith.constant 23 : i32
    %barrier3A = arith.constant 0 : index
    tpu.barrier barrier_id(%barrier3A)
    %scan3A_20 = arith.constant 0 : i32
    %scan3A_21 = arith.constant 0 : i32
    %scan3A_22 = arith.constant 67 : i32
    %scan3A_23 = arith.addi %scan3A_21, %scan3A_22 : i32
    %scan3A_24 = arith.constant 1 : i32
    %scan3A_25 = scf.for %scan3A_58 = %scan3A_21 to %scan3A_23 step %scan3A_24 iter_args(%scan3A_59 = %scan3A_20) -> (i32)  : i32 {
      %mul3A_60 = arith.constant 1536 : i32
      %mul3A_61 = arith.muli %scan3A_58, %mul3A_60 : i32
      %add3A = arith.addi %mul3A_4, %mul3A_61 : i32
      %multiple_of3A = tpu.assume_multiple %add3A, 1536 : i32
      %add3A_62 = arith.addi %mul3A_2, %multiple_of3A : i32
      "tpu.region"() ({
        %run_scoped3A = tpu.sem_alloc : memref<!tpu.dma_semaphore, #tpu.memory_space<semaphore_mem>>
        %dma_start3A_525 = tpu.memref_slice %arg3[%add3A_62] : memref<3293184xi32, #tpu.memory_space<hbm>> -> memref<1536xi32, #tpu.memory_space<hbm>>
        %dma_start3A_526 = tpu.memref_slice %arg3[%add3A_62] : memref<3293184xi32, #tpu.memory_space<hbm>> -> memref<1536xi32, #tpu.memory_space<hbm>>
        tpu.enqueue_dma source(%dma_start3A_526 : memref<1536xi32, #tpu.memory_space<hbm>>) target(%arg8 : memref<1536xi32, #tpu.memory_space<vmem>>) target_semaphore(%run_scoped3A : memref<!tpu.dma_semaphore, #tpu.memory_space<semaphore_mem>>)
        %dma_wait3A_527 = tpu.memref_slice %arg3[%add3A_62] : memref<3293184xi32, #tpu.memory_space<hbm>> -> memref<1536xi32, #tpu.memory_space<hbm>>
        %dma_wait3A_528 = tpu.memref_slice %arg3[%add3A_62] : memref<3293184xi32, #tpu.memory_space<hbm>> -> memref<1536xi32, #tpu.memory_space<hbm>>
        tpu.wait_dma2 semaphore(%run_scoped3A : memref<!tpu.dma_semaphore, #tpu.memory_space<semaphore_mem>>) src(%dma_wait3A_528 : memref<1536xi32, #tpu.memory_space<hbm>>) dst(%arg8 : memref<1536xi32, #tpu.memory_space<vmem>>)
        tpu.yield
      }) : () -> ()
      "tpu.region"() ({
        %run_scoped3A = tpu.sem_alloc : memref<!tpu.dma_semaphore, #tpu.memory_space<semaphore_mem>>
        %dma_start3A_525 = tpu.memref_slice %arg5[%multiple_of3A] : memref<1646592xf32, #tpu.memory_space<hbm>> -> memref<1536xf32, #tpu.memory_space<hbm>>
        %dma_start3A_526 = tpu.memref_slice %arg5[%multiple_of3A] : memref<1646592xf32, #tpu.memory_space<hbm>> -> memref<1536xf32, #tpu.memory_space<hbm>>
        tpu.enqueue_dma source(%dma_start3A_526 : memref<1536xf32, #tpu.memory_space<hbm>>) target(%arg10 : memref<1536xf32, #tpu.memory_space<vmem>>) target_semaphore(%run_scoped3A : memref<!tpu.dma_semaphore, #tpu.memory_space<semaphore_mem>>)
        %dma_wait3A_527 = tpu.memref_slice %arg5[%multiple_of3A] : memref<1646592xf32, #tpu.memory_space<hbm>> -> memref<1536xf32, #tpu.memory_space<hbm>>
        %dma_wait3A_528 = tpu.memref_slice %arg5[%multiple_of3A] : memref<1646592xf32, #tpu.memory_space<hbm>> -> memref<1536xf32, #tpu.memory_space<hbm>>
        tpu.wait_dma2 semaphore(%run_scoped3A : memref<!tpu.dma_semaphore, #tpu.memory_space<semaphore_mem>>) src(%dma_wait3A_528 : memref<1536xf32, #tpu.memory_space<hbm>>) dst(%arg10 : memref<1536xf32, #tpu.memory_space<vmem>>)
        tpu.yield
      }) : () -> ()
      %jit3A = arith.constant 128 : i32
      %div3A = arith.divsi %multiple_of3A, %jit3A : i32
      %sign3A = arith.constant 0 : i32
      %sign3A_63 = arith.cmpi sgt, %multiple_of3A, %sign3A : i32
      %sign3A_64 = arith.extui %sign3A_63 : i1 to i32
      %sign3A_65 = arith.constant 0 : i32
      %sign3A_66 = arith.cmpi slt, %multiple_of3A, %sign3A_65 : i32
      %sign3A_67 = arith.extui %sign3A_66 : i1 to i32
      %sign3A_68 = arith.subi %sign3A_64, %sign3A_67 : i32
      %sign3A_69 = arith.constant 0 : i32
      %sign3A_70 = arith.cmpi sgt, %jit3A, %sign3A_69 : i32
      %sign3A_71 = arith.extui %sign3A_70 : i1 to i32
      %sign3A_72 = arith.constant 0 : i32
      %sign3A_73 = arith.cmpi slt, %jit3A, %sign3A_72 : i32
      %sign3A_74 = arith.extui %sign3A_73 : i1 to i32
      %sign3A_75 = arith.subi %sign3A_71, %sign3A_74 : i32
      %ne3A = arith.cmpi ne, %sign3A_68, %sign3A_75 : i32
      %rem3A = arith.remsi %multiple_of3A, %jit3A : i32
      %ne3A_76 = arith.constant 0 : i32
      %ne3A_77 = arith.cmpi ne, %rem3A, %ne3A_76 : i32
      %and3A = arith.andi %ne3A, %ne3A_77 : i1
      %sub3A = arith.constant 1 : i32
      %sub3A_78 = arith.subi %div3A, %sub3A : i32
      %select_n3A = arith.select %and3A, %sub3A_78, %div3A : i32
      %multiple_of3A_79 = tpu.assume_multiple %select_n3A, 12 : i32
      "tpu.region"() ({
        %run_scoped3A = tpu.sem_alloc : memref<!tpu.dma_semaphore, #tpu.memory_space<semaphore_mem>>
        %dma_start3A_525 = arith.constant 0 : i32
        %dma_start3A_526 = tpu.memref_slice %arg4[%multiple_of3A_79, %dma_start3A_525] : memref<12864x128xi32, #tpu.memory_space<hbm>> -> memref<12x128xi32, #tpu.memory_space<hbm>>
        %dma_start3A_527 = arith.constant 0 : i32
        %dma_start3A_528 = tpu.memref_slice %arg4[%multiple_of3A_79, %dma_start3A_527] : memref<12864x128xi32, #tpu.memory_space<hbm>> -> memref<12x128xi32, #tpu.memory_space<hbm>>
        tpu.enqueue_dma source(%dma_start3A_528 : memref<12x128xi32, #tpu.memory_space<hbm>>) target(%arg9 : memref<12x128xi32, #tpu.memory_space<vmem>>) target_semaphore(%run_scoped3A : memref<!tpu.dma_semaphore, #tpu.memory_space<semaphore_mem>>)
        %dma_wait3A_529 = arith.constant 0 : i32
        %dma_wait3A_530 = tpu.memref_slice %arg4[%multiple_of3A_79, %dma_wait3A_529] : memref<12864x128xi32, #tpu.memory_space<hbm>> -> memref<12x128xi32, #tpu.memory_space<hbm>>
        %dma_wait3A_531 = arith.constant 0 : i32
        %dma_wait3A_532 = tpu.memref_slice %arg4[%multiple_of3A_79, %dma_wait3A_531] : memref<12864x128xi32, #tpu.memory_space<hbm>> -> memref<12x128xi32, #tpu.memory_space<hbm>>
        tpu.wait_dma2 semaphore(%run_scoped3A : memref<!tpu.dma_semaphore, #tpu.memory_space<semaphore_mem>>) src(%dma_wait3A_532 : memref<12x128xi32, #tpu.memory_space<hbm>>) dst(%arg9 : memref<12x128xi32, #tpu.memory_space<vmem>>)
        tpu.yield
      }) : () -> ()
      %dma_start3A = arith.constant 0 : i32
      %dma_start3A_80 = arith.constant 0 : i32
      %dma_start3A_81 = tpu.memref_slice %arg11[%dma_start3A, %dma_start3A_80] : memref<1536x16xf32, #tpu.memory_space<vmem>> -> memref<128x16xf32, #tpu.memory_space<vmem>>
      %dma_start3A_82 = arith.constant 0 : i32
      %dma_start3A_83 = tpu.memref_slice %arg8[%dma_start3A_82] : memref<1536xi32, #tpu.memory_space<vmem>> -> memref<128xi32, #tpu.memory_space<vmem>>
      %dma_start3A_84 = arith.constant 0 : i32
      %dma_start3A_85 = arith.constant 0 : i32
      %dma_start3A_86 = tpu.memref_slice %arg2[%dma_start3A_84, %dma_start3A_85] : memref<200192x16xf32, #tpu.memory_space<hbm>> -> memref<200192x16xf32, #tpu.memory_space<hbm>>
      tpu.enqueue_indirect_dma source(%dma_start3A_86 : memref<200192x16xf32, #tpu.memory_space<hbm>>) target(%dma_start3A_81 : memref<128x16xf32, #tpu.memory_space<vmem>>) offsets(%dma_start3A_83 : memref<128xi32, #tpu.memory_space<vmem>>) semaphore(%arg13 : memref<!tpu.dma_semaphore, #tpu.memory_space<semaphore_mem>>)
      %dma_start3A_87 = arith.constant 128 : i32
      %dma_start3A_88 = arith.constant 0 : i32
      %dma_start3A_89 = tpu.memref_slice %arg11[%dma_start3A_87, %dma_start3A_88] : memref<1536x16xf32, #tpu.memory_space<vmem>> -> memref<128x16xf32, #tpu.memory_space<vmem>>
      %dma_start3A_90 = arith.constant 128 : i32
      %dma_start3A_91 = tpu.memref_slice %arg8[%dma_start3A_90] : memref<1536xi32, #tpu.memory_space<vmem>> -> memref<128xi32, #tpu.memory_space<vmem>>
      %dma_start3A_92 = arith.constant 0 : i32
      %dma_start3A_93 = arith.constant 0 : i32
      %dma_start3A_94 = tpu.memref_slice %arg2[%dma_start3A_92, %dma_start3A_93] : memref<200192x16xf32, #tpu.memory_space<hbm>> -> memref<200192x16xf32, #tpu.memory_space<hbm>>
      tpu.enqueue_indirect_dma source(%dma_start3A_94 : memref<200192x16xf32, #tpu.memory_space<hbm>>) target(%dma_start3A_89 : memref<128x16xf32, #tpu.memory_space<vmem>>) offsets(%dma_start3A_91 : memref<128xi32, #tpu.memory_space<vmem>>) semaphore(%arg13 : memref<!tpu.dma_semaphore, #tpu.memory_space<semaphore_mem>>)
      %dma_start3A_95 = arith.constant 256 : i32
      %dma_start3A_96 = arith.constant 0 : i32
      %dma_start3A_97 = tpu.memref_slice %arg11[%dma_start3A_95, %dma_start3A_96] : memref<1536x16xf32, #tpu.memory_space<vmem>> -> memref<128x16xf32, #tpu.memory_space<vmem>>
      %dma_start3A_98 = arith.constant 256 : i32
      %dma_start3A_99 = tpu.memref_slice %arg8[%dma_start3A_98] : memref<1536xi32, #tpu.memory_space<vmem>> -> memref<128xi32, #tpu.memory_space<vmem>>
      %dma_start3A_100 = arith.constant 0 : i32
      %dma_start3A_101 = arith.constant 0 : i32
      %dma_start3A_102 = tpu.memref_slice %arg2[%dma_start3A_100, %dma_start3A_101] : memref<200192x16xf32, #tpu.memory_space<hbm>> -> memref<200192x16xf32, #tpu.memory_space<hbm>>
      tpu.enqueue_indirect_dma source(%dma_start3A_102 : memref<200192x16xf32, #tpu.memory_space<hbm>>) target(%dma_start3A_97 : memref<128x16xf32, #tpu.memory_space<vmem>>) offsets(%dma_start3A_99 : memref<128xi32, #tpu.memory_space<vmem>>) semaphore(%arg13 : memref<!tpu.dma_semaphore, #tpu.memory_space<semaphore_mem>>)
      %dma_start3A_103 = arith.constant 384 : i32
      %dma_start3A_104 = arith.constant 0 : i32
      %dma_start3A_105 = tpu.memref_slice %arg11[%dma_start3A_103, %dma_start3A_104] : memref<1536x16xf32, #tpu.memory_space<vmem>> -> memref<128x16xf32, #tpu.memory_space<vmem>>
      %dma_start3A_106 = arith.constant 384 : i32
      %dma_start3A_107 = tpu.memref_slice %arg8[%dma_start3A_106] : memref<1536xi32, #tpu.memory_space<vmem>> -> memref<128xi32, #tpu.memory_space<vmem>>
      %dma_start3A_108 = arith.constant 0 : i32
      %dma_start3A_109 = arith.constant 0 : i32
      %dma_start3A_110 = tpu.memref_slice %arg2[%dma_start3A_108, %dma_start3A_109] : memref<200192x16xf32, #tpu.memory_space<hbm>> -> memref<200192x16xf32, #tpu.memory_space<hbm>>
      tpu.enqueue_indirect_dma source(%dma_start3A_110 : memref<200192x16xf32, #tpu.memory_space<hbm>>) target(%dma_start3A_105 : memref<128x16xf32, #tpu.memory_space<vmem>>) offsets(%dma_start3A_107 : memref<128xi32, #tpu.memory_space<vmem>>) semaphore(%arg13 : memref<!tpu.dma_semaphore, #tpu.memory_space<semaphore_mem>>)
      %dma_start3A_111 = arith.constant 512 : i32
      %dma_start3A_112 = arith.constant 0 : i32
      %dma_start3A_113 = tpu.memref_slice %arg11[%dma_start3A_111, %dma_start3A_112] : memref<1536x16xf32, #tpu.memory_space<vmem>> -> memref<128x16xf32, #tpu.memory_space<vmem>>
      %dma_start3A_114 = arith.constant 512 : i32
      %dma_start3A_115 = tpu.memref_slice %arg8[%dma_start3A_114] : memref<1536xi32, #tpu.memory_space<vmem>> -> memref<128xi32, #tpu.memory_space<vmem>>
      %dma_start3A_116 = arith.constant 0 : i32
      %dma_start3A_117 = arith.constant 0 : i32
      %dma_start3A_118 = tpu.memref_slice %arg2[%dma_start3A_116, %dma_start3A_117] : memref<200192x16xf32, #tpu.memory_space<hbm>> -> memref<200192x16xf32, #tpu.memory_space<hbm>>
      tpu.enqueue_indirect_dma source(%dma_start3A_118 : memref<200192x16xf32, #tpu.memory_space<hbm>>) target(%dma_start3A_113 : memref<128x16xf32, #tpu.memory_space<vmem>>) offsets(%dma_start3A_115 : memref<128xi32, #tpu.memory_space<vmem>>) semaphore(%arg13 : memref<!tpu.dma_semaphore, #tpu.memory_space<semaphore_mem>>)
      %dma_start3A_119 = arith.constant 640 : i32
      %dma_start3A_120 = arith.constant 0 : i32
      %dma_start3A_121 = tpu.memref_slice %arg11[%dma_start3A_119, %dma_start3A_120] : memref<1536x16xf32, #tpu.memory_space<vmem>> -> memref<128x16xf32, #tpu.memory_space<vmem>>
      %dma_start3A_122 = arith.constant 640 : i32
      %dma_start3A_123 = tpu.memref_slice %arg8[%dma_start3A_122] : memref<1536xi32, #tpu.memory_space<vmem>> -> memref<128xi32, #tpu.memory_space<vmem>>
      %dma_start3A_124 = arith.constant 0 : i32
      %dma_start3A_125 = arith.constant 0 : i32
      %dma_start3A_126 = tpu.memref_slice %arg2[%dma_start3A_124, %dma_start3A_125] : memref<200192x16xf32, #tpu.memory_space<hbm>> -> memref<200192x16xf32, #tpu.memory_space<hbm>>
      tpu.enqueue_indirect_dma source(%dma_start3A_126 : memref<200192x16xf32, #tpu.memory_space<hbm>>) target(%dma_start3A_121 : memref<128x16xf32, #tpu.memory_space<vmem>>) offsets(%dma_start3A_123 : memref<128xi32, #tpu.memory_space<vmem>>) semaphore(%arg13 : memref<!tpu.dma_semaphore, #tpu.memory_space<semaphore_mem>>)
      %dma_start3A_127 = arith.constant 768 : i32
      %dma_start3A_128 = arith.constant 0 : i32
      %dma_start3A_129 = tpu.memref_slice %arg11[%dma_start3A_127, %dma_start3A_128] : memref<1536x16xf32, #tpu.memory_space<vmem>> -> memref<128x16xf32, #tpu.memory_space<vmem>>
      %dma_start3A_130 = arith.constant 768 : i32
      %dma_start3A_131 = tpu.memref_slice %arg8[%dma_start3A_130] : memref<1536xi32, #tpu.memory_space<vmem>> -> memref<128xi32, #tpu.memory_space<vmem>>
      %dma_start3A_132 = arith.constant 0 : i32
      %dma_start3A_133 = arith.constant 0 : i32
      %dma_start3A_134 = tpu.memref_slice %arg2[%dma_start3A_132, %dma_start3A_133] : memref<200192x16xf32, #tpu.memory_space<hbm>> -> memref<200192x16xf32, #tpu.memory_space<hbm>>
      tpu.enqueue_indirect_dma source(%dma_start3A_134 : memref<200192x16xf32, #tpu.memory_space<hbm>>) target(%dma_start3A_129 : memref<128x16xf32, #tpu.memory_space<vmem>>) offsets(%dma_start3A_131 : memref<128xi32, #tpu.memory_space<vmem>>) semaphore(%arg14 : memref<!tpu.dma_semaphore, #tpu.memory_space<semaphore_mem>>)
      %dma_start3A_135 = arith.constant 896 : i32
      %dma_start3A_136 = arith.constant 0 : i32
      %dma_start3A_137 = tpu.memref_slice %arg11[%dma_start3A_135, %dma_start3A_136] : memref<1536x16xf32, #tpu.memory_space<vmem>> -> memref<128x16xf32, #tpu.memory_space<vmem>>
      %dma_start3A_138 = arith.constant 896 : i32
      %dma_start3A_139 = tpu.memref_slice %arg8[%dma_start3A_138] : memref<1536xi32, #tpu.memory_space<vmem>> -> memref<128xi32, #tpu.memory_space<vmem>>
      %dma_start3A_140 = arith.constant 0 : i32
      %dma_start3A_141 = arith.constant 0 : i32
      %dma_start3A_142 = tpu.memref_slice %arg2[%dma_start3A_140, %dma_start3A_141] : memref<200192x16xf32, #tpu.memory_space<hbm>> -> memref<200192x16xf32, #tpu.memory_space<hbm>>
      tpu.enqueue_indirect_dma source(%dma_start3A_142 : memref<200192x16xf32, #tpu.memory_space<hbm>>) target(%dma_start3A_137 : memref<128x16xf32, #tpu.memory_space<vmem>>) offsets(%dma_start3A_139 : memref<128xi32, #tpu.memory_space<vmem>>) semaphore(%arg14 : memref<!tpu.dma_semaphore, #tpu.memory_space<semaphore_mem>>)
      %dma_start3A_143 = arith.constant 1024 : i32
      %dma_start3A_144 = arith.constant 0 : i32
      %dma_start3A_145 = tpu.memref_slice %arg11[%dma_start3A_143, %dma_start3A_144] : memref<1536x16xf32, #tpu.memory_space<vmem>> -> memref<128x16xf32, #tpu.memory_space<vmem>>
      %dma_start3A_146 = arith.constant 1024 : i32
      %dma_start3A_147 = tpu.memref_slice %arg8[%dma_start3A_146] : memref<1536xi32, #tpu.memory_space<vmem>> -> memref<128xi32, #tpu.memory_space<vmem>>
      %dma_start3A_148 = arith.constant 0 : i32
      %dma_start3A_149 = arith.constant 0 : i32
      %dma_start3A_150 = tpu.memref_slice %arg2[%dma_start3A_148, %dma_start3A_149] : memref<200192x16xf32, #tpu.memory_space<hbm>> -> memref<200192x16xf32, #tpu.memory_space<hbm>>
      tpu.enqueue_indirect_dma source(%dma_start3A_150 : memref<200192x16xf32, #tpu.memory_space<hbm>>) target(%dma_start3A_145 : memref<128x16xf32, #tpu.memory_space<vmem>>) offsets(%dma_start3A_147 : memref<128xi32, #tpu.memory_space<vmem>>) semaphore(%arg14 : memref<!tpu.dma_semaphore, #tpu.memory_space<semaphore_mem>>)
      %dma_start3A_151 = arith.constant 1152 : i32
      %dma_start3A_152 = arith.constant 0 : i32
      %dma_start3A_153 = tpu.memref_slice %arg11[%dma_start3A_151, %dma_start3A_152] : memref<1536x16xf32, #tpu.memory_space<vmem>> -> memref<128x16xf32, #tpu.memory_space<vmem>>
      %dma_start3A_154 = arith.constant 1152 : i32
      %dma_start3A_155 = tpu.memref_slice %arg8[%dma_start3A_154] : memref<1536xi32, #tpu.memory_space<vmem>> -> memref<128xi32, #tpu.memory_space<vmem>>
      %dma_start3A_156 = arith.constant 0 : i32
      %dma_start3A_157 = arith.constant 0 : i32
      %dma_start3A_158 = tpu.memref_slice %arg2[%dma_start3A_156, %dma_start3A_157] : memref<200192x16xf32, #tpu.memory_space<hbm>> -> memref<200192x16xf32, #tpu.memory_space<hbm>>
      tpu.enqueue_indirect_dma source(%dma_start3A_158 : memref<200192x16xf32, #tpu.memory_space<hbm>>) target(%dma_start3A_153 : memref<128x16xf32, #tpu.memory_space<vmem>>) offsets(%dma_start3A_155 : memref<128xi32, #tpu.memory_space<vmem>>) semaphore(%arg14 : memref<!tpu.dma_semaphore, #tpu.memory_space<semaphore_mem>>)
      %dma_start3A_159 = arith.constant 1280 : i32
      %dma_start3A_160 = arith.constant 0 : i32
      %dma_start3A_161 = tpu.memref_slice %arg11[%dma_start3A_159, %dma_start3A_160] : memref<1536x16xf32, #tpu.memory_space<vmem>> -> memref<128x16xf32, #tpu.memory_space<vmem>>
      %dma_start3A_162 = arith.constant 1280 : i32
      %dma_start3A_163 = tpu.memref_slice %arg8[%dma_start3A_162] : memref<1536xi32, #tpu.memory_space<vmem>> -> memref<128xi32, #tpu.memory_space<vmem>>
      %dma_start3A_164 = arith.constant 0 : i32
      %dma_start3A_165 = arith.constant 0 : i32
      %dma_start3A_166 = tpu.memref_slice %arg2[%dma_start3A_164, %dma_start3A_165] : memref<200192x16xf32, #tpu.memory_space<hbm>> -> memref<200192x16xf32, #tpu.memory_space<hbm>>
      tpu.enqueue_indirect_dma source(%dma_start3A_166 : memref<200192x16xf32, #tpu.memory_space<hbm>>) target(%dma_start3A_161 : memref<128x16xf32, #tpu.memory_space<vmem>>) offsets(%dma_start3A_163 : memref<128xi32, #tpu.memory_space<vmem>>) semaphore(%arg14 : memref<!tpu.dma_semaphore, #tpu.memory_space<semaphore_mem>>)
      %dma_start3A_167 = arith.constant 1408 : i32
      %dma_start3A_168 = arith.constant 0 : i32
      %dma_start3A_169 = tpu.memref_slice %arg11[%dma_start3A_167, %dma_start3A_168] : memref<1536x16xf32, #tpu.memory_space<vmem>> -> memref<128x16xf32, #tpu.memory_space<vmem>>
      %dma_start3A_170 = arith.constant 1408 : i32
      %dma_start3A_171 = tpu.memref_slice %arg8[%dma_start3A_170] : memref<1536xi32, #tpu.memory_space<vmem>> -> memref<128xi32, #tpu.memory_space<vmem>>
      %dma_start3A_172 = arith.constant 0 : i32
      %dma_start3A_173 = arith.constant 0 : i32
      %dma_start3A_174 = tpu.memref_slice %arg2[%dma_start3A_172, %dma_start3A_173] : memref<200192x16xf32, #tpu.memory_space<hbm>> -> memref<200192x16xf32, #tpu.memory_space<hbm>>
      tpu.enqueue_indirect_dma source(%dma_start3A_174 : memref<200192x16xf32, #tpu.memory_space<hbm>>) target(%dma_start3A_169 : memref<128x16xf32, #tpu.memory_space<vmem>>) offsets(%dma_start3A_171 : memref<128xi32, #tpu.memory_space<vmem>>) semaphore(%arg14 : memref<!tpu.dma_semaphore, #tpu.memory_space<semaphore_mem>>)
      %dma_wait3A = arith.constant 0 : i32
      %dma_wait3A_175 = arith.constant 0 : i32
      %dma_wait3A_176 = tpu.memref_slice %arg11[%dma_wait3A, %dma_wait3A_175] : memref<1536x16xf32, #tpu.memory_space<vmem>> -> memref<128x16xf32, #tpu.memory_space<vmem>>
      %dma_wait3A_177 = arith.constant 0 : i32
      %dma_wait3A_178 = tpu.memref_slice %arg8[%dma_wait3A_177] : memref<1536xi32, #tpu.memory_space<vmem>> -> memref<128xi32, #tpu.memory_space<vmem>>
      %dma_wait3A_179 = arith.constant 0 : i32
      %dma_wait3A_180 = arith.constant 0 : i32
      %dma_wait3A_181 = tpu.memref_slice %arg2[%dma_wait3A_179, %dma_wait3A_180] : memref<200192x16xf32, #tpu.memory_space<hbm>> -> memref<200192x16xf32, #tpu.memory_space<hbm>>
      tpu.wait_indirect_dma semaphore(%arg13 : memref<!tpu.dma_semaphore, #tpu.memory_space<semaphore_mem>>) src(%dma_wait3A_181 : memref<200192x16xf32, #tpu.memory_space<hbm>>) dst(%dma_wait3A_176 : memref<128x16xf32, #tpu.memory_space<vmem>>)
      %dma_wait3A_182 = arith.constant 128 : i32
      %dma_wait3A_183 = arith.constant 0 : i32
      %dma_wait3A_184 = tpu.memref_slice %arg11[%dma_wait3A_182, %dma_wait3A_183] : memref<1536x16xf32, #tpu.memory_space<vmem>> -> memref<128x16xf32, #tpu.memory_space<vmem>>
      %dma_wait3A_185 = arith.constant 128 : i32
      %dma_wait3A_186 = tpu.memref_slice %arg8[%dma_wait3A_185] : memref<1536xi32, #tpu.memory_space<vmem>> -> memref<128xi32, #tpu.memory_space<vmem>>
      %dma_wait3A_187 = arith.constant 0 : i32
      %dma_wait3A_188 = arith.constant 0 : i32
      %dma_wait3A_189 = tpu.memref_slice %arg2[%dma_wait3A_187, %dma_wait3A_188] : memref<200192x16xf32, #tpu.memory_space<hbm>> -> memref<200192x16xf32, #tpu.memory_space<hbm>>
      tpu.wait_indirect_dma semaphore(%arg13 : memref<!tpu.dma_semaphore, #tpu.memory_space<semaphore_mem>>) src(%dma_wait3A_189 : memref<200192x16xf32, #tpu.memory_space<hbm>>) dst(%dma_wait3A_184 : memref<128x16xf32, #tpu.memory_space<vmem>>)
      %dma_wait3A_190 = arith.constant 256 : i32
      %dma_wait3A_191 = arith.constant 0 : i32
      %dma_wait3A_192 = tpu.memref_slice %arg11[%dma_wait3A_190, %dma_wait3A_191] : memref<1536x16xf32, #tpu.memory_space<vmem>> -> memref<128x16xf32, #tpu.memory_space<vmem>>
      %dma_wait3A_193 = arith.constant 256 : i32
      %dma_wait3A_194 = tpu.memref_slice %arg8[%dma_wait3A_193] : memref<1536xi32, #tpu.memory_space<vmem>> -> memref<128xi32, #tpu.memory_space<vmem>>
      %dma_wait3A_195 = arith.constant 0 : i32
      %dma_wait3A_196 = arith.constant 0 : i32
      %dma_wait3A_197 = tpu.memref_slice %arg2[%dma_wait3A_195, %dma_wait3A_196] : memref<200192x16xf32, #tpu.memory_space<hbm>> -> memref<200192x16xf32, #tpu.memory_space<hbm>>
      tpu.wait_indirect_dma semaphore(%arg13 : memref<!tpu.dma_semaphore, #tpu.memory_space<semaphore_mem>>) src(%dma_wait3A_197 : memref<200192x16xf32, #tpu.memory_space<hbm>>) dst(%dma_wait3A_192 : memref<128x16xf32, #tpu.memory_space<vmem>>)
      %dma_wait3A_198 = arith.constant 384 : i32
      %dma_wait3A_199 = arith.constant 0 : i32
      %dma_wait3A_200 = tpu.memref_slice %arg11[%dma_wait3A_198, %dma_wait3A_199] : memref<1536x16xf32, #tpu.memory_space<vmem>> -> memref<128x16xf32, #tpu.memory_space<vmem>>
      %dma_wait3A_201 = arith.constant 384 : i32
      %dma_wait3A_202 = tpu.memref_slice %arg8[%dma_wait3A_201] : memref<1536xi32, #tpu.memory_space<vmem>> -> memref<128xi32, #tpu.memory_space<vmem>>
      %dma_wait3A_203 = arith.constant 0 : i32
      %dma_wait3A_204 = arith.constant 0 : i32
      %dma_wait3A_205 = tpu.memref_slice %arg2[%dma_wait3A_203, %dma_wait3A_204] : memref<200192x16xf32, #tpu.memory_space<hbm>> -> memref<200192x16xf32, #tpu.memory_space<hbm>>
      tpu.wait_indirect_dma semaphore(%arg13 : memref<!tpu.dma_semaphore, #tpu.memory_space<semaphore_mem>>) src(%dma_wait3A_205 : memref<200192x16xf32, #tpu.memory_space<hbm>>) dst(%dma_wait3A_200 : memref<128x16xf32, #tpu.memory_space<vmem>>)
      %dma_wait3A_206 = arith.constant 512 : i32
      %dma_wait3A_207 = arith.constant 0 : i32
      %dma_wait3A_208 = tpu.memref_slice %arg11[%dma_wait3A_206, %dma_wait3A_207] : memref<1536x16xf32, #tpu.memory_space<vmem>> -> memref<128x16xf32, #tpu.memory_space<vmem>>
      %dma_wait3A_209 = arith.constant 512 : i32
      %dma_wait3A_210 = tpu.memref_slice %arg8[%dma_wait3A_209] : memref<1536xi32, #tpu.memory_space<vmem>> -> memref<128xi32, #tpu.memory_space<vmem>>
      %dma_wait3A_211 = arith.constant 0 : i32
      %dma_wait3A_212 = arith.constant 0 : i32
      %dma_wait3A_213 = tpu.memref_slice %arg2[%dma_wait3A_211, %dma_wait3A_212] : memref<200192x16xf32, #tpu.memory_space<hbm>> -> memref<200192x16xf32, #tpu.memory_space<hbm>>
      tpu.wait_indirect_dma semaphore(%arg13 : memref<!tpu.dma_semaphore, #tpu.memory_space<semaphore_mem>>) src(%dma_wait3A_213 : memref<200192x16xf32, #tpu.memory_space<hbm>>) dst(%dma_wait3A_208 : memref<128x16xf32, #tpu.memory_space<vmem>>)
      %dma_wait3A_214 = arith.constant 640 : i32
      %dma_wait3A_215 = arith.constant 0 : i32
      %dma_wait3A_216 = tpu.memref_slice %arg11[%dma_wait3A_214, %dma_wait3A_215] : memref<1536x16xf32, #tpu.memory_space<vmem>> -> memref<128x16xf32, #tpu.memory_space<vmem>>
      %dma_wait3A_217 = arith.constant 640 : i32
      %dma_wait3A_218 = tpu.memref_slice %arg8[%dma_wait3A_217] : memref<1536xi32, #tpu.memory_space<vmem>> -> memref<128xi32, #tpu.memory_space<vmem>>
      %dma_wait3A_219 = arith.constant 0 : i32
      %dma_wait3A_220 = arith.constant 0 : i32
      %dma_wait3A_221 = tpu.memref_slice %arg2[%dma_wait3A_219, %dma_wait3A_220] : memref<200192x16xf32, #tpu.memory_space<hbm>> -> memref<200192x16xf32, #tpu.memory_space<hbm>>
      tpu.wait_indirect_dma semaphore(%arg13 : memref<!tpu.dma_semaphore, #tpu.memory_space<semaphore_mem>>) src(%dma_wait3A_221 : memref<200192x16xf32, #tpu.memory_space<hbm>>) dst(%dma_wait3A_216 : memref<128x16xf32, #tpu.memory_space<vmem>>)
      %scan3A_222 = arith.constant 0 : i32
      %scan3A_223 = arith.constant 0 : i32
      %scan3A_224 = arith.constant 48 : i32
      %scan3A_225 = arith.addi %scan3A_223, %scan3A_224 : i32
      %scan3A_226 = arith.constant 1 : i32
      %scan3A_227 = scf.for %scan3A_525 = %scan3A_223 to %scan3A_225 step %scan3A_226 iter_args(%scan3A_526 = %scan3A_222) -> (i32)  : i32 {
        %mul3A_527 = arith.constant 16 : i32
        %mul3A_528 = arith.muli %scan3A_525, %mul3A_527 : i32
        %add3A_529 = arith.constant 0 : i32
        %add3A_530 = arith.addi %add3A_529, %mul3A_528 : i32
        %multiple_of3A_531 = tpu.assume_multiple %add3A_530, 16 : i32
        %get3A = arith.index_cast %multiple_of3A_531 : i32 to index
        %get3A_532 = tpu.vector_load %arg10[%get3A] {strides = array<i32>} : memref<1536xf32, #tpu.memory_space<vmem>>, vector<16xf32>,
        %get3A_533 = vector.shape_cast %get3A_532 : vector<16xf32> to vector<16xf32>
        %add3A_534 = arith.constant 0 : i32
        %add3A_535 = arith.addi %multiple_of3A_531, %add3A_534 : i32
        %get3A_536 = arith.index_cast %add3A_535 : i32 to index
        %get3A_537 = arith.constant 0 : index
        %get3A_538 = tpu.vector_load %arg11[%get3A_536, %get3A_537] {strides = array<i32>} : memref<1536x16xf32, #tpu.memory_space<vmem>>, vector<1x16xf32>,
        %get3A_539 = vector.shape_cast %get3A_538 : vector<1x16xf32> to vector<16xf32>
        %slice3A = vector.extract_strided_slice %get3A_533 {offsets = [0], sizes = [1], strides = [1]} : vector<16xf32> to vector<1xf32>
        %squeeze3A = vector.extract %slice3A[0] : f32 from vector<1xf32>
        %mul3A_540 = vector.broadcast %squeeze3A : f32 to vector<16xf32>
        %mul3A_541 = arith.mulf %get3A_539, %mul3A_540 : vector<16xf32>
        %add3A_542 = arith.constant 0 : i32
        %add3A_543 = arith.addi %multiple_of3A_531, %add3A_542 : i32
        %swap3A = arith.index_cast %add3A_543 : i32 to index
        %swap3A_544 = arith.constant 0 : index
        %swap3A_545 = tpu.vector_load %arg11[%swap3A, %swap3A_544] {strides = array<i32>} : memref<1536x16xf32, #tpu.memory_space<vmem>>, vector<1x16xf32>,
        %swap3A_546 = vector.shape_cast %swap3A_545 : vector<1x16xf32> to vector<16xf32>
        %swap3A_547 = vector.shape_cast %mul3A_541 : vector<16xf32> to vector<1x16xf32>
        tpu.vector_store %arg11[%swap3A, %swap3A_544], %swap3A_547 {strides = array<i32>} : memref<1536x16xf32, #tpu.memory_space<vmem>>, vector<1x16xf32>,
        %add3A_548 = arith.constant 1 : i32
        %add3A_549 = arith.addi %multiple_of3A_531, %add3A_548 : i32
        %get3A_550 = arith.index_cast %add3A_549 : i32 to index
        %get3A_551 = arith.constant 0 : index
        %get3A_552 = tpu.vector_load %arg11[%get3A_550, %get3A_551] {strides = array<i32>} : memref<1536x16xf32, #tpu.memory_space<vmem>>, vector<1x16xf32>,
        %get3A_553 = vector.shape_cast %get3A_552 : vector<1x16xf32> to vector<16xf32>
        %slice3A_554 = vector.extract_strided_slice %get3A_533 {offsets = [1], sizes = [1], strides = [1]} : vector<16xf32> to vector<1xf32>
        %squeeze3A_555 = vector.extract %slice3A_554[0] : f32 from vector<1xf32>
        %mul3A_556 = vector.broadcast %squeeze3A_555 : f32 to vector<16xf32>
        %mul3A_557 = arith.mulf %get3A_553, %mul3A_556 : vector<16xf32>
        %add3A_558 = arith.constant 1 : i32
        %add3A_559 = arith.addi %multiple_of3A_531, %add3A_558 : i32
        %swap3A_560 = arith.index_cast %add3A_559 : i32 to index
        %swap3A_561 = arith.constant 0 : index
        %swap3A_562 = tpu.vector_load %arg11[%swap3A_560, %swap3A_561] {strides = array<i32>} : memref<1536x16xf32, #tpu.memory_space<vmem>>, vector<1x16xf32>,
        %swap3A_563 = vector.shape_cast %swap3A_562 : vector<1x16xf32> to vector<16xf32>
        %swap3A_564 = vector.shape_cast %mul3A_557 : vector<16xf32> to vector<1x16xf32>
        tpu.vector_store %arg11[%swap3A_560, %swap3A_561], %swap3A_564 {strides = array<i32>} : memref<1536x16xf32, #tpu.memory_space<vmem>>, vector<1x16xf32>,
        %add3A_565 = arith.constant 2 : i32
        %add3A_566 = arith.addi %multiple_of3A_531, %add3A_565 : i32
        %get3A_567 = arith.index_cast %add3A_566 : i32 to index
        %get3A_568 = arith.constant 0 : index
        %get3A_569 = tpu.vector_load %arg11[%get3A_567, %get3A_568] {strides = array<i32>} : memref<1536x16xf32, #tpu.memory_space<vmem>>, vector<1x16xf32>,
        %get3A_570 = vector.shape_cast %get3A_569 : vector<1x16xf32> to vector<16xf32>
        %slice3A_571 = vector.extract_strided_slice %get3A_533 {offsets = [2], sizes = [1], strides = [1]} : vector<16xf32> to vector<1xf32>
        %squeeze3A_572 = vector.extract %slice3A_571[0] : f32 from vector<1xf32>
        %mul3A_573 = vector.broadcast %squeeze3A_572 : f32 to vector<16xf32>
        %mul3A_574 = arith.mulf %get3A_570, %mul3A_573 : vector<16xf32>
        %add3A_575 = arith.constant 2 : i32
        %add3A_576 = arith.addi %multiple_of3A_531, %add3A_575 : i32
        %swap3A_577 = arith.index_cast %add3A_576 : i32 to index
        %swap3A_578 = arith.constant 0 : index
        %swap3A_579 = tpu.vector_load %arg11[%swap3A_577, %swap3A_578] {strides = array<i32>} : memref<1536x16xf32, #tpu.memory_space<vmem>>, vector<1x16xf32>,
        %swap3A_580 = vector.shape_cast %swap3A_579 : vector<1x16xf32> to vector<16xf32>
        %swap3A_581 = vector.shape_cast %mul3A_574 : vector<16xf32> to vector<1x16xf32>
        tpu.vector_store %arg11[%swap3A_577, %swap3A_578], %swap3A_581 {strides = array<i32>} : memref<1536x16xf32, #tpu.memory_space<vmem>>, vector<1x16xf32>,
        %add3A_582 = arith.constant 3 : i32
        %add3A_583 = arith.addi %multiple_of3A_531, %add3A_582 : i32
        %get3A_584 = arith.index_cast %add3A_583 : i32 to index
        %get3A_585 = arith.constant 0 : index
        %get3A_586 = tpu.vector_load %arg11[%get3A_584, %get3A_585] {strides = array<i32>} : memref<1536x16xf32, #tpu.memory_space<vmem>>, vector<1x16xf32>,
        %get3A_587 = vector.shape_cast %get3A_586 : vector<1x16xf32> to vector<16xf32>
        %slice3A_588 = vector.extract_strided_slice %get3A_533 {offsets = [3], sizes = [1], strides = [1]} : vector<16xf32> to vector<1xf32>
        %squeeze3A_589 = vector.extract %slice3A_588[0] : f32 from vector<1xf32>
        %mul3A_590 = vector.broadcast %squeeze3A_589 : f32 to vector<16xf32>
        %mul3A_591 = arith.mulf %get3A_587, %mul3A_590 : vector<16xf32>
        %add3A_592 = arith.constant 3 : i32
        %add3A_593 = arith.addi %multiple_of3A_531, %add3A_592 : i32
        %swap3A_594 = arith.index_cast %add3A_593 : i32 to index
        %swap3A_595 = arith.constant 0 : index
        %swap3A_596 = tpu.vector_load %arg11[%swap3A_594, %swap3A_595] {strides = array<i32>} : memref<1536x16xf32, #tpu.memory_space<vmem>>, vector<1x16xf32>,
        %swap3A_597 = vector.shape_cast %swap3A_596 : vector<1x16xf32> to vector<16xf32>
        %swap3A_598 = vector.shape_cast %mul3A_591 : vector<16xf32> to vector<1x16xf32>
        tpu.vector_store %arg11[%swap3A_594, %swap3A_595], %swap3A_598 {strides = array<i32>} : memref<1536x16xf32, #tpu.memory_space<vmem>>, vector<1x16xf32>,
        %add3A_599 = arith.constant 4 : i32
        %add3A_600 = arith.addi %multiple_of3A_531, %add3A_599 : i32
        %get3A_601 = arith.index_cast %add3A_600 : i32 to index
        %get3A_602 = arith.constant 0 : index
        %get3A_603 = tpu.vector_load %arg11[%get3A_601, %get3A_602] {strides = array<i32>} : memref<1536x16xf32, #tpu.memory_space<vmem>>, vector<1x16xf32>,
        %get3A_604 = vector.shape_cast %get3A_603 : vector<1x16xf32> to vector<16xf32>
        %slice3A_605 = vector.extract_strided_slice %get3A_533 {offsets = [4], sizes = [1], strides = [1]} : vector<16xf32> to vector<1xf32>
        %squeeze3A_606 = vector.extract %slice3A_605[0] : f32 from vector<1xf32>
        %mul3A_607 = vector.broadcast %squeeze3A_606 : f32 to vector<16xf32>
        %mul3A_608 = arith.mulf %get3A_604, %mul3A_607 : vector<16xf32>
        %add3A_609 = arith.constant 4 : i32
        %add3A_610 = arith.addi %multiple_of3A_531, %add3A_609 : i32
        %swap3A_611 = arith.index_cast %add3A_610 : i32 to index
        %swap3A_612 = arith.constant 0 : index
        %swap3A_613 = tpu.vector_load %arg11[%swap3A_611, %swap3A_612] {strides = array<i32>} : memref<1536x16xf32, #tpu.memory_space<vmem>>, vector<1x16xf32>,
        %swap3A_614 = vector.shape_cast %swap3A_613 : vector<1x16xf32> to vector<16xf32>
        %swap3A_615 = vector.shape_cast %mul3A_608 : vector<16xf32> to vector<1x16xf32>
        tpu.vector_store %arg11[%swap3A_611, %swap3A_612], %swap3A_615 {strides = array<i32>} : memref<1536x16xf32, #tpu.memory_space<vmem>>, vector<1x16xf32>,
        %add3A_616 = arith.constant 5 : i32
        %add3A_617 = arith.addi %multiple_of3A_531, %add3A_616 : i32
        %get3A_618 = arith.index_cast %add3A_617 : i32 to index
        %get3A_619 = arith.constant 0 : index
        %get3A_620 = tpu.vector_load %arg11[%get3A_618, %get3A_619] {strides = array<i32>} : memref<1536x16xf32, #tpu.memory_space<vmem>>, vector<1x16xf32>,
        %get3A_621 = vector.shape_cast %get3A_620 : vector<1x16xf32> to vector<16xf32>
        %slice3A_622 = vector.extract_strided_slice %get3A_533 {offsets = [5], sizes = [1], strides = [1]} : vector<16xf32> to vector<1xf32>
        %squeeze3A_623 = vector.extract %slice3A_622[0] : f32 from vector<1xf32>
        %mul3A_624 = vector.broadcast %squeeze3A_623 : f32 to vector<16xf32>
        %mul3A_625 = arith.mulf %get3A_621, %mul3A_624 : vector<16xf32>
        %add3A_626 = arith.constant 5 : i32
        %add3A_627 = arith.addi %multiple_of3A_531, %add3A_626 : i32
        %swap3A_628 = arith.index_cast %add3A_627 : i32 to index
        %swap3A_629 = arith.constant 0 : index
        %swap3A_630 = tpu.vector_load %arg11[%swap3A_628, %swap3A_629] {strides = array<i32>} : memref<1536x16xf32, #tpu.memory_space<vmem>>, vector<1x16xf32>,
        %swap3A_631 = vector.shape_cast %swap3A_630 : vector<1x16xf32> to vector<16xf32>
        %swap3A_632 = vector.shape_cast %mul3A_625 : vector<16xf32> to vector<1x16xf32>
        tpu.vector_store %arg11[%swap3A_628, %swap3A_629], %swap3A_632 {strides = array<i32>} : memref<1536x16xf32, #tpu.memory_space<vmem>>, vector<1x16xf32>,
        %add3A_633 = arith.constant 6 : i32
        %add3A_634 = arith.addi %multiple_of3A_531, %add3A_633 : i32
        %get3A_635 = arith.index_cast %add3A_634 : i32 to index
        %get3A_636 = arith.constant 0 : index
        %get3A_637 = tpu.vector_load %arg11[%get3A_635, %get3A_636] {strides = array<i32>} : memref<1536x16xf32, #tpu.memory_space<vmem>>, vector<1x16xf32>,
        %get3A_638 = vector.shape_cast %get3A_637 : vector<1x16xf32> to vector<16xf32>
        %slice3A_639 = vector.extract_strided_slice %get3A_533 {offsets = [6], sizes = [1], strides = [1]} : vector<16xf32> to vector<1xf32>
        %squeeze3A_640 = vector.extract %slice3A_639[0] : f32 from vector<1xf32>
        %mul3A_641 = vector.broadcast %squeeze3A_640 : f32 to vector<16xf32>
        %mul3A_642 = arith.mulf %get3A_638, %mul3A_641 : vector<16xf32>
        %add3A_643 = arith.constant 6 : i32
        %add3A_644 = arith.addi %multiple_of3A_531, %add3A_643 : i32
        %swap3A_645 = arith.index_cast %add3A_644 : i32 to index
        %swap3A_646 = arith.constant 0 : index
        %swap3A_647 = tpu.vector_load %arg11[%swap3A_645, %swap3A_646] {strides = array<i32>} : memref<1536x16xf32, #tpu.memory_space<vmem>>, vector<1x16xf32>,
        %swap3A_648 = vector.shape_cast %swap3A_647 : vector<1x16xf32> to vector<16xf32>
        %swap3A_649 = vector.shape_cast %mul3A_642 : vector<16xf32> to vector<1x16xf32>
        tpu.vector_store %arg11[%swap3A_645, %swap3A_646], %swap3A_649 {strides = array<i32>} : memref<1536x16xf32, #tpu.memory_space<vmem>>, vector<1x16xf32>,
        %add3A_650 = arith.constant 7 : i32
        %add3A_651 = arith.addi %multiple_of3A_531, %add3A_650 : i32
        %get3A_652 = arith.index_cast %add3A_651 : i32 to index
        %get3A_653 = arith.constant 0 : index
        %get3A_654 = tpu.vector_load %arg11[%get3A_652, %get3A_653] {strides = array<i32>} : memref<1536x16xf32, #tpu.memory_space<vmem>>, vector<1x16xf32>,
        %get3A_655 = vector.shape_cast %get3A_654 : vector<1x16xf32> to vector<16xf32>
        %slice3A_656 = vector.extract_strided_slice %get3A_533 {offsets = [7], sizes = [1], strides = [1]} : vector<16xf32> to vector<1xf32>
        %squeeze3A_657 = vector.extract %slice3A_656[0] : f32 from vector<1xf32>
        %mul3A_658 = vector.broadcast %squeeze3A_657 : f32 to vector<16xf32>
        %mul3A_659 = arith.mulf %get3A_655, %mul3A_658 : vector<16xf32>
        %add3A_660 = arith.constant 7 : i32
        %add3A_661 = arith.addi %multiple_of3A_531, %add3A_660 : i32
        %swap3A_662 = arith.index_cast %add3A_661 : i32 to index
        %swap3A_663 = arith.constant 0 : index
        %swap3A_664 = tpu.vector_load %arg11[%swap3A_662, %swap3A_663] {strides = array<i32>} : memref<1536x16xf32, #tpu.memory_space<vmem>>, vector<1x16xf32>,
        %swap3A_665 = vector.shape_cast %swap3A_664 : vector<1x16xf32> to vector<16xf32>
        %swap3A_666 = vector.shape_cast %mul3A_659 : vector<16xf32> to vector<1x16xf32>
        tpu.vector_store %arg11[%swap3A_662, %swap3A_663], %swap3A_666 {strides = array<i32>} : memref<1536x16xf32, #tpu.memory_space<vmem>>, vector<1x16xf32>,
        %add3A_667 = arith.constant 8 : i32
        %add3A_668 = arith.addi %multiple_of3A_531, %add3A_667 : i32
        %get3A_669 = arith.index_cast %add3A_668 : i32 to index
        %get3A_670 = arith.constant 0 : index
        %get3A_671 = tpu.vector_load %arg11[%get3A_669, %get3A_670] {strides = array<i32>} : memref<1536x16xf32, #tpu.memory_space<vmem>>, vector<1x16xf32>,
        %get3A_672 = vector.shape_cast %get3A_671 : vector<1x16xf32> to vector<16xf32>
        %slice3A_673 = vector.extract_strided_slice %get3A_533 {offsets = [8], sizes = [1], strides = [1]} : vector<16xf32> to vector<1xf32>
        %squeeze3A_674 = vector.extract %slice3A_673[0] : f32 from vector<1xf32>
        %mul3A_675 = vector.broadcast %squeeze3A_674 : f32 to vector<16xf32>
        %mul3A_676 = arith.mulf %get3A_672, %mul3A_675 : vector<16xf32>
        %add3A_677 = arith.constant 8 : i32
        %add3A_678 = arith.addi %multiple_of3A_531, %add3A_677 : i32
        %swap3A_679 = arith.index_cast %add3A_678 : i32 to index
        %swap3A_680 = arith.constant 0 : index
        %swap3A_681 = tpu.vector_load %arg11[%swap3A_679, %swap3A_680] {strides = array<i32>} : memref<1536x16xf32, #tpu.memory_space<vmem>>, vector<1x16xf32>,
        %swap3A_682 = vector.shape_cast %swap3A_681 : vector<1x16xf32> to vector<16xf32>
        %swap3A_683 = vector.shape_cast %mul3A_676 : vector<16xf32> to vector<1x16xf32>
        tpu.vector_store %arg11[%swap3A_679, %swap3A_680], %swap3A_683 {strides = array<i32>} : memref<1536x16xf32, #tpu.memory_space<vmem>>, vector<1x16xf32>,
        %add3A_684 = arith.constant 9 : i32
        %add3A_685 = arith.addi %multiple_of3A_531, %add3A_684 : i32
        %get3A_686 = arith.index_cast %add3A_685 : i32 to index
        %get3A_687 = arith.constant 0 : index
        %get3A_688 = tpu.vector_load %arg11[%get3A_686, %get3A_687] {strides = array<i32>} : memref<1536x16xf32, #tpu.memory_space<vmem>>, vector<1x16xf32>,
        %get3A_689 = vector.shape_cast %get3A_688 : vector<1x16xf32> to vector<16xf32>
        %slice3A_690 = vector.extract_strided_slice %get3A_533 {offsets = [9], sizes = [1], strides = [1]} : vector<16xf32> to vector<1xf32>
        %squeeze3A_691 = vector.extract %slice3A_690[0] : f32 from vector<1xf32>
        %mul3A_692 = vector.broadcast %squeeze3A_691 : f32 to vector<16xf32>
        %mul3A_693 = arith.mulf %get3A_689, %mul3A_692 : vector<16xf32>
        %add3A_694 = arith.constant 9 : i32
        %add3A_695 = arith.addi %multiple_of3A_531, %add3A_694 : i32
        %swap3A_696 = arith.index_cast %add3A_695 : i32 to index
        %swap3A_697 = arith.constant 0 : index
        %swap3A_698 = tpu.vector_load %arg11[%swap3A_696, %swap3A_697] {strides = array<i32>} : memref<1536x16xf32, #tpu.memory_space<vmem>>, vector<1x16xf32>,
        %swap3A_699 = vector.shape_cast %swap3A_698 : vector<1x16xf32> to vector<16xf32>
        %swap3A_700 = vector.shape_cast %mul3A_693 : vector<16xf32> to vector<1x16xf32>
        tpu.vector_store %arg11[%swap3A_696, %swap3A_697], %swap3A_700 {strides = array<i32>} : memref<1536x16xf32, #tpu.memory_space<vmem>>, vector<1x16xf32>,
        %add3A_701 = arith.constant 10 : i32
        %add3A_702 = arith.addi %multiple_of3A_531, %add3A_701 : i32
        %get3A_703 = arith.index_cast %add3A_702 : i32 to index
        %get3A_704 = arith.constant 0 : index
        %get3A_705 = tpu.vector_load %arg11[%get3A_703, %get3A_704] {strides = array<i32>} : memref<1536x16xf32, #tpu.memory_space<vmem>>, vector<1x16xf32>,
        %get3A_706 = vector.shape_cast %get3A_705 : vector<1x16xf32> to vector<16xf32>
        %slice3A_707 = vector.extract_strided_slice %get3A_533 {offsets = [10], sizes = [1], strides = [1]} : vector<16xf32> to vector<1xf32>
        %squeeze3A_708 = vector.extract %slice3A_707[0] : f32 from vector<1xf32>
        %mul3A_709 = vector.broadcast %squeeze3A_708 : f32 to vector<16xf32>
        %mul3A_710 = arith.mulf %get3A_706, %mul3A_709 : vector<16xf32>
        %add3A_711 = arith.constant 10 : i32
        %add3A_712 = arith.addi %multiple_of3A_531, %add3A_711 : i32
        %swap3A_713 = arith.index_cast %add3A_712 : i32 to index
        %swap3A_714 = arith.constant 0 : index
        %swap3A_715 = tpu.vector_load %arg11[%swap3A_713, %swap3A_714] {strides = array<i32>} : memref<1536x16xf32, #tpu.memory_space<vmem>>, vector<1x16xf32>,
        %swap3A_716 = vector.shape_cast %swap3A_715 : vector<1x16xf32> to vector<16xf32>
        %swap3A_717 = vector.shape_cast %mul3A_710 : vector<16xf32> to vector<1x16xf32>
        tpu.vector_store %arg11[%swap3A_713, %swap3A_714], %swap3A_717 {strides = array<i32>} : memref<1536x16xf32, #tpu.memory_space<vmem>>, vector<1x16xf32>,
        %add3A_718 = arith.constant 11 : i32
        %add3A_719 = arith.addi %multiple_of3A_531, %add3A_718 : i32
        %get3A_720 = arith.index_cast %add3A_719 : i32 to index
        %get3A_721 = arith.constant 0 : index
        %get3A_722 = tpu.vector_load %arg11[%get3A_720, %get3A_721] {strides = array<i32>} : memref<1536x16xf32, #tpu.memory_space<vmem>>, vector<1x16xf32>,
        %get3A_723 = vector.shape_cast %get3A_722 : vector<1x16xf32> to vector<16xf32>
        %slice3A_724 = vector.extract_strided_slice %get3A_533 {offsets = [11], sizes = [1], strides = [1]} : vector<16xf32> to vector<1xf32>
        %squeeze3A_725 = vector.extract %slice3A_724[0] : f32 from vector<1xf32>
        %mul3A_726 = vector.broadcast %squeeze3A_725 : f32 to vector<16xf32>
        %mul3A_727 = arith.mulf %get3A_723, %mul3A_726 : vector<16xf32>
        %add3A_728 = arith.constant 11 : i32
        %add3A_729 = arith.addi %multiple_of3A_531, %add3A_728 : i32
        %swap3A_730 = arith.index_cast %add3A_729 : i32 to index
        %swap3A_731 = arith.constant 0 : index
        %swap3A_732 = tpu.vector_load %arg11[%swap3A_730, %swap3A_731] {strides = array<i32>} : memref<1536x16xf32, #tpu.memory_space<vmem>>, vector<1x16xf32>,
        %swap3A_733 = vector.shape_cast %swap3A_732 : vector<1x16xf32> to vector<16xf32>
        %swap3A_734 = vector.shape_cast %mul3A_727 : vector<16xf32> to vector<1x16xf32>
        tpu.vector_store %arg11[%swap3A_730, %swap3A_731], %swap3A_734 {strides = array<i32>} : memref<1536x16xf32, #tpu.memory_space<vmem>>, vector<1x16xf32>,
        %add3A_735 = arith.constant 12 : i32
        %add3A_736 = arith.addi %multiple_of3A_531, %add3A_735 : i32
        %get3A_737 = arith.index_cast %add3A_736 : i32 to index
        %get3A_738 = arith.constant 0 : index
        %get3A_739 = tpu.vector_load %arg11[%get3A_737, %get3A_738] {strides = array<i32>} : memref<1536x16xf32, #tpu.memory_space<vmem>>, vector<1x16xf32>,
        %get3A_740 = vector.shape_cast %get3A_739 : vector<1x16xf32> to vector<16xf32>
        %slice3A_741 = vector.extract_strided_slice %get3A_533 {offsets = [12], sizes = [1], strides = [1]} : vector<16xf32> to vector<1xf32>
        %squeeze3A_742 = vector.extract %slice3A_741[0] : f32 from vector<1xf32>
        %mul3A_743 = vector.broadcast %squeeze3A_742 : f32 to vector<16xf32>
        %mul3A_744 = arith.mulf %get3A_740, %mul3A_743 : vector<16xf32>
        %add3A_745 = arith.constant 12 : i32
        %add3A_746 = arith.addi %multiple_of3A_531, %add3A_745 : i32
        %swap3A_747 = arith.index_cast %add3A_746 : i32 to index
        %swap3A_748 = arith.constant 0 : index
        %swap3A_749 = tpu.vector_load %arg11[%swap3A_747, %swap3A_748] {strides = array<i32>} : memref<1536x16xf32, #tpu.memory_space<vmem>>, vector<1x16xf32>,
        %swap3A_750 = vector.shape_cast %swap3A_749 : vector<1x16xf32> to vector<16xf32>
        %swap3A_751 = vector.shape_cast %mul3A_744 : vector<16xf32> to vector<1x16xf32>
        tpu.vector_store %arg11[%swap3A_747, %swap3A_748], %swap3A_751 {strides = array<i32>} : memref<1536x16xf32, #tpu.memory_space<vmem>>, vector<1x16xf32>,
        %add3A_752 = arith.constant 13 : i32
        %add3A_753 = arith.addi %multiple_of3A_531, %add3A_752 : i32
        %get3A_754 = arith.index_cast %add3A_753 : i32 to index
        %get3A_755 = arith.constant 0 : index
        %get3A_756 = tpu.vector_load %arg11[%get3A_754, %get3A_755] {strides = array<i32>} : memref<1536x16xf32, #tpu.memory_space<vmem>>, vector<1x16xf32>,
        %get3A_757 = vector.shape_cast %get3A_756 : vector<1x16xf32> to vector<16xf32>
        %slice3A_758 = vector.extract_strided_slice %get3A_533 {offsets = [13], sizes = [1], strides = [1]} : vector<16xf32> to vector<1xf32>
        %squeeze3A_759 = vector.extract %slice3A_758[0] : f32 from vector<1xf32>
        %mul3A_760 = vector.broadcast %squeeze3A_759 : f32 to vector<16xf32>
        %mul3A_761 = arith.mulf %get3A_757, %mul3A_760 : vector<16xf32>
        %add3A_762 = arith.constant 13 : i32
        %add3A_763 = arith.addi %multiple_of3A_531, %add3A_762 : i32
        %swap3A_764 = arith.index_cast %add3A_763 : i32 to index
        %swap3A_765 = arith.constant 0 : index
        %swap3A_766 = tpu.vector_load %arg11[%swap3A_764, %swap3A_765] {strides = array<i32>} : memref<1536x16xf32, #tpu.memory_space<vmem>>, vector<1x16xf32>,
        %swap3A_767 = vector.shape_cast %swap3A_766 : vector<1x16xf32> to vector<16xf32>
        %swap3A_768 = vector.shape_cast %mul3A_761 : vector<16xf32> to vector<1x16xf32>
        tpu.vector_store %arg11[%swap3A_764, %swap3A_765], %swap3A_768 {strides = array<i32>} : memref<1536x16xf32, #tpu.memory_space<vmem>>, vector<1x16xf32>,
        %add3A_769 = arith.constant 14 : i32
        %add3A_770 = arith.addi %multiple_of3A_531, %add3A_769 : i32
        %get3A_771 = arith.index_cast %add3A_770 : i32 to index
        %get3A_772 = arith.constant 0 : index
        %get3A_773 = tpu.vector_load %arg11[%get3A_771, %get3A_772] {strides = array<i32>} : memref<1536x16xf32, #tpu.memory_space<vmem>>, vector<1x16xf32>,
        %get3A_774 = vector.shape_cast %get3A_773 : vector<1x16xf32> to vector<16xf32>
        %slice3A_775 = vector.extract_strided_slice %get3A_533 {offsets = [14], sizes = [1], strides = [1]} : vector<16xf32> to vector<1xf32>
        %squeeze3A_776 = vector.extract %slice3A_775[0] : f32 from vector<1xf32>
        %mul3A_777 = vector.broadcast %squeeze3A_776 : f32 to vector<16xf32>
        %mul3A_778 = arith.mulf %get3A_774, %mul3A_777 : vector<16xf32>
        %add3A_779 = arith.constant 14 : i32
        %add3A_780 = arith.addi %multiple_of3A_531, %add3A_779 : i32
        %swap3A_781 = arith.index_cast %add3A_780 : i32 to index
        %swap3A_782 = arith.constant 0 : index
        %swap3A_783 = tpu.vector_load %arg11[%swap3A_781, %swap3A_782] {strides = array<i32>} : memref<1536x16xf32, #tpu.memory_space<vmem>>, vector<1x16xf32>,
        %swap3A_784 = vector.shape_cast %swap3A_783 : vector<1x16xf32> to vector<16xf32>
        %swap3A_785 = vector.shape_cast %mul3A_778 : vector<16xf32> to vector<1x16xf32>
        tpu.vector_store %arg11[%swap3A_781, %swap3A_782], %swap3A_785 {strides = array<i32>} : memref<1536x16xf32, #tpu.memory_space<vmem>>, vector<1x16xf32>,
        %add3A_786 = arith.constant 15 : i32
        %add3A_787 = arith.addi %multiple_of3A_531, %add3A_786 : i32
        %get3A_788 = arith.index_cast %add3A_787 : i32 to index
        %get3A_789 = arith.constant 0 : index
        %get3A_790 = tpu.vector_load %arg11[%get3A_788, %get3A_789] {strides = array<i32>} : memref<1536x16xf32, #tpu.memory_space<vmem>>, vector<1x16xf32>,
        %get3A_791 = vector.shape_cast %get3A_790 : vector<1x16xf32> to vector<16xf32>
        %slice3A_792 = vector.extract_strided_slice %get3A_533 {offsets = [15], sizes = [1], strides = [1]} : vector<16xf32> to vector<1xf32>
        %squeeze3A_793 = vector.extract %slice3A_792[0] : f32 from vector<1xf32>
        %mul3A_794 = vector.broadcast %squeeze3A_793 : f32 to vector<16xf32>
        %mul3A_795 = arith.mulf %get3A_791, %mul3A_794 : vector<16xf32>
        %add3A_796 = arith.constant 15 : i32
        %add3A_797 = arith.addi %multiple_of3A_531, %add3A_796 : i32
        %swap3A_798 = arith.index_cast %add3A_797 : i32 to index
        %swap3A_799 = arith.constant 0 : index
        %swap3A_800 = tpu.vector_load %arg11[%swap3A_798, %swap3A_799] {strides = array<i32>} : memref<1536x16xf32, #tpu.memory_space<vmem>>, vector<1x16xf32>,
        %swap3A_801 = vector.shape_cast %swap3A_800 : vector<1x16xf32> to vector<16xf32>
        %swap3A_802 = vector.shape_cast %mul3A_795 : vector<16xf32> to vector<1x16xf32>
        tpu.vector_store %arg11[%swap3A_798, %swap3A_799], %swap3A_802 {strides = array<i32>} : memref<1536x16xf32, #tpu.memory_space<vmem>>, vector<1x16xf32>,
        %scan3A_803 = arith.constant 0 : i32
        scf.yield %scan3A_803 : i32
      }
      %scan3A_228 = arith.constant 48 : i32
      %dma_start3A_229 = arith.constant 0 : i32
      %dma_start3A_230 = arith.constant 0 : i32
      %dma_start3A_231 = arith.constant 0 : i32
      %dma_start3A_232 = tpu.memref_slice %arg11[%dma_start3A_230, %dma_start3A_231] : memref<1536x16xf32, #tpu.memory_space<vmem>> -> memref<128x16xf32, #tpu.memory_space<vmem>>
      %dma_start3A_233 = arith.constant 0 : i32
      %dma_start3A_234 = tpu.memref_slice %arg9[%dma_start3A_229, %dma_start3A_233] : memref<12x128xi32, #tpu.memory_space<vmem>> -> memref<1x128xi32, #tpu.memory_space<vmem>>
      %dma_start3A_235 = tpu.memref_squeeze %dma_start3A_234 : memref<1x128xi32, #tpu.memory_space<vmem>> -> memref<128xi32, #tpu.memory_space<vmem>>
      %dma_start3A_236 = arith.constant 0 : i32
      %dma_start3A_237 = arith.constant 0 : i32
      %dma_start3A_238 = tpu.memref_slice %arg12[%dma_start3A_236, %dma_start3A_237] : memref<100096x16xf32, #tpu.memory_space<vmem_shared>> -> memref<100096x16xf32, #tpu.memory_space<vmem_shared>>
      tpu.enqueue_indirect_dma source(%dma_start3A_232 : memref<128x16xf32, #tpu.memory_space<vmem>>) target(%dma_start3A_238 : memref<100096x16xf32, #tpu.memory_space<vmem_shared>>) offsets(%dma_start3A_235 : memref<128xi32, #tpu.memory_space<vmem>>) semaphore(%arg15 : memref<!tpu.dma_semaphore, #tpu.memory_space<semaphore_mem>>) {add = true}
      %dma_start3A_239 = arith.constant 1 : i32
      %dma_start3A_240 = arith.constant 128 : i32
      %dma_start3A_241 = arith.constant 0 : i32
      %dma_start3A_242 = tpu.memref_slice %arg11[%dma_start3A_240, %dma_start3A_241] : memref<1536x16xf32, #tpu.memory_space<vmem>> -> memref<128x16xf32, #tpu.memory_space<vmem>>
      %dma_start3A_243 = arith.constant 0 : i32
      %dma_start3A_244 = tpu.memref_slice %arg9[%dma_start3A_239, %dma_start3A_243] : memref<12x128xi32, #tpu.memory_space<vmem>> -> memref<1x128xi32, #tpu.memory_space<vmem>>
      %dma_start3A_245 = tpu.memref_squeeze %dma_start3A_244 : memref<1x128xi32, #tpu.memory_space<vmem>> -> memref<128xi32, #tpu.memory_space<vmem>>
      %dma_start3A_246 = arith.constant 0 : i32
      %dma_start3A_247 = arith.constant 0 : i32
      %dma_start3A_248 = tpu.memref_slice %arg12[%dma_start3A_246, %dma_start3A_247] : memref<100096x16xf32, #tpu.memory_space<vmem_shared>> -> memref<100096x16xf32, #tpu.memory_space<vmem_shared>>
      tpu.enqueue_indirect_dma source(%dma_start3A_242 : memref<128x16xf32, #tpu.memory_space<vmem>>) target(%dma_start3A_248 : memref<100096x16xf32, #tpu.memory_space<vmem_shared>>) offsets(%dma_start3A_245 : memref<128xi32, #tpu.memory_space<vmem>>) semaphore(%arg15 : memref<!tpu.dma_semaphore, #tpu.memory_space<semaphore_mem>>) {add = true}
      %dma_start3A_249 = arith.constant 2 : i32
      %dma_start3A_250 = arith.constant 256 : i32
      %dma_start3A_251 = arith.constant 0 : i32
      %dma_start3A_252 = tpu.memref_slice %arg11[%dma_start3A_250, %dma_start3A_251] : memref<1536x16xf32, #tpu.memory_space<vmem>> -> memref<128x16xf32, #tpu.memory_space<vmem>>
      %dma_start3A_253 = arith.constant 0 : i32
      %dma_start3A_254 = tpu.memref_slice %arg9[%dma_start3A_249, %dma_start3A_253] : memref<12x128xi32, #tpu.memory_space<vmem>> -> memref<1x128xi32, #tpu.memory_space<vmem>>
      %dma_start3A_255 = tpu.memref_squeeze %dma_start3A_254 : memref<1x128xi32, #tpu.memory_space<vmem>> -> memref<128xi32, #tpu.memory_space<vmem>>
      %dma_start3A_256 = arith.constant 0 : i32
      %dma_start3A_257 = arith.constant 0 : i32
      %dma_start3A_258 = tpu.memref_slice %arg12[%dma_start3A_256, %dma_start3A_257] : memref<100096x16xf32, #tpu.memory_space<vmem_shared>> -> memref<100096x16xf32, #tpu.memory_space<vmem_shared>>
      tpu.enqueue_indirect_dma source(%dma_start3A_252 : memref<128x16xf32, #tpu.memory_space<vmem>>) target(%dma_start3A_258 : memref<100096x16xf32, #tpu.memory_space<vmem_shared>>) offsets(%dma_start3A_255 : memref<128xi32, #tpu.memory_space<vmem>>) semaphore(%arg15 : memref<!tpu.dma_semaphore, #tpu.memory_space<semaphore_mem>>) {add = true}
      %dma_start3A_259 = arith.constant 3 : i32
      %dma_start3A_260 = arith.constant 384 : i32
      %dma_start3A_261 = arith.constant 0 : i32
      %dma_start3A_262 = tpu.memref_slice %arg11[%dma_start3A_260, %dma_start3A_261] : memref<1536x16xf32, #tpu.memory_space<vmem>> -> memref<128x16xf32, #tpu.memory_space<vmem>>
      %dma_start3A_263 = arith.constant 0 : i32
      %dma_start3A_264 = tpu.memref_slice %arg9[%dma_start3A_259, %dma_start3A_263] : memref<12x128xi32, #tpu.memory_space<vmem>> -> memref<1x128xi32, #tpu.memory_space<vmem>>
      %dma_start3A_265 = tpu.memref_squeeze %dma_start3A_264 : memref<1x128xi32, #tpu.memory_space<vmem>> -> memref<128xi32, #tpu.memory_space<vmem>>
      %dma_start3A_266 = arith.constant 0 : i32
      %dma_start3A_267 = arith.constant 0 : i32
      %dma_start3A_268 = tpu.memref_slice %arg12[%dma_start3A_266, %dma_start3A_267] : memref<100096x16xf32, #tpu.memory_space<vmem_shared>> -> memref<100096x16xf32, #tpu.memory_space<vmem_shared>>
      tpu.enqueue_indirect_dma source(%dma_start3A_262 : memref<128x16xf32, #tpu.memory_space<vmem>>) target(%dma_start3A_268 : memref<100096x16xf32, #tpu.memory_space<vmem_shared>>) offsets(%dma_start3A_265 : memref<128xi32, #tpu.memory_space<vmem>>) semaphore(%arg15 : memref<!tpu.dma_semaphore, #tpu.memory_space<semaphore_mem>>) {add = true}
      %dma_start3A_269 = arith.constant 4 : i32
      %dma_start3A_270 = arith.constant 512 : i32
      %dma_start3A_271 = arith.constant 0 : i32
      %dma_start3A_272 = tpu.memref_slice %arg11[%dma_start3A_270, %dma_start3A_271] : memref<1536x16xf32, #tpu.memory_space<vmem>> -> memref<128x16xf32, #tpu.memory_space<vmem>>
      %dma_start3A_273 = arith.constant 0 : i32
      %dma_start3A_274 = tpu.memref_slice %arg9[%dma_start3A_269, %dma_start3A_273] : memref<12x128xi32, #tpu.memory_space<vmem>> -> memref<1x128xi32, #tpu.memory_space<vmem>>
      %dma_start3A_275 = tpu.memref_squeeze %dma_start3A_274 : memref<1x128xi32, #tpu.memory_space<vmem>> -> memref<128xi32, #tpu.memory_space<vmem>>
      %dma_start3A_276 = arith.constant 0 : i32
      %dma_start3A_277 = arith.constant 0 : i32
      %dma_start3A_278 = tpu.memref_slice %arg12[%dma_start3A_276, %dma_start3A_277] : memref<100096x16xf32, #tpu.memory_space<vmem_shared>> -> memref<100096x16xf32, #tpu.memory_space<vmem_shared>>
      tpu.enqueue_indirect_dma source(%dma_start3A_272 : memref<128x16xf32, #tpu.memory_space<vmem>>) target(%dma_start3A_278 : memref<100096x16xf32, #tpu.memory_space<vmem_shared>>) offsets(%dma_start3A_275 : memref<128xi32, #tpu.memory_space<vmem>>) semaphore(%arg15 : memref<!tpu.dma_semaphore, #tpu.memory_space<semaphore_mem>>) {add = true}
      %dma_start3A_279 = arith.constant 5 : i32
      %dma_start3A_280 = arith.constant 640 : i32
      %dma_start3A_281 = arith.constant 0 : i32
      %dma_start3A_282 = tpu.memref_slice %arg11[%dma_start3A_280, %dma_start3A_281] : memref<1536x16xf32, #tpu.memory_space<vmem>> -> memref<128x16xf32, #tpu.memory_space<vmem>>
      %dma_start3A_283 = arith.constant 0 : i32
      %dma_start3A_284 = tpu.memref_slice %arg9[%dma_start3A_279, %dma_start3A_283] : memref<12x128xi32, #tpu.memory_space<vmem>> -> memref<1x128xi32, #tpu.memory_space<vmem>>
      %dma_start3A_285 = tpu.memref_squeeze %dma_start3A_284 : memref<1x128xi32, #tpu.memory_space<vmem>> -> memref<128xi32, #tpu.memory_space<vmem>>
      %dma_start3A_286 = arith.constant 0 : i32
      %dma_start3A_287 = arith.constant 0 : i32
      %dma_start3A_288 = tpu.memref_slice %arg12[%dma_start3A_286, %dma_start3A_287] : memref<100096x16xf32, #tpu.memory_space<vmem_shared>> -> memref<100096x16xf32, #tpu.memory_space<vmem_shared>>
      tpu.enqueue_indirect_dma source(%dma_start3A_282 : memref<128x16xf32, #tpu.memory_space<vmem>>) target(%dma_start3A_288 : memref<100096x16xf32, #tpu.memory_space<vmem_shared>>) offsets(%dma_start3A_285 : memref<128xi32, #tpu.memory_space<vmem>>) semaphore(%arg15 : memref<!tpu.dma_semaphore, #tpu.memory_space<semaphore_mem>>) {add = true}
      %dma_wait3A_289 = arith.constant 768 : i32
      %dma_wait3A_290 = arith.constant 0 : i32
      %dma_wait3A_291 = tpu.memref_slice %arg11[%dma_wait3A_289, %dma_wait3A_290] : memref<1536x16xf32, #tpu.memory_space<vmem>> -> memref<128x16xf32, #tpu.memory_space<vmem>>
      %dma_wait3A_292 = arith.constant 768 : i32
      %dma_wait3A_293 = tpu.memref_slice %arg8[%dma_wait3A_292] : memref<1536xi32, #tpu.memory_space<vmem>> -> memref<128xi32, #tpu.memory_space<vmem>>
      %dma_wait3A_294 = arith.constant 0 : i32
      %dma_wait3A_295 = arith.constant 0 : i32
      %dma_wait3A_296 = tpu.memref_slice %arg2[%dma_wait3A_294, %dma_wait3A_295] : memref<200192x16xf32, #tpu.memory_space<hbm>> -> memref<200192x16xf32, #tpu.memory_space<hbm>>
      tpu.wait_indirect_dma semaphore(%arg14 : memref<!tpu.dma_semaphore, #tpu.memory_space<semaphore_mem>>) src(%dma_wait3A_296 : memref<200192x16xf32, #tpu.memory_space<hbm>>) dst(%dma_wait3A_291 : memref<128x16xf32, #tpu.memory_space<vmem>>)
      %dma_wait3A_297 = arith.constant 896 : i32
      %dma_wait3A_298 = arith.constant 0 : i32
      %dma_wait3A_299 = tpu.memref_slice %arg11[%dma_wait3A_297, %dma_wait3A_298] : memref<1536x16xf32, #tpu.memory_space<vmem>> -> memref<128x16xf32, #tpu.memory_space<vmem>>
      %dma_wait3A_300 = arith.constant 896 : i32
      %dma_wait3A_301 = tpu.memref_slice %arg8[%dma_wait3A_300] : memref<1536xi32, #tpu.memory_space<vmem>> -> memref<128xi32, #tpu.memory_space<vmem>>
      %dma_wait3A_302 = arith.constant 0 : i32
      %dma_wait3A_303 = arith.constant 0 : i32
      %dma_wait3A_304 = tpu.memref_slice %arg2[%dma_wait3A_302, %dma_wait3A_303] : memref<200192x16xf32, #tpu.memory_space<hbm>> -> memref<200192x16xf32, #tpu.memory_space<hbm>>
      tpu.wait_indirect_dma semaphore(%arg14 : memref<!tpu.dma_semaphore, #tpu.memory_space<semaphore_mem>>) src(%dma_wait3A_304 : memref<200192x16xf32, #tpu.memory_space<hbm>>) dst(%dma_wait3A_299 : memref<128x16xf32, #tpu.memory_space<vmem>>)
      %dma_wait3A_305 = arith.constant 1024 : i32
      %dma_wait3A_306 = arith.constant 0 : i32
      %dma_wait3A_307 = tpu.memref_slice %arg11[%dma_wait3A_305, %dma_wait3A_306] : memref<1536x16xf32, #tpu.memory_space<vmem>> -> memref<128x16xf32, #tpu.memory_space<vmem>>
      %dma_wait3A_308 = arith.constant 1024 : i32
      %dma_wait3A_309 = tpu.memref_slice %arg8[%dma_wait3A_308] : memref<1536xi32, #tpu.memory_space<vmem>> -> memref<128xi32, #tpu.memory_space<vmem>>
      %dma_wait3A_310 = arith.constant 0 : i32
      %dma_wait3A_311 = arith.constant 0 : i32
      %dma_wait3A_312 = tpu.memref_slice %arg2[%dma_wait3A_310, %dma_wait3A_311] : memref<200192x16xf32, #tpu.memory_space<hbm>> -> memref<200192x16xf32, #tpu.memory_space<hbm>>
      tpu.wait_indirect_dma semaphore(%arg14 : memref<!tpu.dma_semaphore, #tpu.memory_space<semaphore_mem>>) src(%dma_wait3A_312 : memref<200192x16xf32, #tpu.memory_space<hbm>>) dst(%dma_wait3A_307 : memref<128x16xf32, #tpu.memory_space<vmem>>)
      %dma_wait3A_313 = arith.constant 1152 : i32
      %dma_wait3A_314 = arith.constant 0 : i32
      %dma_wait3A_315 = tpu.memref_slice %arg11[%dma_wait3A_313, %dma_wait3A_314] : memref<1536x16xf32, #tpu.memory_space<vmem>> -> memref<128x16xf32, #tpu.memory_space<vmem>>
      %dma_wait3A_316 = arith.constant 1152 : i32
      %dma_wait3A_317 = tpu.memref_slice %arg8[%dma_wait3A_316] : memref<1536xi32, #tpu.memory_space<vmem>> -> memref<128xi32, #tpu.memory_space<vmem>>
      %dma_wait3A_318 = arith.constant 0 : i32
      %dma_wait3A_319 = arith.constant 0 : i32
      %dma_wait3A_320 = tpu.memref_slice %arg2[%dma_wait3A_318, %dma_wait3A_319] : memref<200192x16xf32, #tpu.memory_space<hbm>> -> memref<200192x16xf32, #tpu.memory_space<hbm>>
      tpu.wait_indirect_dma semaphore(%arg14 : memref<!tpu.dma_semaphore, #tpu.memory_space<semaphore_mem>>) src(%dma_wait3A_320 : memref<200192x16xf32, #tpu.memory_space<hbm>>) dst(%dma_wait3A_315 : memref<128x16xf32, #tpu.memory_space<vmem>>)
      %dma_wait3A_321 = arith.constant 1280 : i32
      %dma_wait3A_322 = arith.constant 0 : i32
      %dma_wait3A_323 = tpu.memref_slice %arg11[%dma_wait3A_321, %dma_wait3A_322] : memref<1536x16xf32, #tpu.memory_space<vmem>> -> memref<128x16xf32, #tpu.memory_space<vmem>>
      %dma_wait3A_324 = arith.constant 1280 : i32
      %dma_wait3A_325 = tpu.memref_slice %arg8[%dma_wait3A_324] : memref<1536xi32, #tpu.memory_space<vmem>> -> memref<128xi32, #tpu.memory_space<vmem>>
      %dma_wait3A_326 = arith.constant 0 : i32
      %dma_wait3A_327 = arith.constant 0 : i32
      %dma_wait3A_328 = tpu.memref_slice %arg2[%dma_wait3A_326, %dma_wait3A_327] : memref<200192x16xf32, #tpu.memory_space<hbm>> -> memref<200192x16xf32, #tpu.memory_space<hbm>>
      tpu.wait_indirect_dma semaphore(%arg14 : memref<!tpu.dma_semaphore, #tpu.memory_space<semaphore_mem>>) src(%dma_wait3A_328 : memref<200192x16xf32, #tpu.memory_space<hbm>>) dst(%dma_wait3A_323 : memref<128x16xf32, #tpu.memory_space<vmem>>)
      %dma_wait3A_329 = arith.constant 1408 : i32
      %dma_wait3A_330 = arith.constant 0 : i32
      %dma_wait3A_331 = tpu.memref_slice %arg11[%dma_wait3A_329, %dma_wait3A_330] : memref<1536x16xf32, #tpu.memory_space<vmem>> -> memref<128x16xf32, #tpu.memory_space<vmem>>
      %dma_wait3A_332 = arith.constant 1408 : i32
      %dma_wait3A_333 = tpu.memref_slice %arg8[%dma_wait3A_332] : memref<1536xi32, #tpu.memory_space<vmem>> -> memref<128xi32, #tpu.memory_space<vmem>>
      %dma_wait3A_334 = arith.constant 0 : i32
      %dma_wait3A_335 = arith.constant 0 : i32
      %dma_wait3A_336 = tpu.memref_slice %arg2[%dma_wait3A_334, %dma_wait3A_335] : memref<200192x16xf32, #tpu.memory_space<hbm>> -> memref<200192x16xf32, #tpu.memory_space<hbm>>
      tpu.wait_indirect_dma semaphore(%arg14 : memref<!tpu.dma_semaphore, #tpu.memory_space<semaphore_mem>>) src(%dma_wait3A_336 : memref<200192x16xf32, #tpu.memory_space<hbm>>) dst(%dma_wait3A_331 : memref<128x16xf32, #tpu.memory_space<vmem>>)
      %scan3A_337 = arith.constant 0 : i32
      %scan3A_338 = arith.constant 0 : i32
      %scan3A_339 = arith.constant 48 : i32
      %scan3A_340 = arith.addi %scan3A_338, %scan3A_339 : i32
      %scan3A_341 = arith.constant 1 : i32
      %scan3A_342 = scf.for %scan3A_525 = %scan3A_338 to %scan3A_340 step %scan3A_341 iter_args(%scan3A_526 = %scan3A_337) -> (i32)  : i32 {
        %mul3A_527 = arith.constant 16 : i32
        %mul3A_528 = arith.muli %scan3A_525, %mul3A_527 : i32
        %add3A_529 = arith.constant 768 : i32
        %add3A_530 = arith.addi %add3A_529, %mul3A_528 : i32
        %multiple_of3A_531 = tpu.assume_multiple %add3A_530, 16 : i32
        %get3A = arith.index_cast %multiple_of3A_531 : i32 to index
        %get3A_532 = tpu.vector_load %arg10[%get3A] {strides = array<i32>} : memref<1536xf32, #tpu.memory_space<vmem>>, vector<16xf32>,
        %get3A_533 = vector.shape_cast %get3A_532 : vector<16xf32> to vector<16xf32>
        %add3A_534 = arith.constant 0 : i32
        %add3A_535 = arith.addi %multiple_of3A_531, %add3A_534 : i32
        %get3A_536 = arith.index_cast %add3A_535 : i32 to index
        %get3A_537 = arith.constant 0 : index
        %get3A_538 = tpu.vector_load %arg11[%get3A_536, %get3A_537] {strides = array<i32>} : memref<1536x16xf32, #tpu.memory_space<vmem>>, vector<1x16xf32>,
        %get3A_539 = vector.shape_cast %get3A_538 : vector<1x16xf32> to vector<16xf32>
        %slice3A = vector.extract_strided_slice %get3A_533 {offsets = [0], sizes = [1], strides = [1]} : vector<16xf32> to vector<1xf32>
        %squeeze3A = vector.extract %slice3A[0] : f32 from vector<1xf32>
        %mul3A_540 = vector.broadcast %squeeze3A : f32 to vector<16xf32>
        %mul3A_541 = arith.mulf %get3A_539, %mul3A_540 : vector<16xf32>
        %add3A_542 = arith.constant 0 : i32
        %add3A_543 = arith.addi %multiple_of3A_531, %add3A_542 : i32
        %swap3A = arith.index_cast %add3A_543 : i32 to index
        %swap3A_544 = arith.constant 0 : index
        %swap3A_545 = tpu.vector_load %arg11[%swap3A, %swap3A_544] {strides = array<i32>} : memref<1536x16xf32, #tpu.memory_space<vmem>>, vector<1x16xf32>,
        %swap3A_546 = vector.shape_cast %swap3A_545 : vector<1x16xf32> to vector<16xf32>
        %swap3A_547 = vector.shape_cast %mul3A_541 : vector<16xf32> to vector<1x16xf32>
        tpu.vector_store %arg11[%swap3A, %swap3A_544], %swap3A_547 {strides = array<i32>} : memref<1536x16xf32, #tpu.memory_space<vmem>>, vector<1x16xf32>,
        %add3A_548 = arith.constant 1 : i32
        %add3A_549 = arith.addi %multiple_of3A_531, %add3A_548 : i32
        %get3A_550 = arith.index_cast %add3A_549 : i32 to index
        %get3A_551 = arith.constant 0 : index
        %get3A_552 = tpu.vector_load %arg11[%get3A_550, %get3A_551] {strides = array<i32>} : memref<1536x16xf32, #tpu.memory_space<vmem>>, vector<1x16xf32>,
        %get3A_553 = vector.shape_cast %get3A_552 : vector<1x16xf32> to vector<16xf32>
        %slice3A_554 = vector.extract_strided_slice %get3A_533 {offsets = [1], sizes = [1], strides = [1]} : vector<16xf32> to vector<1xf32>
        %squeeze3A_555 = vector.extract %slice3A_554[0] : f32 from vector<1xf32>
        %mul3A_556 = vector.broadcast %squeeze3A_555 : f32 to vector<16xf32>
        %mul3A_557 = arith.mulf %get3A_553, %mul3A_556 : vector<16xf32>
        %add3A_558 = arith.constant 1 : i32
        %add3A_559 = arith.addi %multiple_of3A_531, %add3A_558 : i32
        %swap3A_560 = arith.index_cast %add3A_559 : i32 to index
        %swap3A_561 = arith.constant 0 : index
        %swap3A_562 = tpu.vector_load %arg11[%swap3A_560, %swap3A_561] {strides = array<i32>} : memref<1536x16xf32, #tpu.memory_space<vmem>>, vector<1x16xf32>,
        %swap3A_563 = vector.shape_cast %swap3A_562 : vector<1x16xf32> to vector<16xf32>
        %swap3A_564 = vector.shape_cast %mul3A_557 : vector<16xf32> to vector<1x16xf32>
        tpu.vector_store %arg11[%swap3A_560, %swap3A_561], %swap3A_564 {strides = array<i32>} : memref<1536x16xf32, #tpu.memory_space<vmem>>, vector<1x16xf32>,
        %add3A_565 = arith.constant 2 : i32
        %add3A_566 = arith.addi %multiple_of3A_531, %add3A_565 : i32
        %get3A_567 = arith.index_cast %add3A_566 : i32 to index
        %get3A_568 = arith.constant 0 : index
        %get3A_569 = tpu.vector_load %arg11[%get3A_567, %get3A_568] {strides = array<i32>} : memref<1536x16xf32, #tpu.memory_space<vmem>>, vector<1x16xf32>,
        %get3A_570 = vector.shape_cast %get3A_569 : vector<1x16xf32> to vector<16xf32>
        %slice3A_571 = vector.extract_strided_slice %get3A_533 {offsets = [2], sizes = [1], strides = [1]} : vector<16xf32> to vector<1xf32>
        %squeeze3A_572 = vector.extract %slice3A_571[0] : f32 from vector<1xf32>
        %mul3A_573 = vector.broadcast %squeeze3A_572 : f32 to vector<16xf32>
        %mul3A_574 = arith.mulf %get3A_570, %mul3A_573 : vector<16xf32>
        %add3A_575 = arith.constant 2 : i32
        %add3A_576 = arith.addi %multiple_of3A_531, %add3A_575 : i32
        %swap3A_577 = arith.index_cast %add3A_576 : i32 to index
        %swap3A_578 = arith.constant 0 : index
        %swap3A_579 = tpu.vector_load %arg11[%swap3A_577, %swap3A_578] {strides = array<i32>} : memref<1536x16xf32, #tpu.memory_space<vmem>>, vector<1x16xf32>,
        %swap3A_580 = vector.shape_cast %swap3A_579 : vector<1x16xf32> to vector<16xf32>
        %swap3A_581 = vector.shape_cast %mul3A_574 : vector<16xf32> to vector<1x16xf32>
        tpu.vector_store %arg11[%swap3A_577, %swap3A_578], %swap3A_581 {strides = array<i32>} : memref<1536x16xf32, #tpu.memory_space<vmem>>, vector<1x16xf32>,
        %add3A_582 = arith.constant 3 : i32
        %add3A_583 = arith.addi %multiple_of3A_531, %add3A_582 : i32
        %get3A_584 = arith.index_cast %add3A_583 : i32 to index
        %get3A_585 = arith.constant 0 : index
        %get3A_586 = tpu.vector_load %arg11[%get3A_584, %get3A_585] {strides = array<i32>} : memref<1536x16xf32, #tpu.memory_space<vmem>>, vector<1x16xf32>,
        %get3A_587 = vector.shape_cast %get3A_586 : vector<1x16xf32> to vector<16xf32>
        %slice3A_588 = vector.extract_strided_slice %get3A_533 {offsets = [3], sizes = [1], strides = [1]} : vector<16xf32> to vector<1xf32>
        %squeeze3A_589 = vector.extract %slice3A_588[0] : f32 from vector<1xf32>
        %mul3A_590 = vector.broadcast %squeeze3A_589 : f32 to vector<16xf32>
        %mul3A_591 = arith.mulf %get3A_587, %mul3A_590 : vector<16xf32>
        %add3A_592 = arith.constant 3 : i32
        %add3A_593 = arith.addi %multiple_of3A_531, %add3A_592 : i32
        %swap3A_594 = arith.index_cast %add3A_593 : i32 to index
        %swap3A_595 = arith.constant 0 : index
        %swap3A_596 = tpu.vector_load %arg11[%swap3A_594, %swap3A_595] {strides = array<i32>} : memref<1536x16xf32, #tpu.memory_space<vmem>>, vector<1x16xf32>,
        %swap3A_597 = vector.shape_cast %swap3A_596 : vector<1x16xf32> to vector<16xf32>
        %swap3A_598 = vector.shape_cast %mul3A_591 : vector<16xf32> to vector<1x16xf32>
        tpu.vector_store %arg11[%swap3A_594, %swap3A_595], %swap3A_598 {strides = array<i32>} : memref<1536x16xf32, #tpu.memory_space<vmem>>, vector<1x16xf32>,
        %add3A_599 = arith.constant 4 : i32
        %add3A_600 = arith.addi %multiple_of3A_531, %add3A_599 : i32
        %get3A_601 = arith.index_cast %add3A_600 : i32 to index
        %get3A_602 = arith.constant 0 : index
        %get3A_603 = tpu.vector_load %arg11[%get3A_601, %get3A_602] {strides = array<i32>} : memref<1536x16xf32, #tpu.memory_space<vmem>>, vector<1x16xf32>,
        %get3A_604 = vector.shape_cast %get3A_603 : vector<1x16xf32> to vector<16xf32>
        %slice3A_605 = vector.extract_strided_slice %get3A_533 {offsets = [4], sizes = [1], strides = [1]} : vector<16xf32> to vector<1xf32>
        %squeeze3A_606 = vector.extract %slice3A_605[0] : f32 from vector<1xf32>
        %mul3A_607 = vector.broadcast %squeeze3A_606 : f32 to vector<16xf32>
        %mul3A_608 = arith.mulf %get3A_604, %mul3A_607 : vector<16xf32>
        %add3A_609 = arith.constant 4 : i32
        %add3A_610 = arith.addi %multiple_of3A_531, %add3A_609 : i32
        %swap3A_611 = arith.index_cast %add3A_610 : i32 to index
        %swap3A_612 = arith.constant 0 : index
        %swap3A_613 = tpu.vector_load %arg11[%swap3A_611, %swap3A_612] {strides = array<i32>} : memref<1536x16xf32, #tpu.memory_space<vmem>>, vector<1x16xf32>,
        %swap3A_614 = vector.shape_cast %swap3A_613 : vector<1x16xf32> to vector<16xf32>
        %swap3A_615 = vector.shape_cast %mul3A_608 : vector<16xf32> to vector<1x16xf32>
        tpu.vector_store %arg11[%swap3A_611, %swap3A_612], %swap3A_615 {strides = array<i32>} : memref<1536x16xf32, #tpu.memory_space<vmem>>, vector<1x16xf32>,
        %add3A_616 = arith.constant 5 : i32
        %add3A_617 = arith.addi %multiple_of3A_531, %add3A_616 : i32
        %get3A_618 = arith.index_cast %add3A_617 : i32 to index
        %get3A_619 = arith.constant 0 : index
        %get3A_620 = tpu.vector_load %arg11[%get3A_618, %get3A_619] {strides = array<i32>} : memref<1536x16xf32, #tpu.memory_space<vmem>>, vector<1x16xf32>,
        %get3A_621 = vector.shape_cast %get3A_620 : vector<1x16xf32> to vector<16xf32>
        %slice3A_622 = vector.extract_strided_slice %get3A_533 {offsets = [5], sizes = [1], strides = [1]} : vector<16xf32> to vector<1xf32>
        %squeeze3A_623 = vector.extract %slice3A_622[0] : f32 from vector<1xf32>
        %mul3A_624 = vector.broadcast %squeeze3A_623 : f32 to vector<16xf32>
        %mul3A_625 = arith.mulf %get3A_621, %mul3A_624 : vector<16xf32>
        %add3A_626 = arith.constant 5 : i32
        %add3A_627 = arith.addi %multiple_of3A_531, %add3A_626 : i32
        %swap3A_628 = arith.index_cast %add3A_627 : i32 to index
        %swap3A_629 = arith.constant 0 : index
        %swap3A_630 = tpu.vector_load %arg11[%swap3A_628, %swap3A_629] {strides = array<i32>} : memref<1536x16xf32, #tpu.memory_space<vmem>>, vector<1x16xf32>,
        %swap3A_631 = vector.shape_cast %swap3A_630 : vector<1x16xf32> to vector<16xf32>
        %swap3A_632 = vector.shape_cast %mul3A_625 : vector<16xf32> to vector<1x16xf32>
        tpu.vector_store %arg11[%swap3A_628, %swap3A_629], %swap3A_632 {strides = array<i32>} : memref<1536x16xf32, #tpu.memory_space<vmem>>, vector<1x16xf32>,
        %add3A_633 = arith.constant 6 : i32
        %add3A_634 = arith.addi %multiple_of3A_531, %add3A_633 : i32
        %get3A_635 = arith.index_cast %add3A_634 : i32 to index
        %get3A_636 = arith.constant 0 : index
        %get3A_637 = tpu.vector_load %arg11[%get3A_635, %get3A_636] {strides = array<i32>} : memref<1536x16xf32, #tpu.memory_space<vmem>>, vector<1x16xf32>,
        %get3A_638 = vector.shape_cast %get3A_637 : vector<1x16xf32> to vector<16xf32>
        %slice3A_639 = vector.extract_strided_slice %get3A_533 {offsets = [6], sizes = [1], strides = [1]} : vector<16xf32> to vector<1xf32>
        %squeeze3A_640 = vector.extract %slice3A_639[0] : f32 from vector<1xf32>
        %mul3A_641 = vector.broadcast %squeeze3A_640 : f32 to vector<16xf32>
        %mul3A_642 = arith.mulf %get3A_638, %mul3A_641 : vector<16xf32>
        %add3A_643 = arith.constant 6 : i32
        %add3A_644 = arith.addi %multiple_of3A_531, %add3A_643 : i32
        %swap3A_645 = arith.index_cast %add3A_644 : i32 to index
        %swap3A_646 = arith.constant 0 : index
        %swap3A_647 = tpu.vector_load %arg11[%swap3A_645, %swap3A_646] {strides = array<i32>} : memref<1536x16xf32, #tpu.memory_space<vmem>>, vector<1x16xf32>,
        %swap3A_648 = vector.shape_cast %swap3A_647 : vector<1x16xf32> to vector<16xf32>
        %swap3A_649 = vector.shape_cast %mul3A_642 : vector<16xf32> to vector<1x16xf32>
        tpu.vector_store %arg11[%swap3A_645, %swap3A_646], %swap3A_649 {strides = array<i32>} : memref<1536x16xf32, #tpu.memory_space<vmem>>, vector<1x16xf32>,
        %add3A_650 = arith.constant 7 : i32
        %add3A_651 = arith.addi %multiple_of3A_531, %add3A_650 : i32
        %get3A_652 = arith.index_cast %add3A_651 : i32 to index
        %get3A_653 = arith.constant 0 : index
        %get3A_654 = tpu.vector_load %arg11[%get3A_652, %get3A_653] {strides = array<i32>} : memref<1536x16xf32, #tpu.memory_space<vmem>>, vector<1x16xf32>,
        %get3A_655 = vector.shape_cast %get3A_654 : vector<1x16xf32> to vector<16xf32>
        %slice3A_656 = vector.extract_strided_slice %get3A_533 {offsets = [7], sizes = [1], strides = [1]} : vector<16xf32> to vector<1xf32>
        %squeeze3A_657 = vector.extract %slice3A_656[0] : f32 from vector<1xf32>
        %mul3A_658 = vector.broadcast %squeeze3A_657 : f32 to vector<16xf32>
        %mul3A_659 = arith.mulf %get3A_655, %mul3A_658 : vector<16xf32>
        %add3A_660 = arith.constant 7 : i32
        %add3A_661 = arith.addi %multiple_of3A_531, %add3A_660 : i32
        %swap3A_662 = arith.index_cast %add3A_661 : i32 to index
        %swap3A_663 = arith.constant 0 : index
        %swap3A_664 = tpu.vector_load %arg11[%swap3A_662, %swap3A_663] {strides = array<i32>} : memref<1536x16xf32, #tpu.memory_space<vmem>>, vector<1x16xf32>,
        %swap3A_665 = vector.shape_cast %swap3A_664 : vector<1x16xf32> to vector<16xf32>
        %swap3A_666 = vector.shape_cast %mul3A_659 : vector<16xf32> to vector<1x16xf32>
        tpu.vector_store %arg11[%swap3A_662, %swap3A_663], %swap3A_666 {strides = array<i32>} : memref<1536x16xf32, #tpu.memory_space<vmem>>, vector<1x16xf32>,
        %add3A_667 = arith.constant 8 : i32
        %add3A_668 = arith.addi %multiple_of3A_531, %add3A_667 : i32
        %get3A_669 = arith.index_cast %add3A_668 : i32 to index
        %get3A_670 = arith.constant 0 : index
        %get3A_671 = tpu.vector_load %arg11[%get3A_669, %get3A_670] {strides = array<i32>} : memref<1536x16xf32, #tpu.memory_space<vmem>>, vector<1x16xf32>,
        %get3A_672 = vector.shape_cast %get3A_671 : vector<1x16xf32> to vector<16xf32>
        %slice3A_673 = vector.extract_strided_slice %get3A_533 {offsets = [8], sizes = [1], strides = [1]} : vector<16xf32> to vector<1xf32>
        %squeeze3A_674 = vector.extract %slice3A_673[0] : f32 from vector<1xf32>
        %mul3A_675 = vector.broadcast %squeeze3A_674 : f32 to vector<16xf32>
        %mul3A_676 = arith.mulf %get3A_672, %mul3A_675 : vector<16xf32>
        %add3A_677 = arith.constant 8 : i32
        %add3A_678 = arith.addi %multiple_of3A_531, %add3A_677 : i32
        %swap3A_679 = arith.index_cast %add3A_678 : i32 to index
        %swap3A_680 = arith.constant 0 : index
        %swap3A_681 = tpu.vector_load %arg11[%swap3A_679, %swap3A_680] {strides = array<i32>} : memref<1536x16xf32, #tpu.memory_space<vmem>>, vector<1x16xf32>,
        %swap3A_682 = vector.shape_cast %swap3A_681 : vector<1x16xf32> to vector<16xf32>
        %swap3A_683 = vector.shape_cast %mul3A_676 : vector<16xf32> to vector<1x16xf32>
        tpu.vector_store %arg11[%swap3A_679, %swap3A_680], %swap3A_683 {strides = array<i32>} : memref<1536x16xf32, #tpu.memory_space<vmem>>, vector<1x16xf32>,
        %add3A_684 = arith.constant 9 : i32
        %add3A_685 = arith.addi %multiple_of3A_531, %add3A_684 : i32
        %get3A_686 = arith.index_cast %add3A_685 : i32 to index
        %get3A_687 = arith.constant 0 : index
        %get3A_688 = tpu.vector_load %arg11[%get3A_686, %get3A_687] {strides = array<i32>} : memref<1536x16xf32, #tpu.memory_space<vmem>>, vector<1x16xf32>,
        %get3A_689 = vector.shape_cast %get3A_688 : vector<1x16xf32> to vector<16xf32>
        %slice3A_690 = vector.extract_strided_slice %get3A_533 {offsets = [9], sizes = [1], strides = [1]} : vector<16xf32> to vector<1xf32>
        %squeeze3A_691 = vector.extract %slice3A_690[0] : f32 from vector<1xf32>
        %mul3A_692 = vector.broadcast %squeeze3A_691 : f32 to vector<16xf32>
        %mul3A_693 = arith.mulf %get3A_689, %mul3A_692 : vector<16xf32>
        %add3A_694 = arith.constant 9 : i32
        %add3A_695 = arith.addi %multiple_of3A_531, %add3A_694 : i32
        %swap3A_696 = arith.index_cast %add3A_695 : i32 to index
        %swap3A_697 = arith.constant 0 : index
        %swap3A_698 = tpu.vector_load %arg11[%swap3A_696, %swap3A_697] {strides = array<i32>} : memref<1536x16xf32, #tpu.memory_space<vmem>>, vector<1x16xf32>,
        %swap3A_699 = vector.shape_cast %swap3A_698 : vector<1x16xf32> to vector<16xf32>
        %swap3A_700 = vector.shape_cast %mul3A_693 : vector<16xf32> to vector<1x16xf32>
        tpu.vector_store %arg11[%swap3A_696, %swap3A_697], %swap3A_700 {strides = array<i32>} : memref<1536x16xf32, #tpu.memory_space<vmem>>, vector<1x16xf32>,
        %add3A_701 = arith.constant 10 : i32
        %add3A_702 = arith.addi %multiple_of3A_531, %add3A_701 : i32
        %get3A_703 = arith.index_cast %add3A_702 : i32 to index
        %get3A_704 = arith.constant 0 : index
        %get3A_705 = tpu.vector_load %arg11[%get3A_703, %get3A_704] {strides = array<i32>} : memref<1536x16xf32, #tpu.memory_space<vmem>>, vector<1x16xf32>,
        %get3A_706 = vector.shape_cast %get3A_705 : vector<1x16xf32> to vector<16xf32>
        %slice3A_707 = vector.extract_strided_slice %get3A_533 {offsets = [10], sizes = [1], strides = [1]} : vector<16xf32> to vector<1xf32>
        %squeeze3A_708 = vector.extract %slice3A_707[0] : f32 from vector<1xf32>
        %mul3A_709 = vector.broadcast %squeeze3A_708 : f32 to vector<16xf32>
        %mul3A_710 = arith.mulf %get3A_706, %mul3A_709 : vector<16xf32>
        %add3A_711 = arith.constant 10 : i32
        %add3A_712 = arith.addi %multiple_of3A_531, %add3A_711 : i32
        %swap3A_713 = arith.index_cast %add3A_712 : i32 to index
        %swap3A_714 = arith.constant 0 : index
        %swap3A_715 = tpu.vector_load %arg11[%swap3A_713, %swap3A_714] {strides = array<i32>} : memref<1536x16xf32, #tpu.memory_space<vmem>>, vector<1x16xf32>,
        %swap3A_716 = vector.shape_cast %swap3A_715 : vector<1x16xf32> to vector<16xf32>
        %swap3A_717 = vector.shape_cast %mul3A_710 : vector<16xf32> to vector<1x16xf32>
        tpu.vector_store %arg11[%swap3A_713, %swap3A_714], %swap3A_717 {strides = array<i32>} : memref<1536x16xf32, #tpu.memory_space<vmem>>, vector<1x16xf32>,
        %add3A_718 = arith.constant 11 : i32
        %add3A_719 = arith.addi %multiple_of3A_531, %add3A_718 : i32
        %get3A_720 = arith.index_cast %add3A_719 : i32 to index
        %get3A_721 = arith.constant 0 : index
        %get3A_722 = tpu.vector_load %arg11[%get3A_720, %get3A_721] {strides = array<i32>} : memref<1536x16xf32, #tpu.memory_space<vmem>>, vector<1x16xf32>,
        %get3A_723 = vector.shape_cast %get3A_722 : vector<1x16xf32> to vector<16xf32>
        %slice3A_724 = vector.extract_strided_slice %get3A_533 {offsets = [11], sizes = [1], strides = [1]} : vector<16xf32> to vector<1xf32>
        %squeeze3A_725 = vector.extract %slice3A_724[0] : f32 from vector<1xf32>
        %mul3A_726 = vector.broadcast %squeeze3A_725 : f32 to vector<16xf32>
        %mul3A_727 = arith.mulf %get3A_723, %mul3A_726 : vector<16xf32>
        %add3A_728 = arith.constant 11 : i32
        %add3A_729 = arith.addi %multiple_of3A_531, %add3A_728 : i32
        %swap3A_730 = arith.index_cast %add3A_729 : i32 to index
        %swap3A_731 = arith.constant 0 : index
        %swap3A_732 = tpu.vector_load %arg11[%swap3A_730, %swap3A_731] {strides = array<i32>} : memref<1536x16xf32, #tpu.memory_space<vmem>>, vector<1x16xf32>,
        %swap3A_733 = vector.shape_cast %swap3A_732 : vector<1x16xf32> to vector<16xf32>
        %swap3A_734 = vector.shape_cast %mul3A_727 : vector<16xf32> to vector<1x16xf32>
        tpu.vector_store %arg11[%swap3A_730, %swap3A_731], %swap3A_734 {strides = array<i32>} : memref<1536x16xf32, #tpu.memory_space<vmem>>, vector<1x16xf32>,
        %add3A_735 = arith.constant 12 : i32
        %add3A_736 = arith.addi %multiple_of3A_531, %add3A_735 : i32
        %get3A_737 = arith.index_cast %add3A_736 : i32 to index
        %get3A_738 = arith.constant 0 : index
        %get3A_739 = tpu.vector_load %arg11[%get3A_737, %get3A_738] {strides = array<i32>} : memref<1536x16xf32, #tpu.memory_space<vmem>>, vector<1x16xf32>,
        %get3A_740 = vector.shape_cast %get3A_739 : vector<1x16xf32> to vector<16xf32>
        %slice3A_741 = vector.extract_strided_slice %get3A_533 {offsets = [12], sizes = [1], strides = [1]} : vector<16xf32> to vector<1xf32>
        %squeeze3A_742 = vector.extract %slice3A_741[0] : f32 from vector<1xf32>
        %mul3A_743 = vector.broadcast %squeeze3A_742 : f32 to vector<16xf32>
        %mul3A_744 = arith.mulf %get3A_740, %mul3A_743 : vector<16xf32>
        %add3A_745 = arith.constant 12 : i32
        %add3A_746 = arith.addi %multiple_of3A_531, %add3A_745 : i32
        %swap3A_747 = arith.index_cast %add3A_746 : i32 to index
        %swap3A_748 = arith.constant 0 : index
        %swap3A_749 = tpu.vector_load %arg11[%swap3A_747, %swap3A_748] {strides = array<i32>} : memref<1536x16xf32, #tpu.memory_space<vmem>>, vector<1x16xf32>,
        %swap3A_750 = vector.shape_cast %swap3A_749 : vector<1x16xf32> to vector<16xf32>
        %swap3A_751 = vector.shape_cast %mul3A_744 : vector<16xf32> to vector<1x16xf32>
        tpu.vector_store %arg11[%swap3A_747, %swap3A_748], %swap3A_751 {strides = array<i32>} : memref<1536x16xf32, #tpu.memory_space<vmem>>, vector<1x16xf32>,
        %add3A_752 = arith.constant 13 : i32
        %add3A_753 = arith.addi %multiple_of3A_531, %add3A_752 : i32
        %get3A_754 = arith.index_cast %add3A_753 : i32 to index
        %get3A_755 = arith.constant 0 : index
        %get3A_756 = tpu.vector_load %arg11[%get3A_754, %get3A_755] {strides = array<i32>} : memref<1536x16xf32, #tpu.memory_space<vmem>>, vector<1x16xf32>,
        %get3A_757 = vector.shape_cast %get3A_756 : vector<1x16xf32> to vector<16xf32>
        %slice3A_758 = vector.extract_strided_slice %get3A_533 {offsets = [13], sizes = [1], strides = [1]} : vector<16xf32> to vector<1xf32>
        %squeeze3A_759 = vector.extract %slice3A_758[0] : f32 from vector<1xf32>
        %mul3A_760 = vector.broadcast %squeeze3A_759 : f32 to vector<16xf32>
        %mul3A_761 = arith.mulf %get3A_757, %mul3A_760 : vector<16xf32>
        %add3A_762 = arith.constant 13 : i32
        %add3A_763 = arith.addi %multiple_of3A_531, %add3A_762 : i32
        %swap3A_764 = arith.index_cast %add3A_763 : i32 to index
        %swap3A_765 = arith.constant 0 : index
        %swap3A_766 = tpu.vector_load %arg11[%swap3A_764, %swap3A_765] {strides = array<i32>} : memref<1536x16xf32, #tpu.memory_space<vmem>>, vector<1x16xf32>,
        %swap3A_767 = vector.shape_cast %swap3A_766 : vector<1x16xf32> to vector<16xf32>
        %swap3A_768 = vector.shape_cast %mul3A_761 : vector<16xf32> to vector<1x16xf32>
        tpu.vector_store %arg11[%swap3A_764, %swap3A_765], %swap3A_768 {strides = array<i32>} : memref<1536x16xf32, #tpu.memory_space<vmem>>, vector<1x16xf32>,
        %add3A_769 = arith.constant 14 : i32
        %add3A_770 = arith.addi %multiple_of3A_531, %add3A_769 : i32
        %get3A_771 = arith.index_cast %add3A_770 : i32 to index
        %get3A_772 = arith.constant 0 : index
        %get3A_773 = tpu.vector_load %arg11[%get3A_771, %get3A_772] {strides = array<i32>} : memref<1536x16xf32, #tpu.memory_space<vmem>>, vector<1x16xf32>,
        %get3A_774 = vector.shape_cast %get3A_773 : vector<1x16xf32> to vector<16xf32>
        %slice3A_775 = vector.extract_strided_slice %get3A_533 {offsets = [14], sizes = [1], strides = [1]} : vector<16xf32> to vector<1xf32>
        %squeeze3A_776 = vector.extract %slice3A_775[0] : f32 from vector<1xf32>
        %mul3A_777 = vector.broadcast %squeeze3A_776 : f32 to vector<16xf32>
        %mul3A_778 = arith.mulf %get3A_774, %mul3A_777 : vector<16xf32>
        %add3A_779 = arith.constant 14 : i32
        %add3A_780 = arith.addi %multiple_of3A_531, %add3A_779 : i32
        %swap3A_781 = arith.index_cast %add3A_780 : i32 to index
        %swap3A_782 = arith.constant 0 : index
        %swap3A_783 = tpu.vector_load %arg11[%swap3A_781, %swap3A_782] {strides = array<i32>} : memref<1536x16xf32, #tpu.memory_space<vmem>>, vector<1x16xf32>,
        %swap3A_784 = vector.shape_cast %swap3A_783 : vector<1x16xf32> to vector<16xf32>
        %swap3A_785 = vector.shape_cast %mul3A_778 : vector<16xf32> to vector<1x16xf32>
        tpu.vector_store %arg11[%swap3A_781, %swap3A_782], %swap3A_785 {strides = array<i32>} : memref<1536x16xf32, #tpu.memory_space<vmem>>, vector<1x16xf32>,
        %add3A_786 = arith.constant 15 : i32
        %add3A_787 = arith.addi %multiple_of3A_531, %add3A_786 : i32
        %get3A_788 = arith.index_cast %add3A_787 : i32 to index
        %get3A_789 = arith.constant 0 : index
        %get3A_790 = tpu.vector_load %arg11[%get3A_788, %get3A_789] {strides = array<i32>} : memref<1536x16xf32, #tpu.memory_space<vmem>>, vector<1x16xf32>,
        %get3A_791 = vector.shape_cast %get3A_790 : vector<1x16xf32> to vector<16xf32>
        %slice3A_792 = vector.extract_strided_slice %get3A_533 {offsets = [15], sizes = [1], strides = [1]} : vector<16xf32> to vector<1xf32>
        %squeeze3A_793 = vector.extract %slice3A_792[0] : f32 from vector<1xf32>
        %mul3A_794 = vector.broadcast %squeeze3A_793 : f32 to vector<16xf32>
        %mul3A_795 = arith.mulf %get3A_791, %mul3A_794 : vector<16xf32>
        %add3A_796 = arith.constant 15 : i32
        %add3A_797 = arith.addi %multiple_of3A_531, %add3A_796 : i32
        %swap3A_798 = arith.index_cast %add3A_797 : i32 to index
        %swap3A_799 = arith.constant 0 : index
        %swap3A_800 = tpu.vector_load %arg11[%swap3A_798, %swap3A_799] {strides = array<i32>} : memref<1536x16xf32, #tpu.memory_space<vmem>>, vector<1x16xf32>,
        %swap3A_801 = vector.shape_cast %swap3A_800 : vector<1x16xf32> to vector<16xf32>
        %swap3A_802 = vector.shape_cast %mul3A_795 : vector<16xf32> to vector<1x16xf32>
        tpu.vector_store %arg11[%swap3A_798, %swap3A_799], %swap3A_802 {strides = array<i32>} : memref<1536x16xf32, #tpu.memory_space<vmem>>, vector<1x16xf32>,
        %scan3A_803 = arith.constant 0 : i32
        scf.yield %scan3A_803 : i32
      }
      %scan3A_343 = arith.constant 48 : i32
      %dma_start3A_344 = arith.constant 6 : i32
      %dma_start3A_345 = arith.constant 768 : i32
      %dma_start3A_346 = arith.constant 0 : i32
      %dma_start3A_347 = tpu.memref_slice %arg11[%dma_start3A_345, %dma_start3A_346] : memref<1536x16xf32, #tpu.memory_space<vmem>> -> memref<128x16xf32, #tpu.memory_space<vmem>>
      %dma_start3A_348 = arith.constant 0 : i32
      %dma_start3A_349 = tpu.memref_slice %arg9[%dma_start3A_344, %dma_start3A_348] : memref<12x128xi32, #tpu.memory_space<vmem>> -> memref<1x128xi32, #tpu.memory_space<vmem>>
      %dma_start3A_350 = tpu.memref_squeeze %dma_start3A_349 : memref<1x128xi32, #tpu.memory_space<vmem>> -> memref<128xi32, #tpu.memory_space<vmem>>
      %dma_start3A_351 = arith.constant 0 : i32
      %dma_start3A_352 = arith.constant 0 : i32
      %dma_start3A_353 = tpu.memref_slice %arg12[%dma_start3A_351, %dma_start3A_352] : memref<100096x16xf32, #tpu.memory_space<vmem_shared>> -> memref<100096x16xf32, #tpu.memory_space<vmem_shared>>
      tpu.enqueue_indirect_dma source(%dma_start3A_347 : memref<128x16xf32, #tpu.memory_space<vmem>>) target(%dma_start3A_353 : memref<100096x16xf32, #tpu.memory_space<vmem_shared>>) offsets(%dma_start3A_350 : memref<128xi32, #tpu.memory_space<vmem>>) semaphore(%arg15 : memref<!tpu.dma_semaphore, #tpu.memory_space<semaphore_mem>>) {add = true}
      %dma_start3A_354 = arith.constant 7 : i32
      %dma_start3A_355 = arith.constant 896 : i32
      %dma_start3A_356 = arith.constant 0 : i32
      %dma_start3A_357 = tpu.memref_slice %arg11[%dma_start3A_355, %dma_start3A_356] : memref<1536x16xf32, #tpu.memory_space<vmem>> -> memref<128x16xf32, #tpu.memory_space<vmem>>
      %dma_start3A_358 = arith.constant 0 : i32
      %dma_start3A_359 = tpu.memref_slice %arg9[%dma_start3A_354, %dma_start3A_358] : memref<12x128xi32, #tpu.memory_space<vmem>> -> memref<1x128xi32, #tpu.memory_space<vmem>>
      %dma_start3A_360 = tpu.memref_squeeze %dma_start3A_359 : memref<1x128xi32, #tpu.memory_space<vmem>> -> memref<128xi32, #tpu.memory_space<vmem>>
      %dma_start3A_361 = arith.constant 0 : i32
      %dma_start3A_362 = arith.constant 0 : i32
      %dma_start3A_363 = tpu.memref_slice %arg12[%dma_start3A_361, %dma_start3A_362] : memref<100096x16xf32, #tpu.memory_space<vmem_shared>> -> memref<100096x16xf32, #tpu.memory_space<vmem_shared>>
      tpu.enqueue_indirect_dma source(%dma_start3A_357 : memref<128x16xf32, #tpu.memory_space<vmem>>) target(%dma_start3A_363 : memref<100096x16xf32, #tpu.memory_space<vmem_shared>>) offsets(%dma_start3A_360 : memref<128xi32, #tpu.memory_space<vmem>>) semaphore(%arg15 : memref<!tpu.dma_semaphore, #tpu.memory_space<semaphore_mem>>) {add = true}
      %dma_start3A_364 = arith.constant 8 : i32
      %dma_start3A_365 = arith.constant 1024 : i32
      %dma_start3A_366 = arith.constant 0 : i32
      %dma_start3A_367 = tpu.memref_slice %arg11[%dma_start3A_365, %dma_start3A_366] : memref<1536x16xf32, #tpu.memory_space<vmem>> -> memref<128x16xf32, #tpu.memory_space<vmem>>
      %dma_start3A_368 = arith.constant 0 : i32
      %dma_start3A_369 = tpu.memref_slice %arg9[%dma_start3A_364, %dma_start3A_368] : memref<12x128xi32, #tpu.memory_space<vmem>> -> memref<1x128xi32, #tpu.memory_space<vmem>>
      %dma_start3A_370 = tpu.memref_squeeze %dma_start3A_369 : memref<1x128xi32, #tpu.memory_space<vmem>> -> memref<128xi32, #tpu.memory_space<vmem>>
      %dma_start3A_371 = arith.constant 0 : i32
      %dma_start3A_372 = arith.constant 0 : i32
      %dma_start3A_373 = tpu.memref_slice %arg12[%dma_start3A_371, %dma_start3A_372] : memref<100096x16xf32, #tpu.memory_space<vmem_shared>> -> memref<100096x16xf32, #tpu.memory_space<vmem_shared>>
      tpu.enqueue_indirect_dma source(%dma_start3A_367 : memref<128x16xf32, #tpu.memory_space<vmem>>) target(%dma_start3A_373 : memref<100096x16xf32, #tpu.memory_space<vmem_shared>>) offsets(%dma_start3A_370 : memref<128xi32, #tpu.memory_space<vmem>>) semaphore(%arg15 : memref<!tpu.dma_semaphore, #tpu.memory_space<semaphore_mem>>) {add = true}
      %dma_start3A_374 = arith.constant 9 : i32
      %dma_start3A_375 = arith.constant 1152 : i32
      %dma_start3A_376 = arith.constant 0 : i32
      %dma_start3A_377 = tpu.memref_slice %arg11[%dma_start3A_375, %dma_start3A_376] : memref<1536x16xf32, #tpu.memory_space<vmem>> -> memref<128x16xf32, #tpu.memory_space<vmem>>
      %dma_start3A_378 = arith.constant 0 : i32
      %dma_start3A_379 = tpu.memref_slice %arg9[%dma_start3A_374, %dma_start3A_378] : memref<12x128xi32, #tpu.memory_space<vmem>> -> memref<1x128xi32, #tpu.memory_space<vmem>>
      %dma_start3A_380 = tpu.memref_squeeze %dma_start3A_379 : memref<1x128xi32, #tpu.memory_space<vmem>> -> memref<128xi32, #tpu.memory_space<vmem>>
      %dma_start3A_381 = arith.constant 0 : i32
      %dma_start3A_382 = arith.constant 0 : i32
      %dma_start3A_383 = tpu.memref_slice %arg12[%dma_start3A_381, %dma_start3A_382] : memref<100096x16xf32, #tpu.memory_space<vmem_shared>> -> memref<100096x16xf32, #tpu.memory_space<vmem_shared>>
      tpu.enqueue_indirect_dma source(%dma_start3A_377 : memref<128x16xf32, #tpu.memory_space<vmem>>) target(%dma_start3A_383 : memref<100096x16xf32, #tpu.memory_space<vmem_shared>>) offsets(%dma_start3A_380 : memref<128xi32, #tpu.memory_space<vmem>>) semaphore(%arg15 : memref<!tpu.dma_semaphore, #tpu.memory_space<semaphore_mem>>) {add = true}
      %dma_start3A_384 = arith.constant 10 : i32
      %dma_start3A_385 = arith.constant 1280 : i32
      %dma_start3A_386 = arith.constant 0 : i32
      %dma_start3A_387 = tpu.memref_slice %arg11[%dma_start3A_385, %dma_start3A_386] : memref<1536x16xf32, #tpu.memory_space<vmem>> -> memref<128x16xf32, #tpu.memory_space<vmem>>
      %dma_start3A_388 = arith.constant 0 : i32
      %dma_start3A_389 = tpu.memref_slice %arg9[%dma_start3A_384, %dma_start3A_388] : memref<12x128xi32, #tpu.memory_space<vmem>> -> memref<1x128xi32, #tpu.memory_space<vmem>>
      %dma_start3A_390 = tpu.memref_squeeze %dma_start3A_389 : memref<1x128xi32, #tpu.memory_space<vmem>> -> memref<128xi32, #tpu.memory_space<vmem>>
      %dma_start3A_391 = arith.constant 0 : i32
      %dma_start3A_392 = arith.constant 0 : i32
      %dma_start3A_393 = tpu.memref_slice %arg12[%dma_start3A_391, %dma_start3A_392] : memref<100096x16xf32, #tpu.memory_space<vmem_shared>> -> memref<100096x16xf32, #tpu.memory_space<vmem_shared>>
      tpu.enqueue_indirect_dma source(%dma_start3A_387 : memref<128x16xf32, #tpu.memory_space<vmem>>) target(%dma_start3A_393 : memref<100096x16xf32, #tpu.memory_space<vmem_shared>>) offsets(%dma_start3A_390 : memref<128xi32, #tpu.memory_space<vmem>>) semaphore(%arg15 : memref<!tpu.dma_semaphore, #tpu.memory_space<semaphore_mem>>) {add = true}
      %dma_start3A_394 = arith.constant 11 : i32
      %dma_start3A_395 = arith.constant 1408 : i32
      %dma_start3A_396 = arith.constant 0 : i32
      %dma_start3A_397 = tpu.memref_slice %arg11[%dma_start3A_395, %dma_start3A_396] : memref<1536x16xf32, #tpu.memory_space<vmem>> -> memref<128x16xf32, #tpu.memory_space<vmem>>
      %dma_start3A_398 = arith.constant 0 : i32
      %dma_start3A_399 = tpu.memref_slice %arg9[%dma_start3A_394, %dma_start3A_398] : memref<12x128xi32, #tpu.memory_space<vmem>> -> memref<1x128xi32, #tpu.memory_space<vmem>>
      %dma_start3A_400 = tpu.memref_squeeze %dma_start3A_399 : memref<1x128xi32, #tpu.memory_space<vmem>> -> memref<128xi32, #tpu.memory_space<vmem>>
      %dma_start3A_401 = arith.constant 0 : i32
      %dma_start3A_402 = arith.constant 0 : i32
      %dma_start3A_403 = tpu.memref_slice %arg12[%dma_start3A_401, %dma_start3A_402] : memref<100096x16xf32, #tpu.memory_space<vmem_shared>> -> memref<100096x16xf32, #tpu.memory_space<vmem_shared>>
      tpu.enqueue_indirect_dma source(%dma_start3A_397 : memref<128x16xf32, #tpu.memory_space<vmem>>) target(%dma_start3A_403 : memref<100096x16xf32, #tpu.memory_space<vmem_shared>>) offsets(%dma_start3A_400 : memref<128xi32, #tpu.memory_space<vmem>>) semaphore(%arg15 : memref<!tpu.dma_semaphore, #tpu.memory_space<semaphore_mem>>) {add = true}
      %dma_wait3A_404 = arith.constant 0 : i32
      %dma_wait3A_405 = arith.constant 0 : i32
      %dma_wait3A_406 = arith.constant 0 : i32
      %dma_wait3A_407 = tpu.memref_slice %arg11[%dma_wait3A_405, %dma_wait3A_406] : memref<1536x16xf32, #tpu.memory_space<vmem>> -> memref<128x16xf32, #tpu.memory_space<vmem>>
      %dma_wait3A_408 = arith.constant 0 : i32
      %dma_wait3A_409 = tpu.memref_slice %arg9[%dma_wait3A_404, %dma_wait3A_408] : memref<12x128xi32, #tpu.memory_space<vmem>> -> memref<1x128xi32, #tpu.memory_space<vmem>>
      %dma_wait3A_410 = tpu.memref_squeeze %dma_wait3A_409 : memref<1x128xi32, #tpu.memory_space<vmem>> -> memref<128xi32, #tpu.memory_space<vmem>>
      %dma_wait3A_411 = arith.constant 0 : i32
      %dma_wait3A_412 = arith.constant 0 : i32
      %dma_wait3A_413 = tpu.memref_slice %arg12[%dma_wait3A_411, %dma_wait3A_412] : memref<100096x16xf32, #tpu.memory_space<vmem_shared>> -> memref<100096x16xf32, #tpu.memory_space<vmem_shared>>
      tpu.wait_indirect_dma semaphore(%arg15 : memref<!tpu.dma_semaphore, #tpu.memory_space<semaphore_mem>>) src(%dma_wait3A_407 : memref<128x16xf32, #tpu.memory_space<vmem>>) dst(%dma_wait3A_413 : memref<100096x16xf32, #tpu.memory_space<vmem_shared>>)
      %dma_wait3A_414 = arith.constant 1 : i32
      %dma_wait3A_415 = arith.constant 128 : i32
      %dma_wait3A_416 = arith.constant 0 : i32
      %dma_wait3A_417 = tpu.memref_slice %arg11[%dma_wait3A_415, %dma_wait3A_416] : memref<1536x16xf32, #tpu.memory_space<vmem>> -> memref<128x16xf32, #tpu.memory_space<vmem>>
      %dma_wait3A_418 = arith.constant 0 : i32
      %dma_wait3A_419 = tpu.memref_slice %arg9[%dma_wait3A_414, %dma_wait3A_418] : memref<12x128xi32, #tpu.memory_space<vmem>> -> memref<1x128xi32, #tpu.memory_space<vmem>>
      %dma_wait3A_420 = tpu.memref_squeeze %dma_wait3A_419 : memref<1x128xi32, #tpu.memory_space<vmem>> -> memref<128xi32, #tpu.memory_space<vmem>>
      %dma_wait3A_421 = arith.constant 0 : i32
      %dma_wait3A_422 = arith.constant 0 : i32
      %dma_wait3A_423 = tpu.memref_slice %arg12[%dma_wait3A_421, %dma_wait3A_422] : memref<100096x16xf32, #tpu.memory_space<vmem_shared>> -> memref<100096x16xf32, #tpu.memory_space<vmem_shared>>
      tpu.wait_indirect_dma semaphore(%arg15 : memref<!tpu.dma_semaphore, #tpu.memory_space<semaphore_mem>>) src(%dma_wait3A_417 : memref<128x16xf32, #tpu.memory_space<vmem>>) dst(%dma_wait3A_423 : memref<100096x16xf32, #tpu.memory_space<vmem_shared>>)
      %dma_wait3A_424 = arith.constant 2 : i32
      %dma_wait3A_425 = arith.constant 256 : i32
      %dma_wait3A_426 = arith.constant 0 : i32
      %dma_wait3A_427 = tpu.memref_slice %arg11[%dma_wait3A_425, %dma_wait3A_426] : memref<1536x16xf32, #tpu.memory_space<vmem>> -> memref<128x16xf32, #tpu.memory_space<vmem>>
      %dma_wait3A_428 = arith.constant 0 : i32
      %dma_wait3A_429 = tpu.memref_slice %arg9[%dma_wait3A_424, %dma_wait3A_428] : memref<12x128xi32, #tpu.memory_space<vmem>> -> memref<1x128xi32, #tpu.memory_space<vmem>>
      %dma_wait3A_430 = tpu.memref_squeeze %dma_wait3A_429 : memref<1x128xi32, #tpu.memory_space<vmem>> -> memref<128xi32, #tpu.memory_space<vmem>>
      %dma_wait3A_431 = arith.constant 0 : i32
      %dma_wait3A_432 = arith.constant 0 : i32
      %dma_wait3A_433 = tpu.memref_slice %arg12[%dma_wait3A_431, %dma_wait3A_432] : memref<100096x16xf32, #tpu.memory_space<vmem_shared>> -> memref<100096x16xf32, #tpu.memory_space<vmem_shared>>
      tpu.wait_indirect_dma semaphore(%arg15 : memref<!tpu.dma_semaphore, #tpu.memory_space<semaphore_mem>>) src(%dma_wait3A_427 : memref<128x16xf32, #tpu.memory_space<vmem>>) dst(%dma_wait3A_433 : memref<100096x16xf32, #tpu.memory_space<vmem_shared>>)
      %dma_wait3A_434 = arith.constant 3 : i32
      %dma_wait3A_435 = arith.constant 384 : i32
      %dma_wait3A_436 = arith.constant 0 : i32
      %dma_wait3A_437 = tpu.memref_slice %arg11[%dma_wait3A_435, %dma_wait3A_436] : memref<1536x16xf32, #tpu.memory_space<vmem>> -> memref<128x16xf32, #tpu.memory_space<vmem>>
      %dma_wait3A_438 = arith.constant 0 : i32
      %dma_wait3A_439 = tpu.memref_slice %arg9[%dma_wait3A_434, %dma_wait3A_438] : memref<12x128xi32, #tpu.memory_space<vmem>> -> memref<1x128xi32, #tpu.memory_space<vmem>>
      %dma_wait3A_440 = tpu.memref_squeeze %dma_wait3A_439 : memref<1x128xi32, #tpu.memory_space<vmem>> -> memref<128xi32, #tpu.memory_space<vmem>>
      %dma_wait3A_441 = arith.constant 0 : i32
      %dma_wait3A_442 = arith.constant 0 : i32
      %dma_wait3A_443 = tpu.memref_slice %arg12[%dma_wait3A_441, %dma_wait3A_442] : memref<100096x16xf32, #tpu.memory_space<vmem_shared>> -> memref<100096x16xf32, #tpu.memory_space<vmem_shared>>
      tpu.wait_indirect_dma semaphore(%arg15 : memref<!tpu.dma_semaphore, #tpu.memory_space<semaphore_mem>>) src(%dma_wait3A_437 : memref<128x16xf32, #tpu.memory_space<vmem>>) dst(%dma_wait3A_443 : memref<100096x16xf32, #tpu.memory_space<vmem_shared>>)
      %dma_wait3A_444 = arith.constant 4 : i32
      %dma_wait3A_445 = arith.constant 512 : i32
      %dma_wait3A_446 = arith.constant 0 : i32
      %dma_wait3A_447 = tpu.memref_slice %arg11[%dma_wait3A_445, %dma_wait3A_446] : memref<1536x16xf32, #tpu.memory_space<vmem>> -> memref<128x16xf32, #tpu.memory_space<vmem>>
      %dma_wait3A_448 = arith.constant 0 : i32
      %dma_wait3A_449 = tpu.memref_slice %arg9[%dma_wait3A_444, %dma_wait3A_448] : memref<12x128xi32, #tpu.memory_space<vmem>> -> memref<1x128xi32, #tpu.memory_space<vmem>>
      %dma_wait3A_450 = tpu.memref_squeeze %dma_wait3A_449 : memref<1x128xi32, #tpu.memory_space<vmem>> -> memref<128xi32, #tpu.memory_space<vmem>>
      %dma_wait3A_451 = arith.constant 0 : i32
      %dma_wait3A_452 = arith.constant 0 : i32
      %dma_wait3A_453 = tpu.memref_slice %arg12[%dma_wait3A_451, %dma_wait3A_452] : memref<100096x16xf32, #tpu.memory_space<vmem_shared>> -> memref<100096x16xf32, #tpu.memory_space<vmem_shared>>
      tpu.wait_indirect_dma semaphore(%arg15 : memref<!tpu.dma_semaphore, #tpu.memory_space<semaphore_mem>>) src(%dma_wait3A_447 : memref<128x16xf32, #tpu.memory_space<vmem>>) dst(%dma_wait3A_453 : memref<100096x16xf32, #tpu.memory_space<vmem_shared>>)
      %dma_wait3A_454 = arith.constant 5 : i32
      %dma_wait3A_455 = arith.constant 640 : i32
      %dma_wait3A_456 = arith.constant 0 : i32
      %dma_wait3A_457 = tpu.memref_slice %arg11[%dma_wait3A_455, %dma_wait3A_456] : memref<1536x16xf32, #tpu.memory_space<vmem>> -> memref<128x16xf32, #tpu.memory_space<vmem>>
      %dma_wait3A_458 = arith.constant 0 : i32
      %dma_wait3A_459 = tpu.memref_slice %arg9[%dma_wait3A_454, %dma_wait3A_458] : memref<12x128xi32, #tpu.memory_space<vmem>> -> memref<1x128xi32, #tpu.memory_space<vmem>>
      %dma_wait3A_460 = tpu.memref_squeeze %dma_wait3A_459 : memref<1x128xi32, #tpu.memory_space<vmem>> -> memref<128xi32, #tpu.memory_space<vmem>>
      %dma_wait3A_461 = arith.constant 0 : i32
      %dma_wait3A_462 = arith.constant 0 : i32
      %dma_wait3A_463 = tpu.memref_slice %arg12[%dma_wait3A_461, %dma_wait3A_462] : memref<100096x16xf32, #tpu.memory_space<vmem_shared>> -> memref<100096x16xf32, #tpu.memory_space<vmem_shared>>
      tpu.wait_indirect_dma semaphore(%arg15 : memref<!tpu.dma_semaphore, #tpu.memory_space<semaphore_mem>>) src(%dma_wait3A_457 : memref<128x16xf32, #tpu.memory_space<vmem>>) dst(%dma_wait3A_463 : memref<100096x16xf32, #tpu.memory_space<vmem_shared>>)
      %dma_wait3A_464 = arith.constant 6 : i32
      %dma_wait3A_465 = arith.constant 768 : i32
      %dma_wait3A_466 = arith.constant 0 : i32
      %dma_wait3A_467 = tpu.memref_slice %arg11[%dma_wait3A_465, %dma_wait3A_466] : memref<1536x16xf32, #tpu.memory_space<vmem>> -> memref<128x16xf32, #tpu.memory_space<vmem>>
      %dma_wait3A_468 = arith.constant 0 : i32
      %dma_wait3A_469 = tpu.memref_slice %arg9[%dma_wait3A_464, %dma_wait3A_468] : memref<12x128xi32, #tpu.memory_space<vmem>> -> memref<1x128xi32, #tpu.memory_space<vmem>>
      %dma_wait3A_470 = tpu.memref_squeeze %dma_wait3A_469 : memref<1x128xi32, #tpu.memory_space<vmem>> -> memref<128xi32, #tpu.memory_space<vmem>>
      %dma_wait3A_471 = arith.constant 0 : i32
      %dma_wait3A_472 = arith.constant 0 : i32
      %dma_wait3A_473 = tpu.memref_slice %arg12[%dma_wait3A_471, %dma_wait3A_472] : memref<100096x16xf32, #tpu.memory_space<vmem_shared>> -> memref<100096x16xf32, #tpu.memory_space<vmem_shared>>
      tpu.wait_indirect_dma semaphore(%arg15 : memref<!tpu.dma_semaphore, #tpu.memory_space<semaphore_mem>>) src(%dma_wait3A_467 : memref<128x16xf32, #tpu.memory_space<vmem>>) dst(%dma_wait3A_473 : memref<100096x16xf32, #tpu.memory_space<vmem_shared>>)
      %dma_wait3A_474 = arith.constant 7 : i32
      %dma_wait3A_475 = arith.constant 896 : i32
      %dma_wait3A_476 = arith.constant 0 : i32
      %dma_wait3A_477 = tpu.memref_slice %arg11[%dma_wait3A_475, %dma_wait3A_476] : memref<1536x16xf32, #tpu.memory_space<vmem>> -> memref<128x16xf32, #tpu.memory_space<vmem>>
      %dma_wait3A_478 = arith.constant 0 : i32
      %dma_wait3A_479 = tpu.memref_slice %arg9[%dma_wait3A_474, %dma_wait3A_478] : memref<12x128xi32, #tpu.memory_space<vmem>> -> memref<1x128xi32, #tpu.memory_space<vmem>>
      %dma_wait3A_480 = tpu.memref_squeeze %dma_wait3A_479 : memref<1x128xi32, #tpu.memory_space<vmem>> -> memref<128xi32, #tpu.memory_space<vmem>>
      %dma_wait3A_481 = arith.constant 0 : i32
      %dma_wait3A_482 = arith.constant 0 : i32
      %dma_wait3A_483 = tpu.memref_slice %arg12[%dma_wait3A_481, %dma_wait3A_482] : memref<100096x16xf32, #tpu.memory_space<vmem_shared>> -> memref<100096x16xf32, #tpu.memory_space<vmem_shared>>
      tpu.wait_indirect_dma semaphore(%arg15 : memref<!tpu.dma_semaphore, #tpu.memory_space<semaphore_mem>>) src(%dma_wait3A_477 : memref<128x16xf32, #tpu.memory_space<vmem>>) dst(%dma_wait3A_483 : memref<100096x16xf32, #tpu.memory_space<vmem_shared>>)
      %dma_wait3A_484 = arith.constant 8 : i32
      %dma_wait3A_485 = arith.constant 1024 : i32
      %dma_wait3A_486 = arith.constant 0 : i32
      %dma_wait3A_487 = tpu.memref_slice %arg11[%dma_wait3A_485, %dma_wait3A_486] : memref<1536x16xf32, #tpu.memory_space<vmem>> -> memref<128x16xf32, #tpu.memory_space<vmem>>
      %dma_wait3A_488 = arith.constant 0 : i32
      %dma_wait3A_489 = tpu.memref_slice %arg9[%dma_wait3A_484, %dma_wait3A_488] : memref<12x128xi32, #tpu.memory_space<vmem>> -> memref<1x128xi32, #tpu.memory_space<vmem>>
      %dma_wait3A_490 = tpu.memref_squeeze %dma_wait3A_489 : memref<1x128xi32, #tpu.memory_space<vmem>> -> memref<128xi32, #tpu.memory_space<vmem>>
      %dma_wait3A_491 = arith.constant 0 : i32
      %dma_wait3A_492 = arith.constant 0 : i32
      %dma_wait3A_493 = tpu.memref_slice %arg12[%dma_wait3A_491, %dma_wait3A_492] : memref<100096x16xf32, #tpu.memory_space<vmem_shared>> -> memref<100096x16xf32, #tpu.memory_space<vmem_shared>>
      tpu.wait_indirect_dma semaphore(%arg15 : memref<!tpu.dma_semaphore, #tpu.memory_space<semaphore_mem>>) src(%dma_wait3A_487 : memref<128x16xf32, #tpu.memory_space<vmem>>) dst(%dma_wait3A_493 : memref<100096x16xf32, #tpu.memory_space<vmem_shared>>)
      %dma_wait3A_494 = arith.constant 9 : i32
      %dma_wait3A_495 = arith.constant 1152 : i32
      %dma_wait3A_496 = arith.constant 0 : i32
      %dma_wait3A_497 = tpu.memref_slice %arg11[%dma_wait3A_495, %dma_wait3A_496] : memref<1536x16xf32, #tpu.memory_space<vmem>> -> memref<128x16xf32, #tpu.memory_space<vmem>>
      %dma_wait3A_498 = arith.constant 0 : i32
      %dma_wait3A_499 = tpu.memref_slice %arg9[%dma_wait3A_494, %dma_wait3A_498] : memref<12x128xi32, #tpu.memory_space<vmem>> -> memref<1x128xi32, #tpu.memory_space<vmem>>
      %dma_wait3A_500 = tpu.memref_squeeze %dma_wait3A_499 : memref<1x128xi32, #tpu.memory_space<vmem>> -> memref<128xi32, #tpu.memory_space<vmem>>
      %dma_wait3A_501 = arith.constant 0 : i32
      %dma_wait3A_502 = arith.constant 0 : i32
      %dma_wait3A_503 = tpu.memref_slice %arg12[%dma_wait3A_501, %dma_wait3A_502] : memref<100096x16xf32, #tpu.memory_space<vmem_shared>> -> memref<100096x16xf32, #tpu.memory_space<vmem_shared>>
      tpu.wait_indirect_dma semaphore(%arg15 : memref<!tpu.dma_semaphore, #tpu.memory_space<semaphore_mem>>) src(%dma_wait3A_497 : memref<128x16xf32, #tpu.memory_space<vmem>>) dst(%dma_wait3A_503 : memref<100096x16xf32, #tpu.memory_space<vmem_shared>>)
      %dma_wait3A_504 = arith.constant 10 : i32
      %dma_wait3A_505 = arith.constant 1280 : i32
      %dma_wait3A_506 = arith.constant 0 : i32
      %dma_wait3A_507 = tpu.memref_slice %arg11[%dma_wait3A_505, %dma_wait3A_506] : memref<1536x16xf32, #tpu.memory_space<vmem>> -> memref<128x16xf32, #tpu.memory_space<vmem>>
      %dma_wait3A_508 = arith.constant 0 : i32
      %dma_wait3A_509 = tpu.memref_slice %arg9[%dma_wait3A_504, %dma_wait3A_508] : memref<12x128xi32, #tpu.memory_space<vmem>> -> memref<1x128xi32, #tpu.memory_space<vmem>>
      %dma_wait3A_510 = tpu.memref_squeeze %dma_wait3A_509 : memref<1x128xi32, #tpu.memory_space<vmem>> -> memref<128xi32, #tpu.memory_space<vmem>>
      %dma_wait3A_511 = arith.constant 0 : i32
      %dma_wait3A_512 = arith.constant 0 : i32
      %dma_wait3A_513 = tpu.memref_slice %arg12[%dma_wait3A_511, %dma_wait3A_512] : memref<100096x16xf32, #tpu.memory_space<vmem_shared>> -> memref<100096x16xf32, #tpu.memory_space<vmem_shared>>
      tpu.wait_indirect_dma semaphore(%arg15 : memref<!tpu.dma_semaphore, #tpu.memory_space<semaphore_mem>>) src(%dma_wait3A_507 : memref<128x16xf32, #tpu.memory_space<vmem>>) dst(%dma_wait3A_513 : memref<100096x16xf32, #tpu.memory_space<vmem_shared>>)
      %dma_wait3A_514 = arith.constant 11 : i32
      %dma_wait3A_515 = arith.constant 1408 : i32
      %dma_wait3A_516 = arith.constant 0 : i32
      %dma_wait3A_517 = tpu.memref_slice %arg11[%dma_wait3A_515, %dma_wait3A_516] : memref<1536x16xf32, #tpu.memory_space<vmem>> -> memref<128x16xf32, #tpu.memory_space<vmem>>
      %dma_wait3A_518 = arith.constant 0 : i32
      %dma_wait3A_519 = tpu.memref_slice %arg9[%dma_wait3A_514, %dma_wait3A_518] : memref<12x128xi32, #tpu.memory_space<vmem>> -> memref<1x128xi32, #tpu.memory_space<vmem>>
      %dma_wait3A_520 = tpu.memref_squeeze %dma_wait3A_519 : memref<1x128xi32, #tpu.memory_space<vmem>> -> memref<128xi32, #tpu.memory_space<vmem>>
      %dma_wait3A_521 = arith.constant 0 : i32
      %dma_wait3A_522 = arith.constant 0 : i32
      %dma_wait3A_523 = tpu.memref_slice %arg12[%dma_wait3A_521, %dma_wait3A_522] : memref<100096x16xf32, #tpu.memory_space<vmem_shared>> -> memref<100096x16xf32, #tpu.memory_space<vmem_shared>>
      tpu.wait_indirect_dma semaphore(%arg15 : memref<!tpu.dma_semaphore, #tpu.memory_space<semaphore_mem>>) src(%dma_wait3A_517 : memref<128x16xf32, #tpu.memory_space<vmem>>) dst(%dma_wait3A_523 : memref<100096x16xf32, #tpu.memory_space<vmem_shared>>)
      %scan3A_524 = arith.constant 0 : i32
      scf.yield %scan3A_524 : i32
    }
    %scan3A_26 = arith.constant 67 : i32
    %barrier3A_27 = arith.constant 0 : index
    tpu.barrier barrier_id(%barrier3A_27)
    %scan3A_28 = arith.constant 0 : i32
    %scan3A_29 = arith.constant 0 : i32
    %scan3A_30 = arith.constant 272 : i32
    %scan3A_31 = arith.addi %scan3A_29, %scan3A_30 : i32
    %scan3A_32 = arith.constant 1 : i32
    %scan3A_33 = scf.for %scan3A_58 = %scan3A_29 to %scan3A_31 step %scan3A_32 iter_args(%scan3A_59 = %scan3A_28) -> (i32)  : i32 {
      %broadcast_in_dim3A = arith.constant 0.000000e+00 : f32
      %broadcast_in_dim3A_60 = vector.broadcast %broadcast_in_dim3A : f32 to vector<16xf32>
      %swap3A = arith.index_cast %scan3A_58 : i32 to index
      %swap3A_61 = arith.constant 0 : index
      %swap3A_62 = tpu.vector_load %arg11[%swap3A, %swap3A_61] {strides = array<i32>} : memref<1536x16xf32, #tpu.memory_space<vmem>>, vector<1x16xf32>,
      %swap3A_63 = vector.shape_cast %swap3A_62 : vector<1x16xf32> to vector<16xf32>
      %swap3A_64 = vector.shape_cast %broadcast_in_dim3A_60 : vector<16xf32> to vector<1x16xf32>
      tpu.vector_store %arg11[%swap3A, %swap3A_61], %swap3A_64 {strides = array<i32>} : memref<1536x16xf32, #tpu.memory_space<vmem>>, vector<1x16xf32>,
      %scan3A_65 = arith.constant 0 : i32
      scf.yield %scan3A_65 : i32
    }
    %scan3A_34 = arith.constant 272 : i32
    %scan3A_35 = arith.constant 0 : i32
    %scan3A_36 = arith.constant 0 : i32
    %scan3A_37 = arith.constant 23 : i32
    %scan3A_38 = arith.addi %scan3A_36, %scan3A_37 : i32
    %scan3A_39 = arith.constant 1 : i32
    %scan3A_40 = scf.for %scan3A_58 = %scan3A_36 to %scan3A_38 step %scan3A_39 iter_args(%scan3A_59 = %scan3A_35) -> (i32)  : i32 {
      %mul3A_60 = arith.constant 272 : i32
      %mul3A_61 = arith.muli %scan3A_58, %mul3A_60 : i32
      %add3A = arith.addi %mul3A_6, %mul3A_61 : i32
      %multiple_of3A = tpu.assume_multiple %add3A, 8 : i32
      "tpu.region"() ({
        %run_scoped3A = tpu.sem_alloc : memref<!tpu.dma_semaphore, #tpu.memory_space<semaphore_mem>>
        %dma_start3A = arith.constant 272 : i32
        %dma_start3A_64 = arith.constant 0 : i32
        %dma_start3A_65 = tpu.memref_slice %arg11[%dma_start3A, %dma_start3A_64] : memref<1536x16xf32, #tpu.memory_space<vmem>> -> memref<272x16xf32, #tpu.memory_space<vmem>>
        %dma_start3A_66 = arith.constant 0 : i32
        %dma_start3A_67 = tpu.memref_slice %arg12[%multiple_of3A, %dma_start3A_66] : memref<100096x16xf32, #tpu.memory_space<vmem_shared>> -> memref<272x16xf32, #tpu.memory_space<vmem_shared>>
        %dma_start3A_68 = arith.constant 272 : i32
        %dma_start3A_69 = arith.constant 0 : i32
        %dma_start3A_70 = tpu.memref_slice %arg11[%dma_start3A_68, %dma_start3A_69] : memref<1536x16xf32, #tpu.memory_space<vmem>> -> memref<272x16xf32, #tpu.memory_space<vmem>>
        %dma_start3A_71 = arith.constant 0 : i32
        %dma_start3A_72 = tpu.memref_slice %arg12[%multiple_of3A, %dma_start3A_71] : memref<100096x16xf32, #tpu.memory_space<vmem_shared>> -> memref<272x16xf32, #tpu.memory_space<vmem_shared>>
        tpu.enqueue_dma source(%dma_start3A_72 : memref<272x16xf32, #tpu.memory_space<vmem_shared>>) target(%dma_start3A_70 : memref<272x16xf32, #tpu.memory_space<vmem>>) target_semaphore(%run_scoped3A : memref<!tpu.dma_semaphore, #tpu.memory_space<semaphore_mem>>)
        %dma_wait3A = arith.constant 272 : i32
        %dma_wait3A_73 = arith.constant 0 : i32
        %dma_wait3A_74 = tpu.memref_slice %arg11[%dma_wait3A, %dma_wait3A_73] : memref<1536x16xf32, #tpu.memory_space<vmem>> -> memref<272x16xf32, #tpu.memory_space<vmem>>
        %dma_wait3A_75 = arith.constant 0 : i32
        %dma_wait3A_76 = tpu.memref_slice %arg12[%multiple_of3A, %dma_wait3A_75] : memref<100096x16xf32, #tpu.memory_space<vmem_shared>> -> memref<272x16xf32, #tpu.memory_space<vmem_shared>>
        %dma_wait3A_77 = arith.constant 272 : i32
        %dma_wait3A_78 = arith.constant 0 : i32
        %dma_wait3A_79 = tpu.memref_slice %arg11[%dma_wait3A_77, %dma_wait3A_78] : memref<1536x16xf32, #tpu.memory_space<vmem>> -> memref<272x16xf32, #tpu.memory_space<vmem>>
        %dma_wait3A_80 = arith.constant 0 : i32
        %dma_wait3A_81 = tpu.memref_slice %arg12[%multiple_of3A, %dma_wait3A_80] : memref<100096x16xf32, #tpu.memory_space<vmem_shared>> -> memref<272x16xf32, #tpu.memory_space<vmem_shared>>
        tpu.wait_dma2 semaphore(%run_scoped3A : memref<!tpu.dma_semaphore, #tpu.memory_space<semaphore_mem>>) src(%dma_wait3A_81 : memref<272x16xf32, #tpu.memory_space<vmem_shared>>) dst(%dma_wait3A_79 : memref<272x16xf32, #tpu.memory_space<vmem>>)
        tpu.yield
      }) : () -> ()
      %add3A_62 = arith.addi %mul3A_0, %multiple_of3A : i32
      "tpu.region"() ({
        %run_scoped3A = tpu.sem_alloc : memref<!tpu.dma_semaphore, #tpu.memory_space<semaphore_mem>>
        %dma_start3A = arith.constant 272 : i32
        %dma_start3A_64 = arith.constant 0 : i32
        %dma_start3A_65 = tpu.memref_slice %arg11[%dma_start3A, %dma_start3A_64] : memref<1536x16xf32, #tpu.memory_space<vmem>> -> memref<272x16xf32, #tpu.memory_space<vmem>>
        %dma_start3A_66 = arith.constant 0 : i32
        %dma_start3A_67 = tpu.memref_slice %arg6[%add3A_62, %dma_start3A_66] : memref<200192x16xf32, #tpu.memory_space<hbm>> -> memref<272x16xf32, #tpu.memory_space<hbm>>
        %dma_start3A_68 = arith.constant 0 : i32
        %dma_start3A_69 = tpu.memref_slice %arg6[%add3A_62, %dma_start3A_68] : memref<200192x16xf32, #tpu.memory_space<hbm>> -> memref<272x16xf32, #tpu.memory_space<hbm>>
        %dma_start3A_70 = arith.constant 272 : i32
        %dma_start3A_71 = arith.constant 0 : i32
        %dma_start3A_72 = tpu.memref_slice %arg11[%dma_start3A_70, %dma_start3A_71] : memref<1536x16xf32, #tpu.memory_space<vmem>> -> memref<272x16xf32, #tpu.memory_space<vmem>>
        tpu.enqueue_dma source(%dma_start3A_72 : memref<272x16xf32, #tpu.memory_space<vmem>>) target(%dma_start3A_69 : memref<272x16xf32, #tpu.memory_space<hbm>>) target_semaphore(%run_scoped3A : memref<!tpu.dma_semaphore, #tpu.memory_space<semaphore_mem>>)
        %dma_wait3A = arith.constant 272 : i32
        %dma_wait3A_73 = arith.constant 0 : i32
        %dma_wait3A_74 = tpu.memref_slice %arg11[%dma_wait3A, %dma_wait3A_73] : memref<1536x16xf32, #tpu.memory_space<vmem>> -> memref<272x16xf32, #tpu.memory_space<vmem>>
        %dma_wait3A_75 = arith.constant 0 : i32
        %dma_wait3A_76 = tpu.memref_slice %arg6[%add3A_62, %dma_wait3A_75] : memref<200192x16xf32, #tpu.memory_space<hbm>> -> memref<272x16xf32, #tpu.memory_space<hbm>>
        %dma_wait3A_77 = arith.constant 0 : i32
        %dma_wait3A_78 = tpu.memref_slice %arg6[%add3A_62, %dma_wait3A_77] : memref<200192x16xf32, #tpu.memory_space<hbm>> -> memref<272x16xf32, #tpu.memory_space<hbm>>
        %dma_wait3A_79 = arith.constant 272 : i32
        %dma_wait3A_80 = arith.constant 0 : i32
        %dma_wait3A_81 = tpu.memref_slice %arg11[%dma_wait3A_79, %dma_wait3A_80] : memref<1536x16xf32, #tpu.memory_space<vmem>> -> memref<272x16xf32, #tpu.memory_space<vmem>>
        tpu.wait_dma2 semaphore(%run_scoped3A : memref<!tpu.dma_semaphore, #tpu.memory_space<semaphore_mem>>) src(%dma_wait3A_81 : memref<272x16xf32, #tpu.memory_space<vmem>>) dst(%dma_wait3A_78 : memref<272x16xf32, #tpu.memory_space<hbm>>)
        tpu.yield
      }) : () -> ()
      "tpu.region"() ({
        %run_scoped3A = tpu.sem_alloc : memref<!tpu.dma_semaphore, #tpu.memory_space<semaphore_mem>>
        %dma_start3A = arith.constant 0 : i32
        %dma_start3A_64 = arith.constant 0 : i32
        %dma_start3A_65 = tpu.memref_slice %arg11[%dma_start3A, %dma_start3A_64] : memref<1536x16xf32, #tpu.memory_space<vmem>> -> memref<272x16xf32, #tpu.memory_space<vmem>>
        %dma_start3A_66 = arith.constant 0 : i32
        %dma_start3A_67 = tpu.memref_slice %arg12[%multiple_of3A, %dma_start3A_66] : memref<100096x16xf32, #tpu.memory_space<vmem_shared>> -> memref<272x16xf32, #tpu.memory_space<vmem_shared>>
        %dma_start3A_68 = arith.constant 0 : i32
        %dma_start3A_69 = tpu.memref_slice %arg12[%multiple_of3A, %dma_start3A_68] : memref<100096x16xf32, #tpu.memory_space<vmem_shared>> -> memref<272x16xf32, #tpu.memory_space<vmem_shared>>
        %dma_start3A_70 = arith.constant 0 : i32
        %dma_start3A_71 = arith.constant 0 : i32
        %dma_start3A_72 = tpu.memref_slice %arg11[%dma_start3A_70, %dma_start3A_71] : memref<1536x16xf32, #tpu.memory_space<vmem>> -> memref<272x16xf32, #tpu.memory_space<vmem>>
        tpu.enqueue_dma source(%dma_start3A_72 : memref<272x16xf32, #tpu.memory_space<vmem>>) target(%dma_start3A_69 : memref<272x16xf32, #tpu.memory_space<vmem_shared>>) target_semaphore(%run_scoped3A : memref<!tpu.dma_semaphore, #tpu.memory_space<semaphore_mem>>)
        %dma_wait3A = arith.constant 0 : i32
        %dma_wait3A_73 = arith.constant 0 : i32
        %dma_wait3A_74 = tpu.memref_slice %arg11[%dma_wait3A, %dma_wait3A_73] : memref<1536x16xf32, #tpu.memory_space<vmem>> -> memref<272x16xf32, #tpu.memory_space<vmem>>
        %dma_wait3A_75 = arith.constant 0 : i32
        %dma_wait3A_76 = tpu.memref_slice %arg12[%multiple_of3A, %dma_wait3A_75] : memref<100096x16xf32, #tpu.memory_space<vmem_shared>> -> memref<272x16xf32, #tpu.memory_space<vmem_shared>>
        %dma_wait3A_77 = arith.constant 0 : i32
        %dma_wait3A_78 = tpu.memref_slice %arg12[%multiple_of3A, %dma_wait3A_77] : memref<100096x16xf32, #tpu.memory_space<vmem_shared>> -> memref<272x16xf32, #tpu.memory_space<vmem_shared>>
        %dma_wait3A_79 = arith.constant 0 : i32
        %dma_wait3A_80 = arith.constant 0 : i32
        %dma_wait3A_81 = tpu.memref_slice %arg11[%dma_wait3A_79, %dma_wait3A_80] : memref<1536x16xf32, #tpu.memory_space<vmem>> -> memref<272x16xf32, #tpu.memory_space<vmem>>
        tpu.wait_dma2 semaphore(%run_scoped3A : memref<!tpu.dma_semaphore, #tpu.memory_space<semaphore_mem>>) src(%dma_wait3A_81 : memref<272x16xf32, #tpu.memory_space<vmem>>) dst(%dma_wait3A_78 : memref<272x16xf32, #tpu.memory_space<vmem_shared>>)
        tpu.yield
      }) : () -> ()
      %scan3A_63 = arith.constant 0 : i32
      scf.yield %scan3A_63 : i32
    }
    %scan3A_41 = arith.constant 23 : i32
    %barrier3A_42 = arith.constant 0 : index
    tpu.barrier barrier_id(%barrier3A_42)
    %scan3A_43 = arith.constant 0 : i32
    %scan3A_44 = arith.constant 0 : i32
    %scan3A_45 = arith.constant 67 : i32
    %scan3A_46 = arith.addi %scan3A_44, %scan3A_45 : i32
    %scan3A_47 = arith.constant 1 : i32
    %scan3A_48 = scf.for %scan3A_58 = %scan3A_44 to %scan3A_46 step %scan3A_47 iter_args(%scan3A_59 = %scan3A_43) -> (i32)  : i32 {
      %mul3A_60 = arith.constant 1536 : i32
      %mul3A_61 = arith.muli %scan3A_58, %mul3A_60 : i32
      %add3A = arith.addi %mul3A_4, %mul3A_61 : i32
      %multiple_of3A = tpu.assume_multiple %add3A, 1536 : i32
      %add3A_62 = arith.addi %mul3A_2, %multiple_of3A : i32
      "tpu.region"() ({
        %run_scoped3A = tpu.sem_alloc : memref<!tpu.dma_semaphore, #tpu.memory_space<semaphore_mem>>
        %dma_start3A_525 = tpu.memref_slice %arg3[%add3A_62] : memref<3293184xi32, #tpu.memory_space<hbm>> -> memref<1536xi32, #tpu.memory_space<hbm>>
        %dma_start3A_526 = tpu.memref_slice %arg3[%add3A_62] : memref<3293184xi32, #tpu.memory_space<hbm>> -> memref<1536xi32, #tpu.memory_space<hbm>>
        tpu.enqueue_dma source(%dma_start3A_526 : memref<1536xi32, #tpu.memory_space<hbm>>) target(%arg8 : memref<1536xi32, #tpu.memory_space<vmem>>) target_semaphore(%run_scoped3A : memref<!tpu.dma_semaphore, #tpu.memory_space<semaphore_mem>>)
        %dma_wait3A_527 = tpu.memref_slice %arg3[%add3A_62] : memref<3293184xi32, #tpu.memory_space<hbm>> -> memref<1536xi32, #tpu.memory_space<hbm>>
        %dma_wait3A_528 = tpu.memref_slice %arg3[%add3A_62] : memref<3293184xi32, #tpu.memory_space<hbm>> -> memref<1536xi32, #tpu.memory_space<hbm>>
        tpu.wait_dma2 semaphore(%run_scoped3A : memref<!tpu.dma_semaphore, #tpu.memory_space<semaphore_mem>>) src(%dma_wait3A_528 : memref<1536xi32, #tpu.memory_space<hbm>>) dst(%arg8 : memref<1536xi32, #tpu.memory_space<vmem>>)
        tpu.yield
      }) : () -> ()
      "tpu.region"() ({
        %run_scoped3A = tpu.sem_alloc : memref<!tpu.dma_semaphore, #tpu.memory_space<semaphore_mem>>
        %dma_start3A_525 = tpu.memref_slice %arg5[%multiple_of3A] : memref<1646592xf32, #tpu.memory_space<hbm>> -> memref<1536xf32, #tpu.memory_space<hbm>>
        %dma_start3A_526 = tpu.memref_slice %arg5[%multiple_of3A] : memref<1646592xf32, #tpu.memory_space<hbm>> -> memref<1536xf32, #tpu.memory_space<hbm>>
        tpu.enqueue_dma source(%dma_start3A_526 : memref<1536xf32, #tpu.memory_space<hbm>>) target(%arg10 : memref<1536xf32, #tpu.memory_space<vmem>>) target_semaphore(%run_scoped3A : memref<!tpu.dma_semaphore, #tpu.memory_space<semaphore_mem>>)
        %dma_wait3A_527 = tpu.memref_slice %arg5[%multiple_of3A] : memref<1646592xf32, #tpu.memory_space<hbm>> -> memref<1536xf32, #tpu.memory_space<hbm>>
        %dma_wait3A_528 = tpu.memref_slice %arg5[%multiple_of3A] : memref<1646592xf32, #tpu.memory_space<hbm>> -> memref<1536xf32, #tpu.memory_space<hbm>>
        tpu.wait_dma2 semaphore(%run_scoped3A : memref<!tpu.dma_semaphore, #tpu.memory_space<semaphore_mem>>) src(%dma_wait3A_528 : memref<1536xf32, #tpu.memory_space<hbm>>) dst(%arg10 : memref<1536xf32, #tpu.memory_space<vmem>>)
        tpu.yield
      }) : () -> ()
      %jit3A = arith.constant 128 : i32
      %div3A = arith.divsi %multiple_of3A, %jit3A : i32
      %sign3A = arith.constant 0 : i32
      %sign3A_63 = arith.cmpi sgt, %multiple_of3A, %sign3A : i32
      %sign3A_64 = arith.extui %sign3A_63 : i1 to i32
      %sign3A_65 = arith.constant 0 : i32
      %sign3A_66 = arith.cmpi slt, %multiple_of3A, %sign3A_65 : i32
      %sign3A_67 = arith.extui %sign3A_66 : i1 to i32
      %sign3A_68 = arith.subi %sign3A_64, %sign3A_67 : i32
      %sign3A_69 = arith.constant 0 : i32
      %sign3A_70 = arith.cmpi sgt, %jit3A, %sign3A_69 : i32
      %sign3A_71 = arith.extui %sign3A_70 : i1 to i32
      %sign3A_72 = arith.constant 0 : i32
      %sign3A_73 = arith.cmpi slt, %jit3A, %sign3A_72 : i32
      %sign3A_74 = arith.extui %sign3A_73 : i1 to i32
      %sign3A_75 = arith.subi %sign3A_71, %sign3A_74 : i32
      %ne3A = arith.cmpi ne, %sign3A_68, %sign3A_75 : i32
      %rem3A = arith.remsi %multiple_of3A, %jit3A : i32
      %ne3A_76 = arith.constant 0 : i32
      %ne3A_77 = arith.cmpi ne, %rem3A, %ne3A_76 : i32
      %and3A = arith.andi %ne3A, %ne3A_77 : i1
      %sub3A = arith.constant 1 : i32
      %sub3A_78 = arith.subi %div3A, %sub3A : i32
      %select_n3A = arith.select %and3A, %sub3A_78, %div3A : i32
      %multiple_of3A_79 = tpu.assume_multiple %select_n3A, 12 : i32
      "tpu.region"() ({
        %run_scoped3A = tpu.sem_alloc : memref<!tpu.dma_semaphore, #tpu.memory_space<semaphore_mem>>
        %dma_start3A_525 = arith.constant 0 : i32
        %dma_start3A_526 = tpu.memref_slice %arg4[%multiple_of3A_79, %dma_start3A_525] : memref<12864x128xi32, #tpu.memory_space<hbm>> -> memref<12x128xi32, #tpu.memory_space<hbm>>
        %dma_start3A_527 = arith.constant 0 : i32
        %dma_start3A_528 = tpu.memref_slice %arg4[%multiple_of3A_79, %dma_start3A_527] : memref<12864x128xi32, #tpu.memory_space<hbm>> -> memref<12x128xi32, #tpu.memory_space<hbm>>
        tpu.enqueue_dma source(%dma_start3A_528 : memref<12x128xi32, #tpu.memory_space<hbm>>) target(%arg9 : memref<12x128xi32, #tpu.memory_space<vmem>>) target_semaphore(%run_scoped3A : memref<!tpu.dma_semaphore, #tpu.memory_space<semaphore_mem>>)
        %dma_wait3A_529 = arith.constant 0 : i32
        %dma_wait3A_530 = tpu.memref_slice %arg4[%multiple_of3A_79, %dma_wait3A_529] : memref<12864x128xi32, #tpu.memory_space<hbm>> -> memref<12x128xi32, #tpu.memory_space<hbm>>
        %dma_wait3A_531 = arith.constant 0 : i32
        %dma_wait3A_532 = tpu.memref_slice %arg4[%multiple_of3A_79, %dma_wait3A_531] : memref<12864x128xi32, #tpu.memory_space<hbm>> -> memref<12x128xi32, #tpu.memory_space<hbm>>
        tpu.wait_dma2 semaphore(%run_scoped3A : memref<!tpu.dma_semaphore, #tpu.memory_space<semaphore_mem>>) src(%dma_wait3A_532 : memref<12x128xi32, #tpu.memory_space<hbm>>) dst(%arg9 : memref<12x128xi32, #tpu.memory_space<vmem>>)
        tpu.yield
      }) : () -> ()
      %dma_start3A = arith.constant 0 : i32
      %dma_start3A_80 = arith.constant 0 : i32
      %dma_start3A_81 = tpu.memref_slice %arg11[%dma_start3A, %dma_start3A_80] : memref<1536x16xf32, #tpu.memory_space<vmem>> -> memref<128x16xf32, #tpu.memory_space<vmem>>
      %dma_start3A_82 = arith.constant 0 : i32
      %dma_start3A_83 = tpu.memref_slice %arg8[%dma_start3A_82] : memref<1536xi32, #tpu.memory_space<vmem>> -> memref<128xi32, #tpu.memory_space<vmem>>
      %dma_start3A_84 = arith.constant 0 : i32
      %dma_start3A_85 = arith.constant 0 : i32
      %dma_start3A_86 = tpu.memref_slice %arg6[%dma_start3A_84, %dma_start3A_85] : memref<200192x16xf32, #tpu.memory_space<hbm>> -> memref<200192x16xf32, #tpu.memory_space<hbm>>
      tpu.enqueue_indirect_dma source(%dma_start3A_86 : memref<200192x16xf32, #tpu.memory_space<hbm>>) target(%dma_start3A_81 : memref<128x16xf32, #tpu.memory_space<vmem>>) offsets(%dma_start3A_83 : memref<128xi32, #tpu.memory_space<vmem>>) semaphore(%arg13 : memref<!tpu.dma_semaphore, #tpu.memory_space<semaphore_mem>>)
      %dma_start3A_87 = arith.constant 128 : i32
      %dma_start3A_88 = arith.constant 0 : i32
      %dma_start3A_89 = tpu.memref_slice %arg11[%dma_start3A_87, %dma_start3A_88] : memref<1536x16xf32, #tpu.memory_space<vmem>> -> memref<128x16xf32, #tpu.memory_space<vmem>>
      %dma_start3A_90 = arith.constant 128 : i32
      %dma_start3A_91 = tpu.memref_slice %arg8[%dma_start3A_90] : memref<1536xi32, #tpu.memory_space<vmem>> -> memref<128xi32, #tpu.memory_space<vmem>>
      %dma_start3A_92 = arith.constant 0 : i32
      %dma_start3A_93 = arith.constant 0 : i32
      %dma_start3A_94 = tpu.memref_slice %arg6[%dma_start3A_92, %dma_start3A_93] : memref<200192x16xf32, #tpu.memory_space<hbm>> -> memref<200192x16xf32, #tpu.memory_space<hbm>>
      tpu.enqueue_indirect_dma source(%dma_start3A_94 : memref<200192x16xf32, #tpu.memory_space<hbm>>) target(%dma_start3A_89 : memref<128x16xf32, #tpu.memory_space<vmem>>) offsets(%dma_start3A_91 : memref<128xi32, #tpu.memory_space<vmem>>) semaphore(%arg13 : memref<!tpu.dma_semaphore, #tpu.memory_space<semaphore_mem>>)
      %dma_start3A_95 = arith.constant 256 : i32
      %dma_start3A_96 = arith.constant 0 : i32
      %dma_start3A_97 = tpu.memref_slice %arg11[%dma_start3A_95, %dma_start3A_96] : memref<1536x16xf32, #tpu.memory_space<vmem>> -> memref<128x16xf32, #tpu.memory_space<vmem>>
      %dma_start3A_98 = arith.constant 256 : i32
      %dma_start3A_99 = tpu.memref_slice %arg8[%dma_start3A_98] : memref<1536xi32, #tpu.memory_space<vmem>> -> memref<128xi32, #tpu.memory_space<vmem>>
      %dma_start3A_100 = arith.constant 0 : i32
      %dma_start3A_101 = arith.constant 0 : i32
      %dma_start3A_102 = tpu.memref_slice %arg6[%dma_start3A_100, %dma_start3A_101] : memref<200192x16xf32, #tpu.memory_space<hbm>> -> memref<200192x16xf32, #tpu.memory_space<hbm>>
      tpu.enqueue_indirect_dma source(%dma_start3A_102 : memref<200192x16xf32, #tpu.memory_space<hbm>>) target(%dma_start3A_97 : memref<128x16xf32, #tpu.memory_space<vmem>>) offsets(%dma_start3A_99 : memref<128xi32, #tpu.memory_space<vmem>>) semaphore(%arg13 : memref<!tpu.dma_semaphore, #tpu.memory_space<semaphore_mem>>)
      %dma_start3A_103 = arith.constant 384 : i32
      %dma_start3A_104 = arith.constant 0 : i32
      %dma_start3A_105 = tpu.memref_slice %arg11[%dma_start3A_103, %dma_start3A_104] : memref<1536x16xf32, #tpu.memory_space<vmem>> -> memref<128x16xf32, #tpu.memory_space<vmem>>
      %dma_start3A_106 = arith.constant 384 : i32
      %dma_start3A_107 = tpu.memref_slice %arg8[%dma_start3A_106] : memref<1536xi32, #tpu.memory_space<vmem>> -> memref<128xi32, #tpu.memory_space<vmem>>
      %dma_start3A_108 = arith.constant 0 : i32
      %dma_start3A_109 = arith.constant 0 : i32
      %dma_start3A_110 = tpu.memref_slice %arg6[%dma_start3A_108, %dma_start3A_109] : memref<200192x16xf32, #tpu.memory_space<hbm>> -> memref<200192x16xf32, #tpu.memory_space<hbm>>
      tpu.enqueue_indirect_dma source(%dma_start3A_110 : memref<200192x16xf32, #tpu.memory_space<hbm>>) target(%dma_start3A_105 : memref<128x16xf32, #tpu.memory_space<vmem>>) offsets(%dma_start3A_107 : memref<128xi32, #tpu.memory_space<vmem>>) semaphore(%arg13 : memref<!tpu.dma_semaphore, #tpu.memory_space<semaphore_mem>>)
      %dma_start3A_111 = arith.constant 512 : i32
      %dma_start3A_112 = arith.constant 0 : i32
      %dma_start3A_113 = tpu.memref_slice %arg11[%dma_start3A_111, %dma_start3A_112] : memref<1536x16xf32, #tpu.memory_space<vmem>> -> memref<128x16xf32, #tpu.memory_space<vmem>>
      %dma_start3A_114 = arith.constant 512 : i32
      %dma_start3A_115 = tpu.memref_slice %arg8[%dma_start3A_114] : memref<1536xi32, #tpu.memory_space<vmem>> -> memref<128xi32, #tpu.memory_space<vmem>>
      %dma_start3A_116 = arith.constant 0 : i32
      %dma_start3A_117 = arith.constant 0 : i32
      %dma_start3A_118 = tpu.memref_slice %arg6[%dma_start3A_116, %dma_start3A_117] : memref<200192x16xf32, #tpu.memory_space<hbm>> -> memref<200192x16xf32, #tpu.memory_space<hbm>>
      tpu.enqueue_indirect_dma source(%dma_start3A_118 : memref<200192x16xf32, #tpu.memory_space<hbm>>) target(%dma_start3A_113 : memref<128x16xf32, #tpu.memory_space<vmem>>) offsets(%dma_start3A_115 : memref<128xi32, #tpu.memory_space<vmem>>) semaphore(%arg13 : memref<!tpu.dma_semaphore, #tpu.memory_space<semaphore_mem>>)
      %dma_start3A_119 = arith.constant 640 : i32
      %dma_start3A_120 = arith.constant 0 : i32
      %dma_start3A_121 = tpu.memref_slice %arg11[%dma_start3A_119, %dma_start3A_120] : memref<1536x16xf32, #tpu.memory_space<vmem>> -> memref<128x16xf32, #tpu.memory_space<vmem>>
      %dma_start3A_122 = arith.constant 640 : i32
      %dma_start3A_123 = tpu.memref_slice %arg8[%dma_start3A_122] : memref<1536xi32, #tpu.memory_space<vmem>> -> memref<128xi32, #tpu.memory_space<vmem>>
      %dma_start3A_124 = arith.constant 0 : i32
      %dma_start3A_125 = arith.constant 0 : i32
      %dma_start3A_126 = tpu.memref_slice %arg6[%dma_start3A_124, %dma_start3A_125] : memref<200192x16xf32, #tpu.memory_space<hbm>> -> memref<200192x16xf32, #tpu.memory_space<hbm>>
      tpu.enqueue_indirect_dma source(%dma_start3A_126 : memref<200192x16xf32, #tpu.memory_space<hbm>>) target(%dma_start3A_121 : memref<128x16xf32, #tpu.memory_space<vmem>>) offsets(%dma_start3A_123 : memref<128xi32, #tpu.memory_space<vmem>>) semaphore(%arg13 : memref<!tpu.dma_semaphore, #tpu.memory_space<semaphore_mem>>)
      %dma_start3A_127 = arith.constant 768 : i32
      %dma_start3A_128 = arith.constant 0 : i32
      %dma_start3A_129 = tpu.memref_slice %arg11[%dma_start3A_127, %dma_start3A_128] : memref<1536x16xf32, #tpu.memory_space<vmem>> -> memref<128x16xf32, #tpu.memory_space<vmem>>
      %dma_start3A_130 = arith.constant 768 : i32
      %dma_start3A_131 = tpu.memref_slice %arg8[%dma_start3A_130] : memref<1536xi32, #tpu.memory_space<vmem>> -> memref<128xi32, #tpu.memory_space<vmem>>
      %dma_start3A_132 = arith.constant 0 : i32
      %dma_start3A_133 = arith.constant 0 : i32
      %dma_start3A_134 = tpu.memref_slice %arg6[%dma_start3A_132, %dma_start3A_133] : memref<200192x16xf32, #tpu.memory_space<hbm>> -> memref<200192x16xf32, #tpu.memory_space<hbm>>
      tpu.enqueue_indirect_dma source(%dma_start3A_134 : memref<200192x16xf32, #tpu.memory_space<hbm>>) target(%dma_start3A_129 : memref<128x16xf32, #tpu.memory_space<vmem>>) offsets(%dma_start3A_131 : memref<128xi32, #tpu.memory_space<vmem>>) semaphore(%arg14 : memref<!tpu.dma_semaphore, #tpu.memory_space<semaphore_mem>>)
      %dma_start3A_135 = arith.constant 896 : i32
      %dma_start3A_136 = arith.constant 0 : i32
      %dma_start3A_137 = tpu.memref_slice %arg11[%dma_start3A_135, %dma_start3A_136] : memref<1536x16xf32, #tpu.memory_space<vmem>> -> memref<128x16xf32, #tpu.memory_space<vmem>>
      %dma_start3A_138 = arith.constant 896 : i32
      %dma_start3A_139 = tpu.memref_slice %arg8[%dma_start3A_138] : memref<1536xi32, #tpu.memory_space<vmem>> -> memref<128xi32, #tpu.memory_space<vmem>>
      %dma_start3A_140 = arith.constant 0 : i32
      %dma_start3A_141 = arith.constant 0 : i32
      %dma_start3A_142 = tpu.memref_slice %arg6[%dma_start3A_140, %dma_start3A_141] : memref<200192x16xf32, #tpu.memory_space<hbm>> -> memref<200192x16xf32, #tpu.memory_space<hbm>>
      tpu.enqueue_indirect_dma source(%dma_start3A_142 : memref<200192x16xf32, #tpu.memory_space<hbm>>) target(%dma_start3A_137 : memref<128x16xf32, #tpu.memory_space<vmem>>) offsets(%dma_start3A_139 : memref<128xi32, #tpu.memory_space<vmem>>) semaphore(%arg14 : memref<!tpu.dma_semaphore, #tpu.memory_space<semaphore_mem>>)
      %dma_start3A_143 = arith.constant 1024 : i32
      %dma_start3A_144 = arith.constant 0 : i32
      %dma_start3A_145 = tpu.memref_slice %arg11[%dma_start3A_143, %dma_start3A_144] : memref<1536x16xf32, #tpu.memory_space<vmem>> -> memref<128x16xf32, #tpu.memory_space<vmem>>
      %dma_start3A_146 = arith.constant 1024 : i32
      %dma_start3A_147 = tpu.memref_slice %arg8[%dma_start3A_146] : memref<1536xi32, #tpu.memory_space<vmem>> -> memref<128xi32, #tpu.memory_space<vmem>>
      %dma_start3A_148 = arith.constant 0 : i32
      %dma_start3A_149 = arith.constant 0 : i32
      %dma_start3A_150 = tpu.memref_slice %arg6[%dma_start3A_148, %dma_start3A_149] : memref<200192x16xf32, #tpu.memory_space<hbm>> -> memref<200192x16xf32, #tpu.memory_space<hbm>>
      tpu.enqueue_indirect_dma source(%dma_start3A_150 : memref<200192x16xf32, #tpu.memory_space<hbm>>) target(%dma_start3A_145 : memref<128x16xf32, #tpu.memory_space<vmem>>) offsets(%dma_start3A_147 : memref<128xi32, #tpu.memory_space<vmem>>) semaphore(%arg14 : memref<!tpu.dma_semaphore, #tpu.memory_space<semaphore_mem>>)
      %dma_start3A_151 = arith.constant 1152 : i32
      %dma_start3A_152 = arith.constant 0 : i32
      %dma_start3A_153 = tpu.memref_slice %arg11[%dma_start3A_151, %dma_start3A_152] : memref<1536x16xf32, #tpu.memory_space<vmem>> -> memref<128x16xf32, #tpu.memory_space<vmem>>
      %dma_start3A_154 = arith.constant 1152 : i32
      %dma_start3A_155 = tpu.memref_slice %arg8[%dma_start3A_154] : memref<1536xi32, #tpu.memory_space<vmem>> -> memref<128xi32, #tpu.memory_space<vmem>>
      %dma_start3A_156 = arith.constant 0 : i32
      %dma_start3A_157 = arith.constant 0 : i32
      %dma_start3A_158 = tpu.memref_slice %arg6[%dma_start3A_156, %dma_start3A_157] : memref<200192x16xf32, #tpu.memory_space<hbm>> -> memref<200192x16xf32, #tpu.memory_space<hbm>>
      tpu.enqueue_indirect_dma source(%dma_start3A_158 : memref<200192x16xf32, #tpu.memory_space<hbm>>) target(%dma_start3A_153 : memref<128x16xf32, #tpu.memory_space<vmem>>) offsets(%dma_start3A_155 : memref<128xi32, #tpu.memory_space<vmem>>) semaphore(%arg14 : memref<!tpu.dma_semaphore, #tpu.memory_space<semaphore_mem>>)
      %dma_start3A_159 = arith.constant 1280 : i32
      %dma_start3A_160 = arith.constant 0 : i32
      %dma_start3A_161 = tpu.memref_slice %arg11[%dma_start3A_159, %dma_start3A_160] : memref<1536x16xf32, #tpu.memory_space<vmem>> -> memref<128x16xf32, #tpu.memory_space<vmem>>
      %dma_start3A_162 = arith.constant 1280 : i32
      %dma_start3A_163 = tpu.memref_slice %arg8[%dma_start3A_162] : memref<1536xi32, #tpu.memory_space<vmem>> -> memref<128xi32, #tpu.memory_space<vmem>>
      %dma_start3A_164 = arith.constant 0 : i32
      %dma_start3A_165 = arith.constant 0 : i32
      %dma_start3A_166 = tpu.memref_slice %arg6[%dma_start3A_164, %dma_start3A_165] : memref<200192x16xf32, #tpu.memory_space<hbm>> -> memref<200192x16xf32, #tpu.memory_space<hbm>>
      tpu.enqueue_indirect_dma source(%dma_start3A_166 : memref<200192x16xf32, #tpu.memory_space<hbm>>) target(%dma_start3A_161 : memref<128x16xf32, #tpu.memory_space<vmem>>) offsets(%dma_start3A_163 : memref<128xi32, #tpu.memory_space<vmem>>) semaphore(%arg14 : memref<!tpu.dma_semaphore, #tpu.memory_space<semaphore_mem>>)
      %dma_start3A_167 = arith.constant 1408 : i32
      %dma_start3A_168 = arith.constant 0 : i32
      %dma_start3A_169 = tpu.memref_slice %arg11[%dma_start3A_167, %dma_start3A_168] : memref<1536x16xf32, #tpu.memory_space<vmem>> -> memref<128x16xf32, #tpu.memory_space<vmem>>
      %dma_start3A_170 = arith.constant 1408 : i32
      %dma_start3A_171 = tpu.memref_slice %arg8[%dma_start3A_170] : memref<1536xi32, #tpu.memory_space<vmem>> -> memref<128xi32, #tpu.memory_space<vmem>>
      %dma_start3A_172 = arith.constant 0 : i32
      %dma_start3A_173 = arith.constant 0 : i32
      %dma_start3A_174 = tpu.memref_slice %arg6[%dma_start3A_172, %dma_start3A_173] : memref<200192x16xf32, #tpu.memory_space<hbm>> -> memref<200192x16xf32, #tpu.memory_space<hbm>>
      tpu.enqueue_indirect_dma source(%dma_start3A_174 : memref<200192x16xf32, #tpu.memory_space<hbm>>) target(%dma_start3A_169 : memref<128x16xf32, #tpu.memory_space<vmem>>) offsets(%dma_start3A_171 : memref<128xi32, #tpu.memory_space<vmem>>) semaphore(%arg14 : memref<!tpu.dma_semaphore, #tpu.memory_space<semaphore_mem>>)
      %dma_wait3A = arith.constant 0 : i32
      %dma_wait3A_175 = arith.constant 0 : i32
      %dma_wait3A_176 = tpu.memref_slice %arg11[%dma_wait3A, %dma_wait3A_175] : memref<1536x16xf32, #tpu.memory_space<vmem>> -> memref<128x16xf32, #tpu.memory_space<vmem>>
      %dma_wait3A_177 = arith.constant 0 : i32
      %dma_wait3A_178 = tpu.memref_slice %arg8[%dma_wait3A_177] : memref<1536xi32, #tpu.memory_space<vmem>> -> memref<128xi32, #tpu.memory_space<vmem>>
      %dma_wait3A_179 = arith.constant 0 : i32
      %dma_wait3A_180 = arith.constant 0 : i32
      %dma_wait3A_181 = tpu.memref_slice %arg6[%dma_wait3A_179, %dma_wait3A_180] : memref<200192x16xf32, #tpu.memory_space<hbm>> -> memref<200192x16xf32, #tpu.memory_space<hbm>>
      tpu.wait_indirect_dma semaphore(%arg13 : memref<!tpu.dma_semaphore, #tpu.memory_space<semaphore_mem>>) src(%dma_wait3A_181 : memref<200192x16xf32, #tpu.memory_space<hbm>>) dst(%dma_wait3A_176 : memref<128x16xf32, #tpu.memory_space<vmem>>)
      %dma_wait3A_182 = arith.constant 128 : i32
      %dma_wait3A_183 = arith.constant 0 : i32
      %dma_wait3A_184 = tpu.memref_slice %arg11[%dma_wait3A_182, %dma_wait3A_183] : memref<1536x16xf32, #tpu.memory_space<vmem>> -> memref<128x16xf32, #tpu.memory_space<vmem>>
      %dma_wait3A_185 = arith.constant 128 : i32
      %dma_wait3A_186 = tpu.memref_slice %arg8[%dma_wait3A_185] : memref<1536xi32, #tpu.memory_space<vmem>> -> memref<128xi32, #tpu.memory_space<vmem>>
      %dma_wait3A_187 = arith.constant 0 : i32
      %dma_wait3A_188 = arith.constant 0 : i32
      %dma_wait3A_189 = tpu.memref_slice %arg6[%dma_wait3A_187, %dma_wait3A_188] : memref<200192x16xf32, #tpu.memory_space<hbm>> -> memref<200192x16xf32, #tpu.memory_space<hbm>>
      tpu.wait_indirect_dma semaphore(%arg13 : memref<!tpu.dma_semaphore, #tpu.memory_space<semaphore_mem>>) src(%dma_wait3A_189 : memref<200192x16xf32, #tpu.memory_space<hbm>>) dst(%dma_wait3A_184 : memref<128x16xf32, #tpu.memory_space<vmem>>)
      %dma_wait3A_190 = arith.constant 256 : i32
      %dma_wait3A_191 = arith.constant 0 : i32
      %dma_wait3A_192 = tpu.memref_slice %arg11[%dma_wait3A_190, %dma_wait3A_191] : memref<1536x16xf32, #tpu.memory_space<vmem>> -> memref<128x16xf32, #tpu.memory_space<vmem>>
      %dma_wait3A_193 = arith.constant 256 : i32
      %dma_wait3A_194 = tpu.memref_slice %arg8[%dma_wait3A_193] : memref<1536xi32, #tpu.memory_space<vmem>> -> memref<128xi32, #tpu.memory_space<vmem>>
      %dma_wait3A_195 = arith.constant 0 : i32
      %dma_wait3A_196 = arith.constant 0 : i32
      %dma_wait3A_197 = tpu.memref_slice %arg6[%dma_wait3A_195, %dma_wait3A_196] : memref<200192x16xf32, #tpu.memory_space<hbm>> -> memref<200192x16xf32, #tpu.memory_space<hbm>>
      tpu.wait_indirect_dma semaphore(%arg13 : memref<!tpu.dma_semaphore, #tpu.memory_space<semaphore_mem>>) src(%dma_wait3A_197 : memref<200192x16xf32, #tpu.memory_space<hbm>>) dst(%dma_wait3A_192 : memref<128x16xf32, #tpu.memory_space<vmem>>)
      %dma_wait3A_198 = arith.constant 384 : i32
      %dma_wait3A_199 = arith.constant 0 : i32
      %dma_wait3A_200 = tpu.memref_slice %arg11[%dma_wait3A_198, %dma_wait3A_199] : memref<1536x16xf32, #tpu.memory_space<vmem>> -> memref<128x16xf32, #tpu.memory_space<vmem>>
      %dma_wait3A_201 = arith.constant 384 : i32
      %dma_wait3A_202 = tpu.memref_slice %arg8[%dma_wait3A_201] : memref<1536xi32, #tpu.memory_space<vmem>> -> memref<128xi32, #tpu.memory_space<vmem>>
      %dma_wait3A_203 = arith.constant 0 : i32
      %dma_wait3A_204 = arith.constant 0 : i32
      %dma_wait3A_205 = tpu.memref_slice %arg6[%dma_wait3A_203, %dma_wait3A_204] : memref<200192x16xf32, #tpu.memory_space<hbm>> -> memref<200192x16xf32, #tpu.memory_space<hbm>>
      tpu.wait_indirect_dma semaphore(%arg13 : memref<!tpu.dma_semaphore, #tpu.memory_space<semaphore_mem>>) src(%dma_wait3A_205 : memref<200192x16xf32, #tpu.memory_space<hbm>>) dst(%dma_wait3A_200 : memref<128x16xf32, #tpu.memory_space<vmem>>)
      %dma_wait3A_206 = arith.constant 512 : i32
      %dma_wait3A_207 = arith.constant 0 : i32
      %dma_wait3A_208 = tpu.memref_slice %arg11[%dma_wait3A_206, %dma_wait3A_207] : memref<1536x16xf32, #tpu.memory_space<vmem>> -> memref<128x16xf32, #tpu.memory_space<vmem>>
      %dma_wait3A_209 = arith.constant 512 : i32
      %dma_wait3A_210 = tpu.memref_slice %arg8[%dma_wait3A_209] : memref<1536xi32, #tpu.memory_space<vmem>> -> memref<128xi32, #tpu.memory_space<vmem>>
      %dma_wait3A_211 = arith.constant 0 : i32
      %dma_wait3A_212 = arith.constant 0 : i32
      %dma_wait3A_213 = tpu.memref_slice %arg6[%dma_wait3A_211, %dma_wait3A_212] : memref<200192x16xf32, #tpu.memory_space<hbm>> -> memref<200192x16xf32, #tpu.memory_space<hbm>>
      tpu.wait_indirect_dma semaphore(%arg13 : memref<!tpu.dma_semaphore, #tpu.memory_space<semaphore_mem>>) src(%dma_wait3A_213 : memref<200192x16xf32, #tpu.memory_space<hbm>>) dst(%dma_wait3A_208 : memref<128x16xf32, #tpu.memory_space<vmem>>)
      %dma_wait3A_214 = arith.constant 640 : i32
      %dma_wait3A_215 = arith.constant 0 : i32
      %dma_wait3A_216 = tpu.memref_slice %arg11[%dma_wait3A_214, %dma_wait3A_215] : memref<1536x16xf32, #tpu.memory_space<vmem>> -> memref<128x16xf32, #tpu.memory_space<vmem>>
      %dma_wait3A_217 = arith.constant 640 : i32
      %dma_wait3A_218 = tpu.memref_slice %arg8[%dma_wait3A_217] : memref<1536xi32, #tpu.memory_space<vmem>> -> memref<128xi32, #tpu.memory_space<vmem>>
      %dma_wait3A_219 = arith.constant 0 : i32
      %dma_wait3A_220 = arith.constant 0 : i32
      %dma_wait3A_221 = tpu.memref_slice %arg6[%dma_wait3A_219, %dma_wait3A_220] : memref<200192x16xf32, #tpu.memory_space<hbm>> -> memref<200192x16xf32, #tpu.memory_space<hbm>>
      tpu.wait_indirect_dma semaphore(%arg13 : memref<!tpu.dma_semaphore, #tpu.memory_space<semaphore_mem>>) src(%dma_wait3A_221 : memref<200192x16xf32, #tpu.memory_space<hbm>>) dst(%dma_wait3A_216 : memref<128x16xf32, #tpu.memory_space<vmem>>)
      %scan3A_222 = arith.constant 0 : i32
      %scan3A_223 = arith.constant 0 : i32
      %scan3A_224 = arith.constant 48 : i32
      %scan3A_225 = arith.addi %scan3A_223, %scan3A_224 : i32
      %scan3A_226 = arith.constant 1 : i32
      %scan3A_227 = scf.for %scan3A_525 = %scan3A_223 to %scan3A_225 step %scan3A_226 iter_args(%scan3A_526 = %scan3A_222) -> (i32)  : i32 {
        %mul3A_527 = arith.constant 16 : i32
        %mul3A_528 = arith.muli %scan3A_525, %mul3A_527 : i32
        %add3A_529 = arith.constant 0 : i32
        %add3A_530 = arith.addi %add3A_529, %mul3A_528 : i32
        %multiple_of3A_531 = tpu.assume_multiple %add3A_530, 16 : i32
        %get3A = arith.index_cast %multiple_of3A_531 : i32 to index
        %get3A_532 = tpu.vector_load %arg10[%get3A] {strides = array<i32>} : memref<1536xf32, #tpu.memory_space<vmem>>, vector<16xf32>,
        %get3A_533 = vector.shape_cast %get3A_532 : vector<16xf32> to vector<16xf32>
        %add3A_534 = arith.constant 0 : i32
        %add3A_535 = arith.addi %multiple_of3A_531, %add3A_534 : i32
        %get3A_536 = arith.index_cast %add3A_535 : i32 to index
        %get3A_537 = arith.constant 0 : index
        %get3A_538 = tpu.vector_load %arg11[%get3A_536, %get3A_537] {strides = array<i32>} : memref<1536x16xf32, #tpu.memory_space<vmem>>, vector<1x16xf32>,
        %get3A_539 = vector.shape_cast %get3A_538 : vector<1x16xf32> to vector<16xf32>
        %slice3A = vector.extract_strided_slice %get3A_533 {offsets = [0], sizes = [1], strides = [1]} : vector<16xf32> to vector<1xf32>
        %squeeze3A = vector.extract %slice3A[0] : f32 from vector<1xf32>
        %mul3A_540 = vector.broadcast %squeeze3A : f32 to vector<16xf32>
        %mul3A_541 = arith.mulf %get3A_539, %mul3A_540 : vector<16xf32>
        %add3A_542 = arith.constant 0 : i32
        %add3A_543 = arith.addi %multiple_of3A_531, %add3A_542 : i32
        %swap3A = arith.index_cast %add3A_543 : i32 to index
        %swap3A_544 = arith.constant 0 : index
        %swap3A_545 = tpu.vector_load %arg11[%swap3A, %swap3A_544] {strides = array<i32>} : memref<1536x16xf32, #tpu.memory_space<vmem>>, vector<1x16xf32>,
        %swap3A_546 = vector.shape_cast %swap3A_545 : vector<1x16xf32> to vector<16xf32>
        %swap3A_547 = vector.shape_cast %mul3A_541 : vector<16xf32> to vector<1x16xf32>
        tpu.vector_store %arg11[%swap3A, %swap3A_544], %swap3A_547 {strides = array<i32>} : memref<1536x16xf32, #tpu.memory_space<vmem>>, vector<1x16xf32>,
        %add3A_548 = arith.constant 1 : i32
        %add3A_549 = arith.addi %multiple_of3A_531, %add3A_548 : i32
        %get3A_550 = arith.index_cast %add3A_549 : i32 to index
        %get3A_551 = arith.constant 0 : index
        %get3A_552 = tpu.vector_load %arg11[%get3A_550, %get3A_551] {strides = array<i32>} : memref<1536x16xf32, #tpu.memory_space<vmem>>, vector<1x16xf32>,
        %get3A_553 = vector.shape_cast %get3A_552 : vector<1x16xf32> to vector<16xf32>
        %slice3A_554 = vector.extract_strided_slice %get3A_533 {offsets = [1], sizes = [1], strides = [1]} : vector<16xf32> to vector<1xf32>
        %squeeze3A_555 = vector.extract %slice3A_554[0] : f32 from vector<1xf32>
        %mul3A_556 = vector.broadcast %squeeze3A_555 : f32 to vector<16xf32>
        %mul3A_557 = arith.mulf %get3A_553, %mul3A_556 : vector<16xf32>
        %add3A_558 = arith.constant 1 : i32
        %add3A_559 = arith.addi %multiple_of3A_531, %add3A_558 : i32
        %swap3A_560 = arith.index_cast %add3A_559 : i32 to index
        %swap3A_561 = arith.constant 0 : index
        %swap3A_562 = tpu.vector_load %arg11[%swap3A_560, %swap3A_561] {strides = array<i32>} : memref<1536x16xf32, #tpu.memory_space<vmem>>, vector<1x16xf32>,
        %swap3A_563 = vector.shape_cast %swap3A_562 : vector<1x16xf32> to vector<16xf32>
        %swap3A_564 = vector.shape_cast %mul3A_557 : vector<16xf32> to vector<1x16xf32>
        tpu.vector_store %arg11[%swap3A_560, %swap3A_561], %swap3A_564 {strides = array<i32>} : memref<1536x16xf32, #tpu.memory_space<vmem>>, vector<1x16xf32>,
        %add3A_565 = arith.constant 2 : i32
        %add3A_566 = arith.addi %multiple_of3A_531, %add3A_565 : i32
        %get3A_567 = arith.index_cast %add3A_566 : i32 to index
        %get3A_568 = arith.constant 0 : index
        %get3A_569 = tpu.vector_load %arg11[%get3A_567, %get3A_568] {strides = array<i32>} : memref<1536x16xf32, #tpu.memory_space<vmem>>, vector<1x16xf32>,
        %get3A_570 = vector.shape_cast %get3A_569 : vector<1x16xf32> to vector<16xf32>
        %slice3A_571 = vector.extract_strided_slice %get3A_533 {offsets = [2], sizes = [1], strides = [1]} : vector<16xf32> to vector<1xf32>
        %squeeze3A_572 = vector.extract %slice3A_571[0] : f32 from vector<1xf32>
        %mul3A_573 = vector.broadcast %squeeze3A_572 : f32 to vector<16xf32>
        %mul3A_574 = arith.mulf %get3A_570, %mul3A_573 : vector<16xf32>
        %add3A_575 = arith.constant 2 : i32
        %add3A_576 = arith.addi %multiple_of3A_531, %add3A_575 : i32
        %swap3A_577 = arith.index_cast %add3A_576 : i32 to index
        %swap3A_578 = arith.constant 0 : index
        %swap3A_579 = tpu.vector_load %arg11[%swap3A_577, %swap3A_578] {strides = array<i32>} : memref<1536x16xf32, #tpu.memory_space<vmem>>, vector<1x16xf32>,
        %swap3A_580 = vector.shape_cast %swap3A_579 : vector<1x16xf32> to vector<16xf32>
        %swap3A_581 = vector.shape_cast %mul3A_574 : vector<16xf32> to vector<1x16xf32>
        tpu.vector_store %arg11[%swap3A_577, %swap3A_578], %swap3A_581 {strides = array<i32>} : memref<1536x16xf32, #tpu.memory_space<vmem>>, vector<1x16xf32>,
        %add3A_582 = arith.constant 3 : i32
        %add3A_583 = arith.addi %multiple_of3A_531, %add3A_582 : i32
        %get3A_584 = arith.index_cast %add3A_583 : i32 to index
        %get3A_585 = arith.constant 0 : index
        %get3A_586 = tpu.vector_load %arg11[%get3A_584, %get3A_585] {strides = array<i32>} : memref<1536x16xf32, #tpu.memory_space<vmem>>, vector<1x16xf32>,
        %get3A_587 = vector.shape_cast %get3A_586 : vector<1x16xf32> to vector<16xf32>
        %slice3A_588 = vector.extract_strided_slice %get3A_533 {offsets = [3], sizes = [1], strides = [1]} : vector<16xf32> to vector<1xf32>
        %squeeze3A_589 = vector.extract %slice3A_588[0] : f32 from vector<1xf32>
        %mul3A_590 = vector.broadcast %squeeze3A_589 : f32 to vector<16xf32>
        %mul3A_591 = arith.mulf %get3A_587, %mul3A_590 : vector<16xf32>
        %add3A_592 = arith.constant 3 : i32
        %add3A_593 = arith.addi %multiple_of3A_531, %add3A_592 : i32
        %swap3A_594 = arith.index_cast %add3A_593 : i32 to index
        %swap3A_595 = arith.constant 0 : index
        %swap3A_596 = tpu.vector_load %arg11[%swap3A_594, %swap3A_595] {strides = array<i32>} : memref<1536x16xf32, #tpu.memory_space<vmem>>, vector<1x16xf32>,
        %swap3A_597 = vector.shape_cast %swap3A_596 : vector<1x16xf32> to vector<16xf32>
        %swap3A_598 = vector.shape_cast %mul3A_591 : vector<16xf32> to vector<1x16xf32>
        tpu.vector_store %arg11[%swap3A_594, %swap3A_595], %swap3A_598 {strides = array<i32>} : memref<1536x16xf32, #tpu.memory_space<vmem>>, vector<1x16xf32>,
        %add3A_599 = arith.constant 4 : i32
        %add3A_600 = arith.addi %multiple_of3A_531, %add3A_599 : i32
        %get3A_601 = arith.index_cast %add3A_600 : i32 to index
        %get3A_602 = arith.constant 0 : index
        %get3A_603 = tpu.vector_load %arg11[%get3A_601, %get3A_602] {strides = array<i32>} : memref<1536x16xf32, #tpu.memory_space<vmem>>, vector<1x16xf32>,
        %get3A_604 = vector.shape_cast %get3A_603 : vector<1x16xf32> to vector<16xf32>
        %slice3A_605 = vector.extract_strided_slice %get3A_533 {offsets = [4], sizes = [1], strides = [1]} : vector<16xf32> to vector<1xf32>
        %squeeze3A_606 = vector.extract %slice3A_605[0] : f32 from vector<1xf32>
        %mul3A_607 = vector.broadcast %squeeze3A_606 : f32 to vector<16xf32>
        %mul3A_608 = arith.mulf %get3A_604, %mul3A_607 : vector<16xf32>
        %add3A_609 = arith.constant 4 : i32
        %add3A_610 = arith.addi %multiple_of3A_531, %add3A_609 : i32
        %swap3A_611 = arith.index_cast %add3A_610 : i32 to index
        %swap3A_612 = arith.constant 0 : index
        %swap3A_613 = tpu.vector_load %arg11[%swap3A_611, %swap3A_612] {strides = array<i32>} : memref<1536x16xf32, #tpu.memory_space<vmem>>, vector<1x16xf32>,
        %swap3A_614 = vector.shape_cast %swap3A_613 : vector<1x16xf32> to vector<16xf32>
        %swap3A_615 = vector.shape_cast %mul3A_608 : vector<16xf32> to vector<1x16xf32>
        tpu.vector_store %arg11[%swap3A_611, %swap3A_612], %swap3A_615 {strides = array<i32>} : memref<1536x16xf32, #tpu.memory_space<vmem>>, vector<1x16xf32>,
        %add3A_616 = arith.constant 5 : i32
        %add3A_617 = arith.addi %multiple_of3A_531, %add3A_616 : i32
        %get3A_618 = arith.index_cast %add3A_617 : i32 to index
        %get3A_619 = arith.constant 0 : index
        %get3A_620 = tpu.vector_load %arg11[%get3A_618, %get3A_619] {strides = array<i32>} : memref<1536x16xf32, #tpu.memory_space<vmem>>, vector<1x16xf32>,
        %get3A_621 = vector.shape_cast %get3A_620 : vector<1x16xf32> to vector<16xf32>
        %slice3A_622 = vector.extract_strided_slice %get3A_533 {offsets = [5], sizes = [1], strides = [1]} : vector<16xf32> to vector<1xf32>
        %squeeze3A_623 = vector.extract %slice3A_622[0] : f32 from vector<1xf32>
        %mul3A_624 = vector.broadcast %squeeze3A_623 : f32 to vector<16xf32>
        %mul3A_625 = arith.mulf %get3A_621, %mul3A_624 : vector<16xf32>
        %add3A_626 = arith.constant 5 : i32
        %add3A_627 = arith.addi %multiple_of3A_531, %add3A_626 : i32
        %swap3A_628 = arith.index_cast %add3A_627 : i32 to index
        %swap3A_629 = arith.constant 0 : index
        %swap3A_630 = tpu.vector_load %arg11[%swap3A_628, %swap3A_629] {strides = array<i32>} : memref<1536x16xf32, #tpu.memory_space<vmem>>, vector<1x16xf32>,
        %swap3A_631 = vector.shape_cast %swap3A_630 : vector<1x16xf32> to vector<16xf32>
        %swap3A_632 = vector.shape_cast %mul3A_625 : vector<16xf32> to vector<1x16xf32>
        tpu.vector_store %arg11[%swap3A_628, %swap3A_629], %swap3A_632 {strides = array<i32>} : memref<1536x16xf32, #tpu.memory_space<vmem>>, vector<1x16xf32>,
        %add3A_633 = arith.constant 6 : i32
        %add3A_634 = arith.addi %multiple_of3A_531, %add3A_633 : i32
        %get3A_635 = arith.index_cast %add3A_634 : i32 to index
        %get3A_636 = arith.constant 0 : index
        %get3A_637 = tpu.vector_load %arg11[%get3A_635, %get3A_636] {strides = array<i32>} : memref<1536x16xf32, #tpu.memory_space<vmem>>, vector<1x16xf32>,
        %get3A_638 = vector.shape_cast %get3A_637 : vector<1x16xf32> to vector<16xf32>
        %slice3A_639 = vector.extract_strided_slice %get3A_533 {offsets = [6], sizes = [1], strides = [1]} : vector<16xf32> to vector<1xf32>
        %squeeze3A_640 = vector.extract %slice3A_639[0] : f32 from vector<1xf32>
        %mul3A_641 = vector.broadcast %squeeze3A_640 : f32 to vector<16xf32>
        %mul3A_642 = arith.mulf %get3A_638, %mul3A_641 : vector<16xf32>
        %add3A_643 = arith.constant 6 : i32
        %add3A_644 = arith.addi %multiple_of3A_531, %add3A_643 : i32
        %swap3A_645 = arith.index_cast %add3A_644 : i32 to index
        %swap3A_646 = arith.constant 0 : index
        %swap3A_647 = tpu.vector_load %arg11[%swap3A_645, %swap3A_646] {strides = array<i32>} : memref<1536x16xf32, #tpu.memory_space<vmem>>, vector<1x16xf32>,
        %swap3A_648 = vector.shape_cast %swap3A_647 : vector<1x16xf32> to vector<16xf32>
        %swap3A_649 = vector.shape_cast %mul3A_642 : vector<16xf32> to vector<1x16xf32>
        tpu.vector_store %arg11[%swap3A_645, %swap3A_646], %swap3A_649 {strides = array<i32>} : memref<1536x16xf32, #tpu.memory_space<vmem>>, vector<1x16xf32>,
        %add3A_650 = arith.constant 7 : i32
        %add3A_651 = arith.addi %multiple_of3A_531, %add3A_650 : i32
        %get3A_652 = arith.index_cast %add3A_651 : i32 to index
        %get3A_653 = arith.constant 0 : index
        %get3A_654 = tpu.vector_load %arg11[%get3A_652, %get3A_653] {strides = array<i32>} : memref<1536x16xf32, #tpu.memory_space<vmem>>, vector<1x16xf32>,
        %get3A_655 = vector.shape_cast %get3A_654 : vector<1x16xf32> to vector<16xf32>
        %slice3A_656 = vector.extract_strided_slice %get3A_533 {offsets = [7], sizes = [1], strides = [1]} : vector<16xf32> to vector<1xf32>
        %squeeze3A_657 = vector.extract %slice3A_656[0] : f32 from vector<1xf32>
        %mul3A_658 = vector.broadcast %squeeze3A_657 : f32 to vector<16xf32>
        %mul3A_659 = arith.mulf %get3A_655, %mul3A_658 : vector<16xf32>
        %add3A_660 = arith.constant 7 : i32
        %add3A_661 = arith.addi %multiple_of3A_531, %add3A_660 : i32
        %swap3A_662 = arith.index_cast %add3A_661 : i32 to index
        %swap3A_663 = arith.constant 0 : index
        %swap3A_664 = tpu.vector_load %arg11[%swap3A_662, %swap3A_663] {strides = array<i32>} : memref<1536x16xf32, #tpu.memory_space<vmem>>, vector<1x16xf32>,
        %swap3A_665 = vector.shape_cast %swap3A_664 : vector<1x16xf32> to vector<16xf32>
        %swap3A_666 = vector.shape_cast %mul3A_659 : vector<16xf32> to vector<1x16xf32>
        tpu.vector_store %arg11[%swap3A_662, %swap3A_663], %swap3A_666 {strides = array<i32>} : memref<1536x16xf32, #tpu.memory_space<vmem>>, vector<1x16xf32>,
        %add3A_667 = arith.constant 8 : i32
        %add3A_668 = arith.addi %multiple_of3A_531, %add3A_667 : i32
        %get3A_669 = arith.index_cast %add3A_668 : i32 to index
        %get3A_670 = arith.constant 0 : index
        %get3A_671 = tpu.vector_load %arg11[%get3A_669, %get3A_670] {strides = array<i32>} : memref<1536x16xf32, #tpu.memory_space<vmem>>, vector<1x16xf32>,
        %get3A_672 = vector.shape_cast %get3A_671 : vector<1x16xf32> to vector<16xf32>
        %slice3A_673 = vector.extract_strided_slice %get3A_533 {offsets = [8], sizes = [1], strides = [1]} : vector<16xf32> to vector<1xf32>
        %squeeze3A_674 = vector.extract %slice3A_673[0] : f32 from vector<1xf32>
        %mul3A_675 = vector.broadcast %squeeze3A_674 : f32 to vector<16xf32>
        %mul3A_676 = arith.mulf %get3A_672, %mul3A_675 : vector<16xf32>
        %add3A_677 = arith.constant 8 : i32
        %add3A_678 = arith.addi %multiple_of3A_531, %add3A_677 : i32
        %swap3A_679 = arith.index_cast %add3A_678 : i32 to index
        %swap3A_680 = arith.constant 0 : index
        %swap3A_681 = tpu.vector_load %arg11[%swap3A_679, %swap3A_680] {strides = array<i32>} : memref<1536x16xf32, #tpu.memory_space<vmem>>, vector<1x16xf32>,
        %swap3A_682 = vector.shape_cast %swap3A_681 : vector<1x16xf32> to vector<16xf32>
        %swap3A_683 = vector.shape_cast %mul3A_676 : vector<16xf32> to vector<1x16xf32>
        tpu.vector_store %arg11[%swap3A_679, %swap3A_680], %swap3A_683 {strides = array<i32>} : memref<1536x16xf32, #tpu.memory_space<vmem>>, vector<1x16xf32>,
        %add3A_684 = arith.constant 9 : i32
        %add3A_685 = arith.addi %multiple_of3A_531, %add3A_684 : i32
        %get3A_686 = arith.index_cast %add3A_685 : i32 to index
        %get3A_687 = arith.constant 0 : index
        %get3A_688 = tpu.vector_load %arg11[%get3A_686, %get3A_687] {strides = array<i32>} : memref<1536x16xf32, #tpu.memory_space<vmem>>, vector<1x16xf32>,
        %get3A_689 = vector.shape_cast %get3A_688 : vector<1x16xf32> to vector<16xf32>
        %slice3A_690 = vector.extract_strided_slice %get3A_533 {offsets = [9], sizes = [1], strides = [1]} : vector<16xf32> to vector<1xf32>
        %squeeze3A_691 = vector.extract %slice3A_690[0] : f32 from vector<1xf32>
        %mul3A_692 = vector.broadcast %squeeze3A_691 : f32 to vector<16xf32>
        %mul3A_693 = arith.mulf %get3A_689, %mul3A_692 : vector<16xf32>
        %add3A_694 = arith.constant 9 : i32
        %add3A_695 = arith.addi %multiple_of3A_531, %add3A_694 : i32
        %swap3A_696 = arith.index_cast %add3A_695 : i32 to index
        %swap3A_697 = arith.constant 0 : index
        %swap3A_698 = tpu.vector_load %arg11[%swap3A_696, %swap3A_697] {strides = array<i32>} : memref<1536x16xf32, #tpu.memory_space<vmem>>, vector<1x16xf32>,
        %swap3A_699 = vector.shape_cast %swap3A_698 : vector<1x16xf32> to vector<16xf32>
        %swap3A_700 = vector.shape_cast %mul3A_693 : vector<16xf32> to vector<1x16xf32>
        tpu.vector_store %arg11[%swap3A_696, %swap3A_697], %swap3A_700 {strides = array<i32>} : memref<1536x16xf32, #tpu.memory_space<vmem>>, vector<1x16xf32>,
        %add3A_701 = arith.constant 10 : i32
        %add3A_702 = arith.addi %multiple_of3A_531, %add3A_701 : i32
        %get3A_703 = arith.index_cast %add3A_702 : i32 to index
        %get3A_704 = arith.constant 0 : index
        %get3A_705 = tpu.vector_load %arg11[%get3A_703, %get3A_704] {strides = array<i32>} : memref<1536x16xf32, #tpu.memory_space<vmem>>, vector<1x16xf32>,
        %get3A_706 = vector.shape_cast %get3A_705 : vector<1x16xf32> to vector<16xf32>
        %slice3A_707 = vector.extract_strided_slice %get3A_533 {offsets = [10], sizes = [1], strides = [1]} : vector<16xf32> to vector<1xf32>
        %squeeze3A_708 = vector.extract %slice3A_707[0] : f32 from vector<1xf32>
        %mul3A_709 = vector.broadcast %squeeze3A_708 : f32 to vector<16xf32>
        %mul3A_710 = arith.mulf %get3A_706, %mul3A_709 : vector<16xf32>
        %add3A_711 = arith.constant 10 : i32
        %add3A_712 = arith.addi %multiple_of3A_531, %add3A_711 : i32
        %swap3A_713 = arith.index_cast %add3A_712 : i32 to index
        %swap3A_714 = arith.constant 0 : index
        %swap3A_715 = tpu.vector_load %arg11[%swap3A_713, %swap3A_714] {strides = array<i32>} : memref<1536x16xf32, #tpu.memory_space<vmem>>, vector<1x16xf32>,
        %swap3A_716 = vector.shape_cast %swap3A_715 : vector<1x16xf32> to vector<16xf32>
        %swap3A_717 = vector.shape_cast %mul3A_710 : vector<16xf32> to vector<1x16xf32>
        tpu.vector_store %arg11[%swap3A_713, %swap3A_714], %swap3A_717 {strides = array<i32>} : memref<1536x16xf32, #tpu.memory_space<vmem>>, vector<1x16xf32>,
        %add3A_718 = arith.constant 11 : i32
        %add3A_719 = arith.addi %multiple_of3A_531, %add3A_718 : i32
        %get3A_720 = arith.index_cast %add3A_719 : i32 to index
        %get3A_721 = arith.constant 0 : index
        %get3A_722 = tpu.vector_load %arg11[%get3A_720, %get3A_721] {strides = array<i32>} : memref<1536x16xf32, #tpu.memory_space<vmem>>, vector<1x16xf32>,
        %get3A_723 = vector.shape_cast %get3A_722 : vector<1x16xf32> to vector<16xf32>
        %slice3A_724 = vector.extract_strided_slice %get3A_533 {offsets = [11], sizes = [1], strides = [1]} : vector<16xf32> to vector<1xf32>
        %squeeze3A_725 = vector.extract %slice3A_724[0] : f32 from vector<1xf32>
        %mul3A_726 = vector.broadcast %squeeze3A_725 : f32 to vector<16xf32>
        %mul3A_727 = arith.mulf %get3A_723, %mul3A_726 : vector<16xf32>
        %add3A_728 = arith.constant 11 : i32
        %add3A_729 = arith.addi %multiple_of3A_531, %add3A_728 : i32
        %swap3A_730 = arith.index_cast %add3A_729 : i32 to index
        %swap3A_731 = arith.constant 0 : index
        %swap3A_732 = tpu.vector_load %arg11[%swap3A_730, %swap3A_731] {strides = array<i32>} : memref<1536x16xf32, #tpu.memory_space<vmem>>, vector<1x16xf32>,
        %swap3A_733 = vector.shape_cast %swap3A_732 : vector<1x16xf32> to vector<16xf32>
        %swap3A_734 = vector.shape_cast %mul3A_727 : vector<16xf32> to vector<1x16xf32>
        tpu.vector_store %arg11[%swap3A_730, %swap3A_731], %swap3A_734 {strides = array<i32>} : memref<1536x16xf32, #tpu.memory_space<vmem>>, vector<1x16xf32>,
        %add3A_735 = arith.constant 12 : i32
        %add3A_736 = arith.addi %multiple_of3A_531, %add3A_735 : i32
        %get3A_737 = arith.index_cast %add3A_736 : i32 to index
        %get3A_738 = arith.constant 0 : index
        %get3A_739 = tpu.vector_load %arg11[%get3A_737, %get3A_738] {strides = array<i32>} : memref<1536x16xf32, #tpu.memory_space<vmem>>, vector<1x16xf32>,
        %get3A_740 = vector.shape_cast %get3A_739 : vector<1x16xf32> to vector<16xf32>
        %slice3A_741 = vector.extract_strided_slice %get3A_533 {offsets = [12], sizes = [1], strides = [1]} : vector<16xf32> to vector<1xf32>
        %squeeze3A_742 = vector.extract %slice3A_741[0] : f32 from vector<1xf32>
        %mul3A_743 = vector.broadcast %squeeze3A_742 : f32 to vector<16xf32>
        %mul3A_744 = arith.mulf %get3A_740, %mul3A_743 : vector<16xf32>
        %add3A_745 = arith.constant 12 : i32
        %add3A_746 = arith.addi %multiple_of3A_531, %add3A_745 : i32
        %swap3A_747 = arith.index_cast %add3A_746 : i32 to index
        %swap3A_748 = arith.constant 0 : index
        %swap3A_749 = tpu.vector_load %arg11[%swap3A_747, %swap3A_748] {strides = array<i32>} : memref<1536x16xf32, #tpu.memory_space<vmem>>, vector<1x16xf32>,
        %swap3A_750 = vector.shape_cast %swap3A_749 : vector<1x16xf32> to vector<16xf32>
        %swap3A_751 = vector.shape_cast %mul3A_744 : vector<16xf32> to vector<1x16xf32>
        tpu.vector_store %arg11[%swap3A_747, %swap3A_748], %swap3A_751 {strides = array<i32>} : memref<1536x16xf32, #tpu.memory_space<vmem>>, vector<1x16xf32>,
        %add3A_752 = arith.constant 13 : i32
        %add3A_753 = arith.addi %multiple_of3A_531, %add3A_752 : i32
        %get3A_754 = arith.index_cast %add3A_753 : i32 to index
        %get3A_755 = arith.constant 0 : index
        %get3A_756 = tpu.vector_load %arg11[%get3A_754, %get3A_755] {strides = array<i32>} : memref<1536x16xf32, #tpu.memory_space<vmem>>, vector<1x16xf32>,
        %get3A_757 = vector.shape_cast %get3A_756 : vector<1x16xf32> to vector<16xf32>
        %slice3A_758 = vector.extract_strided_slice %get3A_533 {offsets = [13], sizes = [1], strides = [1]} : vector<16xf32> to vector<1xf32>
        %squeeze3A_759 = vector.extract %slice3A_758[0] : f32 from vector<1xf32>
        %mul3A_760 = vector.broadcast %squeeze3A_759 : f32 to vector<16xf32>
        %mul3A_761 = arith.mulf %get3A_757, %mul3A_760 : vector<16xf32>
        %add3A_762 = arith.constant 13 : i32
        %add3A_763 = arith.addi %multiple_of3A_531, %add3A_762 : i32
        %swap3A_764 = arith.index_cast %add3A_763 : i32 to index
        %swap3A_765 = arith.constant 0 : index
        %swap3A_766 = tpu.vector_load %arg11[%swap3A_764, %swap3A_765] {strides = array<i32>} : memref<1536x16xf32, #tpu.memory_space<vmem>>, vector<1x16xf32>,
        %swap3A_767 = vector.shape_cast %swap3A_766 : vector<1x16xf32> to vector<16xf32>
        %swap3A_768 = vector.shape_cast %mul3A_761 : vector<16xf32> to vector<1x16xf32>
        tpu.vector_store %arg11[%swap3A_764, %swap3A_765], %swap3A_768 {strides = array<i32>} : memref<1536x16xf32, #tpu.memory_space<vmem>>, vector<1x16xf32>,
        %add3A_769 = arith.constant 14 : i32
        %add3A_770 = arith.addi %multiple_of3A_531, %add3A_769 : i32
        %get3A_771 = arith.index_cast %add3A_770 : i32 to index
        %get3A_772 = arith.constant 0 : index
        %get3A_773 = tpu.vector_load %arg11[%get3A_771, %get3A_772] {strides = array<i32>} : memref<1536x16xf32, #tpu.memory_space<vmem>>, vector<1x16xf32>,
        %get3A_774 = vector.shape_cast %get3A_773 : vector<1x16xf32> to vector<16xf32>
        %slice3A_775 = vector.extract_strided_slice %get3A_533 {offsets = [14], sizes = [1], strides = [1]} : vector<16xf32> to vector<1xf32>
        %squeeze3A_776 = vector.extract %slice3A_775[0] : f32 from vector<1xf32>
        %mul3A_777 = vector.broadcast %squeeze3A_776 : f32 to vector<16xf32>
        %mul3A_778 = arith.mulf %get3A_774, %mul3A_777 : vector<16xf32>
        %add3A_779 = arith.constant 14 : i32
        %add3A_780 = arith.addi %multiple_of3A_531, %add3A_779 : i32
        %swap3A_781 = arith.index_cast %add3A_780 : i32 to index
        %swap3A_782 = arith.constant 0 : index
        %swap3A_783 = tpu.vector_load %arg11[%swap3A_781, %swap3A_782] {strides = array<i32>} : memref<1536x16xf32, #tpu.memory_space<vmem>>, vector<1x16xf32>,
        %swap3A_784 = vector.shape_cast %swap3A_783 : vector<1x16xf32> to vector<16xf32>
        %swap3A_785 = vector.shape_cast %mul3A_778 : vector<16xf32> to vector<1x16xf32>
        tpu.vector_store %arg11[%swap3A_781, %swap3A_782], %swap3A_785 {strides = array<i32>} : memref<1536x16xf32, #tpu.memory_space<vmem>>, vector<1x16xf32>,
        %add3A_786 = arith.constant 15 : i32
        %add3A_787 = arith.addi %multiple_of3A_531, %add3A_786 : i32
        %get3A_788 = arith.index_cast %add3A_787 : i32 to index
        %get3A_789 = arith.constant 0 : index
        %get3A_790 = tpu.vector_load %arg11[%get3A_788, %get3A_789] {strides = array<i32>} : memref<1536x16xf32, #tpu.memory_space<vmem>>, vector<1x16xf32>,
        %get3A_791 = vector.shape_cast %get3A_790 : vector<1x16xf32> to vector<16xf32>
        %slice3A_792 = vector.extract_strided_slice %get3A_533 {offsets = [15], sizes = [1], strides = [1]} : vector<16xf32> to vector<1xf32>
        %squeeze3A_793 = vector.extract %slice3A_792[0] : f32 from vector<1xf32>
        %mul3A_794 = vector.broadcast %squeeze3A_793 : f32 to vector<16xf32>
        %mul3A_795 = arith.mulf %get3A_791, %mul3A_794 : vector<16xf32>
        %add3A_796 = arith.constant 15 : i32
        %add3A_797 = arith.addi %multiple_of3A_531, %add3A_796 : i32
        %swap3A_798 = arith.index_cast %add3A_797 : i32 to index
        %swap3A_799 = arith.constant 0 : index
        %swap3A_800 = tpu.vector_load %arg11[%swap3A_798, %swap3A_799] {strides = array<i32>} : memref<1536x16xf32, #tpu.memory_space<vmem>>, vector<1x16xf32>,
        %swap3A_801 = vector.shape_cast %swap3A_800 : vector<1x16xf32> to vector<16xf32>
        %swap3A_802 = vector.shape_cast %mul3A_795 : vector<16xf32> to vector<1x16xf32>
        tpu.vector_store %arg11[%swap3A_798, %swap3A_799], %swap3A_802 {strides = array<i32>} : memref<1536x16xf32, #tpu.memory_space<vmem>>, vector<1x16xf32>,
        %scan3A_803 = arith.constant 0 : i32
        scf.yield %scan3A_803 : i32
      }
      %scan3A_228 = arith.constant 48 : i32
      %dma_start3A_229 = arith.constant 0 : i32
      %dma_start3A_230 = arith.constant 0 : i32
      %dma_start3A_231 = arith.constant 0 : i32
      %dma_start3A_232 = tpu.memref_slice %arg11[%dma_start3A_230, %dma_start3A_231] : memref<1536x16xf32, #tpu.memory_space<vmem>> -> memref<128x16xf32, #tpu.memory_space<vmem>>
      %dma_start3A_233 = arith.constant 0 : i32
      %dma_start3A_234 = tpu.memref_slice %arg9[%dma_start3A_229, %dma_start3A_233] : memref<12x128xi32, #tpu.memory_space<vmem>> -> memref<1x128xi32, #tpu.memory_space<vmem>>
      %dma_start3A_235 = tpu.memref_squeeze %dma_start3A_234 : memref<1x128xi32, #tpu.memory_space<vmem>> -> memref<128xi32, #tpu.memory_space<vmem>>
      %dma_start3A_236 = arith.constant 0 : i32
      %dma_start3A_237 = arith.constant 0 : i32
      %dma_start3A_238 = tpu.memref_slice %arg12[%dma_start3A_236, %dma_start3A_237] : memref<100096x16xf32, #tpu.memory_space<vmem_shared>> -> memref<100096x16xf32, #tpu.memory_space<vmem_shared>>
      tpu.enqueue_indirect_dma source(%dma_start3A_232 : memref<128x16xf32, #tpu.memory_space<vmem>>) target(%dma_start3A_238 : memref<100096x16xf32, #tpu.memory_space<vmem_shared>>) offsets(%dma_start3A_235 : memref<128xi32, #tpu.memory_space<vmem>>) semaphore(%arg15 : memref<!tpu.dma_semaphore, #tpu.memory_space<semaphore_mem>>) {add = true}
      %dma_start3A_239 = arith.constant 1 : i32
      %dma_start3A_240 = arith.constant 128 : i32
      %dma_start3A_241 = arith.constant 0 : i32
      %dma_start3A_242 = tpu.memref_slice %arg11[%dma_start3A_240, %dma_start3A_241] : memref<1536x16xf32, #tpu.memory_space<vmem>> -> memref<128x16xf32, #tpu.memory_space<vmem>>
      %dma_start3A_243 = arith.constant 0 : i32
      %dma_start3A_244 = tpu.memref_slice %arg9[%dma_start3A_239, %dma_start3A_243] : memref<12x128xi32, #tpu.memory_space<vmem>> -> memref<1x128xi32, #tpu.memory_space<vmem>>
      %dma_start3A_245 = tpu.memref_squeeze %dma_start3A_244 : memref<1x128xi32, #tpu.memory_space<vmem>> -> memref<128xi32, #tpu.memory_space<vmem>>
      %dma_start3A_246 = arith.constant 0 : i32
      %dma_start3A_247 = arith.constant 0 : i32
      %dma_start3A_248 = tpu.memref_slice %arg12[%dma_start3A_246, %dma_start3A_247] : memref<100096x16xf32, #tpu.memory_space<vmem_shared>> -> memref<100096x16xf32, #tpu.memory_space<vmem_shared>>
      tpu.enqueue_indirect_dma source(%dma_start3A_242 : memref<128x16xf32, #tpu.memory_space<vmem>>) target(%dma_start3A_248 : memref<100096x16xf32, #tpu.memory_space<vmem_shared>>) offsets(%dma_start3A_245 : memref<128xi32, #tpu.memory_space<vmem>>) semaphore(%arg15 : memref<!tpu.dma_semaphore, #tpu.memory_space<semaphore_mem>>) {add = true}
      %dma_start3A_249 = arith.constant 2 : i32
      %dma_start3A_250 = arith.constant 256 : i32
      %dma_start3A_251 = arith.constant 0 : i32
      %dma_start3A_252 = tpu.memref_slice %arg11[%dma_start3A_250, %dma_start3A_251] : memref<1536x16xf32, #tpu.memory_space<vmem>> -> memref<128x16xf32, #tpu.memory_space<vmem>>
      %dma_start3A_253 = arith.constant 0 : i32
      %dma_start3A_254 = tpu.memref_slice %arg9[%dma_start3A_249, %dma_start3A_253] : memref<12x128xi32, #tpu.memory_space<vmem>> -> memref<1x128xi32, #tpu.memory_space<vmem>>
      %dma_start3A_255 = tpu.memref_squeeze %dma_start3A_254 : memref<1x128xi32, #tpu.memory_space<vmem>> -> memref<128xi32, #tpu.memory_space<vmem>>
      %dma_start3A_256 = arith.constant 0 : i32
      %dma_start3A_257 = arith.constant 0 : i32
      %dma_start3A_258 = tpu.memref_slice %arg12[%dma_start3A_256, %dma_start3A_257] : memref<100096x16xf32, #tpu.memory_space<vmem_shared>> -> memref<100096x16xf32, #tpu.memory_space<vmem_shared>>
      tpu.enqueue_indirect_dma source(%dma_start3A_252 : memref<128x16xf32, #tpu.memory_space<vmem>>) target(%dma_start3A_258 : memref<100096x16xf32, #tpu.memory_space<vmem_shared>>) offsets(%dma_start3A_255 : memref<128xi32, #tpu.memory_space<vmem>>) semaphore(%arg15 : memref<!tpu.dma_semaphore, #tpu.memory_space<semaphore_mem>>) {add = true}
      %dma_start3A_259 = arith.constant 3 : i32
      %dma_start3A_260 = arith.constant 384 : i32
      %dma_start3A_261 = arith.constant 0 : i32
      %dma_start3A_262 = tpu.memref_slice %arg11[%dma_start3A_260, %dma_start3A_261] : memref<1536x16xf32, #tpu.memory_space<vmem>> -> memref<128x16xf32, #tpu.memory_space<vmem>>
      %dma_start3A_263 = arith.constant 0 : i32
      %dma_start3A_264 = tpu.memref_slice %arg9[%dma_start3A_259, %dma_start3A_263] : memref<12x128xi32, #tpu.memory_space<vmem>> -> memref<1x128xi32, #tpu.memory_space<vmem>>
      %dma_start3A_265 = tpu.memref_squeeze %dma_start3A_264 : memref<1x128xi32, #tpu.memory_space<vmem>> -> memref<128xi32, #tpu.memory_space<vmem>>
      %dma_start3A_266 = arith.constant 0 : i32
      %dma_start3A_267 = arith.constant 0 : i32
      %dma_start3A_268 = tpu.memref_slice %arg12[%dma_start3A_266, %dma_start3A_267] : memref<100096x16xf32, #tpu.memory_space<vmem_shared>> -> memref<100096x16xf32, #tpu.memory_space<vmem_shared>>
      tpu.enqueue_indirect_dma source(%dma_start3A_262 : memref<128x16xf32, #tpu.memory_space<vmem>>) target(%dma_start3A_268 : memref<100096x16xf32, #tpu.memory_space<vmem_shared>>) offsets(%dma_start3A_265 : memref<128xi32, #tpu.memory_space<vmem>>) semaphore(%arg15 : memref<!tpu.dma_semaphore, #tpu.memory_space<semaphore_mem>>) {add = true}
      %dma_start3A_269 = arith.constant 4 : i32
      %dma_start3A_270 = arith.constant 512 : i32
      %dma_start3A_271 = arith.constant 0 : i32
      %dma_start3A_272 = tpu.memref_slice %arg11[%dma_start3A_270, %dma_start3A_271] : memref<1536x16xf32, #tpu.memory_space<vmem>> -> memref<128x16xf32, #tpu.memory_space<vmem>>
      %dma_start3A_273 = arith.constant 0 : i32
      %dma_start3A_274 = tpu.memref_slice %arg9[%dma_start3A_269, %dma_start3A_273] : memref<12x128xi32, #tpu.memory_space<vmem>> -> memref<1x128xi32, #tpu.memory_space<vmem>>
      %dma_start3A_275 = tpu.memref_squeeze %dma_start3A_274 : memref<1x128xi32, #tpu.memory_space<vmem>> -> memref<128xi32, #tpu.memory_space<vmem>>
      %dma_start3A_276 = arith.constant 0 : i32
      %dma_start3A_277 = arith.constant 0 : i32
      %dma_start3A_278 = tpu.memref_slice %arg12[%dma_start3A_276, %dma_start3A_277] : memref<100096x16xf32, #tpu.memory_space<vmem_shared>> -> memref<100096x16xf32, #tpu.memory_space<vmem_shared>>
      tpu.enqueue_indirect_dma source(%dma_start3A_272 : memref<128x16xf32, #tpu.memory_space<vmem>>) target(%dma_start3A_278 : memref<100096x16xf32, #tpu.memory_space<vmem_shared>>) offsets(%dma_start3A_275 : memref<128xi32, #tpu.memory_space<vmem>>) semaphore(%arg15 : memref<!tpu.dma_semaphore, #tpu.memory_space<semaphore_mem>>) {add = true}
      %dma_start3A_279 = arith.constant 5 : i32
      %dma_start3A_280 = arith.constant 640 : i32
      %dma_start3A_281 = arith.constant 0 : i32
      %dma_start3A_282 = tpu.memref_slice %arg11[%dma_start3A_280, %dma_start3A_281] : memref<1536x16xf32, #tpu.memory_space<vmem>> -> memref<128x16xf32, #tpu.memory_space<vmem>>
      %dma_start3A_283 = arith.constant 0 : i32
      %dma_start3A_284 = tpu.memref_slice %arg9[%dma_start3A_279, %dma_start3A_283] : memref<12x128xi32, #tpu.memory_space<vmem>> -> memref<1x128xi32, #tpu.memory_space<vmem>>
      %dma_start3A_285 = tpu.memref_squeeze %dma_start3A_284 : memref<1x128xi32, #tpu.memory_space<vmem>> -> memref<128xi32, #tpu.memory_space<vmem>>
      %dma_start3A_286 = arith.constant 0 : i32
      %dma_start3A_287 = arith.constant 0 : i32
      %dma_start3A_288 = tpu.memref_slice %arg12[%dma_start3A_286, %dma_start3A_287] : memref<100096x16xf32, #tpu.memory_space<vmem_shared>> -> memref<100096x16xf32, #tpu.memory_space<vmem_shared>>
      tpu.enqueue_indirect_dma source(%dma_start3A_282 : memref<128x16xf32, #tpu.memory_space<vmem>>) target(%dma_start3A_288 : memref<100096x16xf32, #tpu.memory_space<vmem_shared>>) offsets(%dma_start3A_285 : memref<128xi32, #tpu.memory_space<vmem>>) semaphore(%arg15 : memref<!tpu.dma_semaphore, #tpu.memory_space<semaphore_mem>>) {add = true}
      %dma_wait3A_289 = arith.constant 768 : i32
      %dma_wait3A_290 = arith.constant 0 : i32
      %dma_wait3A_291 = tpu.memref_slice %arg11[%dma_wait3A_289, %dma_wait3A_290] : memref<1536x16xf32, #tpu.memory_space<vmem>> -> memref<128x16xf32, #tpu.memory_space<vmem>>
      %dma_wait3A_292 = arith.constant 768 : i32
      %dma_wait3A_293 = tpu.memref_slice %arg8[%dma_wait3A_292] : memref<1536xi32, #tpu.memory_space<vmem>> -> memref<128xi32, #tpu.memory_space<vmem>>
      %dma_wait3A_294 = arith.constant 0 : i32
      %dma_wait3A_295 = arith.constant 0 : i32
      %dma_wait3A_296 = tpu.memref_slice %arg6[%dma_wait3A_294, %dma_wait3A_295] : memref<200192x16xf32, #tpu.memory_space<hbm>> -> memref<200192x16xf32, #tpu.memory_space<hbm>>
      tpu.wait_indirect_dma semaphore(%arg14 : memref<!tpu.dma_semaphore, #tpu.memory_space<semaphore_mem>>) src(%dma_wait3A_296 : memref<200192x16xf32, #tpu.memory_space<hbm>>) dst(%dma_wait3A_291 : memref<128x16xf32, #tpu.memory_space<vmem>>)
      %dma_wait3A_297 = arith.constant 896 : i32
      %dma_wait3A_298 = arith.constant 0 : i32
      %dma_wait3A_299 = tpu.memref_slice %arg11[%dma_wait3A_297, %dma_wait3A_298] : memref<1536x16xf32, #tpu.memory_space<vmem>> -> memref<128x16xf32, #tpu.memory_space<vmem>>
      %dma_wait3A_300 = arith.constant 896 : i32
      %dma_wait3A_301 = tpu.memref_slice %arg8[%dma_wait3A_300] : memref<1536xi32, #tpu.memory_space<vmem>> -> memref<128xi32, #tpu.memory_space<vmem>>
      %dma_wait3A_302 = arith.constant 0 : i32
      %dma_wait3A_303 = arith.constant 0 : i32
      %dma_wait3A_304 = tpu.memref_slice %arg6[%dma_wait3A_302, %dma_wait3A_303] : memref<200192x16xf32, #tpu.memory_space<hbm>> -> memref<200192x16xf32, #tpu.memory_space<hbm>>
      tpu.wait_indirect_dma semaphore(%arg14 : memref<!tpu.dma_semaphore, #tpu.memory_space<semaphore_mem>>) src(%dma_wait3A_304 : memref<200192x16xf32, #tpu.memory_space<hbm>>) dst(%dma_wait3A_299 : memref<128x16xf32, #tpu.memory_space<vmem>>)
      %dma_wait3A_305 = arith.constant 1024 : i32
      %dma_wait3A_306 = arith.constant 0 : i32
      %dma_wait3A_307 = tpu.memref_slice %arg11[%dma_wait3A_305, %dma_wait3A_306] : memref<1536x16xf32, #tpu.memory_space<vmem>> -> memref<128x16xf32, #tpu.memory_space<vmem>>
      %dma_wait3A_308 = arith.constant 1024 : i32
      %dma_wait3A_309 = tpu.memref_slice %arg8[%dma_wait3A_308] : memref<1536xi32, #tpu.memory_space<vmem>> -> memref<128xi32, #tpu.memory_space<vmem>>
      %dma_wait3A_310 = arith.constant 0 : i32
      %dma_wait3A_311 = arith.constant 0 : i32
      %dma_wait3A_312 = tpu.memref_slice %arg6[%dma_wait3A_310, %dma_wait3A_311] : memref<200192x16xf32, #tpu.memory_space<hbm>> -> memref<200192x16xf32, #tpu.memory_space<hbm>>
      tpu.wait_indirect_dma semaphore(%arg14 : memref<!tpu.dma_semaphore, #tpu.memory_space<semaphore_mem>>) src(%dma_wait3A_312 : memref<200192x16xf32, #tpu.memory_space<hbm>>) dst(%dma_wait3A_307 : memref<128x16xf32, #tpu.memory_space<vmem>>)
      %dma_wait3A_313 = arith.constant 1152 : i32
      %dma_wait3A_314 = arith.constant 0 : i32
      %dma_wait3A_315 = tpu.memref_slice %arg11[%dma_wait3A_313, %dma_wait3A_314] : memref<1536x16xf32, #tpu.memory_space<vmem>> -> memref<128x16xf32, #tpu.memory_space<vmem>>
      %dma_wait3A_316 = arith.constant 1152 : i32
      %dma_wait3A_317 = tpu.memref_slice %arg8[%dma_wait3A_316] : memref<1536xi32, #tpu.memory_space<vmem>> -> memref<128xi32, #tpu.memory_space<vmem>>
      %dma_wait3A_318 = arith.constant 0 : i32
      %dma_wait3A_319 = arith.constant 0 : i32
      %dma_wait3A_320 = tpu.memref_slice %arg6[%dma_wait3A_318, %dma_wait3A_319] : memref<200192x16xf32, #tpu.memory_space<hbm>> -> memref<200192x16xf32, #tpu.memory_space<hbm>>
      tpu.wait_indirect_dma semaphore(%arg14 : memref<!tpu.dma_semaphore, #tpu.memory_space<semaphore_mem>>) src(%dma_wait3A_320 : memref<200192x16xf32, #tpu.memory_space<hbm>>) dst(%dma_wait3A_315 : memref<128x16xf32, #tpu.memory_space<vmem>>)
      %dma_wait3A_321 = arith.constant 1280 : i32
      %dma_wait3A_322 = arith.constant 0 : i32
      %dma_wait3A_323 = tpu.memref_slice %arg11[%dma_wait3A_321, %dma_wait3A_322] : memref<1536x16xf32, #tpu.memory_space<vmem>> -> memref<128x16xf32, #tpu.memory_space<vmem>>
      %dma_wait3A_324 = arith.constant 1280 : i32
      %dma_wait3A_325 = tpu.memref_slice %arg8[%dma_wait3A_324] : memref<1536xi32, #tpu.memory_space<vmem>> -> memref<128xi32, #tpu.memory_space<vmem>>
      %dma_wait3A_326 = arith.constant 0 : i32
      %dma_wait3A_327 = arith.constant 0 : i32
      %dma_wait3A_328 = tpu.memref_slice %arg6[%dma_wait3A_326, %dma_wait3A_327] : memref<200192x16xf32, #tpu.memory_space<hbm>> -> memref<200192x16xf32, #tpu.memory_space<hbm>>
      tpu.wait_indirect_dma semaphore(%arg14 : memref<!tpu.dma_semaphore, #tpu.memory_space<semaphore_mem>>) src(%dma_wait3A_328 : memref<200192x16xf32, #tpu.memory_space<hbm>>) dst(%dma_wait3A_323 : memref<128x16xf32, #tpu.memory_space<vmem>>)
      %dma_wait3A_329 = arith.constant 1408 : i32
      %dma_wait3A_330 = arith.constant 0 : i32
      %dma_wait3A_331 = tpu.memref_slice %arg11[%dma_wait3A_329, %dma_wait3A_330] : memref<1536x16xf32, #tpu.memory_space<vmem>> -> memref<128x16xf32, #tpu.memory_space<vmem>>
      %dma_wait3A_332 = arith.constant 1408 : i32
      %dma_wait3A_333 = tpu.memref_slice %arg8[%dma_wait3A_332] : memref<1536xi32, #tpu.memory_space<vmem>> -> memref<128xi32, #tpu.memory_space<vmem>>
      %dma_wait3A_334 = arith.constant 0 : i32
      %dma_wait3A_335 = arith.constant 0 : i32
      %dma_wait3A_336 = tpu.memref_slice %arg6[%dma_wait3A_334, %dma_wait3A_335] : memref<200192x16xf32, #tpu.memory_space<hbm>> -> memref<200192x16xf32, #tpu.memory_space<hbm>>
      tpu.wait_indirect_dma semaphore(%arg14 : memref<!tpu.dma_semaphore, #tpu.memory_space<semaphore_mem>>) src(%dma_wait3A_336 : memref<200192x16xf32, #tpu.memory_space<hbm>>) dst(%dma_wait3A_331 : memref<128x16xf32, #tpu.memory_space<vmem>>)
      %scan3A_337 = arith.constant 0 : i32
      %scan3A_338 = arith.constant 0 : i32
      %scan3A_339 = arith.constant 48 : i32
      %scan3A_340 = arith.addi %scan3A_338, %scan3A_339 : i32
      %scan3A_341 = arith.constant 1 : i32
      %scan3A_342 = scf.for %scan3A_525 = %scan3A_338 to %scan3A_340 step %scan3A_341 iter_args(%scan3A_526 = %scan3A_337) -> (i32)  : i32 {
        %mul3A_527 = arith.constant 16 : i32
        %mul3A_528 = arith.muli %scan3A_525, %mul3A_527 : i32
        %add3A_529 = arith.constant 768 : i32
        %add3A_530 = arith.addi %add3A_529, %mul3A_528 : i32
        %multiple_of3A_531 = tpu.assume_multiple %add3A_530, 16 : i32
        %get3A = arith.index_cast %multiple_of3A_531 : i32 to index
        %get3A_532 = tpu.vector_load %arg10[%get3A] {strides = array<i32>} : memref<1536xf32, #tpu.memory_space<vmem>>, vector<16xf32>,
        %get3A_533 = vector.shape_cast %get3A_532 : vector<16xf32> to vector<16xf32>
        %add3A_534 = arith.constant 0 : i32
        %add3A_535 = arith.addi %multiple_of3A_531, %add3A_534 : i32
        %get3A_536 = arith.index_cast %add3A_535 : i32 to index
        %get3A_537 = arith.constant 0 : index
        %get3A_538 = tpu.vector_load %arg11[%get3A_536, %get3A_537] {strides = array<i32>} : memref<1536x16xf32, #tpu.memory_space<vmem>>, vector<1x16xf32>,
        %get3A_539 = vector.shape_cast %get3A_538 : vector<1x16xf32> to vector<16xf32>
        %slice3A = vector.extract_strided_slice %get3A_533 {offsets = [0], sizes = [1], strides = [1]} : vector<16xf32> to vector<1xf32>
        %squeeze3A = vector.extract %slice3A[0] : f32 from vector<1xf32>
        %mul3A_540 = vector.broadcast %squeeze3A : f32 to vector<16xf32>
        %mul3A_541 = arith.mulf %get3A_539, %mul3A_540 : vector<16xf32>
        %add3A_542 = arith.constant 0 : i32
        %add3A_543 = arith.addi %multiple_of3A_531, %add3A_542 : i32
        %swap3A = arith.index_cast %add3A_543 : i32 to index
        %swap3A_544 = arith.constant 0 : index
        %swap3A_545 = tpu.vector_load %arg11[%swap3A, %swap3A_544] {strides = array<i32>} : memref<1536x16xf32, #tpu.memory_space<vmem>>, vector<1x16xf32>,
        %swap3A_546 = vector.shape_cast %swap3A_545 : vector<1x16xf32> to vector<16xf32>
        %swap3A_547 = vector.shape_cast %mul3A_541 : vector<16xf32> to vector<1x16xf32>
        tpu.vector_store %arg11[%swap3A, %swap3A_544], %swap3A_547 {strides = array<i32>} : memref<1536x16xf32, #tpu.memory_space<vmem>>, vector<1x16xf32>,
        %add3A_548 = arith.constant 1 : i32
        %add3A_549 = arith.addi %multiple_of3A_531, %add3A_548 : i32
        %get3A_550 = arith.index_cast %add3A_549 : i32 to index
        %get3A_551 = arith.constant 0 : index
        %get3A_552 = tpu.vector_load %arg11[%get3A_550, %get3A_551] {strides = array<i32>} : memref<1536x16xf32, #tpu.memory_space<vmem>>, vector<1x16xf32>,
        %get3A_553 = vector.shape_cast %get3A_552 : vector<1x16xf32> to vector<16xf32>
        %slice3A_554 = vector.extract_strided_slice %get3A_533 {offsets = [1], sizes = [1], strides = [1]} : vector<16xf32> to vector<1xf32>
        %squeeze3A_555 = vector.extract %slice3A_554[0] : f32 from vector<1xf32>
        %mul3A_556 = vector.broadcast %squeeze3A_555 : f32 to vector<16xf32>
        %mul3A_557 = arith.mulf %get3A_553, %mul3A_556 : vector<16xf32>
        %add3A_558 = arith.constant 1 : i32
        %add3A_559 = arith.addi %multiple_of3A_531, %add3A_558 : i32
        %swap3A_560 = arith.index_cast %add3A_559 : i32 to index
        %swap3A_561 = arith.constant 0 : index
        %swap3A_562 = tpu.vector_load %arg11[%swap3A_560, %swap3A_561] {strides = array<i32>} : memref<1536x16xf32, #tpu.memory_space<vmem>>, vector<1x16xf32>,
        %swap3A_563 = vector.shape_cast %swap3A_562 : vector<1x16xf32> to vector<16xf32>
        %swap3A_564 = vector.shape_cast %mul3A_557 : vector<16xf32> to vector<1x16xf32>
        tpu.vector_store %arg11[%swap3A_560, %swap3A_561], %swap3A_564 {strides = array<i32>} : memref<1536x16xf32, #tpu.memory_space<vmem>>, vector<1x16xf32>,
        %add3A_565 = arith.constant 2 : i32
        %add3A_566 = arith.addi %multiple_of3A_531, %add3A_565 : i32
        %get3A_567 = arith.index_cast %add3A_566 : i32 to index
        %get3A_568 = arith.constant 0 : index
        %get3A_569 = tpu.vector_load %arg11[%get3A_567, %get3A_568] {strides = array<i32>} : memref<1536x16xf32, #tpu.memory_space<vmem>>, vector<1x16xf32>,
        %get3A_570 = vector.shape_cast %get3A_569 : vector<1x16xf32> to vector<16xf32>
        %slice3A_571 = vector.extract_strided_slice %get3A_533 {offsets = [2], sizes = [1], strides = [1]} : vector<16xf32> to vector<1xf32>
        %squeeze3A_572 = vector.extract %slice3A_571[0] : f32 from vector<1xf32>
        %mul3A_573 = vector.broadcast %squeeze3A_572 : f32 to vector<16xf32>
        %mul3A_574 = arith.mulf %get3A_570, %mul3A_573 : vector<16xf32>
        %add3A_575 = arith.constant 2 : i32
        %add3A_576 = arith.addi %multiple_of3A_531, %add3A_575 : i32
        %swap3A_577 = arith.index_cast %add3A_576 : i32 to index
        %swap3A_578 = arith.constant 0 : index
        %swap3A_579 = tpu.vector_load %arg11[%swap3A_577, %swap3A_578] {strides = array<i32>} : memref<1536x16xf32, #tpu.memory_space<vmem>>, vector<1x16xf32>,
        %swap3A_580 = vector.shape_cast %swap3A_579 : vector<1x16xf32> to vector<16xf32>
        %swap3A_581 = vector.shape_cast %mul3A_574 : vector<16xf32> to vector<1x16xf32>
        tpu.vector_store %arg11[%swap3A_577, %swap3A_578], %swap3A_581 {strides = array<i32>} : memref<1536x16xf32, #tpu.memory_space<vmem>>, vector<1x16xf32>,
        %add3A_582 = arith.constant 3 : i32
        %add3A_583 = arith.addi %multiple_of3A_531, %add3A_582 : i32
        %get3A_584 = arith.index_cast %add3A_583 : i32 to index
        %get3A_585 = arith.constant 0 : index
        %get3A_586 = tpu.vector_load %arg11[%get3A_584, %get3A_585] {strides = array<i32>} : memref<1536x16xf32, #tpu.memory_space<vmem>>, vector<1x16xf32>,
        %get3A_587 = vector.shape_cast %get3A_586 : vector<1x16xf32> to vector<16xf32>
        %slice3A_588 = vector.extract_strided_slice %get3A_533 {offsets = [3], sizes = [1], strides = [1]} : vector<16xf32> to vector<1xf32>
        %squeeze3A_589 = vector.extract %slice3A_588[0] : f32 from vector<1xf32>
        %mul3A_590 = vector.broadcast %squeeze3A_589 : f32 to vector<16xf32>
        %mul3A_591 = arith.mulf %get3A_587, %mul3A_590 : vector<16xf32>
        %add3A_592 = arith.constant 3 : i32
        %add3A_593 = arith.addi %multiple_of3A_531, %add3A_592 : i32
        %swap3A_594 = arith.index_cast %add3A_593 : i32 to index
        %swap3A_595 = arith.constant 0 : index
        %swap3A_596 = tpu.vector_load %arg11[%swap3A_594, %swap3A_595] {strides = array<i32>} : memref<1536x16xf32, #tpu.memory_space<vmem>>, vector<1x16xf32>,
        %swap3A_597 = vector.shape_cast %swap3A_596 : vector<1x16xf32> to vector<16xf32>
        %swap3A_598 = vector.shape_cast %mul3A_591 : vector<16xf32> to vector<1x16xf32>
        tpu.vector_store %arg11[%swap3A_594, %swap3A_595], %swap3A_598 {strides = array<i32>} : memref<1536x16xf32, #tpu.memory_space<vmem>>, vector<1x16xf32>,
        %add3A_599 = arith.constant 4 : i32
        %add3A_600 = arith.addi %multiple_of3A_531, %add3A_599 : i32
        %get3A_601 = arith.index_cast %add3A_600 : i32 to index
        %get3A_602 = arith.constant 0 : index
        %get3A_603 = tpu.vector_load %arg11[%get3A_601, %get3A_602] {strides = array<i32>} : memref<1536x16xf32, #tpu.memory_space<vmem>>, vector<1x16xf32>,
        %get3A_604 = vector.shape_cast %get3A_603 : vector<1x16xf32> to vector<16xf32>
        %slice3A_605 = vector.extract_strided_slice %get3A_533 {offsets = [4], sizes = [1], strides = [1]} : vector<16xf32> to vector<1xf32>
        %squeeze3A_606 = vector.extract %slice3A_605[0] : f32 from vector<1xf32>
        %mul3A_607 = vector.broadcast %squeeze3A_606 : f32 to vector<16xf32>
        %mul3A_608 = arith.mulf %get3A_604, %mul3A_607 : vector<16xf32>
        %add3A_609 = arith.constant 4 : i32
        %add3A_610 = arith.addi %multiple_of3A_531, %add3A_609 : i32
        %swap3A_611 = arith.index_cast %add3A_610 : i32 to index
        %swap3A_612 = arith.constant 0 : index
        %swap3A_613 = tpu.vector_load %arg11[%swap3A_611, %swap3A_612] {strides = array<i32>} : memref<1536x16xf32, #tpu.memory_space<vmem>>, vector<1x16xf32>,
        %swap3A_614 = vector.shape_cast %swap3A_613 : vector<1x16xf32> to vector<16xf32>
        %swap3A_615 = vector.shape_cast %mul3A_608 : vector<16xf32> to vector<1x16xf32>
        tpu.vector_store %arg11[%swap3A_611, %swap3A_612], %swap3A_615 {strides = array<i32>} : memref<1536x16xf32, #tpu.memory_space<vmem>>, vector<1x16xf32>,
        %add3A_616 = arith.constant 5 : i32
        %add3A_617 = arith.addi %multiple_of3A_531, %add3A_616 : i32
        %get3A_618 = arith.index_cast %add3A_617 : i32 to index
        %get3A_619 = arith.constant 0 : index
        %get3A_620 = tpu.vector_load %arg11[%get3A_618, %get3A_619] {strides = array<i32>} : memref<1536x16xf32, #tpu.memory_space<vmem>>, vector<1x16xf32>,
        %get3A_621 = vector.shape_cast %get3A_620 : vector<1x16xf32> to vector<16xf32>
        %slice3A_622 = vector.extract_strided_slice %get3A_533 {offsets = [5], sizes = [1], strides = [1]} : vector<16xf32> to vector<1xf32>
        %squeeze3A_623 = vector.extract %slice3A_622[0] : f32 from vector<1xf32>
        %mul3A_624 = vector.broadcast %squeeze3A_623 : f32 to vector<16xf32>
        %mul3A_625 = arith.mulf %get3A_621, %mul3A_624 : vector<16xf32>
        %add3A_626 = arith.constant 5 : i32
        %add3A_627 = arith.addi %multiple_of3A_531, %add3A_626 : i32
        %swap3A_628 = arith.index_cast %add3A_627 : i32 to index
        %swap3A_629 = arith.constant 0 : index
        %swap3A_630 = tpu.vector_load %arg11[%swap3A_628, %swap3A_629] {strides = array<i32>} : memref<1536x16xf32, #tpu.memory_space<vmem>>, vector<1x16xf32>,
        %swap3A_631 = vector.shape_cast %swap3A_630 : vector<1x16xf32> to vector<16xf32>
        %swap3A_632 = vector.shape_cast %mul3A_625 : vector<16xf32> to vector<1x16xf32>
        tpu.vector_store %arg11[%swap3A_628, %swap3A_629], %swap3A_632 {strides = array<i32>} : memref<1536x16xf32, #tpu.memory_space<vmem>>, vector<1x16xf32>,
        %add3A_633 = arith.constant 6 : i32
        %add3A_634 = arith.addi %multiple_of3A_531, %add3A_633 : i32
        %get3A_635 = arith.index_cast %add3A_634 : i32 to index
        %get3A_636 = arith.constant 0 : index
        %get3A_637 = tpu.vector_load %arg11[%get3A_635, %get3A_636] {strides = array<i32>} : memref<1536x16xf32, #tpu.memory_space<vmem>>, vector<1x16xf32>,
        %get3A_638 = vector.shape_cast %get3A_637 : vector<1x16xf32> to vector<16xf32>
        %slice3A_639 = vector.extract_strided_slice %get3A_533 {offsets = [6], sizes = [1], strides = [1]} : vector<16xf32> to vector<1xf32>
        %squeeze3A_640 = vector.extract %slice3A_639[0] : f32 from vector<1xf32>
        %mul3A_641 = vector.broadcast %squeeze3A_640 : f32 to vector<16xf32>
        %mul3A_642 = arith.mulf %get3A_638, %mul3A_641 : vector<16xf32>
        %add3A_643 = arith.constant 6 : i32
        %add3A_644 = arith.addi %multiple_of3A_531, %add3A_643 : i32
        %swap3A_645 = arith.index_cast %add3A_644 : i32 to index
        %swap3A_646 = arith.constant 0 : index
        %swap3A_647 = tpu.vector_load %arg11[%swap3A_645, %swap3A_646] {strides = array<i32>} : memref<1536x16xf32, #tpu.memory_space<vmem>>, vector<1x16xf32>,
        %swap3A_648 = vector.shape_cast %swap3A_647 : vector<1x16xf32> to vector<16xf32>
        %swap3A_649 = vector.shape_cast %mul3A_642 : vector<16xf32> to vector<1x16xf32>
        tpu.vector_store %arg11[%swap3A_645, %swap3A_646], %swap3A_649 {strides = array<i32>} : memref<1536x16xf32, #tpu.memory_space<vmem>>, vector<1x16xf32>,
        %add3A_650 = arith.constant 7 : i32
        %add3A_651 = arith.addi %multiple_of3A_531, %add3A_650 : i32
        %get3A_652 = arith.index_cast %add3A_651 : i32 to index
        %get3A_653 = arith.constant 0 : index
        %get3A_654 = tpu.vector_load %arg11[%get3A_652, %get3A_653] {strides = array<i32>} : memref<1536x16xf32, #tpu.memory_space<vmem>>, vector<1x16xf32>,
        %get3A_655 = vector.shape_cast %get3A_654 : vector<1x16xf32> to vector<16xf32>
        %slice3A_656 = vector.extract_strided_slice %get3A_533 {offsets = [7], sizes = [1], strides = [1]} : vector<16xf32> to vector<1xf32>
        %squeeze3A_657 = vector.extract %slice3A_656[0] : f32 from vector<1xf32>
        %mul3A_658 = vector.broadcast %squeeze3A_657 : f32 to vector<16xf32>
        %mul3A_659 = arith.mulf %get3A_655, %mul3A_658 : vector<16xf32>
        %add3A_660 = arith.constant 7 : i32
        %add3A_661 = arith.addi %multiple_of3A_531, %add3A_660 : i32
        %swap3A_662 = arith.index_cast %add3A_661 : i32 to index
        %swap3A_663 = arith.constant 0 : index
        %swap3A_664 = tpu.vector_load %arg11[%swap3A_662, %swap3A_663] {strides = array<i32>} : memref<1536x16xf32, #tpu.memory_space<vmem>>, vector<1x16xf32>,
        %swap3A_665 = vector.shape_cast %swap3A_664 : vector<1x16xf32> to vector<16xf32>
        %swap3A_666 = vector.shape_cast %mul3A_659 : vector<16xf32> to vector<1x16xf32>
        tpu.vector_store %arg11[%swap3A_662, %swap3A_663], %swap3A_666 {strides = array<i32>} : memref<1536x16xf32, #tpu.memory_space<vmem>>, vector<1x16xf32>,
        %add3A_667 = arith.constant 8 : i32
        %add3A_668 = arith.addi %multiple_of3A_531, %add3A_667 : i32
        %get3A_669 = arith.index_cast %add3A_668 : i32 to index
        %get3A_670 = arith.constant 0 : index
        %get3A_671 = tpu.vector_load %arg11[%get3A_669, %get3A_670] {strides = array<i32>} : memref<1536x16xf32, #tpu.memory_space<vmem>>, vector<1x16xf32>,
        %get3A_672 = vector.shape_cast %get3A_671 : vector<1x16xf32> to vector<16xf32>
        %slice3A_673 = vector.extract_strided_slice %get3A_533 {offsets = [8], sizes = [1], strides = [1]} : vector<16xf32> to vector<1xf32>
        %squeeze3A_674 = vector.extract %slice3A_673[0] : f32 from vector<1xf32>
        %mul3A_675 = vector.broadcast %squeeze3A_674 : f32 to vector<16xf32>
        %mul3A_676 = arith.mulf %get3A_672, %mul3A_675 : vector<16xf32>
        %add3A_677 = arith.constant 8 : i32
        %add3A_678 = arith.addi %multiple_of3A_531, %add3A_677 : i32
        %swap3A_679 = arith.index_cast %add3A_678 : i32 to index
        %swap3A_680 = arith.constant 0 : index
        %swap3A_681 = tpu.vector_load %arg11[%swap3A_679, %swap3A_680] {strides = array<i32>} : memref<1536x16xf32, #tpu.memory_space<vmem>>, vector<1x16xf32>,
        %swap3A_682 = vector.shape_cast %swap3A_681 : vector<1x16xf32> to vector<16xf32>
        %swap3A_683 = vector.shape_cast %mul3A_676 : vector<16xf32> to vector<1x16xf32>
        tpu.vector_store %arg11[%swap3A_679, %swap3A_680], %swap3A_683 {strides = array<i32>} : memref<1536x16xf32, #tpu.memory_space<vmem>>, vector<1x16xf32>,
        %add3A_684 = arith.constant 9 : i32
        %add3A_685 = arith.addi %multiple_of3A_531, %add3A_684 : i32
        %get3A_686 = arith.index_cast %add3A_685 : i32 to index
        %get3A_687 = arith.constant 0 : index
        %get3A_688 = tpu.vector_load %arg11[%get3A_686, %get3A_687] {strides = array<i32>} : memref<1536x16xf32, #tpu.memory_space<vmem>>, vector<1x16xf32>,
        %get3A_689 = vector.shape_cast %get3A_688 : vector<1x16xf32> to vector<16xf32>
        %slice3A_690 = vector.extract_strided_slice %get3A_533 {offsets = [9], sizes = [1], strides = [1]} : vector<16xf32> to vector<1xf32>
        %squeeze3A_691 = vector.extract %slice3A_690[0] : f32 from vector<1xf32>
        %mul3A_692 = vector.broadcast %squeeze3A_691 : f32 to vector<16xf32>
        %mul3A_693 = arith.mulf %get3A_689, %mul3A_692 : vector<16xf32>
        %add3A_694 = arith.constant 9 : i32
        %add3A_695 = arith.addi %multiple_of3A_531, %add3A_694 : i32
        %swap3A_696 = arith.index_cast %add3A_695 : i32 to index
        %swap3A_697 = arith.constant 0 : index
        %swap3A_698 = tpu.vector_load %arg11[%swap3A_696, %swap3A_697] {strides = array<i32>} : memref<1536x16xf32, #tpu.memory_space<vmem>>, vector<1x16xf32>,
        %swap3A_699 = vector.shape_cast %swap3A_698 : vector<1x16xf32> to vector<16xf32>
        %swap3A_700 = vector.shape_cast %mul3A_693 : vector<16xf32> to vector<1x16xf32>
        tpu.vector_store %arg11[%swap3A_696, %swap3A_697], %swap3A_700 {strides = array<i32>} : memref<1536x16xf32, #tpu.memory_space<vmem>>, vector<1x16xf32>,
        %add3A_701 = arith.constant 10 : i32
        %add3A_702 = arith.addi %multiple_of3A_531, %add3A_701 : i32
        %get3A_703 = arith.index_cast %add3A_702 : i32 to index
        %get3A_704 = arith.constant 0 : index
        %get3A_705 = tpu.vector_load %arg11[%get3A_703, %get3A_704] {strides = array<i32>} : memref<1536x16xf32, #tpu.memory_space<vmem>>, vector<1x16xf32>,
        %get3A_706 = vector.shape_cast %get3A_705 : vector<1x16xf32> to vector<16xf32>
        %slice3A_707 = vector.extract_strided_slice %get3A_533 {offsets = [10], sizes = [1], strides = [1]} : vector<16xf32> to vector<1xf32>
        %squeeze3A_708 = vector.extract %slice3A_707[0] : f32 from vector<1xf32>
        %mul3A_709 = vector.broadcast %squeeze3A_708 : f32 to vector<16xf32>
        %mul3A_710 = arith.mulf %get3A_706, %mul3A_709 : vector<16xf32>
        %add3A_711 = arith.constant 10 : i32
        %add3A_712 = arith.addi %multiple_of3A_531, %add3A_711 : i32
        %swap3A_713 = arith.index_cast %add3A_712 : i32 to index
        %swap3A_714 = arith.constant 0 : index
        %swap3A_715 = tpu.vector_load %arg11[%swap3A_713, %swap3A_714] {strides = array<i32>} : memref<1536x16xf32, #tpu.memory_space<vmem>>, vector<1x16xf32>,
        %swap3A_716 = vector.shape_cast %swap3A_715 : vector<1x16xf32> to vector<16xf32>
        %swap3A_717 = vector.shape_cast %mul3A_710 : vector<16xf32> to vector<1x16xf32>
        tpu.vector_store %arg11[%swap3A_713, %swap3A_714], %swap3A_717 {strides = array<i32>} : memref<1536x16xf32, #tpu.memory_space<vmem>>, vector<1x16xf32>,
        %add3A_718 = arith.constant 11 : i32
        %add3A_719 = arith.addi %multiple_of3A_531, %add3A_718 : i32
        %get3A_720 = arith.index_cast %add3A_719 : i32 to index
        %get3A_721 = arith.constant 0 : index
        %get3A_722 = tpu.vector_load %arg11[%get3A_720, %get3A_721] {strides = array<i32>} : memref<1536x16xf32, #tpu.memory_space<vmem>>, vector<1x16xf32>,
        %get3A_723 = vector.shape_cast %get3A_722 : vector<1x16xf32> to vector<16xf32>
        %slice3A_724 = vector.extract_strided_slice %get3A_533 {offsets = [11], sizes = [1], strides = [1]} : vector<16xf32> to vector<1xf32>
        %squeeze3A_725 = vector.extract %slice3A_724[0] : f32 from vector<1xf32>
        %mul3A_726 = vector.broadcast %squeeze3A_725 : f32 to vector<16xf32>
        %mul3A_727 = arith.mulf %get3A_723, %mul3A_726 : vector<16xf32>
        %add3A_728 = arith.constant 11 : i32
        %add3A_729 = arith.addi %multiple_of3A_531, %add3A_728 : i32
        %swap3A_730 = arith.index_cast %add3A_729 : i32 to index
        %swap3A_731 = arith.constant 0 : index
        %swap3A_732 = tpu.vector_load %arg11[%swap3A_730, %swap3A_731] {strides = array<i32>} : memref<1536x16xf32, #tpu.memory_space<vmem>>, vector<1x16xf32>,
        %swap3A_733 = vector.shape_cast %swap3A_732 : vector<1x16xf32> to vector<16xf32>
        %swap3A_734 = vector.shape_cast %mul3A_727 : vector<16xf32> to vector<1x16xf32>
        tpu.vector_store %arg11[%swap3A_730, %swap3A_731], %swap3A_734 {strides = array<i32>} : memref<1536x16xf32, #tpu.memory_space<vmem>>, vector<1x16xf32>,
        %add3A_735 = arith.constant 12 : i32
        %add3A_736 = arith.addi %multiple_of3A_531, %add3A_735 : i32
        %get3A_737 = arith.index_cast %add3A_736 : i32 to index
        %get3A_738 = arith.constant 0 : index
        %get3A_739 = tpu.vector_load %arg11[%get3A_737, %get3A_738] {strides = array<i32>} : memref<1536x16xf32, #tpu.memory_space<vmem>>, vector<1x16xf32>,
        %get3A_740 = vector.shape_cast %get3A_739 : vector<1x16xf32> to vector<16xf32>
        %slice3A_741 = vector.extract_strided_slice %get3A_533 {offsets = [12], sizes = [1], strides = [1]} : vector<16xf32> to vector<1xf32>
        %squeeze3A_742 = vector.extract %slice3A_741[0] : f32 from vector<1xf32>
        %mul3A_743 = vector.broadcast %squeeze3A_742 : f32 to vector<16xf32>
        %mul3A_744 = arith.mulf %get3A_740, %mul3A_743 : vector<16xf32>
        %add3A_745 = arith.constant 12 : i32
        %add3A_746 = arith.addi %multiple_of3A_531, %add3A_745 : i32
        %swap3A_747 = arith.index_cast %add3A_746 : i32 to index
        %swap3A_748 = arith.constant 0 : index
        %swap3A_749 = tpu.vector_load %arg11[%swap3A_747, %swap3A_748] {strides = array<i32>} : memref<1536x16xf32, #tpu.memory_space<vmem>>, vector<1x16xf32>,
        %swap3A_750 = vector.shape_cast %swap3A_749 : vector<1x16xf32> to vector<16xf32>
        %swap3A_751 = vector.shape_cast %mul3A_744 : vector<16xf32> to vector<1x16xf32>
        tpu.vector_store %arg11[%swap3A_747, %swap3A_748], %swap3A_751 {strides = array<i32>} : memref<1536x16xf32, #tpu.memory_space<vmem>>, vector<1x16xf32>,
        %add3A_752 = arith.constant 13 : i32
        %add3A_753 = arith.addi %multiple_of3A_531, %add3A_752 : i32
        %get3A_754 = arith.index_cast %add3A_753 : i32 to index
        %get3A_755 = arith.constant 0 : index
        %get3A_756 = tpu.vector_load %arg11[%get3A_754, %get3A_755] {strides = array<i32>} : memref<1536x16xf32, #tpu.memory_space<vmem>>, vector<1x16xf32>,
        %get3A_757 = vector.shape_cast %get3A_756 : vector<1x16xf32> to vector<16xf32>
        %slice3A_758 = vector.extract_strided_slice %get3A_533 {offsets = [13], sizes = [1], strides = [1]} : vector<16xf32> to vector<1xf32>
        %squeeze3A_759 = vector.extract %slice3A_758[0] : f32 from vector<1xf32>
        %mul3A_760 = vector.broadcast %squeeze3A_759 : f32 to vector<16xf32>
        %mul3A_761 = arith.mulf %get3A_757, %mul3A_760 : vector<16xf32>
        %add3A_762 = arith.constant 13 : i32
        %add3A_763 = arith.addi %multiple_of3A_531, %add3A_762 : i32
        %swap3A_764 = arith.index_cast %add3A_763 : i32 to index
        %swap3A_765 = arith.constant 0 : index
        %swap3A_766 = tpu.vector_load %arg11[%swap3A_764, %swap3A_765] {strides = array<i32>} : memref<1536x16xf32, #tpu.memory_space<vmem>>, vector<1x16xf32>,
        %swap3A_767 = vector.shape_cast %swap3A_766 : vector<1x16xf32> to vector<16xf32>
        %swap3A_768 = vector.shape_cast %mul3A_761 : vector<16xf32> to vector<1x16xf32>
        tpu.vector_store %arg11[%swap3A_764, %swap3A_765], %swap3A_768 {strides = array<i32>} : memref<1536x16xf32, #tpu.memory_space<vmem>>, vector<1x16xf32>,
        %add3A_769 = arith.constant 14 : i32
        %add3A_770 = arith.addi %multiple_of3A_531, %add3A_769 : i32
        %get3A_771 = arith.index_cast %add3A_770 : i32 to index
        %get3A_772 = arith.constant 0 : index
        %get3A_773 = tpu.vector_load %arg11[%get3A_771, %get3A_772] {strides = array<i32>} : memref<1536x16xf32, #tpu.memory_space<vmem>>, vector<1x16xf32>,
        %get3A_774 = vector.shape_cast %get3A_773 : vector<1x16xf32> to vector<16xf32>
        %slice3A_775 = vector.extract_strided_slice %get3A_533 {offsets = [14], sizes = [1], strides = [1]} : vector<16xf32> to vector<1xf32>
        %squeeze3A_776 = vector.extract %slice3A_775[0] : f32 from vector<1xf32>
        %mul3A_777 = vector.broadcast %squeeze3A_776 : f32 to vector<16xf32>
        %mul3A_778 = arith.mulf %get3A_774, %mul3A_777 : vector<16xf32>
        %add3A_779 = arith.constant 14 : i32
        %add3A_780 = arith.addi %multiple_of3A_531, %add3A_779 : i32
        %swap3A_781 = arith.index_cast %add3A_780 : i32 to index
        %swap3A_782 = arith.constant 0 : index
        %swap3A_783 = tpu.vector_load %arg11[%swap3A_781, %swap3A_782] {strides = array<i32>} : memref<1536x16xf32, #tpu.memory_space<vmem>>, vector<1x16xf32>,
        %swap3A_784 = vector.shape_cast %swap3A_783 : vector<1x16xf32> to vector<16xf32>
        %swap3A_785 = vector.shape_cast %mul3A_778 : vector<16xf32> to vector<1x16xf32>
        tpu.vector_store %arg11[%swap3A_781, %swap3A_782], %swap3A_785 {strides = array<i32>} : memref<1536x16xf32, #tpu.memory_space<vmem>>, vector<1x16xf32>,
        %add3A_786 = arith.constant 15 : i32
        %add3A_787 = arith.addi %multiple_of3A_531, %add3A_786 : i32
        %get3A_788 = arith.index_cast %add3A_787 : i32 to index
        %get3A_789 = arith.constant 0 : index
        %get3A_790 = tpu.vector_load %arg11[%get3A_788, %get3A_789] {strides = array<i32>} : memref<1536x16xf32, #tpu.memory_space<vmem>>, vector<1x16xf32>,
        %get3A_791 = vector.shape_cast %get3A_790 : vector<1x16xf32> to vector<16xf32>
        %slice3A_792 = vector.extract_strided_slice %get3A_533 {offsets = [15], sizes = [1], strides = [1]} : vector<16xf32> to vector<1xf32>
        %squeeze3A_793 = vector.extract %slice3A_792[0] : f32 from vector<1xf32>
        %mul3A_794 = vector.broadcast %squeeze3A_793 : f32 to vector<16xf32>
        %mul3A_795 = arith.mulf %get3A_791, %mul3A_794 : vector<16xf32>
        %add3A_796 = arith.constant 15 : i32
        %add3A_797 = arith.addi %multiple_of3A_531, %add3A_796 : i32
        %swap3A_798 = arith.index_cast %add3A_797 : i32 to index
        %swap3A_799 = arith.constant 0 : index
        %swap3A_800 = tpu.vector_load %arg11[%swap3A_798, %swap3A_799] {strides = array<i32>} : memref<1536x16xf32, #tpu.memory_space<vmem>>, vector<1x16xf32>,
        %swap3A_801 = vector.shape_cast %swap3A_800 : vector<1x16xf32> to vector<16xf32>
        %swap3A_802 = vector.shape_cast %mul3A_795 : vector<16xf32> to vector<1x16xf32>
        tpu.vector_store %arg11[%swap3A_798, %swap3A_799], %swap3A_802 {strides = array<i32>} : memref<1536x16xf32, #tpu.memory_space<vmem>>, vector<1x16xf32>,
        %scan3A_803 = arith.constant 0 : i32
        scf.yield %scan3A_803 : i32
      }
      %scan3A_343 = arith.constant 48 : i32
      %dma_start3A_344 = arith.constant 6 : i32
      %dma_start3A_345 = arith.constant 768 : i32
      %dma_start3A_346 = arith.constant 0 : i32
      %dma_start3A_347 = tpu.memref_slice %arg11[%dma_start3A_345, %dma_start3A_346] : memref<1536x16xf32, #tpu.memory_space<vmem>> -> memref<128x16xf32, #tpu.memory_space<vmem>>
      %dma_start3A_348 = arith.constant 0 : i32
      %dma_start3A_349 = tpu.memref_slice %arg9[%dma_start3A_344, %dma_start3A_348] : memref<12x128xi32, #tpu.memory_space<vmem>> -> memref<1x128xi32, #tpu.memory_space<vmem>>
      %dma_start3A_350 = tpu.memref_squeeze %dma_start3A_349 : memref<1x128xi32, #tpu.memory_space<vmem>> -> memref<128xi32, #tpu.memory_space<vmem>>
      %dma_start3A_351 = arith.constant 0 : i32
      %dma_start3A_352 = arith.constant 0 : i32
      %dma_start3A_353 = tpu.memref_slice %arg12[%dma_start3A_351, %dma_start3A_352] : memref<100096x16xf32, #tpu.memory_space<vmem_shared>> -> memref<100096x16xf32, #tpu.memory_space<vmem_shared>>
      tpu.enqueue_indirect_dma source(%dma_start3A_347 : memref<128x16xf32, #tpu.memory_space<vmem>>) target(%dma_start3A_353 : memref<100096x16xf32, #tpu.memory_space<vmem_shared>>) offsets(%dma_start3A_350 : memref<128xi32, #tpu.memory_space<vmem>>) semaphore(%arg15 : memref<!tpu.dma_semaphore, #tpu.memory_space<semaphore_mem>>) {add = true}
      %dma_start3A_354 = arith.constant 7 : i32
      %dma_start3A_355 = arith.constant 896 : i32
      %dma_start3A_356 = arith.constant 0 : i32
      %dma_start3A_357 = tpu.memref_slice %arg11[%dma_start3A_355, %dma_start3A_356] : memref<1536x16xf32, #tpu.memory_space<vmem>> -> memref<128x16xf32, #tpu.memory_space<vmem>>
      %dma_start3A_358 = arith.constant 0 : i32
      %dma_start3A_359 = tpu.memref_slice %arg9[%dma_start3A_354, %dma_start3A_358] : memref<12x128xi32, #tpu.memory_space<vmem>> -> memref<1x128xi32, #tpu.memory_space<vmem>>
      %dma_start3A_360 = tpu.memref_squeeze %dma_start3A_359 : memref<1x128xi32, #tpu.memory_space<vmem>> -> memref<128xi32, #tpu.memory_space<vmem>>
      %dma_start3A_361 = arith.constant 0 : i32
      %dma_start3A_362 = arith.constant 0 : i32
      %dma_start3A_363 = tpu.memref_slice %arg12[%dma_start3A_361, %dma_start3A_362] : memref<100096x16xf32, #tpu.memory_space<vmem_shared>> -> memref<100096x16xf32, #tpu.memory_space<vmem_shared>>
      tpu.enqueue_indirect_dma source(%dma_start3A_357 : memref<128x16xf32, #tpu.memory_space<vmem>>) target(%dma_start3A_363 : memref<100096x16xf32, #tpu.memory_space<vmem_shared>>) offsets(%dma_start3A_360 : memref<128xi32, #tpu.memory_space<vmem>>) semaphore(%arg15 : memref<!tpu.dma_semaphore, #tpu.memory_space<semaphore_mem>>) {add = true}
      %dma_start3A_364 = arith.constant 8 : i32
      %dma_start3A_365 = arith.constant 1024 : i32
      %dma_start3A_366 = arith.constant 0 : i32
      %dma_start3A_367 = tpu.memref_slice %arg11[%dma_start3A_365, %dma_start3A_366] : memref<1536x16xf32, #tpu.memory_space<vmem>> -> memref<128x16xf32, #tpu.memory_space<vmem>>
      %dma_start3A_368 = arith.constant 0 : i32
      %dma_start3A_369 = tpu.memref_slice %arg9[%dma_start3A_364, %dma_start3A_368] : memref<12x128xi32, #tpu.memory_space<vmem>> -> memref<1x128xi32, #tpu.memory_space<vmem>>
      %dma_start3A_370 = tpu.memref_squeeze %dma_start3A_369 : memref<1x128xi32, #tpu.memory_space<vmem>> -> memref<128xi32, #tpu.memory_space<vmem>>
      %dma_start3A_371 = arith.constant 0 : i32
      %dma_start3A_372 = arith.constant 0 : i32
      %dma_start3A_373 = tpu.memref_slice %arg12[%dma_start3A_371, %dma_start3A_372] : memref<100096x16xf32, #tpu.memory_space<vmem_shared>> -> memref<100096x16xf32, #tpu.memory_space<vmem_shared>>
      tpu.enqueue_indirect_dma source(%dma_start3A_367 : memref<128x16xf32, #tpu.memory_space<vmem>>) target(%dma_start3A_373 : memref<100096x16xf32, #tpu.memory_space<vmem_shared>>) offsets(%dma_start3A_370 : memref<128xi32, #tpu.memory_space<vmem>>) semaphore(%arg15 : memref<!tpu.dma_semaphore, #tpu.memory_space<semaphore_mem>>) {add = true}
      %dma_start3A_374 = arith.constant 9 : i32
      %dma_start3A_375 = arith.constant 1152 : i32
      %dma_start3A_376 = arith.constant 0 : i32
      %dma_start3A_377 = tpu.memref_slice %arg11[%dma_start3A_375, %dma_start3A_376] : memref<1536x16xf32, #tpu.memory_space<vmem>> -> memref<128x16xf32, #tpu.memory_space<vmem>>
      %dma_start3A_378 = arith.constant 0 : i32
      %dma_start3A_379 = tpu.memref_slice %arg9[%dma_start3A_374, %dma_start3A_378] : memref<12x128xi32, #tpu.memory_space<vmem>> -> memref<1x128xi32, #tpu.memory_space<vmem>>
      %dma_start3A_380 = tpu.memref_squeeze %dma_start3A_379 : memref<1x128xi32, #tpu.memory_space<vmem>> -> memref<128xi32, #tpu.memory_space<vmem>>
      %dma_start3A_381 = arith.constant 0 : i32
      %dma_start3A_382 = arith.constant 0 : i32
      %dma_start3A_383 = tpu.memref_slice %arg12[%dma_start3A_381, %dma_start3A_382] : memref<100096x16xf32, #tpu.memory_space<vmem_shared>> -> memref<100096x16xf32, #tpu.memory_space<vmem_shared>>
      tpu.enqueue_indirect_dma source(%dma_start3A_377 : memref<128x16xf32, #tpu.memory_space<vmem>>) target(%dma_start3A_383 : memref<100096x16xf32, #tpu.memory_space<vmem_shared>>) offsets(%dma_start3A_380 : memref<128xi32, #tpu.memory_space<vmem>>) semaphore(%arg15 : memref<!tpu.dma_semaphore, #tpu.memory_space<semaphore_mem>>) {add = true}
      %dma_start3A_384 = arith.constant 10 : i32
      %dma_start3A_385 = arith.constant 1280 : i32
      %dma_start3A_386 = arith.constant 0 : i32
      %dma_start3A_387 = tpu.memref_slice %arg11[%dma_start3A_385, %dma_start3A_386] : memref<1536x16xf32, #tpu.memory_space<vmem>> -> memref<128x16xf32, #tpu.memory_space<vmem>>
      %dma_start3A_388 = arith.constant 0 : i32
      %dma_start3A_389 = tpu.memref_slice %arg9[%dma_start3A_384, %dma_start3A_388] : memref<12x128xi32, #tpu.memory_space<vmem>> -> memref<1x128xi32, #tpu.memory_space<vmem>>
      %dma_start3A_390 = tpu.memref_squeeze %dma_start3A_389 : memref<1x128xi32, #tpu.memory_space<vmem>> -> memref<128xi32, #tpu.memory_space<vmem>>
      %dma_start3A_391 = arith.constant 0 : i32
      %dma_start3A_392 = arith.constant 0 : i32
      %dma_start3A_393 = tpu.memref_slice %arg12[%dma_start3A_391, %dma_start3A_392] : memref<100096x16xf32, #tpu.memory_space<vmem_shared>> -> memref<100096x16xf32, #tpu.memory_space<vmem_shared>>
      tpu.enqueue_indirect_dma source(%dma_start3A_387 : memref<128x16xf32, #tpu.memory_space<vmem>>) target(%dma_start3A_393 : memref<100096x16xf32, #tpu.memory_space<vmem_shared>>) offsets(%dma_start3A_390 : memref<128xi32, #tpu.memory_space<vmem>>) semaphore(%arg15 : memref<!tpu.dma_semaphore, #tpu.memory_space<semaphore_mem>>) {add = true}
      %dma_start3A_394 = arith.constant 11 : i32
      %dma_start3A_395 = arith.constant 1408 : i32
      %dma_start3A_396 = arith.constant 0 : i32
      %dma_start3A_397 = tpu.memref_slice %arg11[%dma_start3A_395, %dma_start3A_396] : memref<1536x16xf32, #tpu.memory_space<vmem>> -> memref<128x16xf32, #tpu.memory_space<vmem>>
      %dma_start3A_398 = arith.constant 0 : i32
      %dma_start3A_399 = tpu.memref_slice %arg9[%dma_start3A_394, %dma_start3A_398] : memref<12x128xi32, #tpu.memory_space<vmem>> -> memref<1x128xi32, #tpu.memory_space<vmem>>
      %dma_start3A_400 = tpu.memref_squeeze %dma_start3A_399 : memref<1x128xi32, #tpu.memory_space<vmem>> -> memref<128xi32, #tpu.memory_space<vmem>>
      %dma_start3A_401 = arith.constant 0 : i32
      %dma_start3A_402 = arith.constant 0 : i32
      %dma_start3A_403 = tpu.memref_slice %arg12[%dma_start3A_401, %dma_start3A_402] : memref<100096x16xf32, #tpu.memory_space<vmem_shared>> -> memref<100096x16xf32, #tpu.memory_space<vmem_shared>>
      tpu.enqueue_indirect_dma source(%dma_start3A_397 : memref<128x16xf32, #tpu.memory_space<vmem>>) target(%dma_start3A_403 : memref<100096x16xf32, #tpu.memory_space<vmem_shared>>) offsets(%dma_start3A_400 : memref<128xi32, #tpu.memory_space<vmem>>) semaphore(%arg15 : memref<!tpu.dma_semaphore, #tpu.memory_space<semaphore_mem>>) {add = true}
      %dma_wait3A_404 = arith.constant 0 : i32
      %dma_wait3A_405 = arith.constant 0 : i32
      %dma_wait3A_406 = arith.constant 0 : i32
      %dma_wait3A_407 = tpu.memref_slice %arg11[%dma_wait3A_405, %dma_wait3A_406] : memref<1536x16xf32, #tpu.memory_space<vmem>> -> memref<128x16xf32, #tpu.memory_space<vmem>>
      %dma_wait3A_408 = arith.constant 0 : i32
      %dma_wait3A_409 = tpu.memref_slice %arg9[%dma_wait3A_404, %dma_wait3A_408] : memref<12x128xi32, #tpu.memory_space<vmem>> -> memref<1x128xi32, #tpu.memory_space<vmem>>
      %dma_wait3A_410 = tpu.memref_squeeze %dma_wait3A_409 : memref<1x128xi32, #tpu.memory_space<vmem>> -> memref<128xi32, #tpu.memory_space<vmem>>
      %dma_wait3A_411 = arith.constant 0 : i32
      %dma_wait3A_412 = arith.constant 0 : i32
      %dma_wait3A_413 = tpu.memref_slice %arg12[%dma_wait3A_411, %dma_wait3A_412] : memref<100096x16xf32, #tpu.memory_space<vmem_shared>> -> memref<100096x16xf32, #tpu.memory_space<vmem_shared>>
      tpu.wait_indirect_dma semaphore(%arg15 : memref<!tpu.dma_semaphore, #tpu.memory_space<semaphore_mem>>) src(%dma_wait3A_407 : memref<128x16xf32, #tpu.memory_space<vmem>>) dst(%dma_wait3A_413 : memref<100096x16xf32, #tpu.memory_space<vmem_shared>>)
      %dma_wait3A_414 = arith.constant 1 : i32
      %dma_wait3A_415 = arith.constant 128 : i32
      %dma_wait3A_416 = arith.constant 0 : i32
      %dma_wait3A_417 = tpu.memref_slice %arg11[%dma_wait3A_415, %dma_wait3A_416] : memref<1536x16xf32, #tpu.memory_space<vmem>> -> memref<128x16xf32, #tpu.memory_space<vmem>>
      %dma_wait3A_418 = arith.constant 0 : i32
      %dma_wait3A_419 = tpu.memref_slice %arg9[%dma_wait3A_414, %dma_wait3A_418] : memref<12x128xi32, #tpu.memory_space<vmem>> -> memref<1x128xi32, #tpu.memory_space<vmem>>
      %dma_wait3A_420 = tpu.memref_squeeze %dma_wait3A_419 : memref<1x128xi32, #tpu.memory_space<vmem>> -> memref<128xi32, #tpu.memory_space<vmem>>
      %dma_wait3A_421 = arith.constant 0 : i32
      %dma_wait3A_422 = arith.constant 0 : i32
      %dma_wait3A_423 = tpu.memref_slice %arg12[%dma_wait3A_421, %dma_wait3A_422] : memref<100096x16xf32, #tpu.memory_space<vmem_shared>> -> memref<100096x16xf32, #tpu.memory_space<vmem_shared>>
      tpu.wait_indirect_dma semaphore(%arg15 : memref<!tpu.dma_semaphore, #tpu.memory_space<semaphore_mem>>) src(%dma_wait3A_417 : memref<128x16xf32, #tpu.memory_space<vmem>>) dst(%dma_wait3A_423 : memref<100096x16xf32, #tpu.memory_space<vmem_shared>>)
      %dma_wait3A_424 = arith.constant 2 : i32
      %dma_wait3A_425 = arith.constant 256 : i32
      %dma_wait3A_426 = arith.constant 0 : i32
      %dma_wait3A_427 = tpu.memref_slice %arg11[%dma_wait3A_425, %dma_wait3A_426] : memref<1536x16xf32, #tpu.memory_space<vmem>> -> memref<128x16xf32, #tpu.memory_space<vmem>>
      %dma_wait3A_428 = arith.constant 0 : i32
      %dma_wait3A_429 = tpu.memref_slice %arg9[%dma_wait3A_424, %dma_wait3A_428] : memref<12x128xi32, #tpu.memory_space<vmem>> -> memref<1x128xi32, #tpu.memory_space<vmem>>
      %dma_wait3A_430 = tpu.memref_squeeze %dma_wait3A_429 : memref<1x128xi32, #tpu.memory_space<vmem>> -> memref<128xi32, #tpu.memory_space<vmem>>
      %dma_wait3A_431 = arith.constant 0 : i32
      %dma_wait3A_432 = arith.constant 0 : i32
      %dma_wait3A_433 = tpu.memref_slice %arg12[%dma_wait3A_431, %dma_wait3A_432] : memref<100096x16xf32, #tpu.memory_space<vmem_shared>> -> memref<100096x16xf32, #tpu.memory_space<vmem_shared>>
      tpu.wait_indirect_dma semaphore(%arg15 : memref<!tpu.dma_semaphore, #tpu.memory_space<semaphore_mem>>) src(%dma_wait3A_427 : memref<128x16xf32, #tpu.memory_space<vmem>>) dst(%dma_wait3A_433 : memref<100096x16xf32, #tpu.memory_space<vmem_shared>>)
      %dma_wait3A_434 = arith.constant 3 : i32
      %dma_wait3A_435 = arith.constant 384 : i32
      %dma_wait3A_436 = arith.constant 0 : i32
      %dma_wait3A_437 = tpu.memref_slice %arg11[%dma_wait3A_435, %dma_wait3A_436] : memref<1536x16xf32, #tpu.memory_space<vmem>> -> memref<128x16xf32, #tpu.memory_space<vmem>>
      %dma_wait3A_438 = arith.constant 0 : i32
      %dma_wait3A_439 = tpu.memref_slice %arg9[%dma_wait3A_434, %dma_wait3A_438] : memref<12x128xi32, #tpu.memory_space<vmem>> -> memref<1x128xi32, #tpu.memory_space<vmem>>
      %dma_wait3A_440 = tpu.memref_squeeze %dma_wait3A_439 : memref<1x128xi32, #tpu.memory_space<vmem>> -> memref<128xi32, #tpu.memory_space<vmem>>
      %dma_wait3A_441 = arith.constant 0 : i32
      %dma_wait3A_442 = arith.constant 0 : i32
      %dma_wait3A_443 = tpu.memref_slice %arg12[%dma_wait3A_441, %dma_wait3A_442] : memref<100096x16xf32, #tpu.memory_space<vmem_shared>> -> memref<100096x16xf32, #tpu.memory_space<vmem_shared>>
      tpu.wait_indirect_dma semaphore(%arg15 : memref<!tpu.dma_semaphore, #tpu.memory_space<semaphore_mem>>) src(%dma_wait3A_437 : memref<128x16xf32, #tpu.memory_space<vmem>>) dst(%dma_wait3A_443 : memref<100096x16xf32, #tpu.memory_space<vmem_shared>>)
      %dma_wait3A_444 = arith.constant 4 : i32
      %dma_wait3A_445 = arith.constant 512 : i32
      %dma_wait3A_446 = arith.constant 0 : i32
      %dma_wait3A_447 = tpu.memref_slice %arg11[%dma_wait3A_445, %dma_wait3A_446] : memref<1536x16xf32, #tpu.memory_space<vmem>> -> memref<128x16xf32, #tpu.memory_space<vmem>>
      %dma_wait3A_448 = arith.constant 0 : i32
      %dma_wait3A_449 = tpu.memref_slice %arg9[%dma_wait3A_444, %dma_wait3A_448] : memref<12x128xi32, #tpu.memory_space<vmem>> -> memref<1x128xi32, #tpu.memory_space<vmem>>
      %dma_wait3A_450 = tpu.memref_squeeze %dma_wait3A_449 : memref<1x128xi32, #tpu.memory_space<vmem>> -> memref<128xi32, #tpu.memory_space<vmem>>
      %dma_wait3A_451 = arith.constant 0 : i32
      %dma_wait3A_452 = arith.constant 0 : i32
      %dma_wait3A_453 = tpu.memref_slice %arg12[%dma_wait3A_451, %dma_wait3A_452] : memref<100096x16xf32, #tpu.memory_space<vmem_shared>> -> memref<100096x16xf32, #tpu.memory_space<vmem_shared>>
      tpu.wait_indirect_dma semaphore(%arg15 : memref<!tpu.dma_semaphore, #tpu.memory_space<semaphore_mem>>) src(%dma_wait3A_447 : memref<128x16xf32, #tpu.memory_space<vmem>>) dst(%dma_wait3A_453 : memref<100096x16xf32, #tpu.memory_space<vmem_shared>>)
      %dma_wait3A_454 = arith.constant 5 : i32
      %dma_wait3A_455 = arith.constant 640 : i32
      %dma_wait3A_456 = arith.constant 0 : i32
      %dma_wait3A_457 = tpu.memref_slice %arg11[%dma_wait3A_455, %dma_wait3A_456] : memref<1536x16xf32, #tpu.memory_space<vmem>> -> memref<128x16xf32, #tpu.memory_space<vmem>>
      %dma_wait3A_458 = arith.constant 0 : i32
      %dma_wait3A_459 = tpu.memref_slice %arg9[%dma_wait3A_454, %dma_wait3A_458] : memref<12x128xi32, #tpu.memory_space<vmem>> -> memref<1x128xi32, #tpu.memory_space<vmem>>
      %dma_wait3A_460 = tpu.memref_squeeze %dma_wait3A_459 : memref<1x128xi32, #tpu.memory_space<vmem>> -> memref<128xi32, #tpu.memory_space<vmem>>
      %dma_wait3A_461 = arith.constant 0 : i32
      %dma_wait3A_462 = arith.constant 0 : i32
      %dma_wait3A_463 = tpu.memref_slice %arg12[%dma_wait3A_461, %dma_wait3A_462] : memref<100096x16xf32, #tpu.memory_space<vmem_shared>> -> memref<100096x16xf32, #tpu.memory_space<vmem_shared>>
      tpu.wait_indirect_dma semaphore(%arg15 : memref<!tpu.dma_semaphore, #tpu.memory_space<semaphore_mem>>) src(%dma_wait3A_457 : memref<128x16xf32, #tpu.memory_space<vmem>>) dst(%dma_wait3A_463 : memref<100096x16xf32, #tpu.memory_space<vmem_shared>>)
      %dma_wait3A_464 = arith.constant 6 : i32
      %dma_wait3A_465 = arith.constant 768 : i32
      %dma_wait3A_466 = arith.constant 0 : i32
      %dma_wait3A_467 = tpu.memref_slice %arg11[%dma_wait3A_465, %dma_wait3A_466] : memref<1536x16xf32, #tpu.memory_space<vmem>> -> memref<128x16xf32, #tpu.memory_space<vmem>>
      %dma_wait3A_468 = arith.constant 0 : i32
      %dma_wait3A_469 = tpu.memref_slice %arg9[%dma_wait3A_464, %dma_wait3A_468] : memref<12x128xi32, #tpu.memory_space<vmem>> -> memref<1x128xi32, #tpu.memory_space<vmem>>
      %dma_wait3A_470 = tpu.memref_squeeze %dma_wait3A_469 : memref<1x128xi32, #tpu.memory_space<vmem>> -> memref<128xi32, #tpu.memory_space<vmem>>
      %dma_wait3A_471 = arith.constant 0 : i32
      %dma_wait3A_472 = arith.constant 0 : i32
      %dma_wait3A_473 = tpu.memref_slice %arg12[%dma_wait3A_471, %dma_wait3A_472] : memref<100096x16xf32, #tpu.memory_space<vmem_shared>> -> memref<100096x16xf32, #tpu.memory_space<vmem_shared>>
      tpu.wait_indirect_dma semaphore(%arg15 : memref<!tpu.dma_semaphore, #tpu.memory_space<semaphore_mem>>) src(%dma_wait3A_467 : memref<128x16xf32, #tpu.memory_space<vmem>>) dst(%dma_wait3A_473 : memref<100096x16xf32, #tpu.memory_space<vmem_shared>>)
      %dma_wait3A_474 = arith.constant 7 : i32
      %dma_wait3A_475 = arith.constant 896 : i32
      %dma_wait3A_476 = arith.constant 0 : i32
      %dma_wait3A_477 = tpu.memref_slice %arg11[%dma_wait3A_475, %dma_wait3A_476] : memref<1536x16xf32, #tpu.memory_space<vmem>> -> memref<128x16xf32, #tpu.memory_space<vmem>>
      %dma_wait3A_478 = arith.constant 0 : i32
      %dma_wait3A_479 = tpu.memref_slice %arg9[%dma_wait3A_474, %dma_wait3A_478] : memref<12x128xi32, #tpu.memory_space<vmem>> -> memref<1x128xi32, #tpu.memory_space<vmem>>
      %dma_wait3A_480 = tpu.memref_squeeze %dma_wait3A_479 : memref<1x128xi32, #tpu.memory_space<vmem>> -> memref<128xi32, #tpu.memory_space<vmem>>
      %dma_wait3A_481 = arith.constant 0 : i32
      %dma_wait3A_482 = arith.constant 0 : i32
      %dma_wait3A_483 = tpu.memref_slice %arg12[%dma_wait3A_481, %dma_wait3A_482] : memref<100096x16xf32, #tpu.memory_space<vmem_shared>> -> memref<100096x16xf32, #tpu.memory_space<vmem_shared>>
      tpu.wait_indirect_dma semaphore(%arg15 : memref<!tpu.dma_semaphore, #tpu.memory_space<semaphore_mem>>) src(%dma_wait3A_477 : memref<128x16xf32, #tpu.memory_space<vmem>>) dst(%dma_wait3A_483 : memref<100096x16xf32, #tpu.memory_space<vmem_shared>>)
      %dma_wait3A_484 = arith.constant 8 : i32
      %dma_wait3A_485 = arith.constant 1024 : i32
      %dma_wait3A_486 = arith.constant 0 : i32
      %dma_wait3A_487 = tpu.memref_slice %arg11[%dma_wait3A_485, %dma_wait3A_486] : memref<1536x16xf32, #tpu.memory_space<vmem>> -> memref<128x16xf32, #tpu.memory_space<vmem>>
      %dma_wait3A_488 = arith.constant 0 : i32
      %dma_wait3A_489 = tpu.memref_slice %arg9[%dma_wait3A_484, %dma_wait3A_488] : memref<12x128xi32, #tpu.memory_space<vmem>> -> memref<1x128xi32, #tpu.memory_space<vmem>>
      %dma_wait3A_490 = tpu.memref_squeeze %dma_wait3A_489 : memref<1x128xi32, #tpu.memory_space<vmem>> -> memref<128xi32, #tpu.memory_space<vmem>>
      %dma_wait3A_491 = arith.constant 0 : i32
      %dma_wait3A_492 = arith.constant 0 : i32
      %dma_wait3A_493 = tpu.memref_slice %arg12[%dma_wait3A_491, %dma_wait3A_492] : memref<100096x16xf32, #tpu.memory_space<vmem_shared>> -> memref<100096x16xf32, #tpu.memory_space<vmem_shared>>
      tpu.wait_indirect_dma semaphore(%arg15 : memref<!tpu.dma_semaphore, #tpu.memory_space<semaphore_mem>>) src(%dma_wait3A_487 : memref<128x16xf32, #tpu.memory_space<vmem>>) dst(%dma_wait3A_493 : memref<100096x16xf32, #tpu.memory_space<vmem_shared>>)
      %dma_wait3A_494 = arith.constant 9 : i32
      %dma_wait3A_495 = arith.constant 1152 : i32
      %dma_wait3A_496 = arith.constant 0 : i32
      %dma_wait3A_497 = tpu.memref_slice %arg11[%dma_wait3A_495, %dma_wait3A_496] : memref<1536x16xf32, #tpu.memory_space<vmem>> -> memref<128x16xf32, #tpu.memory_space<vmem>>
      %dma_wait3A_498 = arith.constant 0 : i32
      %dma_wait3A_499 = tpu.memref_slice %arg9[%dma_wait3A_494, %dma_wait3A_498] : memref<12x128xi32, #tpu.memory_space<vmem>> -> memref<1x128xi32, #tpu.memory_space<vmem>>
      %dma_wait3A_500 = tpu.memref_squeeze %dma_wait3A_499 : memref<1x128xi32, #tpu.memory_space<vmem>> -> memref<128xi32, #tpu.memory_space<vmem>>
      %dma_wait3A_501 = arith.constant 0 : i32
      %dma_wait3A_502 = arith.constant 0 : i32
      %dma_wait3A_503 = tpu.memref_slice %arg12[%dma_wait3A_501, %dma_wait3A_502] : memref<100096x16xf32, #tpu.memory_space<vmem_shared>> -> memref<100096x16xf32, #tpu.memory_space<vmem_shared>>
      tpu.wait_indirect_dma semaphore(%arg15 : memref<!tpu.dma_semaphore, #tpu.memory_space<semaphore_mem>>) src(%dma_wait3A_497 : memref<128x16xf32, #tpu.memory_space<vmem>>) dst(%dma_wait3A_503 : memref<100096x16xf32, #tpu.memory_space<vmem_shared>>)
      %dma_wait3A_504 = arith.constant 10 : i32
      %dma_wait3A_505 = arith.constant 1280 : i32
      %dma_wait3A_506 = arith.constant 0 : i32
      %dma_wait3A_507 = tpu.memref_slice %arg11[%dma_wait3A_505, %dma_wait3A_506] : memref<1536x16xf32, #tpu.memory_space<vmem>> -> memref<128x16xf32, #tpu.memory_space<vmem>>
      %dma_wait3A_508 = arith.constant 0 : i32
      %dma_wait3A_509 = tpu.memref_slice %arg9[%dma_wait3A_504, %dma_wait3A_508] : memref<12x128xi32, #tpu.memory_space<vmem>> -> memref<1x128xi32, #tpu.memory_space<vmem>>
      %dma_wait3A_510 = tpu.memref_squeeze %dma_wait3A_509 : memref<1x128xi32, #tpu.memory_space<vmem>> -> memref<128xi32, #tpu.memory_space<vmem>>
      %dma_wait3A_511 = arith.constant 0 : i32
      %dma_wait3A_512 = arith.constant 0 : i32
      %dma_wait3A_513 = tpu.memref_slice %arg12[%dma_wait3A_511, %dma_wait3A_512] : memref<100096x16xf32, #tpu.memory_space<vmem_shared>> -> memref<100096x16xf32, #tpu.memory_space<vmem_shared>>
      tpu.wait_indirect_dma semaphore(%arg15 : memref<!tpu.dma_semaphore, #tpu.memory_space<semaphore_mem>>) src(%dma_wait3A_507 : memref<128x16xf32, #tpu.memory_space<vmem>>) dst(%dma_wait3A_513 : memref<100096x16xf32, #tpu.memory_space<vmem_shared>>)
      %dma_wait3A_514 = arith.constant 11 : i32
      %dma_wait3A_515 = arith.constant 1408 : i32
      %dma_wait3A_516 = arith.constant 0 : i32
      %dma_wait3A_517 = tpu.memref_slice %arg11[%dma_wait3A_515, %dma_wait3A_516] : memref<1536x16xf32, #tpu.memory_space<vmem>> -> memref<128x16xf32, #tpu.memory_space<vmem>>
      %dma_wait3A_518 = arith.constant 0 : i32
      %dma_wait3A_519 = tpu.memref_slice %arg9[%dma_wait3A_514, %dma_wait3A_518] : memref<12x128xi32, #tpu.memory_space<vmem>> -> memref<1x128xi32, #tpu.memory_space<vmem>>
      %dma_wait3A_520 = tpu.memref_squeeze %dma_wait3A_519 : memref<1x128xi32, #tpu.memory_space<vmem>> -> memref<128xi32, #tpu.memory_space<vmem>>
      %dma_wait3A_521 = arith.constant 0 : i32
      %dma_wait3A_522 = arith.constant 0 : i32
      %dma_wait3A_523 = tpu.memref_slice %arg12[%dma_wait3A_521, %dma_wait3A_522] : memref<100096x16xf32, #tpu.memory_space<vmem_shared>> -> memref<100096x16xf32, #tpu.memory_space<vmem_shared>>
      tpu.wait_indirect_dma semaphore(%arg15 : memref<!tpu.dma_semaphore, #tpu.memory_space<semaphore_mem>>) src(%dma_wait3A_517 : memref<128x16xf32, #tpu.memory_space<vmem>>) dst(%dma_wait3A_523 : memref<100096x16xf32, #tpu.memory_space<vmem_shared>>)
      %scan3A_524 = arith.constant 0 : i32
      scf.yield %scan3A_524 : i32
    }
    %scan3A_49 = arith.constant 67 : i32
    %barrier3A_50 = arith.constant 0 : index
    tpu.barrier barrier_id(%barrier3A_50)
    %scan3A_51 = arith.constant 0 : i32
    %scan3A_52 = arith.constant 0 : i32
    %scan3A_53 = arith.constant 23 : i32
    %scan3A_54 = arith.addi %scan3A_52, %scan3A_53 : i32
    %scan3A_55 = arith.constant 1 : i32
    %scan3A_56 = scf.for %scan3A_58 = %scan3A_52 to %scan3A_54 step %scan3A_55 iter_args(%scan3A_59 = %scan3A_51) -> (i32)  : i32 {
      %mul3A_60 = arith.constant 272 : i32
      %mul3A_61 = arith.muli %scan3A_58, %mul3A_60 : i32
      %add3A = arith.addi %mul3A_6, %mul3A_61 : i32
      %multiple_of3A = tpu.assume_multiple %add3A, 8 : i32
      %add3A_62 = arith.addi %mul3A_0, %multiple_of3A : i32
      "tpu.region"() ({
        %run_scoped3A = tpu.sem_alloc : memref<!tpu.dma_semaphore, #tpu.memory_space<semaphore_mem>>
        %dma_start3A = arith.constant 0 : i32
        %dma_start3A_73 = arith.constant 0 : i32
        %dma_start3A_74 = tpu.memref_slice %arg11[%dma_start3A, %dma_start3A_73] : memref<1536x16xf32, #tpu.memory_space<vmem>> -> memref<272x16xf32, #tpu.memory_space<vmem>>
        %dma_start3A_75 = arith.constant 0 : i32
        %dma_start3A_76 = tpu.memref_slice %arg2[%add3A_62, %dma_start3A_75] : memref<200192x16xf32, #tpu.memory_space<hbm>> -> memref<272x16xf32, #tpu.memory_space<hbm>>
        %dma_start3A_77 = arith.constant 0 : i32
        %dma_start3A_78 = arith.constant 0 : i32
        %dma_start3A_79 = tpu.memref_slice %arg11[%dma_start3A_77, %dma_start3A_78] : memref<1536x16xf32, #tpu.memory_space<vmem>> -> memref<272x16xf32, #tpu.memory_space<vmem>>
        %dma_start3A_80 = arith.constant 0 : i32
        %dma_start3A_81 = tpu.memref_slice %arg2[%add3A_62, %dma_start3A_80] : memref<200192x16xf32, #tpu.memory_space<hbm>> -> memref<272x16xf32, #tpu.memory_space<hbm>>
        tpu.enqueue_dma source(%dma_start3A_81 : memref<272x16xf32, #tpu.memory_space<hbm>>) target(%dma_start3A_79 : memref<272x16xf32, #tpu.memory_space<vmem>>) target_semaphore(%run_scoped3A : memref<!tpu.dma_semaphore, #tpu.memory_space<semaphore_mem>>)
        %dma_wait3A = arith.constant 0 : i32
        %dma_wait3A_82 = arith.constant 0 : i32
        %dma_wait3A_83 = tpu.memref_slice %arg11[%dma_wait3A, %dma_wait3A_82] : memref<1536x16xf32, #tpu.memory_space<vmem>> -> memref<272x16xf32, #tpu.memory_space<vmem>>
        %dma_wait3A_84 = arith.constant 0 : i32
        %dma_wait3A_85 = tpu.memref_slice %arg2[%add3A_62, %dma_wait3A_84] : memref<200192x16xf32, #tpu.memory_space<hbm>> -> memref<272x16xf32, #tpu.memory_space<hbm>>
        %dma_wait3A_86 = arith.constant 0 : i32
        %dma_wait3A_87 = arith.constant 0 : i32
        %dma_wait3A_88 = tpu.memref_slice %arg11[%dma_wait3A_86, %dma_wait3A_87] : memref<1536x16xf32, #tpu.memory_space<vmem>> -> memref<272x16xf32, #tpu.memory_space<vmem>>
        %dma_wait3A_89 = arith.constant 0 : i32
        %dma_wait3A_90 = tpu.memref_slice %arg2[%add3A_62, %dma_wait3A_89] : memref<200192x16xf32, #tpu.memory_space<hbm>> -> memref<272x16xf32, #tpu.memory_space<hbm>>
        tpu.wait_dma2 semaphore(%run_scoped3A : memref<!tpu.dma_semaphore, #tpu.memory_space<semaphore_mem>>) src(%dma_wait3A_90 : memref<272x16xf32, #tpu.memory_space<hbm>>) dst(%dma_wait3A_88 : memref<272x16xf32, #tpu.memory_space<vmem>>)
        tpu.yield
      }) : () -> ()
      %add3A_63 = arith.addi %mul3A_0, %multiple_of3A : i32
      "tpu.region"() ({
        %run_scoped3A = tpu.sem_alloc : memref<!tpu.dma_semaphore, #tpu.memory_space<semaphore_mem>>
        %dma_start3A = arith.constant 272 : i32
        %dma_start3A_73 = arith.constant 0 : i32
        %dma_start3A_74 = tpu.memref_slice %arg11[%dma_start3A, %dma_start3A_73] : memref<1536x16xf32, #tpu.memory_space<vmem>> -> memref<272x16xf32, #tpu.memory_space<vmem>>
        %dma_start3A_75 = arith.constant 0 : i32
        %dma_start3A_76 = tpu.memref_slice %arg6[%add3A_63, %dma_start3A_75] : memref<200192x16xf32, #tpu.memory_space<hbm>> -> memref<272x16xf32, #tpu.memory_space<hbm>>
        %dma_start3A_77 = arith.constant 272 : i32
        %dma_start3A_78 = arith.constant 0 : i32
        %dma_start3A_79 = tpu.memref_slice %arg11[%dma_start3A_77, %dma_start3A_78] : memref<1536x16xf32, #tpu.memory_space<vmem>> -> memref<272x16xf32, #tpu.memory_space<vmem>>
        %dma_start3A_80 = arith.constant 0 : i32
        %dma_start3A_81 = tpu.memref_slice %arg6[%add3A_63, %dma_start3A_80] : memref<200192x16xf32, #tpu.memory_space<hbm>> -> memref<272x16xf32, #tpu.memory_space<hbm>>
        tpu.enqueue_dma source(%dma_start3A_81 : memref<272x16xf32, #tpu.memory_space<hbm>>) target(%dma_start3A_79 : memref<272x16xf32, #tpu.memory_space<vmem>>) target_semaphore(%run_scoped3A : memref<!tpu.dma_semaphore, #tpu.memory_space<semaphore_mem>>)
        %dma_wait3A = arith.constant 272 : i32
        %dma_wait3A_82 = arith.constant 0 : i32
        %dma_wait3A_83 = tpu.memref_slice %arg11[%dma_wait3A, %dma_wait3A_82] : memref<1536x16xf32, #tpu.memory_space<vmem>> -> memref<272x16xf32, #tpu.memory_space<vmem>>
        %dma_wait3A_84 = arith.constant 0 : i32
        %dma_wait3A_85 = tpu.memref_slice %arg6[%add3A_63, %dma_wait3A_84] : memref<200192x16xf32, #tpu.memory_space<hbm>> -> memref<272x16xf32, #tpu.memory_space<hbm>>
        %dma_wait3A_86 = arith.constant 272 : i32
        %dma_wait3A_87 = arith.constant 0 : i32
        %dma_wait3A_88 = tpu.memref_slice %arg11[%dma_wait3A_86, %dma_wait3A_87] : memref<1536x16xf32, #tpu.memory_space<vmem>> -> memref<272x16xf32, #tpu.memory_space<vmem>>
        %dma_wait3A_89 = arith.constant 0 : i32
        %dma_wait3A_90 = tpu.memref_slice %arg6[%add3A_63, %dma_wait3A_89] : memref<200192x16xf32, #tpu.memory_space<hbm>> -> memref<272x16xf32, #tpu.memory_space<hbm>>
        tpu.wait_dma2 semaphore(%run_scoped3A : memref<!tpu.dma_semaphore, #tpu.memory_space<semaphore_mem>>) src(%dma_wait3A_90 : memref<272x16xf32, #tpu.memory_space<hbm>>) dst(%dma_wait3A_88 : memref<272x16xf32, #tpu.memory_space<vmem>>)
        tpu.yield
      }) : () -> ()
      "tpu.region"() ({
        %run_scoped3A = tpu.sem_alloc : memref<!tpu.dma_semaphore, #tpu.memory_space<semaphore_mem>>
        %dma_start3A = arith.constant 544 : i32
        %dma_start3A_73 = arith.constant 0 : i32
        %dma_start3A_74 = tpu.memref_slice %arg11[%dma_start3A, %dma_start3A_73] : memref<1536x16xf32, #tpu.memory_space<vmem>> -> memref<272x16xf32, #tpu.memory_space<vmem>>
        %dma_start3A_75 = arith.constant 0 : i32
        %dma_start3A_76 = tpu.memref_slice %arg12[%multiple_of3A, %dma_start3A_75] : memref<100096x16xf32, #tpu.memory_space<vmem_shared>> -> memref<272x16xf32, #tpu.memory_space<vmem_shared>>
        %dma_start3A_77 = arith.constant 544 : i32
        %dma_start3A_78 = arith.constant 0 : i32
        %dma_start3A_79 = tpu.memref_slice %arg11[%dma_start3A_77, %dma_start3A_78] : memref<1536x16xf32, #tpu.memory_space<vmem>> -> memref<272x16xf32, #tpu.memory_space<vmem>>
        %dma_start3A_80 = arith.constant 0 : i32
        %dma_start3A_81 = tpu.memref_slice %arg12[%multiple_of3A, %dma_start3A_80] : memref<100096x16xf32, #tpu.memory_space<vmem_shared>> -> memref<272x16xf32, #tpu.memory_space<vmem_shared>>
        tpu.enqueue_dma source(%dma_start3A_81 : memref<272x16xf32, #tpu.memory_space<vmem_shared>>) target(%dma_start3A_79 : memref<272x16xf32, #tpu.memory_space<vmem>>) target_semaphore(%run_scoped3A : memref<!tpu.dma_semaphore, #tpu.memory_space<semaphore_mem>>)
        %dma_wait3A = arith.constant 544 : i32
        %dma_wait3A_82 = arith.constant 0 : i32
        %dma_wait3A_83 = tpu.memref_slice %arg11[%dma_wait3A, %dma_wait3A_82] : memref<1536x16xf32, #tpu.memory_space<vmem>> -> memref<272x16xf32, #tpu.memory_space<vmem>>
        %dma_wait3A_84 = arith.constant 0 : i32
        %dma_wait3A_85 = tpu.memref_slice %arg12[%multiple_of3A, %dma_wait3A_84] : memref<100096x16xf32, #tpu.memory_space<vmem_shared>> -> memref<272x16xf32, #tpu.memory_space<vmem_shared>>
        %dma_wait3A_86 = arith.constant 544 : i32
        %dma_wait3A_87 = arith.constant 0 : i32
        %dma_wait3A_88 = tpu.memref_slice %arg11[%dma_wait3A_86, %dma_wait3A_87] : memref<1536x16xf32, #tpu.memory_space<vmem>> -> memref<272x16xf32, #tpu.memory_space<vmem>>
        %dma_wait3A_89 = arith.constant 0 : i32
        %dma_wait3A_90 = tpu.memref_slice %arg12[%multiple_of3A, %dma_wait3A_89] : memref<100096x16xf32, #tpu.memory_space<vmem_shared>> -> memref<272x16xf32, #tpu.memory_space<vmem_shared>>
        tpu.wait_dma2 semaphore(%run_scoped3A : memref<!tpu.dma_semaphore, #tpu.memory_space<semaphore_mem>>) src(%dma_wait3A_90 : memref<272x16xf32, #tpu.memory_space<vmem_shared>>) dst(%dma_wait3A_88 : memref<272x16xf32, #tpu.memory_space<vmem>>)
        tpu.yield
      }) : () -> ()
      %scan3A_64 = arith.constant 0 : i32
      %scan3A_65 = arith.constant 0 : i32
      %scan3A_66 = arith.constant 272 : i32
      %scan3A_67 = arith.addi %scan3A_65, %scan3A_66 : i32
      %scan3A_68 = arith.constant 1 : i32
      %scan3A_69 = scf.for %scan3A_73 = %scan3A_65 to %scan3A_67 step %scan3A_68 iter_args(%scan3A_74 = %scan3A_64) -> (i32)  : i32 {
        %get3A = arith.index_cast %scan3A_73 : i32 to index
        %get3A_75 = arith.constant 0 : index
        %get3A_76 = tpu.vector_load %arg11[%get3A, %get3A_75] {strides = array<i32>} : memref<1536x16xf32, #tpu.memory_space<vmem>>, vector<1x16xf32>,
        %get3A_77 = vector.shape_cast %get3A_76 : vector<1x16xf32> to vector<16xf32>
        %add3A_78 = arith.constant 272 : i32
        %add3A_79 = arith.addi %add3A_78, %scan3A_73 : i32
        %get3A_80 = arith.index_cast %add3A_79 : i32 to index
        %get3A_81 = arith.constant 0 : index
        %get3A_82 = tpu.vector_load %arg11[%get3A_80, %get3A_81] {strides = array<i32>} : memref<1536x16xf32, #tpu.memory_space<vmem>>, vector<1x16xf32>,
        %get3A_83 = vector.shape_cast %get3A_82 : vector<1x16xf32> to vector<16xf32>
        %add3A_84 = arith.addf %get3A_77, %get3A_83 : vector<16xf32>
        %add3A_85 = arith.constant 544 : i32
        %add3A_86 = arith.addi %add3A_85, %scan3A_73 : i32
        %get3A_87 = arith.index_cast %add3A_86 : i32 to index
        %get3A_88 = arith.constant 0 : index
        %get3A_89 = tpu.vector_load %arg11[%get3A_87, %get3A_88] {strides = array<i32>} : memref<1536x16xf32, #tpu.memory_space<vmem>>, vector<1x16xf32>,
        %get3A_90 = vector.shape_cast %get3A_89 : vector<1x16xf32> to vector<16xf32>
        %add3A_91 = arith.addf %add3A_84, %get3A_90 : vector<16xf32>
        %mul3A_92 = arith.constant 0.333333343 : f32
        %mul3A_93 = vector.broadcast %mul3A_92 : f32 to vector<16xf32>
        %mul3A_94 = arith.mulf %add3A_91, %mul3A_93 : vector<16xf32>
        %add3A_95 = arith.constant 544 : i32
        %add3A_96 = arith.addi %add3A_95, %scan3A_73 : i32
        %swap3A = arith.index_cast %add3A_96 : i32 to index
        %swap3A_97 = arith.constant 0 : index
        %swap3A_98 = tpu.vector_load %arg11[%swap3A, %swap3A_97] {strides = array<i32>} : memref<1536x16xf32, #tpu.memory_space<vmem>>, vector<1x16xf32>,
        %swap3A_99 = vector.shape_cast %swap3A_98 : vector<1x16xf32> to vector<16xf32>
        %swap3A_100 = vector.shape_cast %mul3A_94 : vector<16xf32> to vector<1x16xf32>
        tpu.vector_store %arg11[%swap3A, %swap3A_97], %swap3A_100 {strides = array<i32>} : memref<1536x16xf32, #tpu.memory_space<vmem>>, vector<1x16xf32>,
        %scan3A_101 = arith.constant 0 : i32
        scf.yield %scan3A_101 : i32
      }
      %scan3A_70 = arith.constant 272 : i32
      %add3A_71 = arith.addi %mul3A_0, %multiple_of3A : i32
      "tpu.region"() ({
        %run_scoped3A = tpu.sem_alloc : memref<!tpu.dma_semaphore, #tpu.memory_space<semaphore_mem>>
        %dma_start3A = arith.constant 544 : i32
        %dma_start3A_73 = arith.constant 0 : i32
        %dma_start3A_74 = tpu.memref_slice %arg11[%dma_start3A, %dma_start3A_73] : memref<1536x16xf32, #tpu.memory_space<vmem>> -> memref<272x16xf32, #tpu.memory_space<vmem>>
        %dma_start3A_75 = arith.constant 0 : i32
        %dma_start3A_76 = tpu.memref_slice %arg7[%add3A_71, %dma_start3A_75] : memref<200192x16xf32, #tpu.memory_space<hbm>> -> memref<272x16xf32, #tpu.memory_space<hbm>>
        %dma_start3A_77 = arith.constant 0 : i32
        %dma_start3A_78 = tpu.memref_slice %arg7[%add3A_71, %dma_start3A_77] : memref<200192x16xf32, #tpu.memory_space<hbm>> -> memref<272x16xf32, #tpu.memory_space<hbm>>
        %dma_start3A_79 = arith.constant 544 : i32
        %dma_start3A_80 = arith.constant 0 : i32
        %dma_start3A_81 = tpu.memref_slice %arg11[%dma_start3A_79, %dma_start3A_80] : memref<1536x16xf32, #tpu.memory_space<vmem>> -> memref<272x16xf32, #tpu.memory_space<vmem>>
        tpu.enqueue_dma source(%dma_start3A_81 : memref<272x16xf32, #tpu.memory_space<vmem>>) target(%dma_start3A_78 : memref<272x16xf32, #tpu.memory_space<hbm>>) target_semaphore(%run_scoped3A : memref<!tpu.dma_semaphore, #tpu.memory_space<semaphore_mem>>)
        %dma_wait3A = arith.constant 544 : i32
        %dma_wait3A_82 = arith.constant 0 : i32
        %dma_wait3A_83 = tpu.memref_slice %arg11[%dma_wait3A, %dma_wait3A_82] : memref<1536x16xf32, #tpu.memory_space<vmem>> -> memref<272x16xf32, #tpu.memory_space<vmem>>
        %dma_wait3A_84 = arith.constant 0 : i32
        %dma_wait3A_85 = tpu.memref_slice %arg7[%add3A_71, %dma_wait3A_84] : memref<200192x16xf32, #tpu.memory_space<hbm>> -> memref<272x16xf32, #tpu.memory_space<hbm>>
        %dma_wait3A_86 = arith.constant 0 : i32
        %dma_wait3A_87 = tpu.memref_slice %arg7[%add3A_71, %dma_wait3A_86] : memref<200192x16xf32, #tpu.memory_space<hbm>> -> memref<272x16xf32, #tpu.memory_space<hbm>>
        %dma_wait3A_88 = arith.constant 544 : i32
        %dma_wait3A_89 = arith.constant 0 : i32
        %dma_wait3A_90 = tpu.memref_slice %arg11[%dma_wait3A_88, %dma_wait3A_89] : memref<1536x16xf32, #tpu.memory_space<vmem>> -> memref<272x16xf32, #tpu.memory_space<vmem>>
        tpu.wait_dma2 semaphore(%run_scoped3A : memref<!tpu.dma_semaphore, #tpu.memory_space<semaphore_mem>>) src(%dma_wait3A_90 : memref<272x16xf32, #tpu.memory_space<vmem>>) dst(%dma_wait3A_87 : memref<272x16xf32, #tpu.memory_space<hbm>>)
        tpu.yield
      }) : () -> ()
      %scan3A_72 = arith.constant 0 : i32
      scf.yield %scan3A_72 : i32
    }
    %scan3A_57 = arith.constant 23 : i32
    return
  }
}

</mosaic_0001>

<sc_bundles>
// kernel: kernel.3.cloned.1.call-start
scs
__scs_entry_jumppad:
0x0: {  	(pc) =	sbr.rel $0x88, $3  }
0x1: {  	(tag) =	ssettag $0x0;
	lr =	simm.s32 $0x1  }
0x2: {  	[smem:$0x3F9E] =	sst lr;
	_ =	strace $0xD0000000  }
0x3: {  	_ = 	snop  }
0x4: {  	_ = 	snop  }
0x5: {  	_ = 	snop  }
0x6: {  	_ = 	snop  }
0x7: {  	_ = 	snop  }
__scs_overlays_trampoline_lowered:
0x8: {  	[smem:$0x3FAD] =	sst s0  }
0x9: {  	[smem:$0x3FAE] =	sst s1  }
0xa: {  	[smem:$0x3FAF] =	sst s2  }
0xb: {  	[smem:$0x3FB0] =	sst s3  }
0xc: {  	[smem:$0x3FB1] =	sst s4  }
0xd: {  	[smem:$0x3FB2] =	sst s5  }
0xe: {  	[smem:$0x3FB3] =	sst s6  }
0xf: {  	[smem:$0x3FB4] =	sst s7  }
0x10: {  	[smem:$0x3FB5] =	sst s8  }
0x11: {  	[smem:$0x3FB6] =	sst s9;
	s0 =	simm.s32 @!p0 $0x0  }
0x12: {  	s1 =	sld [smem:$0x3F9C];
	s0 =	simm.s32 @p0 $0x1  }
0x13: {  	[smem:$0x3FB7] =	sst s0;
	s0 =	simm.s32 @!p1 $0x0  }
0x14: {  	s2 =	sld [smem:$0x3F9B];
	s0 =	simm.s32 @p1 $0x1  }
0x15: {  	[smem:$0x3FB8] =	sst s0;
	s0 =	simm.s32 @!p2 $0x0  }
0x16: {  	s3 =	sld [smem:$0x3FDB];
	s0 =	simm.s32 @p2 $0x1  }
0x17: {  	s4 =	simm.s32 $0x1BF5;
	[smem:$0x3FBA] =	sst s0  }
0x18: {  	s0 =	sld [smem:$0x3F9D];
	_ =	swait.ge [sflag:s4], $0x0  }
0x19: {  	s7 =	sld [smem:$0x3F9E]  }
0x1a: {  	s8 =	sadd.s32 $0xFFFFE003, lr  }
0x1b: {  	s9 =	sadd.s32 $0xFFFFFEF7, lr;
	s5 =	simm.s32 $0xFFFFFFFF;
	p2 =	slt.u32 s8, $0xFFFFF086  }
0x1c: {  	p1 =	slt.u32 s9, $0xF7A;
	s5 =	simm.s32 @!p2 $0x0  }
0x1d: {  	s5 =	simm.s32 @p1 $0x1;
	p0 =	seq.s32 s7, s2  }
0x1e: {  	s7 =	smul.u32 @!p0 $0xF7A, s2;
	p2 =	seq.s32 @!p0 s5, $0x0  }
0x1f: {  	s9 =	smul.u32 $0xF7A, s1;
	s8 =	simm.s32 @!p0 $0x1BF5;
	p2 =	por !p2, p0  }
0x20: {  	[sflag:s8] =	ssyncset.s32 @!p0 $0xFFFFF086;
	s6 =	sadd.s32 @!p0 s3, s7;
	s7 =	simm.s32 @!p0 $0x108  }
0x21: {  	s3 =	sadd.s32 s3, s9;
	s6 =	sadd.s32 @!p0 $0x88, s6;
	s7 =	simm.s32 @p2 $0x1082  }
0x22: {  	[simem:s7], [sflag:s8] =	dma.local @!p0 [hbm:s6], $0xF7A  }
0x23: {  	s9 =	sor.u32 $0xD0000000, s2;
	s6 =	simm.s32 $0x108;
	_ =	swait.ge @!p0 [sflag:s8], $0x0  }
0x24: {  	s3 =	sadd.s32 $0x88, s3;
	s6 =	simm.s32 @!p1 $0x1082;
	[sflag:s4] =	ssyncset.s32 $0xFFFFF086  }
0x25: {  	[simem:s6], [sflag:s4] =	dma.local [hbm:s3], $0xF7A  }
0x26: {  	[smem:$0x3F9E] =	sst s1;
	(tag) =	ssettag s2;
	_ =	strace s9  }
0x27: {  	s1 =	sld [smem:$0x3FAE]  }
0x28: {  	s2 =	sld [smem:$0x3FAF]  }
0x29: {  	s4 =	sld [smem:$0x3FB1]  }
0x2a: {  	p0 =	seq.s32 s5, $0x0;
	s5 =	sld [smem:$0x3FB2]  }
0x2b: {  	s6 =	sld [smem:$0x3FB3]  }
0x2c: {  	s7 =	sld [smem:$0x3FB4]  }
0x2d: {  	s3 =	simm.s32 $0x108;
	s8 =	sld [smem:$0x3FB5]  }
0x2e: {  	s3 =	simm.s32 @!p0 $0x1082;
	s9 =	sld [smem:$0x3FB6]  }
0x2f: {  	lr =	sadd.s32 s0, s3;
	s0 =	sld [smem:$0x3FAD]  }
0x30: {  	s3 =	sld [smem:$0x3FB0]  }
0x31: {  	[smem:$0x3FB9] =	sst s10  }
0x32: {  	s10 =	sld [smem:$0x3FB7];
	_ =	sdelay $0x3  }
0x33: {  	p0 =	seq.s32 s10, $0x1;
	s10 =	sld [smem:$0x3FB9];
	_ =	sdelay $0x3  }
0x34: {  	[smem:$0x3FB9] =	sst s10  }
0x35: {  	s10 =	sld [smem:$0x3FB8];
	_ =	sdelay $0x3  }
0x36: {  	p1 =	seq.s32 s10, $0x1;
	s10 =	sld [smem:$0x3FB9];
	_ =	sdelay $0x3  }
0x37: {  	[smem:$0x3FB9] =	sst s10  }
0x38: {  	s10 =	sld [smem:$0x3FBA]  }
0x39: {  	_ = 	snop;
	(pc) =	sbr.ind lr, $3  }
0x3a: {  	_ = 	snop  }
0x3b: {  	_ = 	snop  }
0x3c: {  	p2 =	seq.s32 s10, $0x1;
	s10 =	sld [smem:$0x3FB9]  }
0x3d: {  	_ =	shalt  }
0x3e: {  	_ =	shalt  }
0x3f: {  	_ =	shalt  }
0x40: {  	_ =	shalt  }
0x41: {  	_ =	shalt  }
0x42: {  	_ =	shalt  }
0x43: {  	_ =	shalt  }
0x44: {  	_ =	shalt  }
0x45: {  	_ =	shalt  }
0x46: {  	_ =	shalt  }
0x47: {  	_ =	shalt  }
0x48: {  	_ =	shalt  }
0x49: {  	_ =	shalt  }
0x4a: {  	_ =	shalt  }
0x4b: {  	_ =	shalt  }
0x4c: {  	_ =	shalt  }
0x4d: {  	_ =	shalt  }
0x4e: {  	_ =	shalt  }
0x4f: {  	_ =	shalt  }
0x50: {  	_ =	shalt  }
0x51: {  	_ =	shalt  }
0x52: {  	_ =	shalt  }
0x53: {  	_ =	shalt  }
0x54: {  	_ =	shalt  }
0x55: {  	_ =	shalt  }
0x56: {  	_ =	shalt  }
0x57: {  	_ =	shalt  }
0x58: {  	_ =	shalt  }
0x59: {  	_ =	shalt  }
0x5a: {  	_ =	shalt  }
0x5b: {  	_ =	shalt  }
0x5c: {  	_ =	shalt  }
0x5d: {  	_ =	shalt  }
0x5e: {  	_ =	shalt  }
0x5f: {  	_ =	shalt  }
0x60: {  	_ =	shalt  }
0x61: {  	_ =	shalt  }
0x62: {  	_ =	shalt  }
0x63: {  	_ =	shalt  }
0x64: {  	_ =	shalt  }
0x65: {  	_ =	shalt  }
0x66: {  	_ =	shalt  }
0x67: {  	_ =	shalt  }
0x68: {  	_ =	shalt  }
0x69: {  	_ =	shalt  }
0x6a: {  	_ =	shalt  }
0x6b: {  	_ =	shalt  }
0x6c: {  	_ =	shalt  }
0x6d: {  	_ =	shalt  }
0x6e: {  	_ =	shalt  }
0x6f: {  	_ =	shalt  }
0x70: {  	_ =	shalt  }
0x71: {  	_ =	shalt  }
0x72: {  	_ =	shalt  }
0x73: {  	_ =	shalt  }
0x74: {  	_ =	shalt  }
0x75: {  	_ =	shalt  }
0x76: {  	_ =	shalt  }
0x77: {  	_ =	shalt  }
0x78: {  	_ =	shalt  }
0x79: {  	_ =	shalt  }
0x7a: {  	_ =	shalt  }
0x7b: {  	_ =	shalt  }
0x7c: {  	_ =	shalt  }
0x7d: {  	_ =	shalt  }
0x7e: {  	_ =	shalt  }
0x7f: {  	_ =	shalt  }
0x80: {  	_ =	shalt  }
0x81: {  	_ =	shalt  }
0x82: {  	_ =	shalt  }
0x83: {  	_ =	shalt  }
0x84: {  	_ =	shalt  }
0x85: {  	_ =	shalt  }
0x86: {  	_ =	shalt  }
0x87: {  	_ =	shalt  }
.Lfunc_end0:
.L_simem_size_0:
called_computation_lowered:
.L_overlay_start_0:
0x88: {  	s2 =	sld [smem:$0x3FD9]  }
0x89: {  	s3 =	sld [smem:$0x3FFE];
	_ =	sdelay $0x1  }
0x8a: {  	s1 =	srdreg.scid  }
0x8b: {  	s0 =	sand.u32 $0x1, s1  }
0x8c: {  	s17 =	sshll.u32 s0, $0xA;
	s2 =	sadd.s32 s3, s2  }
0x8d: {  	s2 =	sadd.s32 s2, s17  }
0x8e: {  	[smem:$0x3FC5] =	sst s2  }
0x8f: {  	_ = 	snop  }
0x90: {  	s2 =	sld [smem:$0x3FD0];
	(tm) =	ssettm $0x1  }
0x91: {  	s18 =	sld [smem:$0x3FFB];
	_ =	sdelay $0x3  }
0x92: {  	_ =	strace s18  }
0x93: {  	s3 =	sld [smem:$0x3FFC];
	_ =	sdelay $0x3  }
0x94: {  	_ =	strace s3  }
0x95: {  	s3 =	sld [smem:$0x3FFD];
	_ =	sdelay $0x3  }
0x96: {  	_ =	strace s3  }
0x97: {  	_ =	strace $0x8FFFFFFF  }
0x98: {  	s19 =	sld [smem:$0x3FDB];
	_ =	sdelay $0x1  }
0x99: {  	s4 =	simm.s32 $_scs_section_size  }
0x9a: {  	s5 =	simm.s32 $_size__tile_overlayer_lowered;
	s6 =	simm.s32 $_tile_overlayer_lowered  }
0x9b: {  	s22 =	simm.s32 $0x1BFF;
	s21 =	sshll.u32 s6, $0x1;
	s3 =	sadd.s32 s4, s19  }
0x9c: {  	s7 =	simm.s32 $0x0;
	s20 =	sshll.u32 s5, $0x1;
	s5 =	sadd.s32 s21, s3  }
0x9d: {  	[timem:s7], [sflag:s22] =	dma.local [hbm:s5], s20  }
0x9e: {  	_ =	swait.ge [sflag:s22], s20  }
0x9f: {  	s4 =	ssub.s32 $0x0, s20;
	[sflag:s22] =	ssyncset.done $0x0  }
0xa0: {  	[sflag:s22] =	ssyncadd.s32 s4;
	_ =	sdelay $0x1  }
0xa1: {  	s23 =	simm.s32 $0x1B8B  }
0xa2: {  	_ =	swait.ge [sflag:s23], $0x1  }
0xa3: {  	[sflag:s23] =	ssyncset.done $0x0  }
0xa4: {  	s25 =	simm.s32 $0x1B8E;
	s24 =	sld [smem:$0x3FFE];
	[sflag:s23] =	ssyncadd.s32 $0xFFFFFFFF  }
0xa5: {  	s26 =	simm.s32 $execute0_lowered;
	[smem:$0x3FD2] =	sst s25  }
0xa6: {  	s5 =	sshll.u32 s26, $0x1;
	_ =	strace $0x80000046;
	[dreg:$0x1] =	wrdreg $0xFFFFFFFF  }
0xa7: {  	s28 =	simm.s32 $_size_execute0_lowered;
	s3 =	sadd.s32 s3, s5;
	[dreg:$0x0] =	wrdreg $0x0  }
0xa8: {  	s5 =	sshll.u32 s28, $0x1;
	[dreg:$0x2] =	wrdreg s3  }
0xa9: {  	[dreg:$0x3] =	wrdreg s5  }
0xaa: {  	[dreg:$0x4] =	wrdreg $0xC0  }
0xab: {  	_ =	task [dreg:s7], $0x5FFFF  }
0xac: {  	[dreg:$0x1] =	wrdreg $0xFFFFFFFF  }
0xad: {  	[dreg:$0x0] =	wrdreg $0x60  }
0xae: {  	[dreg:$0x2] =	wrdreg s2  }
0xaf: {  	[dreg:$0x3] =	wrdreg s24  }
0xb0: {  	[dreg:$0x4] =	wrdreg $0x72000  }
0xb1: {  	[dreg:$0x5] =	wrdreg $0x9  }
0xb2: {  	_ =	task.clear_ibuf [dreg:s7], $0x6FFFF;
	_ =	strace $0x90000046  }
0xb3: {  	s29 =	simm.s32 $0x9;
	_ =	strace $0x80000048  }
0xb4: {  	_ =	swait.ge [sflag:s29], $0x1  }
0xb5: {  	[sflag:s29] =	ssyncadd.s32 $0xFFFFFFFF  }
0xb6: {  	_ =	strace $0x90000048  }
0xb7: {  	_ =	sfence  }
0xb8: {  	s30 =	sld [smem:$0x0];
	_ =	sdelay $0x2  }
0xb9: {  	s31 =	sshll.u32 s1, $0xD;
	s1 =	sshrl.u32 s1, $0x2  }
0xba: {  	s3 =	sand.u32 $0x4000, s31;
	s1 =	sadd.s32 s1, s30  }
0xbb: {  	s0 =	sor.u32 s3, s0;
	s1 =	sshll.u32 s1, $0x11  }
0xbc: {  	s0 =	sor.u32 s1, s0  }
0xbd: {  	s0 =	sadd.s32 $0x8F2B, s0  }
0xbe: {  	[sflag:s0] =	ssyncadd.remote.s32 $0x1  }
0xbf: {  	_ =	sfence.sel $0xFFFF  }
0xc0: {  	[dreg:$0x0] =	wrdreg $0xFFFFFFFF;
	(pc) =	sbr.abs _section_cstart, $3  }
0xc1: {  	[dreg:$0x1] =	wrdreg $0xFFFFFFFF  }
0xc2: {  	_ =	task.clear_ibuf [dreg:s7], $0x2FFFF;
	_ =	strace $0x9FFFFFFF  }
0xc3: {  	(tm) =	ssettm $0x7FFFFFFF  }
tec
execute0_lowered:
.L_overlay_start_1:
0x0: {  	(tag) =	ssettag $0x1  }
0x1: {  	s1 =	rddreg [dreg:$0x0]  }
0x2: {  	s0 =	rddreg [dreg:$0x1]  }
0x3: {  	s2 =	rddreg [dreg:$0x2];
	s3 =	srdreg.scid  }
0x4: {  	s4 =	simm.s32 $0x0;
	s8 =	stileid.u32;
	s29 =	simm.s32 $0x3200  }
0x5: {  	s31 =	simm.s32 $0x3A00;
	s13 =	simm.s32 $0x5200;
	s18 =	smul.u32 $0x19200, s8  }
0x6: {  	s28 =	simm.s32 $0x6200;
	s14 =	simm.s32 $0x1;
	s21 =	smul.u32 $0x1870, s8  }
0x7: {  	s30 =	simm.s32 $0x2300;
	s3 =	sand.u32 $0x1, s3;
	s6 =	smul.u32 $0x61C00, s8  }
0x8: {  	[smem:$0x7FF] =	sst s4;
	s19 =	sadd.s32 $0x34200, s0;
	s5 =	smul.u32 $0x18700, s3  }
0x9: {  	s20 =	sadd.s32 $0x1E00, s0;
	s22 =	sadd.s32 $0x98A00, s0;
	s17 =	smul.u32 $0x192000, s3  }
0xa: {  	s12 =	sadd.s32 $0xCAE00, s0;
	s0 =	sadd.s32 $0x12CA00, s0;
	[dreg:$0x4] =	wrdreg s5  }
0xb: {  	s25 =	smul.u32 $0x30E0, s8;
	s23 =	ssub.s32 $0x2, s3;
	[dreg:$0x5] =	wrdreg s17  }
0xc: {  	s3 =	smul.u32 $0x30E00, s3;
	_ =	strace $0x80000047;
	[dreg:$0x6] =	wrdreg s18  }
0xd: {  	s7 =	sshrl.u32 s23, $0x1;
	s26 =	sshrl.u32 s6, $0x2;
	[dreg:$0x7] =	wrdreg s19  }
0xe: {  	s24 =	ssub.s32 s23, s7;
	s3 =	sadd.s32 s3, s12;
	[dreg:$0x8] =	wrdreg s20  }
0xf: {  	s15 =	sadd.s32 s26, s2;
	s17 =	simm.s32 $0x1200;
	[dreg:$0x9] =	wrdreg s21  }
0x10: {  	s26 =	simm.s32 $0x2A00;
	s5 =	simm.s32 $0x4A00;
	[dreg:$0xa] =	wrdreg s22  }
0x11: {  	s23 =	simm.s32 $0x5A00;
	s7 =	simm.s32 $0x0;
	[dreg:$0xb] =	wrdreg s0  }
0x12: {  	s0 =	smax.u32 s24, $0x1;
	s16 =	sadd.s32 s25, s3;
	s18 =	simm.s32 $0x4  }
0x13: {  	s20 =	simm.s32 $0x600;
	s21 =	simm.s32 $0x80;
	s22 =	simm.s32 $0x1A00  }
0x14: {  	s24 =	simm.s32 $0x2200;
	s3 =	simm.s32 $0x4200;
	s19 =	simm.s32 $0x2  }
0x15: {  	v0 =	vimm.f32 $0.0e+00;
	s25 =	simm.s32 $0x3;
	[dreg:$0xc] =	wrdreg s0;
	s0 =	simm.s32 $0x6A00  }
.LBB2_1:
0x16: {  	[dreg:$0xd] =	wrdreg s7;
	s6 =	simm.s32 $0x0  }
.LBB2_2:
0x17: {  	p0 =	sne.s32 s6, $0x43C0  }
.Ltmp0:
0x18: {  	_ = 	snop;
	(pc) =	sbr.rel @p0 .LBB2_2-.Ltmp0, $3  }
0x19: {  	_ =	sdelay $0x1  }
0x1a: {  	s7 =	sshra.s32 s6, $0x2  }
0x1b: {  	s6 =	sadd.s32 $0x40, s6;
	[tilespmem:s7+$0x1200] =	vst v0  }
0x1c: {  	s6 =	sadd.s32 $0x0, s15  }
0x1d: {  	[spmem:s6] =	stream.linear.scatter [tilespmem:s17], [sflag:$0x4], $0x1100, $0x38;
	[tilespmem:$0x1F900] =	vst v63  }
0x1e: {  	s6 =	simm.s32 $0x4400;
	_ =	swait.ge [sflag:s18], $0x1100  }
.LBB2_4:
0x1f: {  	s7 =	sshra.s32 s6, $0x2;
	[sflag:s18] =	ssyncset.done $0x0;
	p0 =	sne.s32 s6, $0x5D800  }
.Ltmp1:
0x20: {  	s7 =	sadd.s32 s7, s15;
	[sflag:s18] =	ssyncadd.s32 $0xFFFFEF00;
	(pc) =	sbr.rel @p0 .LBB2_4-.Ltmp1, $3  }
0x21: {  	[spmem:s7] =	stream.linear.scatter [tilespmem:s17], [sflag:$0x4], $0x1100, $0x38;
	[tilespmem:$0x1F900] =	vst v63  }
0x22: {  	s6 =	sadd.s32 $0x4400, s6;
	_ =	sdelay $0x1  }
0x23: {  	_ =	swait.ge [sflag:s18], $0x1100  }
0x24: {  	[sflag:s18] =	ssyncset.done $0x0  }
0x25: {  	[sflag:s18] =	ssyncadd.s32 $0xFFFFEF00  }
0x26: {  	s10 =	simm.s32 $0x0;
	s6 =	simm.s32 $0x0;
	[bflag:$0x0] =	sbarrier.arrive $0xFFFF  }
.LBB2_6:
0x27: {  	s7 =	smul.u32 $0x600, s6  }
0x28: {  	s8 =	rddreg [dreg:$0x6]  }
0x29: {  	s11 =	rddreg [dreg:$0x5];
	s7 =	sadd.s32 s8, s7  }
0x2a: {  	s8 =	sadd.s32 s11, s7  }
0x2b: {  	s9 =	rddreg [dreg:$0x7];
	s8 =	sshrl.u32 s8, $0x3  }
0x2c: {  	s8 =	sadd.s32 s9, s8  }
0x2d: {  	[tilespmem:s10], [sflag:$0x4] =	stream.linear.gather [hbm4b:s8+s10], $0x600, $0x38;
	[tilespmem:$0x1F900] =	vst v63  }
0x2e: {  	_ =	swait.ge [sflag:s18], $0x600  }
0x2f: {  	s7 =	sshrl.u32 s7, $0x3;
	[sflag:s18] =	ssyncset.done $0x0;
	s9 =	rddreg [dreg:$0xa]  }
0x30: {  	s11 =	simm.s32 $0xC00;
	[sflag:s18] =	ssyncadd.s32 $0xFFFFFA00;
	s8 =	sadd.s32 s9, s7  }
0x31: {  	[tilespmem:s11], [sflag:$0x4] =	stream.linear.gather [hbm4b:s8+s10], $0x600, $0x38;
	[tilespmem:$0x1F900] =	vst v63  }
0x32: {  	_ =	swait.ge [sflag:s18], $0x600  }
0x33: {  	[sflag:s18] =	ssyncset.done $0x0;
	s9 =	rddreg [dreg:$0x8]  }
0x34: {  	[sflag:s18] =	ssyncadd.s32 $0xFFFFFA00;
	s7 =	sadd.s32 s9, s7  }
0x35: {  	[tilespmem:s20], [sflag:$0x4] =	stream.linear.gather [hbm4b:s7+s10], $0x600, $0x38;
	[tilespmem:$0x1F900] =	vst v63  }
0x36: {  	_ =	swait.ge [sflag:s18], $0x600  }
0x37: {  	[sflag:s18] =	ssyncset.done $0x0  }
0x38: {  	[sflag:s18] =	ssyncadd.s32 $0xFFFFFA00  }
0x39: {  	[tilespmem:s17], [sflag:$0x1] =	stream.indirect.gather [hbm4b:s1+s21], $0x10, s10, s21, $0xb8;
	[tilespmem:$0x1F900] =	vst v63  }
0x3a: {  	_ = 	snop  }
0x3b: {  	[tilespmem:s22], [sflag:$0x1] =	stream.indirect.gather [hbm4b:s1+s21], $0x10, s21, s21, $0xb8;
	[tilespmem:$0x1F900] =	vst v63  }
0x3c: {  	s11 =	simm.s32 $0x100  }
0x3d: {  	[tilespmem:s24], [sflag:$0x1] =	stream.indirect.gather [hbm4b:s1+s21], $0x10, s11, s21, $0xb8;
	[tilespmem:$0x1F900] =	vst v63  }
0x3e: {  	s8 =	simm.s32 $0x180  }
0x3f: {  	[tilespmem:s26], [sflag:$0x1] =	stream.indirect.gather [hbm4b:s1+s21], $0x10, s8, s21, $0xb8;
	[tilespmem:$0x1F900] =	vst v63  }
0x40: {  	s9 =	simm.s32 $0x200  }
0x41: {  	[tilespmem:s29], [sflag:$0x1] =	stream.indirect.gather [hbm4b:s1+s21], $0x10, s9, s21, $0xb8;
	[tilespmem:$0x1F900] =	vst v63  }
0x42: {  	s11 =	simm.s32 $0x280  }
0x43: {  	[tilespmem:s31], [sflag:$0x1] =	stream.indirect.gather [hbm4b:s1+s21], $0x10, s11, s21, $0xb8;
	[tilespmem:$0x1F900] =	vst v63  }
0x44: {  	s8 =	simm.s32 $0x300  }
0x45: {  	[tilespmem:s3], [sflag:$0x2] =	stream.indirect.gather [hbm4b:s1+s21], $0x10, s8, s21, $0xb8;
	[tilespmem:$0x1F900] =	vst v63  }
0x46: {  	s9 =	simm.s32 $0x380  }
0x47: {  	[tilespmem:s5], [sflag:$0x2] =	stream.indirect.gather [hbm4b:s1+s21], $0x10, s9, s21, $0xb8;
	[tilespmem:$0x1F900] =	vst v63  }
0x48: {  	s11 =	simm.s32 $0x400  }
0x49: {  	[tilespmem:s13], [sflag:$0x2] =	stream.indirect.gather [hbm4b:s1+s21], $0x10, s11, s21, $0xb8;
	[tilespmem:$0x1F900] =	vst v63  }
0x4a: {  	s8 =	simm.s32 $0x480  }
0x4b: {  	[tilespmem:s23], [sflag:$0x2] =	stream.indirect.gather [hbm4b:s1+s21], $0x10, s8, s21, $0xb8;
	[tilespmem:$0x1F900] =	vst v63  }
0x4c: {  	s9 =	simm.s32 $0x500  }
0x4d: {  	[tilespmem:s28], [sflag:$0x2] =	stream.indirect.gather [hbm4b:s1+s21], $0x10, s9, s21, $0xb8;
	[tilespmem:$0x1F900] =	vst v63  }
0x4e: {  	s11 =	simm.s32 $0x580  }
0x4f: {  	[tilespmem:s0], [sflag:$0x2] =	stream.indirect.gather [hbm4b:s1+s21], $0x10, s11, s21, $0xb8;
	[tilespmem:$0x1F900] =	vst v63  }
0x50: {  	_ =	swait.ge [sflag:s14], $0x800  }
0x51: {  	[sflag:s14] =	ssyncset.done $0x0  }
0x52: {  	[sflag:s14] =	ssyncadd.s32 $0xFFFFF800  }
0x53: {  	_ =	swait.ge [sflag:s14], $0x800  }
0x54: {  	[sflag:s14] =	ssyncset.done $0x0  }
0x55: {  	[sflag:s14] =	ssyncadd.s32 $0xFFFFF800  }
0x56: {  	_ =	swait.ge [sflag:s14], $0x800  }
0x57: {  	[sflag:s14] =	ssyncset.done $0x0  }
0x58: {  	[sflag:s14] =	ssyncadd.s32 $0xFFFFF800  }
0x59: {  	_ =	swait.ge [sflag:s14], $0x800  }
0x5a: {  	[sflag:s14] =	ssyncset.done $0x0  }
0x5b: {  	[sflag:s14] =	ssyncadd.s32 $0xFFFFF800  }
0x5c: {  	_ =	swait.ge [sflag:s14], $0x800  }
0x5d: {  	[sflag:s14] =	ssyncset.done $0x0  }
0x5e: {  	[sflag:s14] =	ssyncadd.s32 $0xFFFFF800  }
0x5f: {  	_ =	swait.ge [sflag:s14], $0x800  }
0x60: {  	[sflag:s14] =	ssyncset.done $0x0  }
0x61: {  	s7 =	simm.s32 $0x1280;
	[sflag:s14] =	ssyncadd.s32 $0xFFFFF800  }
0x62: {  	s8 =	simm.s32 $0x1280;
	s9 =	simm.s32 $0x40;
	s11 =	simm.s32 $0x0;
	v1 =	vld [tilespmem:s7+$0xFFFFFFB0]  }
.LBB2_7:
0x63: {  	p0 =	sne.s32 s9, $0xBC0;
	v2 =	vld [tilespmem:s11+$0xC00]  }
0x64: {  	v3 =	vld [tilespmem:s7+$0xFFFFFF90]  }
0x65: {  	v4 =	vld [tilespmem:s7+$0xFFFFFF80]  }
0x66: {  	v5 =	vld [tilespmem:s7+$0xFFFFFFA0]  }
0x67: {  	v6 =	vld [tilespmem:s7+$0xFFFFFFF0]  }
0x68: {  	v7 =	vbroadcast v2, $0x0;
	v8 =	vbroadcast v2, $0x1;
	v9 =	vld [tilespmem:s7+$0xFFFFFFD0]  }
0x69: {  	v10 =	vbroadcast v2, $0x2;
	v11 =	vbroadcast v2, $0x3;
	v12 =	vld [tilespmem:s7+$0xFFFFFFC0]  }
0x6a: {  	v4 =	vmul.f32 v7, v4;
	v3 =	vmul.f32 v3, v8;
	v7 =	vld [tilespmem:s7+$0xFFFFFFE0]  }
0x6b: {  	v1 =	vmul.f32 v1, v11;
	v5 =	vmul.f32 v5, v10;
	v8 =	vld [tilespmem:s7+$0x30]  }
0x6c: {  	v10 =	vbroadcast v2, $0x5;
	[tilespmem:s7+$0xFFFFFF80] =	vst v4;
	v4 =	vbroadcast v2, $0x4;
	v11 =	vld [tilespmem:s7+$0x10]  }
0x6d: {  	v13 =	vbroadcast v2, $0x7;
	[tilespmem:s7+$0xFFFFFF90] =	vst v3;
	v3 =	vbroadcast v2, $0x6;
	v14 =	vld [tilespmem:s7+$0x0]  }
0x6e: {  	[tilespmem:s7+$0xFFFFFFA0] =	vst v5;
	v4 =	vmul.f32 v12, v4;
	v5 =	vmul.f32 v9, v10;
	v9 =	vld [tilespmem:s7+$0x20]  }
0x6f: {  	[tilespmem:s7+$0xFFFFFFB0] =	vst v1;
	v1 =	vmul.f32 v7, v3;
	v3 =	vmul.f32 v6, v13;
	v6 =	vld [tilespmem:s7+$0x70]  }
0x70: {  	v7 =	vbroadcast v2, $0x9;
	[tilespmem:s7+$0xFFFFFFC0] =	vst v4;
	v4 =	vbroadcast v2, $0x8;
	v10 =	vld [tilespmem:s7+$0x50]  }
0x71: {  	v12 =	vbroadcast v2, $0xB;
	[tilespmem:s7+$0xFFFFFFD0] =	vst v5;
	v5 =	vbroadcast v2, $0xA;
	v13 =	vld [tilespmem:s7+$0x40]  }
0x72: {  	[tilespmem:s7+$0xFFFFFFE0] =	vst v1;
	v1 =	vmul.f32 v14, v4;
	v4 =	vmul.f32 v11, v7;
	v7 =	vld [tilespmem:s7+$0x60]  }
0x73: {  	[tilespmem:s7+$0xFFFFFFF0] =	vst v3;
	v3 =	vmul.f32 v9, v5;
	v5 =	vmul.f32 v8, v12  }
0x74: {  	v8 =	vbroadcast v2, $0xD;
	[tilespmem:s7+$0x0] =	vst v1;
	v1 =	vbroadcast v2, $0xC  }
0x75: {  	[tilespmem:s7+$0x10] =	vst v4;
	v4 =	vbroadcast v2, $0xE;
	v2 =	vbroadcast v2, $0xF  }
0x76: {  	[tilespmem:s7+$0x20] =	vst v3;
	v1 =	vmul.f32 v13, v1;
	v3 =	vmul.f32 v10, v8  }
.Ltmp2:
0x77: {  	[tilespmem:s7+$0x30] =	vst v5;
	v4 =	vmul.f32 v7, v4;
	v2 =	vmul.f32 v6, v2;
	(pc) =	sbr.rel @p0 .LBB2_7-.Ltmp2, $4  }
0x78: {  	[tilespmem:s7+$0x40] =	vst v1  }
0x79: {  	[tilespmem:s7+$0x50] =	vst v3  }
0x7a: {  	s7 =	sadd.s32 $0x100, s7;
	[tilespmem:s8+$0x60] =	vst v4  }
0x7b: {  	s11 =	sshra.s32 s9, $0x2;
	s9 =	sadd.s32 $0x40, s9;
	v1 =	vld [tilespmem:s7+$0xFFFFFFB0];
	[tilespmem:s8+$0x70] =	vst v2;
	s8 =	smov.u32 s7  }
0x7c: {  	v2 =	vld [tilespmem:s11+$0xC00];
	_ =	sdelay $0x1  }
0x7d: {  	v3 =	vld [tilespmem:s7+$0xFFFFFF80]  }
0x7e: {  	v4 =	vld [tilespmem:s7+$0xFFFFFF90]  }
0x7f: {  	v5 =	vld [tilespmem:s7+$0xFFFFFFA0]  }
0x80: {  	v6 =	vbroadcast v2, $0x0  }
0x81: {  	v9 =	vld [tilespmem:s7+$0xFFFFFFD0];
	v7 =	vbroadcast v2, $0x1  }
0x82: {  	v8 =	vld [tilespmem:s7+$0xFFFFFFC0];
	v10 =	vbroadcast v2, $0x2;
	v3 =	vmul.f32 v6, v3  }
0x83: {  	v48 =	vld [tilespmem:s7+$0xFFFFFFE0];
	v47 =	vbroadcast v2, $0x3;
	v4 =	vmul.f32 v4, v7  }
0x84: {  	v51 =	vld [tilespmem:s7+$0x10];
	v49 =	vbroadcast v2, $0x5;
	v5 =	vmul.f32 v5, v10;
	[tilespmem:s7+$0xFFFFFF80] =	vst v3  }
0x85: {  	v11 =	vld [tilespmem:s7+$0xFFFFFFF0];
	v1 =	vmul.f32 v1, v47;
	v3 =	vbroadcast v2, $0x4;
	[tilespmem:s7+$0xFFFFFF90] =	vst v4  }
0x86: {  	v50 =	vld [tilespmem:s7+$0x0];
	v12 =	vbroadcast v2, $0x6;
	v6 =	vmul.f32 v9, v49;
	[tilespmem:s7+$0xFFFFFFA0] =	vst v5  }
0x87: {  	v56 =	vld [tilespmem:s7+$0x50];
	v54 =	vbroadcast v2, $0x9;
	[tilespmem:s7+$0xFFFFFFB0] =	vst v1;
	v3 =	vmul.f32 v8, v3  }
0x88: {  	v53 =	vld [tilespmem:s7+$0x20];
	v52 =	vbroadcast v2, $0x7;
	v7 =	vmul.f32 v48, v12;
	[tilespmem:s7+$0xFFFFFFD0] =	vst v6  }
0x89: {  	v59 =	vmul.f32 v51, v54;
	v1 =	vld [tilespmem:s7+$0x30];
	[tilespmem:s7+$0xFFFFFFC0] =	vst v3;
	v3 =	vbroadcast v2, $0x8  }
0x8a: {  	v55 =	vld [tilespmem:s7+$0x40];
	v62 =	vbroadcast v2, $0xD;
	v5 =	vmul.f32 v11, v52;
	[tilespmem:s7+$0xFFFFFFE0] =	vst v7  }
0x8b: {  	v60 =	vld [tilespmem:s7+$0x60];
	v57 =	vbroadcast v2, $0xA;
	[tilespmem:s7+$0x10] =	vst v59;
	v3 =	vmul.f32 v50, v3  }
0x8c: {  	v61 =	vld [tilespmem:s7+$0x70];
	v58 =	vbroadcast v2, $0xB;
	v4 =	vmul.f32 v56, v62;
	[tilespmem:s7+$0xFFFFFFF0] =	vst v5  }
0x8d: {  	v8 =	vmul.f32 v53, v57;
	[tilespmem:s7+$0x0] =	vst v3;
	v3 =	vbroadcast v2, $0xC  }
0x8e: {  	v63 =	vbroadcast v2, $0xE;
	[tilespmem:s7+$0x50] =	vst v4;
	v1 =	vmul.f32 v1, v58  }
0x8f: {  	[tilespmem:s7+$0x20] =	vst v8;
	v2 =	vbroadcast v2, $0xF;
	v3 =	vmul.f32 v55, v3  }
0x90: {  	[tilespmem:s7+$0x30] =	vst v1;
	v1 =	vmul.f32 v60, v63  }
0x91: {  	v2 =	vmul.f32 v61, v2;
	[tilespmem:s7+$0x40] =	vst v3  }
0x92: {  	[tilespmem:s8+$0x60] =	vst v1  }
0x93: {  	[tilespmem:s8+$0x70] =	vst v2  }
0x94: {  	[spmem:s2] =	stream.indirect.scatter.add.f32 [tilespmem:s17], [sflag:$0x3], $0x10, s20, s21, $0xb8;
	[tilespmem:$0x1F900] =	vst v63  }
0x95: {  	s9 =	simm.s32 $0x680  }
0x96: {  	[spmem:s2] =	stream.indirect.scatter.add.f32 [tilespmem:s22], [sflag:$0x3], $0x10, s9, s21, $0xb8;
	[tilespmem:$0x1F900] =	vst v63  }
0x97: {  	s11 =	simm.s32 $0x700  }
0x98: {  	[spmem:s2] =	stream.indirect.scatter.add.f32 [tilespmem:s24], [sflag:$0x3], $0x10, s11, s21, $0xb8;
	[tilespmem:$0x1F900] =	vst v63  }
0x99: {  	s8 =	simm.s32 $0x780  }
0x9a: {  	[spmem:s2] =	stream.indirect.scatter.add.f32 [tilespmem:s26], [sflag:$0x3], $0x10, s8, s21, $0xb8;
	[tilespmem:$0x1F900] =	vst v63  }
0x9b: {  	s9 =	simm.s32 $0x800  }
0x9c: {  	[spmem:s2] =	stream.indirect.scatter.add.f32 [tilespmem:s29], [sflag:$0x3], $0x10, s9, s21, $0xb8;
	[tilespmem:$0x1F900] =	vst v63  }
0x9d: {  	s11 =	simm.s32 $0x880  }
0x9e: {  	[spmem:s2] =	stream.indirect.scatter.add.f32 [tilespmem:s31], [sflag:$0x3], $0x10, s11, s21, $0xb8;
	[tilespmem:$0x1F900] =	vst v63  }
0x9f: {  	_ =	swait.ge [sflag:s19], $0x800  }
0xa0: {  	[sflag:s19] =	ssyncset.done $0x0  }
0xa1: {  	[sflag:s19] =	ssyncadd.s32 $0xFFFFF800  }
0xa2: {  	_ =	swait.ge [sflag:s19], $0x800  }
0xa3: {  	[sflag:s19] =	ssyncset.done $0x0  }
0xa4: {  	[sflag:s19] =	ssyncadd.s32 $0xFFFFF800  }
0xa5: {  	_ =	swait.ge [sflag:s19], $0x800  }
0xa6: {  	[sflag:s19] =	ssyncset.done $0x0  }
0xa7: {  	[sflag:s19] =	ssyncadd.s32 $0xFFFFF800  }
0xa8: {  	_ =	swait.ge [sflag:s19], $0x800  }
0xa9: {  	[sflag:s19] =	ssyncset.done $0x0  }
0xaa: {  	[sflag:s19] =	ssyncadd.s32 $0xFFFFF800  }
0xab: {  	_ =	swait.ge [sflag:s19], $0x800  }
0xac: {  	[sflag:s19] =	ssyncset.done $0x0  }
0xad: {  	[sflag:s19] =	ssyncadd.s32 $0xFFFFF800  }
0xae: {  	_ =	swait.ge [sflag:s19], $0x800  }
0xaf: {  	[sflag:s19] =	ssyncset.done $0x0  }
0xb0: {  	s7 =	simm.s32 $0x42F0;
	[sflag:s19] =	ssyncadd.s32 $0xFFFFF800  }
0xb1: {  	s8 =	simm.s32 $0x42F0;
	s9 =	simm.s32 $0x40;
	s11 =	simm.s32 $0x0;
	v1 =	vld [tilespmem:s7+$0xFFFFFF40]  }
.LBB2_9:
0xb2: {  	p0 =	sne.s32 s9, $0xBC0;
	v2 =	vld [tilespmem:s11+$0xF00]  }
0xb3: {  	v3 =	vld [tilespmem:s7+$0xFFFFFF20]  }
0xb4: {  	v4 =	vld [tilespmem:s7+$0xFFFFFF10]  }
0xb5: {  	v5 =	vld [tilespmem:s7+$0xFFFFFF30]  }
0xb6: {  	v6 =	vld [tilespmem:s7+$0xFFFFFF80]  }
0xb7: {  	v7 =	vbroadcast v2, $0x0;
	v8 =	vbroadcast v2, $0x1;
	v9 =	vld [tilespmem:s7+$0xFFFFFF60]  }
0xb8: {  	v10 =	vbroadcast v2, $0x2;
	v11 =	vbroadcast v2, $0x3;
	v12 =	vld [tilespmem:s7+$0xFFFFFF50]  }
0xb9: {  	v4 =	vmul.f32 v7, v4;
	v3 =	vmul.f32 v3, v8;
	v7 =	vld [tilespmem:s7+$0xFFFFFF70]  }
0xba: {  	v1 =	vmul.f32 v1, v11;
	v5 =	vmul.f32 v5, v10;
	v8 =	vld [tilespmem:s7+$0xFFFFFFC0]  }
0xbb: {  	v10 =	vbroadcast v2, $0x5;
	[tilespmem:s7+$0xFFFFFF10] =	vst v4;
	v4 =	vbroadcast v2, $0x4;
	v11 =	vld [tilespmem:s7+$0xFFFFFFA0]  }
0xbc: {  	v13 =	vbroadcast v2, $0x7;
	[tilespmem:s7+$0xFFFFFF20] =	vst v3;
	v3 =	vbroadcast v2, $0x6;
	v14 =	vld [tilespmem:s7+$0xFFFFFF90]  }
0xbd: {  	[tilespmem:s7+$0xFFFFFF30] =	vst v5;
	v4 =	vmul.f32 v12, v4;
	v5 =	vmul.f32 v9, v10;
	v9 =	vld [tilespmem:s7+$0xFFFFFFB0]  }
0xbe: {  	[tilespmem:s7+$0xFFFFFF40] =	vst v1;
	v1 =	vmul.f32 v7, v3;
	v3 =	vmul.f32 v6, v13;
	v6 =	vld [tilespmem:s7+$0xFFFFFFF0]  }
0xbf: {  	v7 =	vbroadcast v2, $0x9;
	[tilespmem:s7+$0xFFFFFF50] =	vst v4;
	v4 =	vbroadcast v2, $0x8;
	v10 =	vld [tilespmem:s7+$0xFFFFFFE0]  }
0xc0: {  	v12 =	vbroadcast v2, $0xB;
	[tilespmem:s7+$0xFFFFFF60] =	vst v5;
	v5 =	vbroadcast v2, $0xA;
	v13 =	vld [tilespmem:s7+$0xFFFFFFD0]  }
0xc1: {  	[tilespmem:s7+$0xFFFFFF70] =	vst v1;
	v1 =	vmul.f32 v14, v4;
	v4 =	vmul.f32 v11, v7;
	v7 =	vld [tilespmem:s7+$0x0]  }
0xc2: {  	[tilespmem:s7+$0xFFFFFF80] =	vst v3;
	v3 =	vmul.f32 v9, v5;
	v5 =	vmul.f32 v8, v12  }
0xc3: {  	v8 =	vbroadcast v2, $0xD;
	[tilespmem:s7+$0xFFFFFF90] =	vst v1;
	v1 =	vbroadcast v2, $0xC  }
0xc4: {  	[tilespmem:s7+$0xFFFFFFA0] =	vst v4;
	v4 =	vbroadcast v2, $0xE;
	v2 =	vbroadcast v2, $0xF  }
0xc5: {  	[tilespmem:s7+$0xFFFFFFB0] =	vst v3;
	v1 =	vmul.f32 v13, v1;
	v3 =	vmul.f32 v10, v8  }
.Ltmp3:
0xc6: {  	[tilespmem:s7+$0xFFFFFFC0] =	vst v5;
	v4 =	vmul.f32 v6, v4;
	v2 =	vmul.f32 v7, v2;
	(pc) =	sbr.rel @p0 .LBB2_9-.Ltmp3, $4  }
0xc7: {  	[tilespmem:s7+$0xFFFFFFD0] =	vst v1  }
0xc8: {  	[tilespmem:s7+$0xFFFFFFE0] =	vst v3  }
0xc9: {  	s7 =	sadd.s32 $0x100, s7;
	[tilespmem:s8+$0xFFFFFFF0] =	vst v4  }
0xca: {  	s11 =	sshra.s32 s9, $0x2;
	s9 =	sadd.s32 $0x40, s9;
	v1 =	vld [tilespmem:s7+$0xFFFFFF40];
	[tilespmem:s8+$0x0] =	vst v2;
	s8 =	smov.u32 s7  }
0xcb: {  	v2 =	vld [tilespmem:s11+$0xF00];
	_ =	sdelay $0x1  }
0xcc: {  	v3 =	vld [tilespmem:s7+$0xFFFFFF10]  }
0xcd: {  	v4 =	vld [tilespmem:s7+$0xFFFFFF20]  }
0xce: {  	v5 =	vld [tilespmem:s7+$0xFFFFFF30]  }
0xcf: {  	v6 =	vbroadcast v2, $0x0  }
0xd0: {  	v9 =	vld [tilespmem:s7+$0xFFFFFF60];
	v7 =	vbroadcast v2, $0x1  }
0xd1: {  	v8 =	vld [tilespmem:s7+$0xFFFFFF50];
	v10 =	vbroadcast v2, $0x2;
	v3 =	vmul.f32 v6, v3  }
0xd2: {  	v48 =	vld [tilespmem:s7+$0xFFFFFF70];
	v47 =	vbroadcast v2, $0x3;
	v4 =	vmul.f32 v4, v7  }
0xd3: {  	v51 =	vld [tilespmem:s7+$0xFFFFFFA0];
	v49 =	vbroadcast v2, $0x5;
	v5 =	vmul.f32 v5, v10;
	[tilespmem:s7+$0xFFFFFF10] =	vst v3  }
0xd4: {  	v56 =	vld [tilespmem:s7+$0xFFFFFFE0];
	v1 =	vmul.f32 v1, v47;
	v3 =	vbroadcast v2, $0x4;
	[tilespmem:s7+$0xFFFFFF20] =	vst v4  }
0xd5: {  	v50 =	vld [tilespmem:s7+$0xFFFFFF90];
	v12 =	vbroadcast v2, $0x6;
	v6 =	vmul.f32 v9, v49;
	[tilespmem:s7+$0xFFFFFF30] =	vst v5  }
0xd6: {  	v11 =	vld [tilespmem:s7+$0xFFFFFF80];
	v54 =	vbroadcast v2, $0x9;
	[tilespmem:s7+$0xFFFFFF40] =	vst v1;
	v3 =	vmul.f32 v8, v3  }
0xd7: {  	v53 =	vld [tilespmem:s7+$0xFFFFFFB0];
	v61 =	vbroadcast v2, $0xD;
	v7 =	vmul.f32 v48, v12;
	[tilespmem:s7+$0xFFFFFF60] =	vst v6  }
0xd8: {  	v9 =	vmul.f32 v51, v54;
	v1 =	vld [tilespmem:s7+$0xFFFFFFC0];
	[tilespmem:s7+$0xFFFFFF50] =	vst v3;
	v3 =	vbroadcast v2, $0x8  }
0xd9: {  	v55 =	vld [tilespmem:s7+$0xFFFFFFD0];
	v52 =	vbroadcast v2, $0x7;
	v63 =	vmul.f32 v56, v61;
	[tilespmem:s7+$0xFFFFFF70] =	vst v7  }
0xda: {  	v58 =	vld [tilespmem:s7+$0xFFFFFFF0];
	v57 =	vbroadcast v2, $0xA;
	[tilespmem:s7+$0xFFFFFFA0] =	vst v9;
	v3 =	vmul.f32 v50, v3  }
0xdb: {  	v60 =	vld [tilespmem:s7+$0x0];
	v59 =	vbroadcast v2, $0xB;
	v5 =	vmul.f32 v11, v52;
	[tilespmem:s7+$0xFFFFFFE0] =	vst v63  }
0xdc: {  	v8 =	vmul.f32 v53, v57;
	[tilespmem:s7+$0xFFFFFF90] =	vst v3;
	v3 =	vbroadcast v2, $0xC  }
0xdd: {  	v62 =	vbroadcast v2, $0xE;
	[tilespmem:s7+$0xFFFFFF80] =	vst v5;
	v1 =	vmul.f32 v1, v59  }
0xde: {  	[tilespmem:s7+$0xFFFFFFB0] =	vst v8;
	v2 =	vbroadcast v2, $0xF;
	v3 =	vmul.f32 v55, v3  }
0xdf: {  	[tilespmem:s7+$0xFFFFFFC0] =	vst v1;
	v1 =	vmul.f32 v58, v62  }
0xe0: {  	v2 =	vmul.f32 v60, v2;
	[tilespmem:s7+$0xFFFFFFD0] =	vst v3  }
0xe1: {  	[tilespmem:s8+$0xFFFFFFF0] =	vst v1  }
0xe2: {  	[tilespmem:s8+$0x0] =	vst v2;
	s8 =	simm.s32 $0x900  }
0xe3: {  	[spmem:s2] =	stream.indirect.scatter.add.f32 [tilespmem:s3], [sflag:$0x3], $0x10, s8, s21, $0xb8;
	[tilespmem:$0x1F900] =	vst v63  }
0xe4: {  	s9 =	simm.s32 $0x980  }
0xe5: {  	[spmem:s2] =	stream.indirect.scatter.add.f32 [tilespmem:s5], [sflag:$0x3], $0x10, s9, s21, $0xb8;
	[tilespmem:$0x1F900] =	vst v63  }
0xe6: {  	s11 =	simm.s32 $0xA00  }
0xe7: {  	[spmem:s2] =	stream.indirect.scatter.add.f32 [tilespmem:s13], [sflag:$0x3], $0x10, s11, s21, $0xb8;
	[tilespmem:$0x1F900] =	vst v63  }
0xe8: {  	s8 =	simm.s32 $0xA80  }
0xe9: {  	[spmem:s2] =	stream.indirect.scatter.add.f32 [tilespmem:s23], [sflag:$0x3], $0x10, s8, s21, $0xb8;
	[tilespmem:$0x1F900] =	vst v63  }
0xea: {  	s9 =	simm.s32 $0xB00  }
0xeb: {  	[spmem:s2] =	stream.indirect.scatter.add.f32 [tilespmem:s28], [sflag:$0x3], $0x10, s9, s21, $0xb8;
	[tilespmem:$0x1F900] =	vst v63  }
0xec: {  	s11 =	simm.s32 $0xB80  }
0xed: {  	[spmem:s2] =	stream.indirect.scatter.add.f32 [tilespmem:s0], [sflag:$0x3], $0x10, s11, s21, $0xb8;
	[tilespmem:$0x1F900] =	vst v63  }
0xee: {  	_ =	swait.ge [sflag:s25], $0x800  }
0xef: {  	[sflag:s25] =	ssyncset.done $0x0  }
0xf0: {  	[sflag:s25] =	ssyncadd.s32 $0xFFFFF800  }
0xf1: {  	_ =	swait.ge [sflag:s25], $0x800  }
0xf2: {  	[sflag:s25] =	ssyncset.done $0x0  }
0xf3: {  	[sflag:s25] =	ssyncadd.s32 $0xFFFFF800  }
0xf4: {  	_ =	swait.ge [sflag:s25], $0x800  }
0xf5: {  	[sflag:s25] =	ssyncset.done $0x0  }
0xf6: {  	[sflag:s25] =	ssyncadd.s32 $0xFFFFF800  }
0xf7: {  	_ =	swait.ge [sflag:s25], $0x800  }
0xf8: {  	[sflag:s25] =	ssyncset.done $0x0  }
0xf9: {  	[sflag:s25] =	ssyncadd.s32 $0xFFFFF800  }
0xfa: {  	_ =	swait.ge [sflag:s25], $0x800  }
0xfb: {  	[sflag:s25] =	ssyncset.done $0x0  }
0xfc: {  	[sflag:s25] =	ssyncadd.s32 $0xFFFFF800  }
0xfd: {  	_ =	swait.ge [sflag:s25], $0x800  }
0xfe: {  	[sflag:s25] =	ssyncset.done $0x0  }
0xff: {  	[sflag:s25] =	ssyncadd.s32 $0xFFFFF800  }
0x100: {  	_ =	swait.ge [sflag:s25], $0x800  }
0x101: {  	[sflag:s25] =	ssyncset.done $0x0  }
0x102: {  	[sflag:s25] =	ssyncadd.s32 $0xFFFFF800  }
0x103: {  	_ =	swait.ge [sflag:s25], $0x800  }
0x104: {  	[sflag:s25] =	ssyncset.done $0x0  }
0x105: {  	[sflag:s25] =	ssyncadd.s32 $0xFFFFF800  }
0x106: {  	_ =	swait.ge [sflag:s25], $0x800  }
0x107: {  	[sflag:s25] =	ssyncset.done $0x0  }
0x108: {  	[sflag:s25] =	ssyncadd.s32 $0xFFFFF800  }
0x109: {  	_ =	swait.ge [sflag:s25], $0x800  }
0x10a: {  	[sflag:s25] =	ssyncset.done $0x0  }
0x10b: {  	s6 =	sadd.s32 $0x1, s6;
	[sflag:s25] =	ssyncadd.s32 $0xFFFFF800  }
0x10c: {  	p0 =	sne.s32 s6, $0x43;
	_ =	swait.ge [sflag:s25], $0x800  }
.Ltmp4:
0x10d: {  	[sflag:s25] =	ssyncset.done $0x0;
	(pc) =	sbr.rel @p0 .LBB2_6-.Ltmp4, $4  }
0x10e: {  	[sflag:s25] =	ssyncadd.s32 $0xFFFFF800  }
0x10f: {  	_ =	swait.ge [sflag:s25], $0x800  }
0x110: {  	[sflag:s25] =	ssyncset.done $0x0  }
0x111: {  	[sflag:s25] =	ssyncadd.s32 $0xFFFFF800  }
0x112: {  	[bflag:$0x0] =	sbarrier.arrive $0xFFFF;
	s6 =	simm.s32 $0x40;
	s7 =	simm.s32 $0x0  }
.LBB2_12:
0x113: {  	p0 =	sne.s32 s6, $0x43C0;
	[tilespmem:s7+$0x1200] =	vst v0;
	s7 =	smov.u32 s6;
	s6 =	sadd.s32 $0x40, s6  }
.Ltmp5:
0x114: {  	(pc) =	sbr.rel @p0 .LBB2_12-.Ltmp5, $2  }
0x115: {  	_ =	sdelay $0x2  }
0x116: {  	s7 =	sshra.s32 s7, $0x2  }
0x117: {  	[tilespmem:s7+$0x1200] =	vst v0  }
0x118: {  	[tilespmem:s30], [sflag:$0x4] =	stream.linear.gather [spmem:s15], $0x1100, $0x38;
	[tilespmem:$0x1F900] =	vst v63  }
0x119: {  	_ =	swait.ge [sflag:s18], $0x1100  }
0x11a: {  	[sflag:s18] =	ssyncset.done $0x0  }
0x11b: {  	s6 =	sadd.s32 $0x0, s16;
	[sflag:s18] =	ssyncadd.s32 $0xFFFFEF00  }
0x11c: {  	[hbm4b:s6+s4] =	stream.linear.scatter [tilespmem:s30], [sflag:$0x4], $0x1100, $0x38;
	[tilespmem:$0x1F900] =	vst v63  }
0x11d: {  	_ =	swait.ge [sflag:s18], $0x1100  }
0x11e: {  	[sflag:s18] =	ssyncset.done $0x0  }
0x11f: {  	[sflag:s18] =	ssyncadd.s32 $0xFFFFEF00  }
0x120: {  	[spmem:s15] =	stream.linear.scatter [tilespmem:s17], [sflag:$0x4], $0x1100, $0x38;
	[tilespmem:$0x1F900] =	vst v63  }
0x121: {  	_ =	swait.ge [sflag:s18], $0x1100  }
0x122: {  	s7 =	smov.u32 s15;
	s6 =	simm.s32 $0x220;
	[sflag:s18] =	ssyncset.done $0x0  }
.LBB2_14:
0x123: {  	p0 =	sne.s32 s6, $0x2EC0;
	[sflag:s18] =	ssyncadd.s32 $0xFFFFEF00;
	s7 =	sadd.s32 $0x1100, s7  }
0x124: {  	[tilespmem:s30], [sflag:$0x4] =	stream.linear.gather [spmem:s7], $0x1100, $0x38;
	[tilespmem:$0x1F900] =	vst v63  }
0x125: {  	s8 =	smov.u32 s6;
	s6 =	sadd.s32 $0x220, s6;
	_ =	swait.ge [sflag:s18], $0x1100  }
0x126: {  	[sflag:s18] =	ssyncset.done $0x0  }
0x127: {  	s8 =	sadd.s32 s8, s16;
	[sflag:s18] =	ssyncadd.s32 $0xFFFFEF00  }
0x128: {  	[hbm4b:s8+s4] =	stream.linear.scatter [tilespmem:s30], [sflag:$0x4], $0x1100, $0x38;
	[tilespmem:$0x1F900] =	vst v63  }
0x129: {  	_ =	swait.ge [sflag:s18], $0x1100  }
.Ltmp6:
0x12a: {  	[sflag:s18] =	ssyncset.done $0x0;
	(pc) =	sbr.rel @p0 .LBB2_14-.Ltmp6, $4  }
0x12b: {  	[sflag:s18] =	ssyncadd.s32 $0xFFFFEF00  }
0x12c: {  	[spmem:s7] =	stream.linear.scatter [tilespmem:s17], [sflag:$0x4], $0x1100, $0x38;
	[tilespmem:$0x1F900] =	vst v63  }
0x12d: {  	_ =	swait.ge [sflag:s18], $0x1100  }
0x12e: {  	[sflag:s18] =	ssyncset.done $0x0  }
0x12f: {  	[sflag:s18] =	ssyncadd.s32 $0xFFFFEF00  }
0x130: {  	s10 =	simm.s32 $0x0;
	s6 =	simm.s32 $0x0;
	[bflag:$0x0] =	sbarrier.arrive $0xFFFF  }
.LBB2_16:
0x131: {  	s7 =	smul.u32 $0x600, s6  }
0x132: {  	s8 =	rddreg [dreg:$0x6]  }
0x133: {  	s11 =	rddreg [dreg:$0x5];
	s7 =	sadd.s32 s8, s7  }
0x134: {  	s8 =	sadd.s32 s11, s7  }
0x135: {  	s9 =	rddreg [dreg:$0x7];
	s8 =	sshrl.u32 s8, $0x3  }
0x136: {  	s8 =	sadd.s32 s9, s8  }
0x137: {  	[tilespmem:s10], [sflag:$0x4] =	stream.linear.gather [hbm4b:s8+s10], $0x600, $0x38;
	[tilespmem:$0x1F900] =	vst v63  }
0x138: {  	_ =	swait.ge [sflag:s18], $0x600  }
0x139: {  	s7 =	sshrl.u32 s7, $0x3;
	[sflag:s18] =	ssyncset.done $0x0;
	s9 =	rddreg [dreg:$0xa]  }
0x13a: {  	s11 =	simm.s32 $0xC00;
	[sflag:s18] =	ssyncadd.s32 $0xFFFFFA00;
	s8 =	sadd.s32 s9, s7  }
0x13b: {  	[tilespmem:s11], [sflag:$0x4] =	stream.linear.gather [hbm4b:s8+s10], $0x600, $0x38;
	[tilespmem:$0x1F900] =	vst v63  }
0x13c: {  	_ =	swait.ge [sflag:s18], $0x600  }
0x13d: {  	[sflag:s18] =	ssyncset.done $0x0;
	s9 =	rddreg [dreg:$0x8]  }
0x13e: {  	[sflag:s18] =	ssyncadd.s32 $0xFFFFFA00;
	s7 =	sadd.s32 s9, s7  }
0x13f: {  	[tilespmem:s20], [sflag:$0x4] =	stream.linear.gather [hbm4b:s7+s10], $0x600, $0x38;
	[tilespmem:$0x1F900] =	vst v63  }
0x140: {  	_ =	swait.ge [sflag:s18], $0x600  }
0x141: {  	[sflag:s18] =	ssyncset.done $0x0  }
0x142: {  	[sflag:s18] =	ssyncadd.s32 $0xFFFFFA00  }
0x143: {  	[tilespmem:s17], [sflag:$0x1] =	stream.indirect.gather [hbm4b:s12+s21], $0x10, s10, s21, $0xb8;
	[tilespmem:$0x1F900] =	vst v63  }
0x144: {  	_ = 	snop  }
0x145: {  	[tilespmem:s22], [sflag:$0x1] =	stream.indirect.gather [hbm4b:s12+s21], $0x10, s21, s21, $0xb8;
	[tilespmem:$0x1F900] =	vst v63  }
0x146: {  	s11 =	simm.s32 $0x100  }
0x147: {  	[tilespmem:s24], [sflag:$0x1] =	stream.indirect.gather [hbm4b:s12+s21], $0x10, s11, s21, $0xb8;
	[tilespmem:$0x1F900] =	vst v63  }
0x148: {  	s8 =	simm.s32 $0x180  }
0x149: {  	[tilespmem:s26], [sflag:$0x1] =	stream.indirect.gather [hbm4b:s12+s21], $0x10, s8, s21, $0xb8;
	[tilespmem:$0x1F900] =	vst v63  }
0x14a: {  	s9 =	simm.s32 $0x200  }
0x14b: {  	[tilespmem:s29], [sflag:$0x1] =	stream.indirect.gather [hbm4b:s12+s21], $0x10, s9, s21, $0xb8;
	[tilespmem:$0x1F900] =	vst v63  }
0x14c: {  	s11 =	simm.s32 $0x280  }
0x14d: {  	[tilespmem:s31], [sflag:$0x1] =	stream.indirect.gather [hbm4b:s12+s21], $0x10, s11, s21, $0xb8;
	[tilespmem:$0x1F900] =	vst v63  }
0x14e: {  	s8 =	simm.s32 $0x300  }
0x14f: {  	[tilespmem:s3], [sflag:$0x2] =	stream.indirect.gather [hbm4b:s12+s21], $0x10, s8, s21, $0xb8;
	[tilespmem:$0x1F900] =	vst v63  }
0x150: {  	s9 =	simm.s32 $0x380  }
0x151: {  	[tilespmem:s5], [sflag:$0x2] =	stream.indirect.gather [hbm4b:s12+s21], $0x10, s9, s21, $0xb8;
	[tilespmem:$0x1F900] =	vst v63  }
0x152: {  	s11 =	simm.s32 $0x400  }
0x153: {  	[tilespmem:s13], [sflag:$0x2] =	stream.indirect.gather [hbm4b:s12+s21], $0x10, s11, s21, $0xb8;
	[tilespmem:$0x1F900] =	vst v63  }
0x154: {  	s8 =	simm.s32 $0x480  }
0x155: {  	[tilespmem:s23], [sflag:$0x2] =	stream.indirect.gather [hbm4b:s12+s21], $0x10, s8, s21, $0xb8;
	[tilespmem:$0x1F900] =	vst v63  }
0x156: {  	s9 =	simm.s32 $0x500  }
0x157: {  	[tilespmem:s28], [sflag:$0x2] =	stream.indirect.gather [hbm4b:s12+s21], $0x10, s9, s21, $0xb8;
	[tilespmem:$0x1F900] =	vst v63  }
0x158: {  	s11 =	simm.s32 $0x580  }
0x159: {  	[tilespmem:s0], [sflag:$0x2] =	stream.indirect.gather [hbm4b:s12+s21], $0x10, s11, s21, $0xb8;
	[tilespmem:$0x1F900] =	vst v63  }
0x15a: {  	_ =	swait.ge [sflag:s14], $0x800  }
0x15b: {  	[sflag:s14] =	ssyncset.done $0x0  }
0x15c: {  	[sflag:s14] =	ssyncadd.s32 $0xFFFFF800  }
0x15d: {  	_ =	swait.ge [sflag:s14], $0x800  }
0x15e: {  	[sflag:s14] =	ssyncset.done $0x0  }
0x15f: {  	[sflag:s14] =	ssyncadd.s32 $0xFFFFF800  }
0x160: {  	_ =	swait.ge [sflag:s14], $0x800  }
0x161: {  	[sflag:s14] =	ssyncset.done $0x0  }
0x162: {  	[sflag:s14] =	ssyncadd.s32 $0xFFFFF800  }
0x163: {  	_ =	swait.ge [sflag:s14], $0x800  }
0x164: {  	[sflag:s14] =	ssyncset.done $0x0  }
0x165: {  	[sflag:s14] =	ssyncadd.s32 $0xFFFFF800  }
0x166: {  	_ =	swait.ge [sflag:s14], $0x800  }
0x167: {  	[sflag:s14] =	ssyncset.done $0x0  }
0x168: {  	[sflag:s14] =	ssyncadd.s32 $0xFFFFF800  }
0x169: {  	_ =	swait.ge [sflag:s14], $0x800  }
0x16a: {  	[sflag:s14] =	ssyncset.done $0x0  }
0x16b: {  	s7 =	simm.s32 $0x1280;
	[sflag:s14] =	ssyncadd.s32 $0xFFFFF800  }
0x16c: {  	s8 =	simm.s32 $0x1280;
	s9 =	simm.s32 $0x40;
	s11 =	simm.s32 $0x0;
	v1 =	vld [tilespmem:s7+$0xFFFFFFB0]  }
.LBB2_17:
0x16d: {  	p0 =	sne.s32 s9, $0xBC0;
	v2 =	vld [tilespmem:s11+$0xC00]  }
0x16e: {  	v3 =	vld [tilespmem:s7+$0xFFFFFF90]  }
0x16f: {  	v4 =	vld [tilespmem:s7+$0xFFFFFF80]  }
0x170: {  	v5 =	vld [tilespmem:s7+$0xFFFFFFA0]  }
0x171: {  	v6 =	vld [tilespmem:s7+$0xFFFFFFF0]  }
0x172: {  	v7 =	vbroadcast v2, $0x0;
	v8 =	vbroadcast v2, $0x1;
	v9 =	vld [tilespmem:s7+$0xFFFFFFD0]  }
0x173: {  	v10 =	vbroadcast v2, $0x2;
	v11 =	vbroadcast v2, $0x3;
	v12 =	vld [tilespmem:s7+$0xFFFFFFC0]  }
0x174: {  	v4 =	vmul.f32 v7, v4;
	v3 =	vmul.f32 v3, v8;
	v7 =	vld [tilespmem:s7+$0xFFFFFFE0]  }
0x175: {  	v1 =	vmul.f32 v1, v11;
	v5 =	vmul.f32 v5, v10;
	v8 =	vld [tilespmem:s7+$0x30]  }
0x176: {  	v10 =	vbroadcast v2, $0x5;
	[tilespmem:s7+$0xFFFFFF80] =	vst v4;
	v4 =	vbroadcast v2, $0x4;
	v11 =	vld [tilespmem:s7+$0x10]  }
0x177: {  	v13 =	vbroadcast v2, $0x7;
	[tilespmem:s7+$0xFFFFFF90] =	vst v3;
	v3 =	vbroadcast v2, $0x6;
	v14 =	vld [tilespmem:s7+$0x0]  }
0x178: {  	[tilespmem:s7+$0xFFFFFFA0] =	vst v5;
	v4 =	vmul.f32 v12, v4;
	v5 =	vmul.f32 v9, v10;
	v9 =	vld [tilespmem:s7+$0x20]  }
0x179: {  	[tilespmem:s7+$0xFFFFFFB0] =	vst v1;
	v1 =	vmul.f32 v7, v3;
	v3 =	vmul.f32 v6, v13;
	v6 =	vld [tilespmem:s7+$0x70]  }
0x17a: {  	v7 =	vbroadcast v2, $0x9;
	[tilespmem:s7+$0xFFFFFFC0] =	vst v4;
	v4 =	vbroadcast v2, $0x8;
	v10 =	vld [tilespmem:s7+$0x50]  }
0x17b: {  	v12 =	vbroadcast v2, $0xB;
	[tilespmem:s7+$0xFFFFFFD0] =	vst v5;
	v5 =	vbroadcast v2, $0xA;
	v13 =	vld [tilespmem:s7+$0x40]  }
0x17c: {  	[tilespmem:s7+$0xFFFFFFE0] =	vst v1;
	v1 =	vmul.f32 v14, v4;
	v4 =	vmul.f32 v11, v7;
	v7 =	vld [tilespmem:s7+$0x60]  }
0x17d: {  	[tilespmem:s7+$0xFFFFFFF0] =	vst v3;
	v3 =	vmul.f32 v9, v5;
	v5 =	vmul.f32 v8, v12  }
0x17e: {  	v8 =	vbroadcast v2, $0xD;
	[tilespmem:s7+$0x0] =	vst v1;
	v1 =	vbroadcast v2, $0xC  }
0x17f: {  	[tilespmem:s7+$0x10] =	vst v4;
	v4 =	vbroadcast v2, $0xE;
	v2 =	vbroadcast v2, $0xF  }
0x180: {  	[tilespmem:s7+$0x20] =	vst v3;
	v1 =	vmul.f32 v13, v1;
	v3 =	vmul.f32 v10, v8  }
.Ltmp7:
0x181: {  	[tilespmem:s7+$0x30] =	vst v5;
	v4 =	vmul.f32 v7, v4;
	v2 =	vmul.f32 v6, v2;
	(pc) =	sbr.rel @p0 .LBB2_17-.Ltmp7, $4  }
0x182: {  	[tilespmem:s7+$0x40] =	vst v1  }
0x183: {  	[tilespmem:s7+$0x50] =	vst v3  }
0x184: {  	s7 =	sadd.s32 $0x100, s7;
	[tilespmem:s8+$0x60] =	vst v4  }
0x185: {  	s11 =	sshra.s32 s9, $0x2;
	s9 =	sadd.s32 $0x40, s9;
	v1 =	vld [tilespmem:s7+$0xFFFFFFB0];
	[tilespmem:s8+$0x70] =	vst v2;
	s8 =	smov.u32 s7  }
0x186: {  	v2 =	vld [tilespmem:s11+$0xC00];
	_ =	sdelay $0x1  }
0x187: {  	v3 =	vld [tilespmem:s7+$0xFFFFFF80]  }
0x188: {  	v4 =	vld [tilespmem:s7+$0xFFFFFF90]  }
0x189: {  	v5 =	vld [tilespmem:s7+$0xFFFFFFA0]  }
0x18a: {  	v6 =	vbroadcast v2, $0x0  }
0x18b: {  	v9 =	vld [tilespmem:s7+$0xFFFFFFD0];
	v7 =	vbroadcast v2, $0x1  }
0x18c: {  	v8 =	vld [tilespmem:s7+$0xFFFFFFC0];
	v10 =	vbroadcast v2, $0x2;
	v3 =	vmul.f32 v6, v3  }
0x18d: {  	v48 =	vld [tilespmem:s7+$0xFFFFFFE0];
	v47 =	vbroadcast v2, $0x3;
	v4 =	vmul.f32 v4, v7  }
0x18e: {  	v51 =	vld [tilespmem:s7+$0x10];
	v49 =	vbroadcast v2, $0x5;
	v5 =	vmul.f32 v5, v10;
	[tilespmem:s7+$0xFFFFFF80] =	vst v3  }
0x18f: {  	v11 =	vld [tilespmem:s7+$0xFFFFFFF0];
	v1 =	vmul.f32 v1, v47;
	v3 =	vbroadcast v2, $0x4;
	[tilespmem:s7+$0xFFFFFF90] =	vst v4  }
0x190: {  	v50 =	vld [tilespmem:s7+$0x0];
	v12 =	vbroadcast v2, $0x6;
	v6 =	vmul.f32 v9, v49;
	[tilespmem:s7+$0xFFFFFFA0] =	vst v5  }
0x191: {  	v56 =	vld [tilespmem:s7+$0x50];
	v54 =	vbroadcast v2, $0x9;
	[tilespmem:s7+$0xFFFFFFB0] =	vst v1;
	v3 =	vmul.f32 v8, v3  }
0x192: {  	v53 =	vld [tilespmem:s7+$0x20];
	v52 =	vbroadcast v2, $0x7;
	v7 =	vmul.f32 v48, v12;
	[tilespmem:s7+$0xFFFFFFD0] =	vst v6  }
0x193: {  	v59 =	vmul.f32 v51, v54;
	v1 =	vld [tilespmem:s7+$0x30];
	[tilespmem:s7+$0xFFFFFFC0] =	vst v3;
	v3 =	vbroadcast v2, $0x8  }
0x194: {  	v55 =	vld [tilespmem:s7+$0x40];
	v62 =	vbroadcast v2, $0xD;
	v5 =	vmul.f32 v11, v52;
	[tilespmem:s7+$0xFFFFFFE0] =	vst v7  }
0x195: {  	v60 =	vld [tilespmem:s7+$0x60];
	v57 =	vbroadcast v2, $0xA;
	[tilespmem:s7+$0x10] =	vst v59;
	v3 =	vmul.f32 v50, v3  }
0x196: {  	v61 =	vld [tilespmem:s7+$0x70];
	v58 =	vbroadcast v2, $0xB;
	v4 =	vmul.f32 v56, v62;
	[tilespmem:s7+$0xFFFFFFF0] =	vst v5  }
0x197: {  	v8 =	vmul.f32 v53, v57;
	[tilespmem:s7+$0x0] =	vst v3;
	v3 =	vbroadcast v2, $0xC  }
0x198: {  	v63 =	vbroadcast v2, $0xE;
	[tilespmem:s7+$0x50] =	vst v4;
	v1 =	vmul.f32 v1, v58  }
0x199: {  	[tilespmem:s7+$0x20] =	vst v8;
	v2 =	vbroadcast v2, $0xF;
	v3 =	vmul.f32 v55, v3  }
0x19a: {  	[tilespmem:s7+$0x30] =	vst v1;
	v1 =	vmul.f32 v60, v63  }
0x19b: {  	v2 =	vmul.f32 v61, v2;
	[tilespmem:s7+$0x40] =	vst v3  }
0x19c: {  	[tilespmem:s8+$0x60] =	vst v1  }
0x19d: {  	[tilespmem:s8+$0x70] =	vst v2  }
0x19e: {  	[spmem:s2] =	stream.indirect.scatter.add.f32 [tilespmem:s17], [sflag:$0x3], $0x10, s20, s21, $0xb8;
	[tilespmem:$0x1F900] =	vst v63  }
0x19f: {  	s9 =	simm.s32 $0x680  }
0x1a0: {  	[spmem:s2] =	stream.indirect.scatter.add.f32 [tilespmem:s22], [sflag:$0x3], $0x10, s9, s21, $0xb8;
	[tilespmem:$0x1F900] =	vst v63  }
0x1a1: {  	s11 =	simm.s32 $0x700  }
0x1a2: {  	[spmem:s2] =	stream.indirect.scatter.add.f32 [tilespmem:s24], [sflag:$0x3], $0x10, s11, s21, $0xb8;
	[tilespmem:$0x1F900] =	vst v63  }
0x1a3: {  	s8 =	simm.s32 $0x780  }
0x1a4: {  	[spmem:s2] =	stream.indirect.scatter.add.f32 [tilespmem:s26], [sflag:$0x3], $0x10, s8, s21, $0xb8;
	[tilespmem:$0x1F900] =	vst v63  }
0x1a5: {  	s9 =	simm.s32 $0x800  }
0x1a6: {  	[spmem:s2] =	stream.indirect.scatter.add.f32 [tilespmem:s29], [sflag:$0x3], $0x10, s9, s21, $0xb8;
	[tilespmem:$0x1F900] =	vst v63  }
0x1a7: {  	s11 =	simm.s32 $0x880  }
0x1a8: {  	[spmem:s2] =	stream.indirect.scatter.add.f32 [tilespmem:s31], [sflag:$0x3], $0x10, s11, s21, $0xb8;
	[tilespmem:$0x1F900] =	vst v63  }
0x1a9: {  	_ =	swait.ge [sflag:s19], $0x800  }
0x1aa: {  	[sflag:s19] =	ssyncset.done $0x0  }
0x1ab: {  	[sflag:s19] =	ssyncadd.s32 $0xFFFFF800  }
0x1ac: {  	_ =	swait.ge [sflag:s19], $0x800  }
0x1ad: {  	[sflag:s19] =	ssyncset.done $0x0  }
0x1ae: {  	[sflag:s19] =	ssyncadd.s32 $0xFFFFF800  }
0x1af: {  	_ =	swait.ge [sflag:s19], $0x800  }
0x1b0: {  	[sflag:s19] =	ssyncset.done $0x0  }
0x1b1: {  	[sflag:s19] =	ssyncadd.s32 $0xFFFFF800  }
0x1b2: {  	_ =	swait.ge [sflag:s19], $0x800  }
0x1b3: {  	[sflag:s19] =	ssyncset.done $0x0  }
0x1b4: {  	[sflag:s19] =	ssyncadd.s32 $0xFFFFF800  }
0x1b5: {  	_ =	swait.ge [sflag:s19], $0x800  }
0x1b6: {  	[sflag:s19] =	ssyncset.done $0x0  }
0x1b7: {  	[sflag:s19] =	ssyncadd.s32 $0xFFFFF800  }
0x1b8: {  	_ =	swait.ge [sflag:s19], $0x800  }
0x1b9: {  	[sflag:s19] =	ssyncset.done $0x0  }
0x1ba: {  	s7 =	simm.s32 $0x42F0;
	[sflag:s19] =	ssyncadd.s32 $0xFFFFF800  }
0x1bb: {  	s8 =	simm.s32 $0x42F0;
	s9 =	simm.s32 $0x40;
	s11 =	simm.s32 $0x0;
	v1 =	vld [tilespmem:s7+$0xFFFFFF40]  }
.LBB2_19:
0x1bc: {  	p0 =	sne.s32 s9, $0xBC0;
	v2 =	vld [tilespmem:s11+$0xF00]  }
0x1bd: {  	v3 =	vld [tilespmem:s7+$0xFFFFFF20]  }
0x1be: {  	v4 =	vld [tilespmem:s7+$0xFFFFFF10]  }
0x1bf: {  	v5 =	vld [tilespmem:s7+$0xFFFFFF30]  }
0x1c0: {  	v6 =	vld [tilespmem:s7+$0xFFFFFF80]  }
0x1c1: {  	v7 =	vbroadcast v2, $0x0;
	v8 =	vbroadcast v2, $0x1;
	v9 =	vld [tilespmem:s7+$0xFFFFFF60]  }
0x1c2: {  	v10 =	vbroadcast v2, $0x2;
	v11 =	vbroadcast v2, $0x3;
	v12 =	vld [tilespmem:s7+$0xFFFFFF50]  }
0x1c3: {  	v4 =	vmul.f32 v7, v4;
	v3 =	vmul.f32 v3, v8;
	v7 =	vld [tilespmem:s7+$0xFFFFFF70]  }
0x1c4: {  	v1 =	vmul.f32 v1, v11;
	v5 =	vmul.f32 v5, v10;
	v8 =	vld [tilespmem:s7+$0xFFFFFFC0]  }
0x1c5: {  	v10 =	vbroadcast v2, $0x5;
	[tilespmem:s7+$0xFFFFFF10] =	vst v4;
	v4 =	vbroadcast v2, $0x4;
	v11 =	vld [tilespmem:s7+$0xFFFFFFA0]  }
0x1c6: {  	v13 =	vbroadcast v2, $0x7;
	[tilespmem:s7+$0xFFFFFF20] =	vst v3;
	v3 =	vbroadcast v2, $0x6;
	v14 =	vld [tilespmem:s7+$0xFFFFFF90]  }
0x1c7: {  	[tilespmem:s7+$0xFFFFFF30] =	vst v5;
	v4 =	vmul.f32 v12, v4;
	v5 =	vmul.f32 v9, v10;
	v9 =	vld [tilespmem:s7+$0xFFFFFFB0]  }
0x1c8: {  	[tilespmem:s7+$0xFFFFFF40] =	vst v1;
	v1 =	vmul.f32 v7, v3;
	v3 =	vmul.f32 v6, v13;
	v6 =	vld [tilespmem:s7+$0xFFFFFFF0]  }
0x1c9: {  	v7 =	vbroadcast v2, $0x9;
	[tilespmem:s7+$0xFFFFFF50] =	vst v4;
	v4 =	vbroadcast v2, $0x8;
	v10 =	vld [tilespmem:s7+$0xFFFFFFE0]  }
0x1ca: {  	v12 =	vbroadcast v2, $0xB;
	[tilespmem:s7+$0xFFFFFF60] =	vst v5;
	v5 =	vbroadcast v2, $0xA;
	v13 =	vld [tilespmem:s7+$0xFFFFFFD0]  }
0x1cb: {  	[tilespmem:s7+$0xFFFFFF70] =	vst v1;
	v1 =	vmul.f32 v14, v4;
	v4 =	vmul.f32 v11, v7;
	v7 =	vld [tilespmem:s7+$0x0]  }
0x1cc: {  	[tilespmem:s7+$0xFFFFFF80] =	vst v3;
	v3 =	vmul.f32 v9, v5;
	v5 =	vmul.f32 v8, v12  }
0x1cd: {  	v8 =	vbroadcast v2, $0xD;
	[tilespmem:s7+$0xFFFFFF90] =	vst v1;
	v1 =	vbroadcast v2, $0xC  }
0x1ce: {  	[tilespmem:s7+$0xFFFFFFA0] =	vst v4;
	v4 =	vbroadcast v2, $0xE;
	v2 =	vbroadcast v2, $0xF  }
0x1cf: {  	[tilespmem:s7+$0xFFFFFFB0] =	vst v3;
	v1 =	vmul.f32 v13, v1;
	v3 =	vmul.f32 v10, v8  }
.Ltmp8:
0x1d0: {  	[tilespmem:s7+$0xFFFFFFC0] =	vst v5;
	v4 =	vmul.f32 v6, v4;
	v2 =	vmul.f32 v7, v2;
	(pc) =	sbr.rel @p0 .LBB2_19-.Ltmp8, $4  }
0x1d1: {  	[tilespmem:s7+$0xFFFFFFD0] =	vst v1  }
0x1d2: {  	[tilespmem:s7+$0xFFFFFFE0] =	vst v3  }
0x1d3: {  	s7 =	sadd.s32 $0x100, s7;
	[tilespmem:s8+$0xFFFFFFF0] =	vst v4  }
0x1d4: {  	s11 =	sshra.s32 s9, $0x2;
	s9 =	sadd.s32 $0x40, s9;
	v1 =	vld [tilespmem:s7+$0xFFFFFF40];
	[tilespmem:s8+$0x0] =	vst v2;
	s8 =	smov.u32 s7  }
0x1d5: {  	v2 =	vld [tilespmem:s11+$0xF00];
	_ =	sdelay $0x1  }
0x1d6: {  	v3 =	vld [tilespmem:s7+$0xFFFFFF10]  }
0x1d7: {  	v4 =	vld [tilespmem:s7+$0xFFFFFF20]  }
0x1d8: {  	v5 =	vld [tilespmem:s7+$0xFFFFFF30]  }
0x1d9: {  	v6 =	vbroadcast v2, $0x0  }
0x1da: {  	v9 =	vld [tilespmem:s7+$0xFFFFFF60];
	v7 =	vbroadcast v2, $0x1  }
0x1db: {  	v8 =	vld [tilespmem:s7+$0xFFFFFF50];
	v10 =	vbroadcast v2, $0x2;
	v3 =	vmul.f32 v6, v3  }
0x1dc: {  	v48 =	vld [tilespmem:s7+$0xFFFFFF70];
	v47 =	vbroadcast v2, $0x3;
	v4 =	vmul.f32 v4, v7  }
0x1dd: {  	v51 =	vld [tilespmem:s7+$0xFFFFFFA0];
	v49 =	vbroadcast v2, $0x5;
	v5 =	vmul.f32 v5, v10;
	[tilespmem:s7+$0xFFFFFF10] =	vst v3  }
0x1de: {  	v56 =	vld [tilespmem:s7+$0xFFFFFFE0];
	v1 =	vmul.f32 v1, v47;
	v3 =	vbroadcast v2, $0x4;
	[tilespmem:s7+$0xFFFFFF20] =	vst v4  }
0x1df: {  	v50 =	vld [tilespmem:s7+$0xFFFFFF90];
	v12 =	vbroadcast v2, $0x6;
	v6 =	vmul.f32 v9, v49;
	[tilespmem:s7+$0xFFFFFF30] =	vst v5  }
0x1e0: {  	v11 =	vld [tilespmem:s7+$0xFFFFFF80];
	v54 =	vbroadcast v2, $0x9;
	[tilespmem:s7+$0xFFFFFF40] =	vst v1;
	v3 =	vmul.f32 v8, v3  }
0x1e1: {  	v53 =	vld [tilespmem:s7+$0xFFFFFFB0];
	v61 =	vbroadcast v2, $0xD;
	v7 =	vmul.f32 v48, v12;
	[tilespmem:s7+$0xFFFFFF60] =	vst v6  }
0x1e2: {  	v9 =	vmul.f32 v51, v54;
	v1 =	vld [tilespmem:s7+$0xFFFFFFC0];
	[tilespmem:s7+$0xFFFFFF50] =	vst v3;
	v3 =	vbroadcast v2, $0x8  }
0x1e3: {  	v55 =	vld [tilespmem:s7+$0xFFFFFFD0];
	v52 =	vbroadcast v2, $0x7;
	v63 =	vmul.f32 v56, v61;
	[tilespmem:s7+$0xFFFFFF70] =	vst v7  }
0x1e4: {  	v58 =	vld [tilespmem:s7+$0xFFFFFFF0];
	v57 =	vbroadcast v2, $0xA;
	[tilespmem:s7+$0xFFFFFFA0] =	vst v9;
	v3 =	vmul.f32 v50, v3  }
0x1e5: {  	v60 =	vld [tilespmem:s7+$0x0];
	v59 =	vbroadcast v2, $0xB;
	v5 =	vmul.f32 v11, v52;
	[tilespmem:s7+$0xFFFFFFE0] =	vst v63  }
0x1e6: {  	v8 =	vmul.f32 v53, v57;
	[tilespmem:s7+$0xFFFFFF90] =	vst v3;
	v3 =	vbroadcast v2, $0xC  }
0x1e7: {  	v62 =	vbroadcast v2, $0xE;
	[tilespmem:s7+$0xFFFFFF80] =	vst v5;
	v1 =	vmul.f32 v1, v59  }
0x1e8: {  	[tilespmem:s7+$0xFFFFFFB0] =	vst v8;
	v2 =	vbroadcast v2, $0xF;
	v3 =	vmul.f32 v55, v3  }
0x1e9: {  	[tilespmem:s7+$0xFFFFFFC0] =	vst v1;
	v1 =	vmul.f32 v58, v62  }
0x1ea: {  	v2 =	vmul.f32 v60, v2;
	[tilespmem:s7+$0xFFFFFFD0] =	vst v3  }
0x1eb: {  	[tilespmem:s8+$0xFFFFFFF0] =	vst v1  }
0x1ec: {  	[tilespmem:s8+$0x0] =	vst v2;
	s8 =	simm.s32 $0x900  }
0x1ed: {  	[spmem:s2] =	stream.indirect.scatter.add.f32 [tilespmem:s3], [sflag:$0x3], $0x10, s8, s21, $0xb8;
	[tilespmem:$0x1F900] =	vst v63  }
0x1ee: {  	s9 =	simm.s32 $0x980  }
0x1ef: {  	[spmem:s2] =	stream.indirect.scatter.add.f32 [tilespmem:s5], [sflag:$0x3], $0x10, s9, s21, $0xb8;
	[tilespmem:$0x1F900] =	vst v63  }
0x1f0: {  	s11 =	simm.s32 $0xA00  }
0x1f1: {  	[spmem:s2] =	stream.indirect.scatter.add.f32 [tilespmem:s13], [sflag:$0x3], $0x10, s11, s21, $0xb8;
	[tilespmem:$0x1F900] =	vst v63  }
0x1f2: {  	s8 =	simm.s32 $0xA80  }
0x1f3: {  	[spmem:s2] =	stream.indirect.scatter.add.f32 [tilespmem:s23], [sflag:$0x3], $0x10, s8, s21, $0xb8;
	[tilespmem:$0x1F900] =	vst v63  }
0x1f4: {  	s9 =	simm.s32 $0xB00  }
0x1f5: {  	[spmem:s2] =	stream.indirect.scatter.add.f32 [tilespmem:s28], [sflag:$0x3], $0x10, s9, s21, $0xb8;
	[tilespmem:$0x1F900] =	vst v63  }
0x1f6: {  	s11 =	simm.s32 $0xB80  }
0x1f7: {  	[spmem:s2] =	stream.indirect.scatter.add.f32 [tilespmem:s0], [sflag:$0x3], $0x10, s11, s21, $0xb8;
	[tilespmem:$0x1F900] =	vst v63  }
0x1f8: {  	_ =	swait.ge [sflag:s25], $0x800  }
0x1f9: {  	[sflag:s25] =	ssyncset.done $0x0  }
0x1fa: {  	[sflag:s25] =	ssyncadd.s32 $0xFFFFF800  }
0x1fb: {  	_ =	swait.ge [sflag:s25], $0x800  }
0x1fc: {  	[sflag:s25] =	ssyncset.done $0x0  }
0x1fd: {  	[sflag:s25] =	ssyncadd.s32 $0xFFFFF800  }
0x1fe: {  	_ =	swait.ge [sflag:s25], $0x800  }
0x1ff: {  	[sflag:s25] =	ssyncset.done $0x0  }
0x200: {  	[sflag:s25] =	ssyncadd.s32 $0xFFFFF800  }
0x201: {  	_ =	swait.ge [sflag:s25], $0x800  }
0x202: {  	[sflag:s25] =	ssyncset.done $0x0  }
0x203: {  	[sflag:s25] =	ssyncadd.s32 $0xFFFFF800  }
0x204: {  	_ =	swait.ge [sflag:s25], $0x800  }
0x205: {  	[sflag:s25] =	ssyncset.done $0x0  }
0x206: {  	[sflag:s25] =	ssyncadd.s32 $0xFFFFF800  }
0x207: {  	_ =	swait.ge [sflag:s25], $0x800  }
0x208: {  	[sflag:s25] =	ssyncset.done $0x0  }
0x209: {  	[sflag:s25] =	ssyncadd.s32 $0xFFFFF800  }
0x20a: {  	_ =	swait.ge [sflag:s25], $0x800  }
0x20b: {  	[sflag:s25] =	ssyncset.done $0x0  }
0x20c: {  	[sflag:s25] =	ssyncadd.s32 $0xFFFFF800  }
0x20d: {  	_ =	swait.ge [sflag:s25], $0x800  }
0x20e: {  	[sflag:s25] =	ssyncset.done $0x0  }
0x20f: {  	[sflag:s25] =	ssyncadd.s32 $0xFFFFF800  }
0x210: {  	_ =	swait.ge [sflag:s25], $0x800  }
0x211: {  	[sflag:s25] =	ssyncset.done $0x0  }
0x212: {  	[sflag:s25] =	ssyncadd.s32 $0xFFFFF800  }
0x213: {  	_ =	swait.ge [sflag:s25], $0x800  }
0x214: {  	[sflag:s25] =	ssyncset.done $0x0  }
0x215: {  	s6 =	sadd.s32 $0x1, s6;
	[sflag:s25] =	ssyncadd.s32 $0xFFFFF800  }
0x216: {  	p0 =	sne.s32 s6, $0x43;
	_ =	swait.ge [sflag:s25], $0x800  }
.Ltmp9:
0x217: {  	[sflag:s25] =	ssyncset.done $0x0;
	(pc) =	sbr.rel @p0 .LBB2_16-.Ltmp9, $4  }
0x218: {  	[sflag:s25] =	ssyncadd.s32 $0xFFFFF800  }
0x219: {  	_ =	swait.ge [sflag:s25], $0x800  }
0x21a: {  	[sflag:s25] =	ssyncset.done $0x0  }
0x21b: {  	[sflag:s25] =	ssyncadd.s32 $0xFFFFF800  }
0x21c: {  	[bflag:$0x0] =	sbarrier.arrive $0xFFFF  }
0x21d: {  	s6 =	simm.s32 $0x0;
	s7 =	simm.s32 $0x0;
	s11 =	simm.s32 $0x3400  }
.LBB2_22:
0x21e: {  	s8 =	smul.u32 $0x110, s7  }
0x21f: {  	s9 =	rddreg [dreg:$0x9]  }
0x220: {  	s10 =	rddreg [dreg:$0x4];
	s9 =	sadd.s32 s9, s8  }
0x221: {  	s8 =	sadd.s32 s10, s9  }
0x222: {  	s8 =	sshll.u32 s8, $0x1  }
0x223: {  	s10 =	sadd.s32 s1, s8  }
0x224: {  	[tilespmem:s17], [sflag:$0x4] =	stream.linear.gather [hbm4b:s10+s6], $0x1100, $0x38;
	[tilespmem:$0x1F900] =	vst v63  }
0x225: {  	_ =	swait.ge [sflag:s18], $0x1100  }
0x226: {  	[sflag:s18] =	ssyncset.done $0x0  }
0x227: {  	s10 =	sadd.s32 s12, s8;
	[sflag:s18] =	ssyncadd.s32 $0xFFFFEF00  }
0x228: {  	[tilespmem:s30], [sflag:$0x4] =	stream.linear.gather [hbm4b:s10+s6], $0x1100, $0x38;
	[tilespmem:$0x1F900] =	vst v63  }
0x229: {  	s9 =	sshll.u32 s9, $0x4;
	_ =	swait.ge [sflag:s18], $0x1100  }
0x22a: {  	s9 =	sand.u32 $0x3FFFFFF0, s9;
	[sflag:s18] =	ssyncset.done $0x0  }
0x22b: {  	s9 =	sadd.s32 s9, s2;
	[sflag:s18] =	ssyncadd.s32 $0xFFFFEF00  }
0x22c: {  	[tilespmem:s11], [sflag:$0x4] =	stream.linear.gather [spmem:s9], $0x1100, $0x38;
	[tilespmem:$0x1F900] =	vst v63  }
0x22d: {  	_ =	swait.ge [sflag:s18], $0x1100  }
0x22e: {  	[sflag:s18] =	ssyncset.done $0x0  }
0x22f: {  	s9 =	simm.s32 $0x0;
	[sflag:s18] =	ssyncadd.s32 $0xFFFFEF00  }
0x230: {  	v1 =	vld [tilespmem:s9+$0x1200]  }
0x231: {  	v2 =	vld [tilespmem:s9+$0x2300];
	_ =	sdelay $0x1  }
0x232: {  	v3 =	vld [tilespmem:s9+$0x3400];
	_ =	sdelay $0x2  }
0x233: {  	v1 =	vadd.f32 v2, v1;
	_ =	sdelay $0x1  }
0x234: {  	v2 =	vadd.f32 v3, v1  }
0x235: {  	s11 =	simm.s32 $0x10  }
0x236: {  	s10 =	simm.s32 $0x80;
	v1 =	vld [tilespmem:s11+$0x1200];
	v2 =	vmul.f32 $3.333333430e-01, v2  }
.LBB2_23:
0x237: {  	p0 =	sne.s32 s10, $0x43C0;
	v3 =	vld [tilespmem:s11+$0x2300]  }
0x238: {  	[tilespmem:s9+$0x3400] =	vst v2;
	s9 =	smov.u32 s11  }
0x239: {  	v2 =	vld [tilespmem:s9+$0x3400];
	_ =	sdelay $0x2  }
.Ltmp10:
0x23a: {  	v1 =	vadd.f32 v3, v1;
	(pc) =	sbr.rel @p0 .LBB2_23-.Ltmp10, $4  }
0x23b: {  	_ = 	snop  }
0x23c: {  	v2 =	vadd.f32 v2, v1  }
0x23d: {  	s11 =	sshra.s32 s10, $0x2  }
0x23e: {  	s10 =	sadd.s32 $0x40, s10;
	v1 =	vld [tilespmem:s11+$0x1200];
	v2 =	vmul.f32 $3.333333430e-01, v2  }
0x23f: {  	v3 =	vld [tilespmem:s11+$0x2300]  }
0x240: {  	[tilespmem:s9+$0x3400] =	vst v2  }
0x241: {  	v2 =	vld [tilespmem:s11+$0x3400];
	_ =	sdelay $0x2  }
0x242: {  	v1 =	vadd.f32 v3, v1;
	_ =	sdelay $0x1  }
0x243: {  	v1 =	vadd.f32 v2, v1;
	_ =	sdelay $0x1  }
0x244: {  	v1 =	vmul.f32 $3.333333430e-01, v1  }
0x245: {  	s7 =	sadd.s32 $0x1, s7  }
0x246: {  	p0 =	sne.s32 s7, $0x17;
	[tilespmem:s11+$0x3400] =	vst v1;
	s11 =	rddreg [dreg:$0xb]  }
.Ltmp11:
0x247: {  	s8 =	sadd.s32 s11, s8;
	s11 =	simm.s32 $0x3400;
	(pc) =	sbr.rel @p0 .LBB2_22-.Ltmp11, $4  }
0x248: {  	[hbm4b:s8+s4] =	stream.linear.scatter [tilespmem:s11], [sflag:$0x4], $0x1100, $0x38;
	[tilespmem:$0x1F900] =	vst v63  }
0x249: {  	_ =	swait.ge [sflag:s18], $0x1100  }
0x24a: {  	[sflag:s18] =	ssyncset.done $0x0  }
0x24b: {  	[sflag:s18] =	ssyncadd.s32 $0xFFFFEF00  }
0x24c: {  	s7 =	rddreg [dreg:$0xd]  }
0x24d: {  	s6 =	rddreg [dreg:$0xc];
	s7 =	sadd.s32 $0x1, s7  }
0x24e: {  	p0 =	sne.s32 s7, s6  }
.Ltmp12:
0x24f: {  	_ = 	snop;
	(pc) =	sbr.rel @p0 .LBB2_1-.Ltmp12, $1  }
0x250: {  	_ =	sdelay $0x3  }
0x251: {  	_ =	sfence.sel $0x180000  }
0x252: {  	[bflag:$0x0] =	sbarrier.arrive $0xFFFF  }
0x253: {  	_ =	strace $0x90000047  }
0x254: {  	s0 =	stileid.u32;
	[bflag:$0x2] =	sbarrier.arrive $0xFFFF  }
0x255: {  	p0 =	sne.s32 s0, $0x0;
	s0 =	rddreg [dreg:$0x3]  }
0x256: {  	s0 =	sadd.s32 @!p0 $0x100000, s0  }
0x257: {  	[sflag:s0] =	ssyncadd.tile.s32 @!p0 $0x1;
	_ =	shalt  }
.Lfunc_end2:
_tile_overlayer_lowered:
.L_overlay_start_2:
0x258: {  	(tag) =	ssettag $0x2  }
0x259: {  	s0 =	rddreg [dreg:$0x0];
	s2 =	stileid.u32  }
0x25a: {  	s1 =	rddreg [dreg:$0x1];
	p0 =	sne.s32 s2, $0x0  }
0x25b: {  	s3 =	rddreg [dreg:$0x2];
	[bflag:$0x3] =	sbarrier.arrive $0xFFFF;
	s2 =	simm.s32 @!p0 $0x1C04  }
0x25c: {  	[timem:s3], [sflag:s2] =	dma.local @!p0 [hbm:s0], s1  }
0x25d: {  	s0 =	simm.s32 @!p0 $0x4  }
0x25e: {  	_ =	swait.ge @!p0 [sflag:s0], s1  }
0x25f: {  	s1 =	ssub.s32 @!p0 $0x0, s1;
	[sflag:s0] =	ssyncset.done @!p0 $0x0  }
0x260: {  	[sflag:s0] =	ssyncadd.s32 @!p0 s1  }
0x261: {  	[bflag:$0x3] =	sbarrier.arrive $0xFFFF  }
0x262: {  	_ =	shalt  }

</sc_bundles>
